<compile_context>
chip_gen: v7x
topology: tpu7x:2x2x1
jax: 0.10.2.dev20260603
libtpu: 0.0.44.dev20260713+nightly
codegen_flags: <defaults>
</compile_context>

<pallas_src>
import functools

import jax
import jax.numpy as jnp
from jax import lax
from jax.experimental import pallas as pl
from jax.experimental.pallas import tpu as pltpu
from jax.experimental.pallas import tpu_sc as plsc

_N = 10000
_E = 320000
_D = 128
_C = 40
_L = 3
_EPS = 1e-5

_NC = 2
_NS = 16
_NW = _NC * _NS
_EPW = _E // _NW
_K = 125
_NCHUNK = _EPW // _K
_NP = 10240
_RPT = _NP // _NS

_mesh = plsc.VectorSubcoreMesh(core_axis_name="c", subcore_axis_name="s")

_ZC = 80


@functools.partial(
    pl.kernel,
    out_type=jax.ShapeDtypeStruct((_NC, _NP, _D), jnp.float32),
    mesh=_mesh,
    scratch_types=[
        pltpu.VMEM((_NCHUNK, _K), jnp.int32),
        pltpu.VMEM((_K, _D), jnp.float32),
        pltpu.VMEM_SHARED((_NP, _D), jnp.float32),
        pltpu.SemaphoreType.DMA,
    ],
)
def _sc_degree(colw_hbm, dummy_hbm, out_hbm, idx_v, ones_v, acc_sh, sem):
    c = lax.axis_index("c")
    s = lax.axis_index("s")
    w = c * _NS + s

    pltpu.async_copy(colw_hbm.at[w], idx_v, sem)

    def _fill(val):
        def _f(i, carry):
            for j in range(_D // 16):
                ones_v[i, pl.ds(j * 16, 16)] = jnp.full((16,), val, jnp.float32)
            return carry
        return _f

    lax.fori_loop(0, _ZC, _fill(0.0), 0)

    def _zero_acc(k, carry):
        pltpu.sync_copy(ones_v.at[pl.ds(0, _ZC)],
                        acc_sh.at[pl.ds(s * _RPT + k * _ZC, _ZC)])
        return carry

    lax.fori_loop(0, _RPT // _ZC, _zero_acc, 0)
    lax.fori_loop(0, _K, _fill(1.0), 0)
    pltpu.make_async_copy(colw_hbm.at[w], idx_v, sem).wait()
    plsc.subcore_barrier()

    _W = 8

    def _step(i, carry):
        pltpu.async_copy(ones_v, acc_sh.at[idx_v.at[i]], sem, add=True)

        @pl.when(i >= _W)
        def _():
            pltpu.make_async_copy(dummy_hbm, ones_v, sem).wait()

        return carry

    lax.fori_loop(0, _NCHUNK, _step, 0)

    def _drain(i, carry):
        pltpu.make_async_copy(dummy_hbm, ones_v, sem).wait()
        return carry

    lax.fori_loop(0, _W, _drain, 0)
    plsc.subcore_barrier()
    pltpu.sync_copy(
        acc_sh.at[pl.ds(s * _RPT, _RPT)], out_hbm.at[c, pl.ds(s * _RPT, _RPT)]
    )


_SCH = 16
_NSEG = _NCHUNK // _SCH


@functools.partial(
    pl.kernel,
    out_type=jax.ShapeDtypeStruct((_NC, _NP, _D), jnp.float32),
    mesh=_mesh,
    scratch_types=[
        pltpu.VMEM((2, _SCH, _K), jnp.int32),
        pltpu.VMEM((2, _SCH, _K), jnp.int32),
        pltpu.VMEM((_K, _D), jnp.float32),
        pltpu.VMEM((_K, _D), jnp.float32),
        pltpu.VMEM_SHARED((_NP, _D), jnp.float32),
        pltpu.SemaphoreType.DMA,
        pltpu.SemaphoreType.DMA,
        pltpu.SemaphoreType.DMA,
        pltpu.SemaphoreType.DMA,
        pltpu.SemaphoreType.DMA,
    ],
)
def _sc_aggregate(hp_hbm, roww_hbm, colw_hbm, dummy_hbm, out_hbm, ri_v, ci_v,
                  buf0, buf1, acc_sh, sg0, sg1, ss0, ss1, si):
    c = lax.axis_index("c")
    s = lax.axis_index("s")
    w = c * _NS + s

    pltpu.async_copy(roww_hbm.at[w, pl.ds(0, _SCH)], ri_v.at[0], si)
    pltpu.async_copy(colw_hbm.at[w, pl.ds(0, _SCH)], ci_v.at[0], si)

    def _fz(i, carry):
        for j in range(_D // 16):
            buf0[i, pl.ds(j * 16, 16)] = jnp.zeros((16,), jnp.float32)
        return carry

    lax.fori_loop(0, _ZC, _fz, 0)

    def _zero_acc(k, carry):
        pltpu.sync_copy(buf0.at[pl.ds(0, _ZC)],
                        acc_sh.at[pl.ds(s * _RPT + k * _ZC, _ZC)])
        return carry

    lax.fori_loop(0, _RPT // _ZC, _zero_acc, 0)
    pltpu.make_async_copy(roww_hbm.at[w, pl.ds(0, _SCH)], ri_v.at[0], si).wait()
    pltpu.make_async_copy(colw_hbm.at[w, pl.ds(0, _SCH)], ci_v.at[0], si).wait()
    plsc.subcore_barrier()

    def _wait_gather(buf, sg):
        pltpu.make_async_copy(dummy_hbm, buf, sg).wait()

    def _drain_scatter(buf, ss):
        pltpu.make_async_copy(dummy_hbm, buf, ss).wait()

    def _seg(h, carry):
        par = lax.rem(h, 2)
        pnext = 1 - par

        @pl.when(h + 1 < _NSEG)
        def _():
            pltpu.async_copy(
                roww_hbm.at[w, pl.ds((h + 1) * _SCH, _SCH)], ri_v.at[pnext], si)
            pltpu.async_copy(
                colw_hbm.at[w, pl.ds((h + 1) * _SCH, _SCH)], ci_v.at[pnext], si)

        for j0 in range(0, _SCH, 2):
            j1 = j0 + 1
            if j0 >= 2:
                _drain_scatter(buf0, ss0)
            else:
                @pl.when(h > 0)
                def _():
                    _drain_scatter(buf0, ss0)
            pltpu.async_copy(hp_hbm.at[ri_v.at[par, j0]], buf0, sg0)
            if j0 >= 2:
                _drain_scatter(buf1, ss1)
            else:
                @pl.when(h > 0)
                def _():
                    _drain_scatter(buf1, ss1)
            pltpu.async_copy(hp_hbm.at[ri_v.at[par, j1]], buf1, sg1)
            _wait_gather(buf0, sg0)
            pltpu.async_copy(buf0, acc_sh.at[ci_v.at[par, j0]], ss0, add=True)
            _wait_gather(buf1, sg1)
            pltpu.async_copy(buf1, acc_sh.at[ci_v.at[par, j1]], ss1, add=True)

        @pl.when(h + 1 < _NSEG)
        def _():
            pltpu.make_async_copy(
                roww_hbm.at[w, pl.ds(0, _SCH)], ri_v.at[pnext], si).wait()
            pltpu.make_async_copy(
                colw_hbm.at[w, pl.ds(0, _SCH)], ci_v.at[pnext], si).wait()

        return carry

    lax.fori_loop(0, _NSEG, _seg, 0)
    _drain_scatter(buf0, ss0)
    _drain_scatter(buf1, ss1)
    plsc.subcore_barrier()
    pltpu.sync_copy(
        acc_sh.at[pl.ds(s * _RPT, _RPT)], out_hbm.at[c, pl.ds(s * _RPT, _RPT)]
    )


def _pre_body(p_ref, x_ref, we_ref, be_ref, w0_ref, dv_ref, hp_ref):
    d = p_ref[0, :_N] + p_ref[1, :_N]
    dv = jnp.where(d > 0, lax.rsqrt(d), 0.0)
    dv_ref[...] = dv
    h = lax.dot_general(x_ref[...], we_ref[...], (((1,), (1,)), ((), ())),
                        preferred_element_type=jnp.float32)
    h = jnp.maximum(h + be_ref[...], 0.0)
    hw = lax.dot_general(h, w0_ref[...], (((1,), (1,)), ((), ())),
                         preferred_element_type=jnp.float32)
    hp_ref[...] = hw * dv


def _pre_call(parts, x, we, be, w0):
    return pl.pallas_call(
        _pre_body,
        out_shape=[
            jax.ShapeDtypeStruct((_N, _D), jnp.float32),
            jax.ShapeDtypeStruct((_N, _D), jnp.float32),
        ],
    )(parts, x, we, be, w0)


def _layer_mm_body(p_ref, dv_ref, b_ref, r_ref, g_ref, be_ref, w_ref,
                   y_ref, hp_ref):
    y = (p_ref[0, :_N] + p_ref[1, :_N]) * dv_ref[...] + b_ref[...] + r_ref[...]
    y_ref[...] = y
    mu = jnp.mean(y, axis=0, keepdims=True)
    var = jnp.mean(y * y, axis=0, keepdims=True) - mu * mu
    h = jnp.maximum(
        (y - mu) * lax.rsqrt(var + _EPS) * g_ref[...] + be_ref[...], 0.0)
    hw = lax.dot_general(h, w_ref[...], (((1,), (1,)), ((), ())),
                         preferred_element_type=jnp.float32)
    hp_ref[...] = hw * dv_ref[...]


def _layer_mm0_body(p_ref, dv_ref, b_ref, g_ref, be_ref, w_ref, y_ref, hp_ref):
    y = (p_ref[0, :_N] + p_ref[1, :_N]) * dv_ref[...] + b_ref[...]
    y_ref[...] = y
    mu = jnp.mean(y, axis=0, keepdims=True)
    var = jnp.mean(y * y, axis=0, keepdims=True) - mu * mu
    h = jnp.maximum(
        (y - mu) * lax.rsqrt(var + _EPS) * g_ref[...] + be_ref[...], 0.0)
    hw = lax.dot_general(h, w_ref[...], (((1,), (1,)), ((), ())),
                         preferred_element_type=jnp.float32)
    hp_ref[...] = hw * dv_ref[...]


def _layer_call(parts, dinv, b, res, g, be, w_next):
    out_shape = [
        jax.ShapeDtypeStruct((_N, _D), jnp.float32),
        jax.ShapeDtypeStruct((_N, _D), jnp.float32),
    ]
    if res is None:
        return pl.pallas_call(_layer_mm0_body, out_shape=out_shape)(
            parts, dinv, b, g, be, w_next)
    return pl.pallas_call(_layer_mm_body, out_shape=out_shape)(
        parts, dinv, b, res, g, be, w_next)


def _layer_pred_body(p_ref, dv_ref, b_ref, r_ref, g_ref, be_ref, w_ref,
                     bp_ref, o_ref):
    y = (p_ref[0, :_N] + p_ref[1, :_N]) * dv_ref[...] + b_ref[...] + r_ref[...]
    mu = jnp.mean(y, axis=0, keepdims=True)
    var = jnp.mean(y * y, axis=0, keepdims=True) - mu * mu
    h = jnp.maximum(
        (y - mu) * lax.rsqrt(var + _EPS) * g_ref[...] + be_ref[...], 0.0)
    hw = lax.dot_general(h, w_ref[...], (((1,), (1,)), ((), ())),
                         preferred_element_type=jnp.float32)
    o_ref[...] = hw + bp_ref[...]


def _layer_pred_call(parts, dinv, b, res, g, be, wp, bp):
    return pl.pallas_call(
        _layer_pred_body,
        out_shape=jax.ShapeDtypeStruct((_N, _D), jnp.float32),
    )(parts, dinv, b, res, g, be, wp, bp)


def kernel(x, edge_index, W_enc, b_enc, Ws, bs, gammas, betas, W_pred, b_pred):
    roww = edge_index[0].reshape(_NW, _NCHUNK, _K)
    colw = edge_index[1].reshape(_NW, _NCHUNK, _K)

    dummy = jnp.zeros((_K, _D), jnp.float32)
    deg_parts = _sc_degree(colw, dummy)
    dinv, hp = _pre_call(deg_parts, x, W_enc, b_enc.reshape(1, _D), Ws[0])

    wp_pad = jnp.zeros((_D, _D), jnp.float32).at[:_C].set(W_pred)
    bp_pad = jnp.zeros((1, _D), jnp.float32).at[0, :_C].set(b_pred)

    y_last = None
    out = None
    for i in range(_L):
        parts = _sc_aggregate(hp, roww, colw, dummy)
        b = bs[i].reshape(1, _D)
        g = gammas[i].reshape(1, _D)
        be = betas[i].reshape(1, _D)
        if i < _L - 1:
            y, hp = _layer_call(parts, dinv, b, y_last, g, be, Ws[i + 1])
            y_last = y
        else:
            out = _layer_pred_call(parts, dinv, b, y_last, g, be, wp_pad,
                                   bp_pad)
    return out[:, :_C]

# --- scband reference (transcript-rebuilt; emitter-appended) ---
"""Pipeline reference for scband-gnn-py-g-15101105013187 (READ-ONLY COPY).

The authoritative reference and input builder live on the scoring server;
editing this copy changes nothing except your own understanding.
"""

import jax, jax.numpy as jnp
import numpy as np

N = 10000
E = 320000
D = 128
C = 40
L = 3
EPS = 1e-5

def setup_inputs(seed: int = 0):
    key = jax.random.key(seed)
    ks = jax.random.split(key, 12)
    x = jax.random.normal(ks[0], (N, D), dtype=jnp.float32)
    edge_index = jax.random.randint(ks[1], (2, E), 0, N, dtype=jnp.int32)
    s = 1.0 / np.sqrt(D)
    W_enc = jax.random.uniform(ks[2], (D, D), jnp.float32, -s, s)
    b_enc = jax.random.uniform(ks[3], (D,), jnp.float32, -s, s)
    Ws = jax.random.uniform(ks[4], (L, D, D), jnp.float32, -s, s)
    bs = jax.random.uniform(ks[5], (L, D), jnp.float32, -s, s)
    gammas = jnp.ones((L, D), jnp.float32)
    betas = jnp.zeros((L, D), jnp.float32)
    W_pred = jax.random.uniform(ks[6], (C, D), jnp.float32, -s, s)
    b_pred = jax.random.uniform(ks[7], (C,), jnp.float32, -s, s)
    return {"x": x, "edge_index": edge_index, "W_enc": W_enc, "b_enc": b_enc, "Ws": Ws, "bs": bs, "gammas": gammas, "betas": betas, "W_pred": W_pred, "b_pred": b_pred}

def _gcn_conv(h, row, col, W, b):
    # PyG GCNConv with add_self_loops=False, normalize=True
    h = h @ W.T
    ones = jnp.ones((row.shape[0],), h.dtype)
    deg = jax.ops.segment_sum(ones, col, num_segments=N)
    dinv = jnp.where(deg > 0, 1.0 / jnp.sqrt(deg), 0.0)
    w = dinv[row] * dinv[col]
    out = jax.ops.segment_sum(h[row] * w[:, None], col, num_segments=N)
    return out + b

def _bn(h, gamma, beta):
    # BatchNorm1d, training-mode batch statistics (biased var), eps=1e-5
    mu = jnp.mean(h, axis=0)
    var = jnp.var(h, axis=0)
    return (h - mu) / jnp.sqrt(var + EPS) * gamma + beta

def reference(x, edge_index, W_enc, b_enc, Ws, bs, gammas, betas, W_pred, b_pred):
    row = edge_index[0]
    col = edge_index[1]
    h = jax.nn.relu(x @ W_enc.T + b_enc)
    h_last = None
    for i in range(L):
        h = _gcn_conv(h, row, col, Ws[i], bs[i])
        if h_last is not None:
            h = h + h_last
        h_last = h
        h = _bn(h, gammas[i], betas[i])
        h = jax.nn.relu(h)
    return h @ W_pred.T + b_pred

if __name__ == "__main__":
    import jax
    _d = setup_inputs()
    print(jax.jit(kernel)(*tuple(_d.values())))

</pallas_src>

<mosaic_0001>
#map = affine_map<(d0, d1) -> (0, 0)>
#map1 = affine_map<(d0, d1) -> (0, 0, 0)>
module attributes {stable_mosaic.version = 14 : i64} {
  func.func @_sc_aggregate(%arg0: i32, %arg1: i32, %arg2: memref<10000x128xf32, #tpu.memory_space<hbm>>, %arg3: memref<32x80x125xi32, #tpu.memory_space<hbm>>, %arg4: memref<32x80x125xi32, #tpu.memory_space<hbm>>, %arg5: memref<125x128xf32, #tpu.memory_space<hbm>>, %arg6: memref<2x10240x128xf32, #tpu.memory_space<hbm>>, %arg7: memref<2x16x125xi32, #tpu.memory_space<vmem>>, %arg8: memref<2x16x125xi32, #tpu.memory_space<vmem>>, %arg9: memref<125x128xf32, #tpu.memory_space<vmem>>, %arg10: memref<125x128xf32, #tpu.memory_space<vmem>>, %arg11: memref<10240x128xf32, #tpu.memory_space<vmem_shared>>, %arg12: memref<!tpu.dma_semaphore, #tpu.memory_space<semaphore_mem>>, %arg13: memref<!tpu.dma_semaphore, #tpu.memory_space<semaphore_mem>>, %arg14: memref<!tpu.dma_semaphore, #tpu.memory_space<semaphore_mem>>, %arg15: memref<!tpu.dma_semaphore, #tpu.memory_space<semaphore_mem>>, %arg16: memref<!tpu.dma_semaphore, #tpu.memory_space<semaphore_mem>>) attributes {dimension_semantics = [#tpu.dimension_semantics<core_parallel>, #tpu.dimension_semantics<subcore_parallel>], iteration_bounds = array<i64: 2, 16>, scalar_prefetch = 0 : i64, scratch_operands = 10 : i64, tpu.core_type = #tpu.core_type<sc_vector_subcore>, window_params = [{transform_indices = #map}, {transform_indices = #map1}, {transform_indices = #map1}, {transform_indices = #map}, {transform_indices = #map1}]} {
    %mul3A = arith.constant 16 : i32
    %mul3A_0 = arith.muli %arg0, %mul3A : i32
    %add3A = arith.addi %mul3A_0, %arg1 : i32
    %dma_start3A = arith.constant 0 : i32
    %dma_start3A_1 = arith.constant 0 : i32
    %dma_start3A_2 = arith.constant 0 : i32
    %dma_start3A_3 = tpu.memref_slice %arg7[%dma_start3A, %dma_start3A_1, %dma_start3A_2] : memref<2x16x125xi32, #tpu.memory_space<vmem>> -> memref<1x16x125xi32, #tpu.memory_space<vmem>>
    %dma_start3A_4 = tpu.memref_squeeze %dma_start3A_3 : memref<1x16x125xi32, #tpu.memory_space<vmem>> -> memref<16x125xi32, #tpu.memory_space<vmem>>
    %dma_start3A_5 = arith.constant 0 : i32
    %dma_start3A_6 = arith.constant 0 : i32
    %dma_start3A_7 = tpu.memref_slice %arg3[%add3A, %dma_start3A_5, %dma_start3A_6] : memref<32x80x125xi32, #tpu.memory_space<hbm>> -> memref<1x16x125xi32, #tpu.memory_space<hbm>>
    %dma_start3A_8 = tpu.memref_squeeze %dma_start3A_7 : memref<1x16x125xi32, #tpu.memory_space<hbm>> -> memref<16x125xi32, #tpu.memory_space<hbm>>
    %dma_start3A_9 = arith.constant 0 : i32
    %dma_start3A_10 = arith.constant 0 : i32
    %dma_start3A_11 = tpu.memref_slice %arg7[%dma_start3A, %dma_start3A_9, %dma_start3A_10] : memref<2x16x125xi32, #tpu.memory_space<vmem>> -> memref<1x16x125xi32, #tpu.memory_space<vmem>>
    %dma_start3A_12 = tpu.memref_squeeze %dma_start3A_11 : memref<1x16x125xi32, #tpu.memory_space<vmem>> -> memref<16x125xi32, #tpu.memory_space<vmem>>
    %dma_start3A_13 = arith.constant 0 : i32
    %dma_start3A_14 = arith.constant 0 : i32
    %dma_start3A_15 = tpu.memref_slice %arg3[%add3A, %dma_start3A_13, %dma_start3A_14] : memref<32x80x125xi32, #tpu.memory_space<hbm>> -> memref<1x16x125xi32, #tpu.memory_space<hbm>>
    %dma_start3A_16 = tpu.memref_squeeze %dma_start3A_15 : memref<1x16x125xi32, #tpu.memory_space<hbm>> -> memref<16x125xi32, #tpu.memory_space<hbm>>
    tpu.enqueue_dma source(%dma_start3A_16 : memref<16x125xi32, #tpu.memory_space<hbm>>) target(%dma_start3A_12 : memref<16x125xi32, #tpu.memory_space<vmem>>) target_semaphore(%arg16 : memref<!tpu.dma_semaphore, #tpu.memory_space<semaphore_mem>>)
    %dma_start3A_17 = arith.constant 0 : i32
    %dma_start3A_18 = arith.constant 0 : i32
    %dma_start3A_19 = arith.constant 0 : i32
    %dma_start3A_20 = tpu.memref_slice %arg8[%dma_start3A_17, %dma_start3A_18, %dma_start3A_19] : memref<2x16x125xi32, #tpu.memory_space<vmem>> -> memref<1x16x125xi32, #tpu.memory_space<vmem>>
    %dma_start3A_21 = tpu.memref_squeeze %dma_start3A_20 : memref<1x16x125xi32, #tpu.memory_space<vmem>> -> memref<16x125xi32, #tpu.memory_space<vmem>>
    %dma_start3A_22 = arith.constant 0 : i32
    %dma_start3A_23 = arith.constant 0 : i32
    %dma_start3A_24 = tpu.memref_slice %arg4[%add3A, %dma_start3A_22, %dma_start3A_23] : memref<32x80x125xi32, #tpu.memory_space<hbm>> -> memref<1x16x125xi32, #tpu.memory_space<hbm>>
    %dma_start3A_25 = tpu.memref_squeeze %dma_start3A_24 : memref<1x16x125xi32, #tpu.memory_space<hbm>> -> memref<16x125xi32, #tpu.memory_space<hbm>>
    %dma_start3A_26 = arith.constant 0 : i32
    %dma_start3A_27 = arith.constant 0 : i32
    %dma_start3A_28 = tpu.memref_slice %arg8[%dma_start3A_17, %dma_start3A_26, %dma_start3A_27] : memref<2x16x125xi32, #tpu.memory_space<vmem>> -> memref<1x16x125xi32, #tpu.memory_space<vmem>>
    %dma_start3A_29 = tpu.memref_squeeze %dma_start3A_28 : memref<1x16x125xi32, #tpu.memory_space<vmem>> -> memref<16x125xi32, #tpu.memory_space<vmem>>
    %dma_start3A_30 = arith.constant 0 : i32
    %dma_start3A_31 = arith.constant 0 : i32
    %dma_start3A_32 = tpu.memref_slice %arg4[%add3A, %dma_start3A_30, %dma_start3A_31] : memref<32x80x125xi32, #tpu.memory_space<hbm>> -> memref<1x16x125xi32, #tpu.memory_space<hbm>>
    %dma_start3A_33 = tpu.memref_squeeze %dma_start3A_32 : memref<1x16x125xi32, #tpu.memory_space<hbm>> -> memref<16x125xi32, #tpu.memory_space<hbm>>
    tpu.enqueue_dma source(%dma_start3A_33 : memref<16x125xi32, #tpu.memory_space<hbm>>) target(%dma_start3A_29 : memref<16x125xi32, #tpu.memory_space<vmem>>) target_semaphore(%arg16 : memref<!tpu.dma_semaphore, #tpu.memory_space<semaphore_mem>>)
    %scan3A = arith.constant 0 : i32
    %scan3A_34 = arith.constant 0 : i32
    %scan3A_35 = arith.constant 80 : i32
    %scan3A_36 = arith.addi %scan3A_34, %scan3A_35 : i32
    %scan3A_37 = arith.constant 1 : i32
    scf.for %scan3A_89 = %scan3A_34 to %scan3A_36 step %scan3A_37  : i32 {
      %broadcast_in_dim3A = arith.constant 0.000000e+00 : f32
      %broadcast_in_dim3A_90 = vector.broadcast %broadcast_in_dim3A : f32 to vector<16xf32>
      %swap3A = arith.index_cast %scan3A_89 : i32 to index
      %swap3A_91 = arith.constant 0 : index
      %swap3A_92 = tpu.vector_load %arg9[%swap3A, %swap3A_91] {strides = array<i32>} : memref<125x128xf32, #tpu.memory_space<vmem>>, vector<1x16xf32>,
      %swap3A_93 = vector.shape_cast %swap3A_92 : vector<1x16xf32> to vector<16xf32>
      %swap3A_94 = vector.shape_cast %broadcast_in_dim3A_90 : vector<16xf32> to vector<1x16xf32>
      tpu.vector_store %arg9[%swap3A, %swap3A_91], %swap3A_94 {strides = array<i32>} : memref<125x128xf32, #tpu.memory_space<vmem>>, vector<1x16xf32>,
      %broadcast_in_dim3A_95 = arith.constant 0.000000e+00 : f32
      %broadcast_in_dim3A_96 = vector.broadcast %broadcast_in_dim3A_95 : f32 to vector<16xf32>
      %swap3A_97 = arith.index_cast %scan3A_89 : i32 to index
      %swap3A_98 = arith.constant 16 : index
      %swap3A_99 = tpu.vector_load %arg9[%swap3A_97, %swap3A_98] {strides = array<i32>} : memref<125x128xf32, #tpu.memory_space<vmem>>, vector<1x16xf32>,
      %swap3A_100 = vector.shape_cast %swap3A_99 : vector<1x16xf32> to vector<16xf32>
      %swap3A_101 = vector.shape_cast %broadcast_in_dim3A_96 : vector<16xf32> to vector<1x16xf32>
      tpu.vector_store %arg9[%swap3A_97, %swap3A_98], %swap3A_101 {strides = array<i32>} : memref<125x128xf32, #tpu.memory_space<vmem>>, vector<1x16xf32>,
      %broadcast_in_dim3A_102 = arith.constant 0.000000e+00 : f32
      %broadcast_in_dim3A_103 = vector.broadcast %broadcast_in_dim3A_102 : f32 to vector<16xf32>
      %swap3A_104 = arith.index_cast %scan3A_89 : i32 to index
      %swap3A_105 = arith.constant 32 : index
      %swap3A_106 = tpu.vector_load %arg9[%swap3A_104, %swap3A_105] {strides = array<i32>} : memref<125x128xf32, #tpu.memory_space<vmem>>, vector<1x16xf32>,
      %swap3A_107 = vector.shape_cast %swap3A_106 : vector<1x16xf32> to vector<16xf32>
      %swap3A_108 = vector.shape_cast %broadcast_in_dim3A_103 : vector<16xf32> to vector<1x16xf32>
      tpu.vector_store %arg9[%swap3A_104, %swap3A_105], %swap3A_108 {strides = array<i32>} : memref<125x128xf32, #tpu.memory_space<vmem>>, vector<1x16xf32>,
      %broadcast_in_dim3A_109 = arith.constant 0.000000e+00 : f32
      %broadcast_in_dim3A_110 = vector.broadcast %broadcast_in_dim3A_109 : f32 to vector<16xf32>
      %swap3A_111 = arith.index_cast %scan3A_89 : i32 to index
      %swap3A_112 = arith.constant 48 : index
      %swap3A_113 = tpu.vector_load %arg9[%swap3A_111, %swap3A_112] {strides = array<i32>} : memref<125x128xf32, #tpu.memory_space<vmem>>, vector<1x16xf32>,
      %swap3A_114 = vector.shape_cast %swap3A_113 : vector<1x16xf32> to vector<16xf32>
      %swap3A_115 = vector.shape_cast %broadcast_in_dim3A_110 : vector<16xf32> to vector<1x16xf32>
      tpu.vector_store %arg9[%swap3A_111, %swap3A_112], %swap3A_115 {strides = array<i32>} : memref<125x128xf32, #tpu.memory_space<vmem>>, vector<1x16xf32>,
      %broadcast_in_dim3A_116 = arith.constant 0.000000e+00 : f32
      %broadcast_in_dim3A_117 = vector.broadcast %broadcast_in_dim3A_116 : f32 to vector<16xf32>
      %swap3A_118 = arith.index_cast %scan3A_89 : i32 to index
      %swap3A_119 = arith.constant 64 : index
      %swap3A_120 = tpu.vector_load %arg9[%swap3A_118, %swap3A_119] {strides = array<i32>} : memref<125x128xf32, #tpu.memory_space<vmem>>, vector<1x16xf32>,
      %swap3A_121 = vector.shape_cast %swap3A_120 : vector<1x16xf32> to vector<16xf32>
      %swap3A_122 = vector.shape_cast %broadcast_in_dim3A_117 : vector<16xf32> to vector<1x16xf32>
      tpu.vector_store %arg9[%swap3A_118, %swap3A_119], %swap3A_122 {strides = array<i32>} : memref<125x128xf32, #tpu.memory_space<vmem>>, vector<1x16xf32>,
      %broadcast_in_dim3A_123 = arith.constant 0.000000e+00 : f32
      %broadcast_in_dim3A_124 = vector.broadcast %broadcast_in_dim3A_123 : f32 to vector<16xf32>
      %swap3A_125 = arith.index_cast %scan3A_89 : i32 to index
      %swap3A_126 = arith.constant 80 : index
      %swap3A_127 = tpu.vector_load %arg9[%swap3A_125, %swap3A_126] {strides = array<i32>} : memref<125x128xf32, #tpu.memory_space<vmem>>, vector<1x16xf32>,
      %swap3A_128 = vector.shape_cast %swap3A_127 : vector<1x16xf32> to vector<16xf32>
      %swap3A_129 = vector.shape_cast %broadcast_in_dim3A_124 : vector<16xf32> to vector<1x16xf32>
      tpu.vector_store %arg9[%swap3A_125, %swap3A_126], %swap3A_129 {strides = array<i32>} : memref<125x128xf32, #tpu.memory_space<vmem>>, vector<1x16xf32>,
      %broadcast_in_dim3A_130 = arith.constant 0.000000e+00 : f32
      %broadcast_in_dim3A_131 = vector.broadcast %broadcast_in_dim3A_130 : f32 to vector<16xf32>
      %swap3A_132 = arith.index_cast %scan3A_89 : i32 to index
      %swap3A_133 = arith.constant 96 : index
      %swap3A_134 = tpu.vector_load %arg9[%swap3A_132, %swap3A_133] {strides = array<i32>} : memref<125x128xf32, #tpu.memory_space<vmem>>, vector<1x16xf32>,
      %swap3A_135 = vector.shape_cast %swap3A_134 : vector<1x16xf32> to vector<16xf32>
      %swap3A_136 = vector.shape_cast %broadcast_in_dim3A_131 : vector<16xf32> to vector<1x16xf32>
      tpu.vector_store %arg9[%swap3A_132, %swap3A_133], %swap3A_136 {strides = array<i32>} : memref<125x128xf32, #tpu.memory_space<vmem>>, vector<1x16xf32>,
      %broadcast_in_dim3A_137 = arith.constant 0.000000e+00 : f32
      %broadcast_in_dim3A_138 = vector.broadcast %broadcast_in_dim3A_137 : f32 to vector<16xf32>
      %swap3A_139 = arith.index_cast %scan3A_89 : i32 to index
      %swap3A_140 = arith.constant 112 : index
      %swap3A_141 = tpu.vector_load %arg9[%swap3A_139, %swap3A_140] {strides = array<i32>} : memref<125x128xf32, #tpu.memory_space<vmem>>, vector<1x16xf32>,
      %swap3A_142 = vector.shape_cast %swap3A_141 : vector<1x16xf32> to vector<16xf32>
      %swap3A_143 = vector.shape_cast %broadcast_in_dim3A_138 : vector<16xf32> to vector<1x16xf32>
      tpu.vector_store %arg9[%swap3A_139, %swap3A_140], %swap3A_143 {strides = array<i32>} : memref<125x128xf32, #tpu.memory_space<vmem>>, vector<1x16xf32>,
    }
    %scan3A_38 = arith.constant 80 : i32
    %scan3A_39 = arith.constant 0 : i32
    %scan3A_40 = arith.constant 0 : i32
    %scan3A_41 = arith.constant 8 : i32
    %scan3A_42 = arith.addi %scan3A_40, %scan3A_41 : i32
    %scan3A_43 = arith.constant 1 : i32
    scf.for %scan3A_89 = %scan3A_40 to %scan3A_42 step %scan3A_43  : i32 {
      %mul3A_90 = arith.constant 640 : i32
      %mul3A_91 = arith.muli %arg1, %mul3A_90 : i32
      %mul3A_92 = arith.constant 80 : i32
      %mul3A_93 = arith.muli %scan3A_89, %mul3A_92 : i32
      %add3A_94 = arith.addi %mul3A_91, %mul3A_93 : i32
      "tpu.region"() ({
        %run_scoped3A = tpu.sem_alloc : memref<!tpu.dma_semaphore, #tpu.memory_space<semaphore_mem>>
        %dma_start3A_95 = arith.constant 0 : i32
        %dma_start3A_96 = arith.constant 0 : i32
        %dma_start3A_97 = tpu.memref_slice %arg9[%dma_start3A_95, %dma_start3A_96] : memref<125x128xf32, #tpu.memory_space<vmem>> -> memref<80x128xf32, #tpu.memory_space<vmem>>
        %dma_start3A_98 = arith.constant 0 : i32
        %dma_start3A_99 = tpu.memref_slice %arg11[%add3A_94, %dma_start3A_98] : memref<10240x128xf32, #tpu.memory_space<vmem_shared>> -> memref<80x128xf32, #tpu.memory_space<vmem_shared>>
        %dma_start3A_100 = arith.constant 0 : i32
        %dma_start3A_101 = tpu.memref_slice %arg11[%add3A_94, %dma_start3A_100] : memref<10240x128xf32, #tpu.memory_space<vmem_shared>> -> memref<80x128xf32, #tpu.memory_space<vmem_shared>>
        %dma_start3A_102 = arith.constant 0 : i32
        %dma_start3A_103 = arith.constant 0 : i32
        %dma_start3A_104 = tpu.memref_slice %arg9[%dma_start3A_102, %dma_start3A_103] : memref<125x128xf32, #tpu.memory_space<vmem>> -> memref<80x128xf32, #tpu.memory_space<vmem>>
        tpu.enqueue_dma source(%dma_start3A_104 : memref<80x128xf32, #tpu.memory_space<vmem>>) target(%dma_start3A_101 : memref<80x128xf32, #tpu.memory_space<vmem_shared>>) target_semaphore(%run_scoped3A : memref<!tpu.dma_semaphore, #tpu.memory_space<semaphore_mem>>)
        %dma_wait3A_105 = arith.constant 0 : i32
        %dma_wait3A_106 = arith.constant 0 : i32
        %dma_wait3A_107 = tpu.memref_slice %arg9[%dma_wait3A_105, %dma_wait3A_106] : memref<125x128xf32, #tpu.memory_space<vmem>> -> memref<80x128xf32, #tpu.memory_space<vmem>>
        %dma_wait3A_108 = arith.constant 0 : i32
        %dma_wait3A_109 = tpu.memref_slice %arg11[%add3A_94, %dma_wait3A_108] : memref<10240x128xf32, #tpu.memory_space<vmem_shared>> -> memref<80x128xf32, #tpu.memory_space<vmem_shared>>
        %dma_wait3A_110 = arith.constant 0 : i32
        %dma_wait3A_111 = tpu.memref_slice %arg11[%add3A_94, %dma_wait3A_110] : memref<10240x128xf32, #tpu.memory_space<vmem_shared>> -> memref<80x128xf32, #tpu.memory_space<vmem_shared>>
        %dma_wait3A_112 = arith.constant 0 : i32
        %dma_wait3A_113 = arith.constant 0 : i32
        %dma_wait3A_114 = tpu.memref_slice %arg9[%dma_wait3A_112, %dma_wait3A_113] : memref<125x128xf32, #tpu.memory_space<vmem>> -> memref<80x128xf32, #tpu.memory_space<vmem>>
        tpu.wait_dma2 semaphore(%run_scoped3A : memref<!tpu.dma_semaphore, #tpu.memory_space<semaphore_mem>>) src(%dma_wait3A_114 : memref<80x128xf32, #tpu.memory_space<vmem>>) dst(%dma_wait3A_111 : memref<80x128xf32, #tpu.memory_space<vmem_shared>>)
        tpu.yield
      }) : () -> ()
    }
    %scan3A_44 = arith.constant 8 : i32
    %dma_wait3A = arith.constant 0 : i32
    %dma_wait3A_45 = arith.constant 0 : i32
    %dma_wait3A_46 = arith.constant 0 : i32
    %dma_wait3A_47 = tpu.memref_slice %arg7[%dma_wait3A, %dma_wait3A_45, %dma_wait3A_46] : memref<2x16x125xi32, #tpu.memory_space<vmem>> -> memref<1x16x125xi32, #tpu.memory_space<vmem>>
    %dma_wait3A_48 = tpu.memref_squeeze %dma_wait3A_47 : memref<1x16x125xi32, #tpu.memory_space<vmem>> -> memref<16x125xi32, #tpu.memory_space<vmem>>
    %dma_wait3A_49 = arith.constant 0 : i32
    %dma_wait3A_50 = arith.constant 0 : i32
    %dma_wait3A_51 = tpu.memref_slice %arg3[%add3A, %dma_wait3A_49, %dma_wait3A_50] : memref<32x80x125xi32, #tpu.memory_space<hbm>> -> memref<1x16x125xi32, #tpu.memory_space<hbm>>
    %dma_wait3A_52 = tpu.memref_squeeze %dma_wait3A_51 : memref<1x16x125xi32, #tpu.memory_space<hbm>> -> memref<16x125xi32, #tpu.memory_space<hbm>>
    %dma_wait3A_53 = arith.constant 0 : i32
    %dma_wait3A_54 = arith.constant 0 : i32
    %dma_wait3A_55 = tpu.memref_slice %arg7[%dma_wait3A, %dma_wait3A_53, %dma_wait3A_54] : memref<2x16x125xi32, #tpu.memory_space<vmem>> -> memref<1x16x125xi32, #tpu.memory_space<vmem>>
    %dma_wait3A_56 = tpu.memref_squeeze %dma_wait3A_55 : memref<1x16x125xi32, #tpu.memory_space<vmem>> -> memref<16x125xi32, #tpu.memory_space<vmem>>
    %dma_wait3A_57 = arith.constant 0 : i32
    %dma_wait3A_58 = arith.constant 0 : i32
    %dma_wait3A_59 = tpu.memref_slice %arg3[%add3A, %dma_wait3A_57, %dma_wait3A_58] : memref<32x80x125xi32, #tpu.memory_space<hbm>> -> memref<1x16x125xi32, #tpu.memory_space<hbm>>
    %dma_wait3A_60 = tpu.memref_squeeze %dma_wait3A_59 : memref<1x16x125xi32, #tpu.memory_space<hbm>> -> memref<16x125xi32, #tpu.memory_space<hbm>>
    tpu.wait_dma2 semaphore(%arg16 : memref<!tpu.dma_semaphore, #tpu.memory_space<semaphore_mem>>) src(%dma_wait3A_60 : memref<16x125xi32, #tpu.memory_space<hbm>>) dst(%dma_wait3A_56 : memref<16x125xi32, #tpu.memory_space<vmem>>)
    %dma_wait3A_61 = arith.constant 0 : i32
    %dma_wait3A_62 = arith.constant 0 : i32
    %dma_wait3A_63 = arith.constant 0 : i32
    %dma_wait3A_64 = tpu.memref_slice %arg8[%dma_wait3A_61, %dma_wait3A_62, %dma_wait3A_63] : memref<2x16x125xi32, #tpu.memory_space<vmem>> -> memref<1x16x125xi32, #tpu.memory_space<vmem>>
    %dma_wait3A_65 = tpu.memref_squeeze %dma_wait3A_64 : memref<1x16x125xi32, #tpu.memory_space<vmem>> -> memref<16x125xi32, #tpu.memory_space<vmem>>
    %dma_wait3A_66 = arith.constant 0 : i32
    %dma_wait3A_67 = arith.constant 0 : i32
    %dma_wait3A_68 = tpu.memref_slice %arg4[%add3A, %dma_wait3A_66, %dma_wait3A_67] : memref<32x80x125xi32, #tpu.memory_space<hbm>> -> memref<1x16x125xi32, #tpu.memory_space<hbm>>
    %dma_wait3A_69 = tpu.memref_squeeze %dma_wait3A_68 : memref<1x16x125xi32, #tpu.memory_space<hbm>> -> memref<16x125xi32, #tpu.memory_space<hbm>>
    %dma_wait3A_70 = arith.constant 0 : i32
    %dma_wait3A_71 = arith.constant 0 : i32
    %dma_wait3A_72 = tpu.memref_slice %arg8[%dma_wait3A_61, %dma_wait3A_70, %dma_wait3A_71] : memref<2x16x125xi32, #tpu.memory_space<vmem>> -> memref<1x16x125xi32, #tpu.memory_space<vmem>>
    %dma_wait3A_73 = tpu.memref_squeeze %dma_wait3A_72 : memref<1x16x125xi32, #tpu.memory_space<vmem>> -> memref<16x125xi32, #tpu.memory_space<vmem>>
    %dma_wait3A_74 = arith.constant 0 : i32
    %dma_wait3A_75 = arith.constant 0 : i32
    %dma_wait3A_76 = tpu.memref_slice %arg4[%add3A, %dma_wait3A_74, %dma_wait3A_75] : memref<32x80x125xi32, #tpu.memory_space<hbm>> -> memref<1x16x125xi32, #tpu.memory_space<hbm>>
    %dma_wait3A_77 = tpu.memref_squeeze %dma_wait3A_76 : memref<1x16x125xi32, #tpu.memory_space<hbm>> -> memref<16x125xi32, #tpu.memory_space<hbm>>
    tpu.wait_dma2 semaphore(%arg16 : memref<!tpu.dma_semaphore, #tpu.memory_space<semaphore_mem>>) src(%dma_wait3A_77 : memref<16x125xi32, #tpu.memory_space<hbm>>) dst(%dma_wait3A_73 : memref<16x125xi32, #tpu.memory_space<vmem>>)
    %barrier3A = arith.constant 0 : index
    tpu.barrier barrier_id(%barrier3A)
    %scan3A_78 = arith.constant 0 : i32
    %scan3A_79 = arith.constant 0 : i32
    %scan3A_80 = arith.constant 5 : i32
    %scan3A_81 = arith.addi %scan3A_79, %scan3A_80 : i32
    %scan3A_82 = arith.constant 1 : i32
    scf.for %scan3A_89 = %scan3A_79 to %scan3A_81 step %scan3A_82  : i32 {
      %rem3A = arith.constant 2 : i32
      %rem3A_90 = arith.remsi %scan3A_89, %rem3A : i32
      %sub3A = arith.constant 1 : i32
      %sub3A_91 = arith.subi %sub3A, %rem3A_90 : i32
      %add3A_92 = arith.constant 1 : i32
      %add3A_93 = arith.addi %scan3A_89, %add3A_92 : i32
      %lt3A = arith.constant 5 : i32
      %lt3A_94 = arith.cmpi slt, %add3A_93, %lt3A : i32
      %convert_element_type3A = arith.extui %lt3A_94 : i1 to i32
      %cond3A = arith.constant 0 : i32
      %cond3A_95 = arith.cmpi ne, %convert_element_type3A, %cond3A : i32
      scf.if %cond3A_95 {
        %add3A_336 = arith.constant 1 : i32
        %add3A_337 = arith.addi %scan3A_89, %add3A_336 : i32
        %mul3A_338 = arith.constant 16 : i32
        %mul3A_339 = arith.muli %add3A_337, %mul3A_338 : i32
        %dma_start3A_340 = arith.constant 0 : i32
        %dma_start3A_341 = arith.constant 0 : i32
        %dma_start3A_342 = tpu.memref_slice %arg7[%sub3A_91, %dma_start3A_340, %dma_start3A_341] : memref<2x16x125xi32, #tpu.memory_space<vmem>> -> memref<1x16x125xi32, #tpu.memory_space<vmem>>
        %dma_start3A_343 = tpu.memref_squeeze %dma_start3A_342 : memref<1x16x125xi32, #tpu.memory_space<vmem>> -> memref<16x125xi32, #tpu.memory_space<vmem>>
        %dma_start3A_344 = arith.constant 0 : i32
        %dma_start3A_345 = tpu.memref_slice %arg3[%add3A, %mul3A_339, %dma_start3A_344] : memref<32x80x125xi32, #tpu.memory_space<hbm>> -> memref<1x16x125xi32, #tpu.memory_space<hbm>>
        %dma_start3A_346 = tpu.memref_squeeze %dma_start3A_345 : memref<1x16x125xi32, #tpu.memory_space<hbm>> -> memref<16x125xi32, #tpu.memory_space<hbm>>
        %dma_start3A_347 = arith.constant 0 : i32
        %dma_start3A_348 = arith.constant 0 : i32
        %dma_start3A_349 = tpu.memref_slice %arg7[%sub3A_91, %dma_start3A_347, %dma_start3A_348] : memref<2x16x125xi32, #tpu.memory_space<vmem>> -> memref<1x16x125xi32, #tpu.memory_space<vmem>>
        %dma_start3A_350 = tpu.memref_squeeze %dma_start3A_349 : memref<1x16x125xi32, #tpu.memory_space<vmem>> -> memref<16x125xi32, #tpu.memory_space<vmem>>
        %dma_start3A_351 = arith.constant 0 : i32
        %dma_start3A_352 = tpu.memref_slice %arg3[%add3A, %mul3A_339, %dma_start3A_351] : memref<32x80x125xi32, #tpu.memory_space<hbm>> -> memref<1x16x125xi32, #tpu.memory_space<hbm>>
        %dma_start3A_353 = tpu.memref_squeeze %dma_start3A_352 : memref<1x16x125xi32, #tpu.memory_space<hbm>> -> memref<16x125xi32, #tpu.memory_space<hbm>>
        tpu.enqueue_dma source(%dma_start3A_353 : memref<16x125xi32, #tpu.memory_space<hbm>>) target(%dma_start3A_350 : memref<16x125xi32, #tpu.memory_space<vmem>>) target_semaphore(%arg16 : memref<!tpu.dma_semaphore, #tpu.memory_space<semaphore_mem>>)
        %add3A_354 = arith.constant 1 : i32
        %add3A_355 = arith.addi %scan3A_89, %add3A_354 : i32
        %mul3A_356 = arith.constant 16 : i32
        %mul3A_357 = arith.muli %add3A_355, %mul3A_356 : i32
        %dma_start3A_358 = arith.constant 0 : i32
        %dma_start3A_359 = arith.constant 0 : i32
        %dma_start3A_360 = tpu.memref_slice %arg8[%sub3A_91, %dma_start3A_358, %dma_start3A_359] : memref<2x16x125xi32, #tpu.memory_space<vmem>> -> memref<1x16x125xi32, #tpu.memory_space<vmem>>
        %dma_start3A_361 = tpu.memref_squeeze %dma_start3A_360 : memref<1x16x125xi32, #tpu.memory_space<vmem>> -> memref<16x125xi32, #tpu.memory_space<vmem>>
        %dma_start3A_362 = arith.constant 0 : i32
        %dma_start3A_363 = tpu.memref_slice %arg4[%add3A, %mul3A_357, %dma_start3A_362] : memref<32x80x125xi32, #tpu.memory_space<hbm>> -> memref<1x16x125xi32, #tpu.memory_space<hbm>>
        %dma_start3A_364 = tpu.memref_squeeze %dma_start3A_363 : memref<1x16x125xi32, #tpu.memory_space<hbm>> -> memref<16x125xi32, #tpu.memory_space<hbm>>
        %dma_start3A_365 = arith.constant 0 : i32
        %dma_start3A_366 = arith.constant 0 : i32
        %dma_start3A_367 = tpu.memref_slice %arg8[%sub3A_91, %dma_start3A_365, %dma_start3A_366] : memref<2x16x125xi32, #tpu.memory_space<vmem>> -> memref<1x16x125xi32, #tpu.memory_space<vmem>>
        %dma_start3A_368 = tpu.memref_squeeze %dma_start3A_367 : memref<1x16x125xi32, #tpu.memory_space<vmem>> -> memref<16x125xi32, #tpu.memory_space<vmem>>
        %dma_start3A_369 = arith.constant 0 : i32
        %dma_start3A_370 = tpu.memref_slice %arg4[%add3A, %mul3A_357, %dma_start3A_369] : memref<32x80x125xi32, #tpu.memory_space<hbm>> -> memref<1x16x125xi32, #tpu.memory_space<hbm>>
        %dma_start3A_371 = tpu.memref_squeeze %dma_start3A_370 : memref<1x16x125xi32, #tpu.memory_space<hbm>> -> memref<16x125xi32, #tpu.memory_space<hbm>>
        tpu.enqueue_dma source(%dma_start3A_371 : memref<16x125xi32, #tpu.memory_space<hbm>>) target(%dma_start3A_368 : memref<16x125xi32, #tpu.memory_space<vmem>>) target_semaphore(%arg16 : memref<!tpu.dma_semaphore, #tpu.memory_space<semaphore_mem>>)
      } else {
      }
      %gt3A = arith.constant 0 : i32
      %gt3A_96 = arith.cmpi sgt, %scan3A_89, %gt3A : i32
      %convert_element_type3A_97 = arith.extui %gt3A_96 : i1 to i32
      %cond3A_98 = arith.constant 0 : i32
      %cond3A_99 = arith.cmpi ne, %convert_element_type3A_97, %cond3A_98 : i32
      scf.if %cond3A_99 {
        tpu.wait_dma2 semaphore(%arg14 : memref<!tpu.dma_semaphore, #tpu.memory_space<semaphore_mem>>) src(%arg5 : memref<125x128xf32, #tpu.memory_space<hbm>>) dst(%arg9 : memref<125x128xf32, #tpu.memory_space<vmem>>)
      } else {
      }
      %dma_start3A_100 = arith.constant 0 : i32
      %dma_start3A_101 = arith.constant 0 : i32
      %dma_start3A_102 = tpu.memref_slice %arg7[%rem3A_90, %dma_start3A_100, %dma_start3A_101] : memref<2x16x125xi32, #tpu.memory_space<vmem>> -> memref<1x1x125xi32, #tpu.memory_space<vmem>>
      %dma_start3A_103 = tpu.memref_squeeze %dma_start3A_102 : memref<1x1x125xi32, #tpu.memory_space<vmem>> -> memref<125xi32, #tpu.memory_space<vmem>>
      %dma_start3A_104 = arith.constant 0 : i32
      %dma_start3A_105 = arith.constant 0 : i32
      %dma_start3A_106 = tpu.memref_slice %arg2[%dma_start3A_104, %dma_start3A_105] : memref<10000x128xf32, #tpu.memory_space<hbm>> -> memref<10000x128xf32, #tpu.memory_space<hbm>>
      tpu.enqueue_indirect_dma source(%dma_start3A_106 : memref<10000x128xf32, #tpu.memory_space<hbm>>) target(%arg9 : memref<125x128xf32, #tpu.memory_space<vmem>>) offsets(%dma_start3A_103 : memref<125xi32, #tpu.memory_space<vmem>>) semaphore(%arg12 : memref<!tpu.dma_semaphore, #tpu.memory_space<semaphore_mem>>)
      %gt3A_107 = arith.constant 0 : i32
      %gt3A_108 = arith.cmpi sgt, %scan3A_89, %gt3A_107 : i32
      %convert_element_type3A_109 = arith.extui %gt3A_108 : i1 to i32
      %cond3A_110 = arith.constant 0 : i32
      %cond3A_111 = arith.cmpi ne, %convert_element_type3A_109, %cond3A_110 : i32
      scf.if %cond3A_111 {
        tpu.wait_dma2 semaphore(%arg15 : memref<!tpu.dma_semaphore, #tpu.memory_space<semaphore_mem>>) src(%arg5 : memref<125x128xf32, #tpu.memory_space<hbm>>) dst(%arg10 : memref<125x128xf32, #tpu.memory_space<vmem>>)
      } else {
      }
      %dma_start3A_112 = arith.constant 1 : i32
      %dma_start3A_113 = arith.constant 0 : i32
      %dma_start3A_114 = tpu.memref_slice %arg7[%rem3A_90, %dma_start3A_112, %dma_start3A_113] : memref<2x16x125xi32, #tpu.memory_space<vmem>> -> memref<1x1x125xi32, #tpu.memory_space<vmem>>
      %dma_start3A_115 = tpu.memref_squeeze %dma_start3A_114 : memref<1x1x125xi32, #tpu.memory_space<vmem>> -> memref<125xi32, #tpu.memory_space<vmem>>
      %dma_start3A_116 = arith.constant 0 : i32
      %dma_start3A_117 = arith.constant 0 : i32
      %dma_start3A_118 = tpu.memref_slice %arg2[%dma_start3A_116, %dma_start3A_117] : memref<10000x128xf32, #tpu.memory_space<hbm>> -> memref<10000x128xf32, #tpu.memory_space<hbm>>
      tpu.enqueue_indirect_dma source(%dma_start3A_118 : memref<10000x128xf32, #tpu.memory_space<hbm>>) target(%arg10 : memref<125x128xf32, #tpu.memory_space<vmem>>) offsets(%dma_start3A_115 : memref<125xi32, #tpu.memory_space<vmem>>) semaphore(%arg13 : memref<!tpu.dma_semaphore, #tpu.memory_space<semaphore_mem>>)
      tpu.wait_dma2 semaphore(%arg12 : memref<!tpu.dma_semaphore, #tpu.memory_space<semaphore_mem>>) src(%arg5 : memref<125x128xf32, #tpu.memory_space<hbm>>) dst(%arg9 : memref<125x128xf32, #tpu.memory_space<vmem>>)
      %dma_start3A_119 = arith.constant 0 : i32
      %dma_start3A_120 = arith.constant 0 : i32
      %dma_start3A_121 = tpu.memref_slice %arg8[%rem3A_90, %dma_start3A_119, %dma_start3A_120] : memref<2x16x125xi32, #tpu.memory_space<vmem>> -> memref<1x1x125xi32, #tpu.memory_space<vmem>>
      %dma_start3A_122 = tpu.memref_squeeze %dma_start3A_121 : memref<1x1x125xi32, #tpu.memory_space<vmem>> -> memref<125xi32, #tpu.memory_space<vmem>>
      %dma_start3A_123 = arith.constant 0 : i32
      %dma_start3A_124 = arith.constant 0 : i32
      %dma_start3A_125 = tpu.memref_slice %arg11[%dma_start3A_123, %dma_start3A_124] : memref<10240x128xf32, #tpu.memory_space<vmem_shared>> -> memref<10240x128xf32, #tpu.memory_space<vmem_shared>>
      tpu.enqueue_indirect_dma source(%arg9 : memref<125x128xf32, #tpu.memory_space<vmem>>) target(%dma_start3A_125 : memref<10240x128xf32, #tpu.memory_space<vmem_shared>>) offsets(%dma_start3A_122 : memref<125xi32, #tpu.memory_space<vmem>>) semaphore(%arg14 : memref<!tpu.dma_semaphore, #tpu.memory_space<semaphore_mem>>) {add = true}
      tpu.wait_dma2 semaphore(%arg13 : memref<!tpu.dma_semaphore, #tpu.memory_space<semaphore_mem>>) src(%arg5 : memref<125x128xf32, #tpu.memory_space<hbm>>) dst(%arg10 : memref<125x128xf32, #tpu.memory_space<vmem>>)
      %dma_start3A_126 = arith.constant 1 : i32
      %dma_start3A_127 = arith.constant 0 : i32
      %dma_start3A_128 = tpu.memref_slice %arg8[%rem3A_90, %dma_start3A_126, %dma_start3A_127] : memref<2x16x125xi32, #tpu.memory_space<vmem>> -> memref<1x1x125xi32, #tpu.memory_space<vmem>>
      %dma_start3A_129 = tpu.memref_squeeze %dma_start3A_128 : memref<1x1x125xi32, #tpu.memory_space<vmem>> -> memref<125xi32, #tpu.memory_space<vmem>>
      %dma_start3A_130 = arith.constant 0 : i32
      %dma_start3A_131 = arith.constant 0 : i32
      %dma_start3A_132 = tpu.memref_slice %arg11[%dma_start3A_130, %dma_start3A_131] : memref<10240x128xf32, #tpu.memory_space<vmem_shared>> -> memref<10240x128xf32, #tpu.memory_space<vmem_shared>>
      tpu.enqueue_indirect_dma source(%arg10 : memref<125x128xf32, #tpu.memory_space<vmem>>) target(%dma_start3A_132 : memref<10240x128xf32, #tpu.memory_space<vmem_shared>>) offsets(%dma_start3A_129 : memref<125xi32, #tpu.memory_space<vmem>>) semaphore(%arg15 : memref<!tpu.dma_semaphore, #tpu.memory_space<semaphore_mem>>) {add = true}
      tpu.wait_dma2 semaphore(%arg14 : memref<!tpu.dma_semaphore, #tpu.memory_space<semaphore_mem>>) src(%arg5 : memref<125x128xf32, #tpu.memory_space<hbm>>) dst(%arg9 : memref<125x128xf32, #tpu.memory_space<vmem>>)
      %dma_start3A_133 = arith.constant 2 : i32
      %dma_start3A_134 = arith.constant 0 : i32
      %dma_start3A_135 = tpu.memref_slice %arg7[%rem3A_90, %dma_start3A_133, %dma_start3A_134] : memref<2x16x125xi32, #tpu.memory_space<vmem>> -> memref<1x1x125xi32, #tpu.memory_space<vmem>>
      %dma_start3A_136 = tpu.memref_squeeze %dma_start3A_135 : memref<1x1x125xi32, #tpu.memory_space<vmem>> -> memref<125xi32, #tpu.memory_space<vmem>>
      %dma_start3A_137 = arith.constant 0 : i32
      %dma_start3A_138 = arith.constant 0 : i32
      %dma_start3A_139 = tpu.memref_slice %arg2[%dma_start3A_137, %dma_start3A_138] : memref<10000x128xf32, #tpu.memory_space<hbm>> -> memref<10000x128xf32, #tpu.memory_space<hbm>>
      tpu.enqueue_indirect_dma source(%dma_start3A_139 : memref<10000x128xf32, #tpu.memory_space<hbm>>) target(%arg9 : memref<125x128xf32, #tpu.memory_space<vmem>>) offsets(%dma_start3A_136 : memref<125xi32, #tpu.memory_space<vmem>>) semaphore(%arg12 : memref<!tpu.dma_semaphore, #tpu.memory_space<semaphore_mem>>)
      tpu.wait_dma2 semaphore(%arg15 : memref<!tpu.dma_semaphore, #tpu.memory_space<semaphore_mem>>) src(%arg5 : memref<125x128xf32, #tpu.memory_space<hbm>>) dst(%arg10 : memref<125x128xf32, #tpu.memory_space<vmem>>)
      %dma_start3A_140 = arith.constant 3 : i32
      %dma_start3A_141 = arith.constant 0 : i32
      %dma_start3A_142 = tpu.memref_slice %arg7[%rem3A_90, %dma_start3A_140, %dma_start3A_141] : memref<2x16x125xi32, #tpu.memory_space<vmem>> -> memref<1x1x125xi32, #tpu.memory_space<vmem>>
      %dma_start3A_143 = tpu.memref_squeeze %dma_start3A_142 : memref<1x1x125xi32, #tpu.memory_space<vmem>> -> memref<125xi32, #tpu.memory_space<vmem>>
      %dma_start3A_144 = arith.constant 0 : i32
      %dma_start3A_145 = arith.constant 0 : i32
      %dma_start3A_146 = tpu.memref_slice %arg2[%dma_start3A_144, %dma_start3A_145] : memref<10000x128xf32, #tpu.memory_space<hbm>> -> memref<10000x128xf32, #tpu.memory_space<hbm>>
      tpu.enqueue_indirect_dma source(%dma_start3A_146 : memref<10000x128xf32, #tpu.memory_space<hbm>>) target(%arg10 : memref<125x128xf32, #tpu.memory_space<vmem>>) offsets(%dma_start3A_143 : memref<125xi32, #tpu.memory_space<vmem>>) semaphore(%arg13 : memref<!tpu.dma_semaphore, #tpu.memory_space<semaphore_mem>>)
      tpu.wait_dma2 semaphore(%arg12 : memref<!tpu.dma_semaphore, #tpu.memory_space<semaphore_mem>>) src(%arg5 : memref<125x128xf32, #tpu.memory_space<hbm>>) dst(%arg9 : memref<125x128xf32, #tpu.memory_space<vmem>>)
      %dma_start3A_147 = arith.constant 2 : i32
      %dma_start3A_148 = arith.constant 0 : i32
      %dma_start3A_149 = tpu.memref_slice %arg8[%rem3A_90, %dma_start3A_147, %dma_start3A_148] : memref<2x16x125xi32, #tpu.memory_space<vmem>> -> memref<1x1x125xi32, #tpu.memory_space<vmem>>
      %dma_start3A_150 = tpu.memref_squeeze %dma_start3A_149 : memref<1x1x125xi32, #tpu.memory_space<vmem>> -> memref<125xi32, #tpu.memory_space<vmem>>
      %dma_start3A_151 = arith.constant 0 : i32
      %dma_start3A_152 = arith.constant 0 : i32
      %dma_start3A_153 = tpu.memref_slice %arg11[%dma_start3A_151, %dma_start3A_152] : memref<10240x128xf32, #tpu.memory_space<vmem_shared>> -> memref<10240x128xf32, #tpu.memory_space<vmem_shared>>
      tpu.enqueue_indirect_dma source(%arg9 : memref<125x128xf32, #tpu.memory_space<vmem>>) target(%dma_start3A_153 : memref<10240x128xf32, #tpu.memory_space<vmem_shared>>) offsets(%dma_start3A_150 : memref<125xi32, #tpu.memory_space<vmem>>) semaphore(%arg14 : memref<!tpu.dma_semaphore, #tpu.memory_space<semaphore_mem>>) {add = true}
      tpu.wait_dma2 semaphore(%arg13 : memref<!tpu.dma_semaphore, #tpu.memory_space<semaphore_mem>>) src(%arg5 : memref<125x128xf32, #tpu.memory_space<hbm>>) dst(%arg10 : memref<125x128xf32, #tpu.memory_space<vmem>>)
      %dma_start3A_154 = arith.constant 3 : i32
      %dma_start3A_155 = arith.constant 0 : i32
      %dma_start3A_156 = tpu.memref_slice %arg8[%rem3A_90, %dma_start3A_154, %dma_start3A_155] : memref<2x16x125xi32, #tpu.memory_space<vmem>> -> memref<1x1x125xi32, #tpu.memory_space<vmem>>
      %dma_start3A_157 = tpu.memref_squeeze %dma_start3A_156 : memref<1x1x125xi32, #tpu.memory_space<vmem>> -> memref<125xi32, #tpu.memory_space<vmem>>
      %dma_start3A_158 = arith.constant 0 : i32
      %dma_start3A_159 = arith.constant 0 : i32
      %dma_start3A_160 = tpu.memref_slice %arg11[%dma_start3A_158, %dma_start3A_159] : memref<10240x128xf32, #tpu.memory_space<vmem_shared>> -> memref<10240x128xf32, #tpu.memory_space<vmem_shared>>
      tpu.enqueue_indirect_dma source(%arg10 : memref<125x128xf32, #tpu.memory_space<vmem>>) target(%dma_start3A_160 : memref<10240x128xf32, #tpu.memory_space<vmem_shared>>) offsets(%dma_start3A_157 : memref<125xi32, #tpu.memory_space<vmem>>) semaphore(%arg15 : memref<!tpu.dma_semaphore, #tpu.memory_space<semaphore_mem>>) {add = true}
      tpu.wait_dma2 semaphore(%arg14 : memref<!tpu.dma_semaphore, #tpu.memory_space<semaphore_mem>>) src(%arg5 : memref<125x128xf32, #tpu.memory_space<hbm>>) dst(%arg9 : memref<125x128xf32, #tpu.memory_space<vmem>>)
      %dma_start3A_161 = arith.constant 4 : i32
      %dma_start3A_162 = arith.constant 0 : i32
      %dma_start3A_163 = tpu.memref_slice %arg7[%rem3A_90, %dma_start3A_161, %dma_start3A_162] : memref<2x16x125xi32, #tpu.memory_space<vmem>> -> memref<1x1x125xi32, #tpu.memory_space<vmem>>
      %dma_start3A_164 = tpu.memref_squeeze %dma_start3A_163 : memref<1x1x125xi32, #tpu.memory_space<vmem>> -> memref<125xi32, #tpu.memory_space<vmem>>
      %dma_start3A_165 = arith.constant 0 : i32
      %dma_start3A_166 = arith.constant 0 : i32
      %dma_start3A_167 = tpu.memref_slice %arg2[%dma_start3A_165, %dma_start3A_166] : memref<10000x128xf32, #tpu.memory_space<hbm>> -> memref<10000x128xf32, #tpu.memory_space<hbm>>
      tpu.enqueue_indirect_dma source(%dma_start3A_167 : memref<10000x128xf32, #tpu.memory_space<hbm>>) target(%arg9 : memref<125x128xf32, #tpu.memory_space<vmem>>) offsets(%dma_start3A_164 : memref<125xi32, #tpu.memory_space<vmem>>) semaphore(%arg12 : memref<!tpu.dma_semaphore, #tpu.memory_space<semaphore_mem>>)
      tpu.wait_dma2 semaphore(%arg15 : memref<!tpu.dma_semaphore, #tpu.memory_space<semaphore_mem>>) src(%arg5 : memref<125x128xf32, #tpu.memory_space<hbm>>) dst(%arg10 : memref<125x128xf32, #tpu.memory_space<vmem>>)
      %dma_start3A_168 = arith.constant 5 : i32
      %dma_start3A_169 = arith.constant 0 : i32
      %dma_start3A_170 = tpu.memref_slice %arg7[%rem3A_90, %dma_start3A_168, %dma_start3A_169] : memref<2x16x125xi32, #tpu.memory_space<vmem>> -> memref<1x1x125xi32, #tpu.memory_space<vmem>>
      %dma_start3A_171 = tpu.memref_squeeze %dma_start3A_170 : memref<1x1x125xi32, #tpu.memory_space<vmem>> -> memref<125xi32, #tpu.memory_space<vmem>>
      %dma_start3A_172 = arith.constant 0 : i32
      %dma_start3A_173 = arith.constant 0 : i32
      %dma_start3A_174 = tpu.memref_slice %arg2[%dma_start3A_172, %dma_start3A_173] : memref<10000x128xf32, #tpu.memory_space<hbm>> -> memref<10000x128xf32, #tpu.memory_space<hbm>>
      tpu.enqueue_indirect_dma source(%dma_start3A_174 : memref<10000x128xf32, #tpu.memory_space<hbm>>) target(%arg10 : memref<125x128xf32, #tpu.memory_space<vmem>>) offsets(%dma_start3A_171 : memref<125xi32, #tpu.memory_space<vmem>>) semaphore(%arg13 : memref<!tpu.dma_semaphore, #tpu.memory_space<semaphore_mem>>)
      tpu.wait_dma2 semaphore(%arg12 : memref<!tpu.dma_semaphore, #tpu.memory_space<semaphore_mem>>) src(%arg5 : memref<125x128xf32, #tpu.memory_space<hbm>>) dst(%arg9 : memref<125x128xf32, #tpu.memory_space<vmem>>)
      %dma_start3A_175 = arith.constant 4 : i32
      %dma_start3A_176 = arith.constant 0 : i32
      %dma_start3A_177 = tpu.memref_slice %arg8[%rem3A_90, %dma_start3A_175, %dma_start3A_176] : memref<2x16x125xi32, #tpu.memory_space<vmem>> -> memref<1x1x125xi32, #tpu.memory_space<vmem>>
      %dma_start3A_178 = tpu.memref_squeeze %dma_start3A_177 : memref<1x1x125xi32, #tpu.memory_space<vmem>> -> memref<125xi32, #tpu.memory_space<vmem>>
      %dma_start3A_179 = arith.constant 0 : i32
      %dma_start3A_180 = arith.constant 0 : i32
      %dma_start3A_181 = tpu.memref_slice %arg11[%dma_start3A_179, %dma_start3A_180] : memref<10240x128xf32, #tpu.memory_space<vmem_shared>> -> memref<10240x128xf32, #tpu.memory_space<vmem_shared>>
      tpu.enqueue_indirect_dma source(%arg9 : memref<125x128xf32, #tpu.memory_space<vmem>>) target(%dma_start3A_181 : memref<10240x128xf32, #tpu.memory_space<vmem_shared>>) offsets(%dma_start3A_178 : memref<125xi32, #tpu.memory_space<vmem>>) semaphore(%arg14 : memref<!tpu.dma_semaphore, #tpu.memory_space<semaphore_mem>>) {add = true}
      tpu.wait_dma2 semaphore(%arg13 : memref<!tpu.dma_semaphore, #tpu.memory_space<semaphore_mem>>) src(%arg5 : memref<125x128xf32, #tpu.memory_space<hbm>>) dst(%arg10 : memref<125x128xf32, #tpu.memory_space<vmem>>)
      %dma_start3A_182 = arith.constant 5 : i32
      %dma_start3A_183 = arith.constant 0 : i32
      %dma_start3A_184 = tpu.memref_slice %arg8[%rem3A_90, %dma_start3A_182, %dma_start3A_183] : memref<2x16x125xi32, #tpu.memory_space<vmem>> -> memref<1x1x125xi32, #tpu.memory_space<vmem>>
      %dma_start3A_185 = tpu.memref_squeeze %dma_start3A_184 : memref<1x1x125xi32, #tpu.memory_space<vmem>> -> memref<125xi32, #tpu.memory_space<vmem>>
      %dma_start3A_186 = arith.constant 0 : i32
      %dma_start3A_187 = arith.constant 0 : i32
      %dma_start3A_188 = tpu.memref_slice %arg11[%dma_start3A_186, %dma_start3A_187] : memref<10240x128xf32, #tpu.memory_space<vmem_shared>> -> memref<10240x128xf32, #tpu.memory_space<vmem_shared>>
      tpu.enqueue_indirect_dma source(%arg10 : memref<125x128xf32, #tpu.memory_space<vmem>>) target(%dma_start3A_188 : memref<10240x128xf32, #tpu.memory_space<vmem_shared>>) offsets(%dma_start3A_185 : memref<125xi32, #tpu.memory_space<vmem>>) semaphore(%arg15 : memref<!tpu.dma_semaphore, #tpu.memory_space<semaphore_mem>>) {add = true}
      tpu.wait_dma2 semaphore(%arg14 : memref<!tpu.dma_semaphore, #tpu.memory_space<semaphore_mem>>) src(%arg5 : memref<125x128xf32, #tpu.memory_space<hbm>>) dst(%arg9 : memref<125x128xf32, #tpu.memory_space<vmem>>)
      %dma_start3A_189 = arith.constant 6 : i32
      %dma_start3A_190 = arith.constant 0 : i32
      %dma_start3A_191 = tpu.memref_slice %arg7[%rem3A_90, %dma_start3A_189, %dma_start3A_190] : memref<2x16x125xi32, #tpu.memory_space<vmem>> -> memref<1x1x125xi32, #tpu.memory_space<vmem>>
      %dma_start3A_192 = tpu.memref_squeeze %dma_start3A_191 : memref<1x1x125xi32, #tpu.memory_space<vmem>> -> memref<125xi32, #tpu.memory_space<vmem>>
      %dma_start3A_193 = arith.constant 0 : i32
      %dma_start3A_194 = arith.constant 0 : i32
      %dma_start3A_195 = tpu.memref_slice %arg2[%dma_start3A_193, %dma_start3A_194] : memref<10000x128xf32, #tpu.memory_space<hbm>> -> memref<10000x128xf32, #tpu.memory_space<hbm>>
      tpu.enqueue_indirect_dma source(%dma_start3A_195 : memref<10000x128xf32, #tpu.memory_space<hbm>>) target(%arg9 : memref<125x128xf32, #tpu.memory_space<vmem>>) offsets(%dma_start3A_192 : memref<125xi32, #tpu.memory_space<vmem>>) semaphore(%arg12 : memref<!tpu.dma_semaphore, #tpu.memory_space<semaphore_mem>>)
      tpu.wait_dma2 semaphore(%arg15 : memref<!tpu.dma_semaphore, #tpu.memory_space<semaphore_mem>>) src(%arg5 : memref<125x128xf32, #tpu.memory_space<hbm>>) dst(%arg10 : memref<125x128xf32, #tpu.memory_space<vmem>>)
      %dma_start3A_196 = arith.constant 7 : i32
      %dma_start3A_197 = arith.constant 0 : i32
      %dma_start3A_198 = tpu.memref_slice %arg7[%rem3A_90, %dma_start3A_196, %dma_start3A_197] : memref<2x16x125xi32, #tpu.memory_space<vmem>> -> memref<1x1x125xi32, #tpu.memory_space<vmem>>
      %dma_start3A_199 = tpu.memref_squeeze %dma_start3A_198 : memref<1x1x125xi32, #tpu.memory_space<vmem>> -> memref<125xi32, #tpu.memory_space<vmem>>
      %dma_start3A_200 = arith.constant 0 : i32
      %dma_start3A_201 = arith.constant 0 : i32
      %dma_start3A_202 = tpu.memref_slice %arg2[%dma_start3A_200, %dma_start3A_201] : memref<10000x128xf32, #tpu.memory_space<hbm>> -> memref<10000x128xf32, #tpu.memory_space<hbm>>
      tpu.enqueue_indirect_dma source(%dma_start3A_202 : memref<10000x128xf32, #tpu.memory_space<hbm>>) target(%arg10 : memref<125x128xf32, #tpu.memory_space<vmem>>) offsets(%dma_start3A_199 : memref<125xi32, #tpu.memory_space<vmem>>) semaphore(%arg13 : memref<!tpu.dma_semaphore, #tpu.memory_space<semaphore_mem>>)
      tpu.wait_dma2 semaphore(%arg12 : memref<!tpu.dma_semaphore, #tpu.memory_space<semaphore_mem>>) src(%arg5 : memref<125x128xf32, #tpu.memory_space<hbm>>) dst(%arg9 : memref<125x128xf32, #tpu.memory_space<vmem>>)
      %dma_start3A_203 = arith.constant 6 : i32
      %dma_start3A_204 = arith.constant 0 : i32
      %dma_start3A_205 = tpu.memref_slice %arg8[%rem3A_90, %dma_start3A_203, %dma_start3A_204] : memref<2x16x125xi32, #tpu.memory_space<vmem>> -> memref<1x1x125xi32, #tpu.memory_space<vmem>>
      %dma_start3A_206 = tpu.memref_squeeze %dma_start3A_205 : memref<1x1x125xi32, #tpu.memory_space<vmem>> -> memref<125xi32, #tpu.memory_space<vmem>>
      %dma_start3A_207 = arith.constant 0 : i32
      %dma_start3A_208 = arith.constant 0 : i32
      %dma_start3A_209 = tpu.memref_slice %arg11[%dma_start3A_207, %dma_start3A_208] : memref<10240x128xf32, #tpu.memory_space<vmem_shared>> -> memref<10240x128xf32, #tpu.memory_space<vmem_shared>>
      tpu.enqueue_indirect_dma source(%arg9 : memref<125x128xf32, #tpu.memory_space<vmem>>) target(%dma_start3A_209 : memref<10240x128xf32, #tpu.memory_space<vmem_shared>>) offsets(%dma_start3A_206 : memref<125xi32, #tpu.memory_space<vmem>>) semaphore(%arg14 : memref<!tpu.dma_semaphore, #tpu.memory_space<semaphore_mem>>) {add = true}
      tpu.wait_dma2 semaphore(%arg13 : memref<!tpu.dma_semaphore, #tpu.memory_space<semaphore_mem>>) src(%arg5 : memref<125x128xf32, #tpu.memory_space<hbm>>) dst(%arg10 : memref<125x128xf32, #tpu.memory_space<vmem>>)
      %dma_start3A_210 = arith.constant 7 : i32
      %dma_start3A_211 = arith.constant 0 : i32
      %dma_start3A_212 = tpu.memref_slice %arg8[%rem3A_90, %dma_start3A_210, %dma_start3A_211] : memref<2x16x125xi32, #tpu.memory_space<vmem>> -> memref<1x1x125xi32, #tpu.memory_space<vmem>>
      %dma_start3A_213 = tpu.memref_squeeze %dma_start3A_212 : memref<1x1x125xi32, #tpu.memory_space<vmem>> -> memref<125xi32, #tpu.memory_space<vmem>>
      %dma_start3A_214 = arith.constant 0 : i32
      %dma_start3A_215 = arith.constant 0 : i32
      %dma_start3A_216 = tpu.memref_slice %arg11[%dma_start3A_214, %dma_start3A_215] : memref<10240x128xf32, #tpu.memory_space<vmem_shared>> -> memref<10240x128xf32, #tpu.memory_space<vmem_shared>>
      tpu.enqueue_indirect_dma source(%arg10 : memref<125x128xf32, #tpu.memory_space<vmem>>) target(%dma_start3A_216 : memref<10240x128xf32, #tpu.memory_space<vmem_shared>>) offsets(%dma_start3A_213 : memref<125xi32, #tpu.memory_space<vmem>>) semaphore(%arg15 : memref<!tpu.dma_semaphore, #tpu.memory_space<semaphore_mem>>) {add = true}
      tpu.wait_dma2 semaphore(%arg14 : memref<!tpu.dma_semaphore, #tpu.memory_space<semaphore_mem>>) src(%arg5 : memref<125x128xf32, #tpu.memory_space<hbm>>) dst(%arg9 : memref<125x128xf32, #tpu.memory_space<vmem>>)
      %dma_start3A_217 = arith.constant 8 : i32
      %dma_start3A_218 = arith.constant 0 : i32
      %dma_start3A_219 = tpu.memref_slice %arg7[%rem3A_90, %dma_start3A_217, %dma_start3A_218] : memref<2x16x125xi32, #tpu.memory_space<vmem>> -> memref<1x1x125xi32, #tpu.memory_space<vmem>>
      %dma_start3A_220 = tpu.memref_squeeze %dma_start3A_219 : memref<1x1x125xi32, #tpu.memory_space<vmem>> -> memref<125xi32, #tpu.memory_space<vmem>>
      %dma_start3A_221 = arith.constant 0 : i32
      %dma_start3A_222 = arith.constant 0 : i32
      %dma_start3A_223 = tpu.memref_slice %arg2[%dma_start3A_221, %dma_start3A_222] : memref<10000x128xf32, #tpu.memory_space<hbm>> -> memref<10000x128xf32, #tpu.memory_space<hbm>>
      tpu.enqueue_indirect_dma source(%dma_start3A_223 : memref<10000x128xf32, #tpu.memory_space<hbm>>) target(%arg9 : memref<125x128xf32, #tpu.memory_space<vmem>>) offsets(%dma_start3A_220 : memref<125xi32, #tpu.memory_space<vmem>>) semaphore(%arg12 : memref<!tpu.dma_semaphore, #tpu.memory_space<semaphore_mem>>)
      tpu.wait_dma2 semaphore(%arg15 : memref<!tpu.dma_semaphore, #tpu.memory_space<semaphore_mem>>) src(%arg5 : memref<125x128xf32, #tpu.memory_space<hbm>>) dst(%arg10 : memref<125x128xf32, #tpu.memory_space<vmem>>)
      %dma_start3A_224 = arith.constant 9 : i32
      %dma_start3A_225 = arith.constant 0 : i32
      %dma_start3A_226 = tpu.memref_slice %arg7[%rem3A_90, %dma_start3A_224, %dma_start3A_225] : memref<2x16x125xi32, #tpu.memory_space<vmem>> -> memref<1x1x125xi32, #tpu.memory_space<vmem>>
      %dma_start3A_227 = tpu.memref_squeeze %dma_start3A_226 : memref<1x1x125xi32, #tpu.memory_space<vmem>> -> memref<125xi32, #tpu.memory_space<vmem>>
      %dma_start3A_228 = arith.constant 0 : i32
      %dma_start3A_229 = arith.constant 0 : i32
      %dma_start3A_230 = tpu.memref_slice %arg2[%dma_start3A_228, %dma_start3A_229] : memref<10000x128xf32, #tpu.memory_space<hbm>> -> memref<10000x128xf32, #tpu.memory_space<hbm>>
      tpu.enqueue_indirect_dma source(%dma_start3A_230 : memref<10000x128xf32, #tpu.memory_space<hbm>>) target(%arg10 : memref<125x128xf32, #tpu.memory_space<vmem>>) offsets(%dma_start3A_227 : memref<125xi32, #tpu.memory_space<vmem>>) semaphore(%arg13 : memref<!tpu.dma_semaphore, #tpu.memory_space<semaphore_mem>>)
      tpu.wait_dma2 semaphore(%arg12 : memref<!tpu.dma_semaphore, #tpu.memory_space<semaphore_mem>>) src(%arg5 : memref<125x128xf32, #tpu.memory_space<hbm>>) dst(%arg9 : memref<125x128xf32, #tpu.memory_space<vmem>>)
      %dma_start3A_231 = arith.constant 8 : i32
      %dma_start3A_232 = arith.constant 0 : i32
      %dma_start3A_233 = tpu.memref_slice %arg8[%rem3A_90, %dma_start3A_231, %dma_start3A_232] : memref<2x16x125xi32, #tpu.memory_space<vmem>> -> memref<1x1x125xi32, #tpu.memory_space<vmem>>
      %dma_start3A_234 = tpu.memref_squeeze %dma_start3A_233 : memref<1x1x125xi32, #tpu.memory_space<vmem>> -> memref<125xi32, #tpu.memory_space<vmem>>
      %dma_start3A_235 = arith.constant 0 : i32
      %dma_start3A_236 = arith.constant 0 : i32
      %dma_start3A_237 = tpu.memref_slice %arg11[%dma_start3A_235, %dma_start3A_236] : memref<10240x128xf32, #tpu.memory_space<vmem_shared>> -> memref<10240x128xf32, #tpu.memory_space<vmem_shared>>
      tpu.enqueue_indirect_dma source(%arg9 : memref<125x128xf32, #tpu.memory_space<vmem>>) target(%dma_start3A_237 : memref<10240x128xf32, #tpu.memory_space<vmem_shared>>) offsets(%dma_start3A_234 : memref<125xi32, #tpu.memory_space<vmem>>) semaphore(%arg14 : memref<!tpu.dma_semaphore, #tpu.memory_space<semaphore_mem>>) {add = true}
      tpu.wait_dma2 semaphore(%arg13 : memref<!tpu.dma_semaphore, #tpu.memory_space<semaphore_mem>>) src(%arg5 : memref<125x128xf32, #tpu.memory_space<hbm>>) dst(%arg10 : memref<125x128xf32, #tpu.memory_space<vmem>>)
      %dma_start3A_238 = arith.constant 9 : i32
      %dma_start3A_239 = arith.constant 0 : i32
      %dma_start3A_240 = tpu.memref_slice %arg8[%rem3A_90, %dma_start3A_238, %dma_start3A_239] : memref<2x16x125xi32, #tpu.memory_space<vmem>> -> memref<1x1x125xi32, #tpu.memory_space<vmem>>
      %dma_start3A_241 = tpu.memref_squeeze %dma_start3A_240 : memref<1x1x125xi32, #tpu.memory_space<vmem>> -> memref<125xi32, #tpu.memory_space<vmem>>
      %dma_start3A_242 = arith.constant 0 : i32
      %dma_start3A_243 = arith.constant 0 : i32
      %dma_start3A_244 = tpu.memref_slice %arg11[%dma_start3A_242, %dma_start3A_243] : memref<10240x128xf32, #tpu.memory_space<vmem_shared>> -> memref<10240x128xf32, #tpu.memory_space<vmem_shared>>
      tpu.enqueue_indirect_dma source(%arg10 : memref<125x128xf32, #tpu.memory_space<vmem>>) target(%dma_start3A_244 : memref<10240x128xf32, #tpu.memory_space<vmem_shared>>) offsets(%dma_start3A_241 : memref<125xi32, #tpu.memory_space<vmem>>) semaphore(%arg15 : memref<!tpu.dma_semaphore, #tpu.memory_space<semaphore_mem>>) {add = true}
      tpu.wait_dma2 semaphore(%arg14 : memref<!tpu.dma_semaphore, #tpu.memory_space<semaphore_mem>>) src(%arg5 : memref<125x128xf32, #tpu.memory_space<hbm>>) dst(%arg9 : memref<125x128xf32, #tpu.memory_space<vmem>>)
      %dma_start3A_245 = arith.constant 10 : i32
      %dma_start3A_246 = arith.constant 0 : i32
      %dma_start3A_247 = tpu.memref_slice %arg7[%rem3A_90, %dma_start3A_245, %dma_start3A_246] : memref<2x16x125xi32, #tpu.memory_space<vmem>> -> memref<1x1x125xi32, #tpu.memory_space<vmem>>
      %dma_start3A_248 = tpu.memref_squeeze %dma_start3A_247 : memref<1x1x125xi32, #tpu.memory_space<vmem>> -> memref<125xi32, #tpu.memory_space<vmem>>
      %dma_start3A_249 = arith.constant 0 : i32
      %dma_start3A_250 = arith.constant 0 : i32
      %dma_start3A_251 = tpu.memref_slice %arg2[%dma_start3A_249, %dma_start3A_250] : memref<10000x128xf32, #tpu.memory_space<hbm>> -> memref<10000x128xf32, #tpu.memory_space<hbm>>
      tpu.enqueue_indirect_dma source(%dma_start3A_251 : memref<10000x128xf32, #tpu.memory_space<hbm>>) target(%arg9 : memref<125x128xf32, #tpu.memory_space<vmem>>) offsets(%dma_start3A_248 : memref<125xi32, #tpu.memory_space<vmem>>) semaphore(%arg12 : memref<!tpu.dma_semaphore, #tpu.memory_space<semaphore_mem>>)
      tpu.wait_dma2 semaphore(%arg15 : memref<!tpu.dma_semaphore, #tpu.memory_space<semaphore_mem>>) src(%arg5 : memref<125x128xf32, #tpu.memory_space<hbm>>) dst(%arg10 : memref<125x128xf32, #tpu.memory_space<vmem>>)
      %dma_start3A_252 = arith.constant 11 : i32
      %dma_start3A_253 = arith.constant 0 : i32
      %dma_start3A_254 = tpu.memref_slice %arg7[%rem3A_90, %dma_start3A_252, %dma_start3A_253] : memref<2x16x125xi32, #tpu.memory_space<vmem>> -> memref<1x1x125xi32, #tpu.memory_space<vmem>>
      %dma_start3A_255 = tpu.memref_squeeze %dma_start3A_254 : memref<1x1x125xi32, #tpu.memory_space<vmem>> -> memref<125xi32, #tpu.memory_space<vmem>>
      %dma_start3A_256 = arith.constant 0 : i32
      %dma_start3A_257 = arith.constant 0 : i32
      %dma_start3A_258 = tpu.memref_slice %arg2[%dma_start3A_256, %dma_start3A_257] : memref<10000x128xf32, #tpu.memory_space<hbm>> -> memref<10000x128xf32, #tpu.memory_space<hbm>>
      tpu.enqueue_indirect_dma source(%dma_start3A_258 : memref<10000x128xf32, #tpu.memory_space<hbm>>) target(%arg10 : memref<125x128xf32, #tpu.memory_space<vmem>>) offsets(%dma_start3A_255 : memref<125xi32, #tpu.memory_space<vmem>>) semaphore(%arg13 : memref<!tpu.dma_semaphore, #tpu.memory_space<semaphore_mem>>)
      tpu.wait_dma2 semaphore(%arg12 : memref<!tpu.dma_semaphore, #tpu.memory_space<semaphore_mem>>) src(%arg5 : memref<125x128xf32, #tpu.memory_space<hbm>>) dst(%arg9 : memref<125x128xf32, #tpu.memory_space<vmem>>)
      %dma_start3A_259 = arith.constant 10 : i32
      %dma_start3A_260 = arith.constant 0 : i32
      %dma_start3A_261 = tpu.memref_slice %arg8[%rem3A_90, %dma_start3A_259, %dma_start3A_260] : memref<2x16x125xi32, #tpu.memory_space<vmem>> -> memref<1x1x125xi32, #tpu.memory_space<vmem>>
      %dma_start3A_262 = tpu.memref_squeeze %dma_start3A_261 : memref<1x1x125xi32, #tpu.memory_space<vmem>> -> memref<125xi32, #tpu.memory_space<vmem>>
      %dma_start3A_263 = arith.constant 0 : i32
      %dma_start3A_264 = arith.constant 0 : i32
      %dma_start3A_265 = tpu.memref_slice %arg11[%dma_start3A_263, %dma_start3A_264] : memref<10240x128xf32, #tpu.memory_space<vmem_shared>> -> memref<10240x128xf32, #tpu.memory_space<vmem_shared>>
      tpu.enqueue_indirect_dma source(%arg9 : memref<125x128xf32, #tpu.memory_space<vmem>>) target(%dma_start3A_265 : memref<10240x128xf32, #tpu.memory_space<vmem_shared>>) offsets(%dma_start3A_262 : memref<125xi32, #tpu.memory_space<vmem>>) semaphore(%arg14 : memref<!tpu.dma_semaphore, #tpu.memory_space<semaphore_mem>>) {add = true}
      tpu.wait_dma2 semaphore(%arg13 : memref<!tpu.dma_semaphore, #tpu.memory_space<semaphore_mem>>) src(%arg5 : memref<125x128xf32, #tpu.memory_space<hbm>>) dst(%arg10 : memref<125x128xf32, #tpu.memory_space<vmem>>)
      %dma_start3A_266 = arith.constant 11 : i32
      %dma_start3A_267 = arith.constant 0 : i32
      %dma_start3A_268 = tpu.memref_slice %arg8[%rem3A_90, %dma_start3A_266, %dma_start3A_267] : memref<2x16x125xi32, #tpu.memory_space<vmem>> -> memref<1x1x125xi32, #tpu.memory_space<vmem>>
      %dma_start3A_269 = tpu.memref_squeeze %dma_start3A_268 : memref<1x1x125xi32, #tpu.memory_space<vmem>> -> memref<125xi32, #tpu.memory_space<vmem>>
      %dma_start3A_270 = arith.constant 0 : i32
      %dma_start3A_271 = arith.constant 0 : i32
      %dma_start3A_272 = tpu.memref_slice %arg11[%dma_start3A_270, %dma_start3A_271] : memref<10240x128xf32, #tpu.memory_space<vmem_shared>> -> memref<10240x128xf32, #tpu.memory_space<vmem_shared>>
      tpu.enqueue_indirect_dma source(%arg10 : memref<125x128xf32, #tpu.memory_space<vmem>>) target(%dma_start3A_272 : memref<10240x128xf32, #tpu.memory_space<vmem_shared>>) offsets(%dma_start3A_269 : memref<125xi32, #tpu.memory_space<vmem>>) semaphore(%arg15 : memref<!tpu.dma_semaphore, #tpu.memory_space<semaphore_mem>>) {add = true}
      tpu.wait_dma2 semaphore(%arg14 : memref<!tpu.dma_semaphore, #tpu.memory_space<semaphore_mem>>) src(%arg5 : memref<125x128xf32, #tpu.memory_space<hbm>>) dst(%arg9 : memref<125x128xf32, #tpu.memory_space<vmem>>)
      %dma_start3A_273 = arith.constant 12 : i32
      %dma_start3A_274 = arith.constant 0 : i32
      %dma_start3A_275 = tpu.memref_slice %arg7[%rem3A_90, %dma_start3A_273, %dma_start3A_274] : memref<2x16x125xi32, #tpu.memory_space<vmem>> -> memref<1x1x125xi32, #tpu.memory_space<vmem>>
      %dma_start3A_276 = tpu.memref_squeeze %dma_start3A_275 : memref<1x1x125xi32, #tpu.memory_space<vmem>> -> memref<125xi32, #tpu.memory_space<vmem>>
      %dma_start3A_277 = arith.constant 0 : i32
      %dma_start3A_278 = arith.constant 0 : i32
      %dma_start3A_279 = tpu.memref_slice %arg2[%dma_start3A_277, %dma_start3A_278] : memref<10000x128xf32, #tpu.memory_space<hbm>> -> memref<10000x128xf32, #tpu.memory_space<hbm>>
      tpu.enqueue_indirect_dma source(%dma_start3A_279 : memref<10000x128xf32, #tpu.memory_space<hbm>>) target(%arg9 : memref<125x128xf32, #tpu.memory_space<vmem>>) offsets(%dma_start3A_276 : memref<125xi32, #tpu.memory_space<vmem>>) semaphore(%arg12 : memref<!tpu.dma_semaphore, #tpu.memory_space<semaphore_mem>>)
      tpu.wait_dma2 semaphore(%arg15 : memref<!tpu.dma_semaphore, #tpu.memory_space<semaphore_mem>>) src(%arg5 : memref<125x128xf32, #tpu.memory_space<hbm>>) dst(%arg10 : memref<125x128xf32, #tpu.memory_space<vmem>>)
      %dma_start3A_280 = arith.constant 13 : i32
      %dma_start3A_281 = arith.constant 0 : i32
      %dma_start3A_282 = tpu.memref_slice %arg7[%rem3A_90, %dma_start3A_280, %dma_start3A_281] : memref<2x16x125xi32, #tpu.memory_space<vmem>> -> memref<1x1x125xi32, #tpu.memory_space<vmem>>
      %dma_start3A_283 = tpu.memref_squeeze %dma_start3A_282 : memref<1x1x125xi32, #tpu.memory_space<vmem>> -> memref<125xi32, #tpu.memory_space<vmem>>
      %dma_start3A_284 = arith.constant 0 : i32
      %dma_start3A_285 = arith.constant 0 : i32
      %dma_start3A_286 = tpu.memref_slice %arg2[%dma_start3A_284, %dma_start3A_285] : memref<10000x128xf32, #tpu.memory_space<hbm>> -> memref<10000x128xf32, #tpu.memory_space<hbm>>
      tpu.enqueue_indirect_dma source(%dma_start3A_286 : memref<10000x128xf32, #tpu.memory_space<hbm>>) target(%arg10 : memref<125x128xf32, #tpu.memory_space<vmem>>) offsets(%dma_start3A_283 : memref<125xi32, #tpu.memory_space<vmem>>) semaphore(%arg13 : memref<!tpu.dma_semaphore, #tpu.memory_space<semaphore_mem>>)
      tpu.wait_dma2 semaphore(%arg12 : memref<!tpu.dma_semaphore, #tpu.memory_space<semaphore_mem>>) src(%arg5 : memref<125x128xf32, #tpu.memory_space<hbm>>) dst(%arg9 : memref<125x128xf32, #tpu.memory_space<vmem>>)
      %dma_start3A_287 = arith.constant 12 : i32
      %dma_start3A_288 = arith.constant 0 : i32
      %dma_start3A_289 = tpu.memref_slice %arg8[%rem3A_90, %dma_start3A_287, %dma_start3A_288] : memref<2x16x125xi32, #tpu.memory_space<vmem>> -> memref<1x1x125xi32, #tpu.memory_space<vmem>>
      %dma_start3A_290 = tpu.memref_squeeze %dma_start3A_289 : memref<1x1x125xi32, #tpu.memory_space<vmem>> -> memref<125xi32, #tpu.memory_space<vmem>>
      %dma_start3A_291 = arith.constant 0 : i32
      %dma_start3A_292 = arith.constant 0 : i32
      %dma_start3A_293 = tpu.memref_slice %arg11[%dma_start3A_291, %dma_start3A_292] : memref<10240x128xf32, #tpu.memory_space<vmem_shared>> -> memref<10240x128xf32, #tpu.memory_space<vmem_shared>>
      tpu.enqueue_indirect_dma source(%arg9 : memref<125x128xf32, #tpu.memory_space<vmem>>) target(%dma_start3A_293 : memref<10240x128xf32, #tpu.memory_space<vmem_shared>>) offsets(%dma_start3A_290 : memref<125xi32, #tpu.memory_space<vmem>>) semaphore(%arg14 : memref<!tpu.dma_semaphore, #tpu.memory_space<semaphore_mem>>) {add = true}
      tpu.wait_dma2 semaphore(%arg13 : memref<!tpu.dma_semaphore, #tpu.memory_space<semaphore_mem>>) src(%arg5 : memref<125x128xf32, #tpu.memory_space<hbm>>) dst(%arg10 : memref<125x128xf32, #tpu.memory_space<vmem>>)
      %dma_start3A_294 = arith.constant 13 : i32
      %dma_start3A_295 = arith.constant 0 : i32
      %dma_start3A_296 = tpu.memref_slice %arg8[%rem3A_90, %dma_start3A_294, %dma_start3A_295] : memref<2x16x125xi32, #tpu.memory_space<vmem>> -> memref<1x1x125xi32, #tpu.memory_space<vmem>>
      %dma_start3A_297 = tpu.memref_squeeze %dma_start3A_296 : memref<1x1x125xi32, #tpu.memory_space<vmem>> -> memref<125xi32, #tpu.memory_space<vmem>>
      %dma_start3A_298 = arith.constant 0 : i32
      %dma_start3A_299 = arith.constant 0 : i32
      %dma_start3A_300 = tpu.memref_slice %arg11[%dma_start3A_298, %dma_start3A_299] : memref<10240x128xf32, #tpu.memory_space<vmem_shared>> -> memref<10240x128xf32, #tpu.memory_space<vmem_shared>>
      tpu.enqueue_indirect_dma source(%arg10 : memref<125x128xf32, #tpu.memory_space<vmem>>) target(%dma_start3A_300 : memref<10240x128xf32, #tpu.memory_space<vmem_shared>>) offsets(%dma_start3A_297 : memref<125xi32, #tpu.memory_space<vmem>>) semaphore(%arg15 : memref<!tpu.dma_semaphore, #tpu.memory_space<semaphore_mem>>) {add = true}
      tpu.wait_dma2 semaphore(%arg14 : memref<!tpu.dma_semaphore, #tpu.memory_space<semaphore_mem>>) src(%arg5 : memref<125x128xf32, #tpu.memory_space<hbm>>) dst(%arg9 : memref<125x128xf32, #tpu.memory_space<vmem>>)
      %dma_start3A_301 = arith.constant 14 : i32
      %dma_start3A_302 = arith.constant 0 : i32
      %dma_start3A_303 = tpu.memref_slice %arg7[%rem3A_90, %dma_start3A_301, %dma_start3A_302] : memref<2x16x125xi32, #tpu.memory_space<vmem>> -> memref<1x1x125xi32, #tpu.memory_space<vmem>>
      %dma_start3A_304 = tpu.memref_squeeze %dma_start3A_303 : memref<1x1x125xi32, #tpu.memory_space<vmem>> -> memref<125xi32, #tpu.memory_space<vmem>>
      %dma_start3A_305 = arith.constant 0 : i32
      %dma_start3A_306 = arith.constant 0 : i32
      %dma_start3A_307 = tpu.memref_slice %arg2[%dma_start3A_305, %dma_start3A_306] : memref<10000x128xf32, #tpu.memory_space<hbm>> -> memref<10000x128xf32, #tpu.memory_space<hbm>>
      tpu.enqueue_indirect_dma source(%dma_start3A_307 : memref<10000x128xf32, #tpu.memory_space<hbm>>) target(%arg9 : memref<125x128xf32, #tpu.memory_space<vmem>>) offsets(%dma_start3A_304 : memref<125xi32, #tpu.memory_space<vmem>>) semaphore(%arg12 : memref<!tpu.dma_semaphore, #tpu.memory_space<semaphore_mem>>)
      tpu.wait_dma2 semaphore(%arg15 : memref<!tpu.dma_semaphore, #tpu.memory_space<semaphore_mem>>) src(%arg5 : memref<125x128xf32, #tpu.memory_space<hbm>>) dst(%arg10 : memref<125x128xf32, #tpu.memory_space<vmem>>)
      %dma_start3A_308 = arith.constant 15 : i32
      %dma_start3A_309 = arith.constant 0 : i32
      %dma_start3A_310 = tpu.memref_slice %arg7[%rem3A_90, %dma_start3A_308, %dma_start3A_309] : memref<2x16x125xi32, #tpu.memory_space<vmem>> -> memref<1x1x125xi32, #tpu.memory_space<vmem>>
      %dma_start3A_311 = tpu.memref_squeeze %dma_start3A_310 : memref<1x1x125xi32, #tpu.memory_space<vmem>> -> memref<125xi32, #tpu.memory_space<vmem>>
      %dma_start3A_312 = arith.constant 0 : i32
      %dma_start3A_313 = arith.constant 0 : i32
      %dma_start3A_314 = tpu.memref_slice %arg2[%dma_start3A_312, %dma_start3A_313] : memref<10000x128xf32, #tpu.memory_space<hbm>> -> memref<10000x128xf32, #tpu.memory_space<hbm>>
      tpu.enqueue_indirect_dma source(%dma_start3A_314 : memref<10000x128xf32, #tpu.memory_space<hbm>>) target(%arg10 : memref<125x128xf32, #tpu.memory_space<vmem>>) offsets(%dma_start3A_311 : memref<125xi32, #tpu.memory_space<vmem>>) semaphore(%arg13 : memref<!tpu.dma_semaphore, #tpu.memory_space<semaphore_mem>>)
      tpu.wait_dma2 semaphore(%arg12 : memref<!tpu.dma_semaphore, #tpu.memory_space<semaphore_mem>>) src(%arg5 : memref<125x128xf32, #tpu.memory_space<hbm>>) dst(%arg9 : memref<125x128xf32, #tpu.memory_space<vmem>>)
      %dma_start3A_315 = arith.constant 14 : i32
      %dma_start3A_316 = arith.constant 0 : i32
      %dma_start3A_317 = tpu.memref_slice %arg8[%rem3A_90, %dma_start3A_315, %dma_start3A_316] : memref<2x16x125xi32, #tpu.memory_space<vmem>> -> memref<1x1x125xi32, #tpu.memory_space<vmem>>
      %dma_start3A_318 = tpu.memref_squeeze %dma_start3A_317 : memref<1x1x125xi32, #tpu.memory_space<vmem>> -> memref<125xi32, #tpu.memory_space<vmem>>
      %dma_start3A_319 = arith.constant 0 : i32
      %dma_start3A_320 = arith.constant 0 : i32
      %dma_start3A_321 = tpu.memref_slice %arg11[%dma_start3A_319, %dma_start3A_320] : memref<10240x128xf32, #tpu.memory_space<vmem_shared>> -> memref<10240x128xf32, #tpu.memory_space<vmem_shared>>
      tpu.enqueue_indirect_dma source(%arg9 : memref<125x128xf32, #tpu.memory_space<vmem>>) target(%dma_start3A_321 : memref<10240x128xf32, #tpu.memory_space<vmem_shared>>) offsets(%dma_start3A_318 : memref<125xi32, #tpu.memory_space<vmem>>) semaphore(%arg14 : memref<!tpu.dma_semaphore, #tpu.memory_space<semaphore_mem>>) {add = true}
      tpu.wait_dma2 semaphore(%arg13 : memref<!tpu.dma_semaphore, #tpu.memory_space<semaphore_mem>>) src(%arg5 : memref<125x128xf32, #tpu.memory_space<hbm>>) dst(%arg10 : memref<125x128xf32, #tpu.memory_space<vmem>>)
      %dma_start3A_322 = arith.constant 15 : i32
      %dma_start3A_323 = arith.constant 0 : i32
      %dma_start3A_324 = tpu.memref_slice %arg8[%rem3A_90, %dma_start3A_322, %dma_start3A_323] : memref<2x16x125xi32, #tpu.memory_space<vmem>> -> memref<1x1x125xi32, #tpu.memory_space<vmem>>
      %dma_start3A_325 = tpu.memref_squeeze %dma_start3A_324 : memref<1x1x125xi32, #tpu.memory_space<vmem>> -> memref<125xi32, #tpu.memory_space<vmem>>
      %dma_start3A_326 = arith.constant 0 : i32
      %dma_start3A_327 = arith.constant 0 : i32
      %dma_start3A_328 = tpu.memref_slice %arg11[%dma_start3A_326, %dma_start3A_327] : memref<10240x128xf32, #tpu.memory_space<vmem_shared>> -> memref<10240x128xf32, #tpu.memory_space<vmem_shared>>
      tpu.enqueue_indirect_dma source(%arg10 : memref<125x128xf32, #tpu.memory_space<vmem>>) target(%dma_start3A_328 : memref<10240x128xf32, #tpu.memory_space<vmem_shared>>) offsets(%dma_start3A_325 : memref<125xi32, #tpu.memory_space<vmem>>) semaphore(%arg15 : memref<!tpu.dma_semaphore, #tpu.memory_space<semaphore_mem>>) {add = true}
      %add3A_329 = arith.constant 1 : i32
      %add3A_330 = arith.addi %scan3A_89, %add3A_329 : i32
      %lt3A_331 = arith.constant 5 : i32
      %lt3A_332 = arith.cmpi slt, %add3A_330, %lt3A_331 : i32
      %convert_element_type3A_333 = arith.extui %lt3A_332 : i1 to i32
      %cond3A_334 = arith.constant 0 : i32
      %cond3A_335 = arith.cmpi ne, %convert_element_type3A_333, %cond3A_334 : i32
      scf.if %cond3A_335 {
        %dma_wait3A_336 = arith.constant 0 : i32
        %dma_wait3A_337 = arith.constant 0 : i32
        %dma_wait3A_338 = tpu.memref_slice %arg7[%sub3A_91, %dma_wait3A_336, %dma_wait3A_337] : memref<2x16x125xi32, #tpu.memory_space<vmem>> -> memref<1x16x125xi32, #tpu.memory_space<vmem>>
        %dma_wait3A_339 = tpu.memref_squeeze %dma_wait3A_338 : memref<1x16x125xi32, #tpu.memory_space<vmem>> -> memref<16x125xi32, #tpu.memory_space<vmem>>
        %dma_wait3A_340 = arith.constant 0 : i32
        %dma_wait3A_341 = arith.constant 0 : i32
        %dma_wait3A_342 = tpu.memref_slice %arg3[%add3A, %dma_wait3A_340, %dma_wait3A_341] : memref<32x80x125xi32, #tpu.memory_space<hbm>> -> memref<1x16x125xi32, #tpu.memory_space<hbm>>
        %dma_wait3A_343 = tpu.memref_squeeze %dma_wait3A_342 : memref<1x16x125xi32, #tpu.memory_space<hbm>> -> memref<16x125xi32, #tpu.memory_space<hbm>>
        %dma_wait3A_344 = arith.constant 0 : i32
        %dma_wait3A_345 = arith.constant 0 : i32
        %dma_wait3A_346 = tpu.memref_slice %arg7[%sub3A_91, %dma_wait3A_344, %dma_wait3A_345] : memref<2x16x125xi32, #tpu.memory_space<vmem>> -> memref<1x16x125xi32, #tpu.memory_space<vmem>>
        %dma_wait3A_347 = tpu.memref_squeeze %dma_wait3A_346 : memref<1x16x125xi32, #tpu.memory_space<vmem>> -> memref<16x125xi32, #tpu.memory_space<vmem>>
        %dma_wait3A_348 = arith.constant 0 : i32
        %dma_wait3A_349 = arith.constant 0 : i32
        %dma_wait3A_350 = tpu.memref_slice %arg3[%add3A, %dma_wait3A_348, %dma_wait3A_349] : memref<32x80x125xi32, #tpu.memory_space<hbm>> -> memref<1x16x125xi32, #tpu.memory_space<hbm>>
        %dma_wait3A_351 = tpu.memref_squeeze %dma_wait3A_350 : memref<1x16x125xi32, #tpu.memory_space<hbm>> -> memref<16x125xi32, #tpu.memory_space<hbm>>
        tpu.wait_dma2 semaphore(%arg16 : memref<!tpu.dma_semaphore, #tpu.memory_space<semaphore_mem>>) src(%dma_wait3A_351 : memref<16x125xi32, #tpu.memory_space<hbm>>) dst(%dma_wait3A_347 : memref<16x125xi32, #tpu.memory_space<vmem>>)
        %dma_wait3A_352 = arith.constant 0 : i32
        %dma_wait3A_353 = arith.constant 0 : i32
        %dma_wait3A_354 = tpu.memref_slice %arg8[%sub3A_91, %dma_wait3A_352, %dma_wait3A_353] : memref<2x16x125xi32, #tpu.memory_space<vmem>> -> memref<1x16x125xi32, #tpu.memory_space<vmem>>
        %dma_wait3A_355 = tpu.memref_squeeze %dma_wait3A_354 : memref<1x16x125xi32, #tpu.memory_space<vmem>> -> memref<16x125xi32, #tpu.memory_space<vmem>>
        %dma_wait3A_356 = arith.constant 0 : i32
        %dma_wait3A_357 = arith.constant 0 : i32
        %dma_wait3A_358 = tpu.memref_slice %arg4[%add3A, %dma_wait3A_356, %dma_wait3A_357] : memref<32x80x125xi32, #tpu.memory_space<hbm>> -> memref<1x16x125xi32, #tpu.memory_space<hbm>>
        %dma_wait3A_359 = tpu.memref_squeeze %dma_wait3A_358 : memref<1x16x125xi32, #tpu.memory_space<hbm>> -> memref<16x125xi32, #tpu.memory_space<hbm>>
        %dma_wait3A_360 = arith.constant 0 : i32
        %dma_wait3A_361 = arith.constant 0 : i32
        %dma_wait3A_362 = tpu.memref_slice %arg8[%sub3A_91, %dma_wait3A_360, %dma_wait3A_361] : memref<2x16x125xi32, #tpu.memory_space<vmem>> -> memref<1x16x125xi32, #tpu.memory_space<vmem>>
        %dma_wait3A_363 = tpu.memref_squeeze %dma_wait3A_362 : memref<1x16x125xi32, #tpu.memory_space<vmem>> -> memref<16x125xi32, #tpu.memory_space<vmem>>
        %dma_wait3A_364 = arith.constant 0 : i32
        %dma_wait3A_365 = arith.constant 0 : i32
        %dma_wait3A_366 = tpu.memref_slice %arg4[%add3A, %dma_wait3A_364, %dma_wait3A_365] : memref<32x80x125xi32, #tpu.memory_space<hbm>> -> memref<1x16x125xi32, #tpu.memory_space<hbm>>
        %dma_wait3A_367 = tpu.memref_squeeze %dma_wait3A_366 : memref<1x16x125xi32, #tpu.memory_space<hbm>> -> memref<16x125xi32, #tpu.memory_space<hbm>>
        tpu.wait_dma2 semaphore(%arg16 : memref<!tpu.dma_semaphore, #tpu.memory_space<semaphore_mem>>) src(%dma_wait3A_367 : memref<16x125xi32, #tpu.memory_space<hbm>>) dst(%dma_wait3A_363 : memref<16x125xi32, #tpu.memory_space<vmem>>)
      } else {
      }
    }
    %scan3A_83 = arith.constant 5 : i32
    tpu.wait_dma2 semaphore(%arg14 : memref<!tpu.dma_semaphore, #tpu.memory_space<semaphore_mem>>) src(%arg5 : memref<125x128xf32, #tpu.memory_space<hbm>>) dst(%arg9 : memref<125x128xf32, #tpu.memory_space<vmem>>)
    tpu.wait_dma2 semaphore(%arg15 : memref<!tpu.dma_semaphore, #tpu.memory_space<semaphore_mem>>) src(%arg5 : memref<125x128xf32, #tpu.memory_space<hbm>>) dst(%arg10 : memref<125x128xf32, #tpu.memory_space<vmem>>)
    %barrier3A_84 = arith.constant 0 : index
    tpu.barrier barrier_id(%barrier3A_84)
    %mul3A_85 = arith.constant 640 : i32
    %mul3A_86 = arith.muli %arg1, %mul3A_85 : i32
    %mul3A_87 = arith.constant 640 : i32
    %mul3A_88 = arith.muli %arg1, %mul3A_87 : i32
    "tpu.region"() ({
      %run_scoped3A = tpu.sem_alloc : memref<!tpu.dma_semaphore, #tpu.memory_space<semaphore_mem>>
      %dma_start3A_89 = arith.constant 0 : i32
      %dma_start3A_90 = tpu.memref_slice %arg6[%arg0, %mul3A_88, %dma_start3A_89] : memref<2x10240x128xf32, #tpu.memory_space<hbm>> -> memref<1x640x128xf32, #tpu.memory_space<hbm>>
      %dma_start3A_91 = tpu.memref_squeeze %dma_start3A_90 : memref<1x640x128xf32, #tpu.memory_space<hbm>> -> memref<640x128xf32, #tpu.memory_space<hbm>>
      %dma_start3A_92 = arith.constant 0 : i32
      %dma_start3A_93 = tpu.memref_slice %arg11[%mul3A_86, %dma_start3A_92] : memref<10240x128xf32, #tpu.memory_space<vmem_shared>> -> memref<640x128xf32, #tpu.memory_space<vmem_shared>>
      tpu.enqueue_dma source(%dma_start3A_93 : memref<640x128xf32, #tpu.memory_space<vmem_shared>>) target(%dma_start3A_91 : memref<640x128xf32, #tpu.memory_space<hbm>>) target_semaphore(%run_scoped3A : memref<!tpu.dma_semaphore, #tpu.memory_space<semaphore_mem>>)
      %dma_wait3A_94 = arith.constant 0 : i32
      %dma_wait3A_95 = tpu.memref_slice %arg6[%arg0, %mul3A_88, %dma_wait3A_94] : memref<2x10240x128xf32, #tpu.memory_space<hbm>> -> memref<1x640x128xf32, #tpu.memory_space<hbm>>
      %dma_wait3A_96 = tpu.memref_squeeze %dma_wait3A_95 : memref<1x640x128xf32, #tpu.memory_space<hbm>> -> memref<640x128xf32, #tpu.memory_space<hbm>>
      %dma_wait3A_97 = arith.constant 0 : i32
      %dma_wait3A_98 = tpu.memref_slice %arg11[%mul3A_86, %dma_wait3A_97] : memref<10240x128xf32, #tpu.memory_space<vmem_shared>> -> memref<640x128xf32, #tpu.memory_space<vmem_shared>>
      tpu.wait_dma2 semaphore(%run_scoped3A : memref<!tpu.dma_semaphore, #tpu.memory_space<semaphore_mem>>) src(%dma_wait3A_98 : memref<640x128xf32, #tpu.memory_space<vmem_shared>>) dst(%dma_wait3A_96 : memref<640x128xf32, #tpu.memory_space<hbm>>)
      tpu.yield
    }) : () -> ()
    return
  }
}

#map = affine_map<(d0, d1) -> (0, 0, 0)>
#map1 = affine_map<(d0, d1) -> (0, 0)>
module attributes {stable_mosaic.version = 14 : i64} {
  func.func @_sc_degree(%arg0: i32, %arg1: i32, %arg2: memref<32x80x125xi32, #tpu.memory_space<hbm>>, %arg3: memref<125x128xf32, #tpu.memory_space<hbm>>, %arg4: memref<2x10240x128xf32, #tpu.memory_space<hbm>>, %arg5: memref<80x125xi32, #tpu.memory_space<vmem>>, %arg6: memref<125x128xf32, #tpu.memory_space<vmem>>, %arg7: memref<10240x128xf32, #tpu.memory_space<vmem_shared>>, %arg8: memref<!tpu.dma_semaphore, #tpu.memory_space<semaphore_mem>>) attributes {dimension_semantics = [#tpu.dimension_semantics<core_parallel>, #tpu.dimension_semantics<subcore_parallel>], iteration_bounds = array<i64: 2, 16>, scalar_prefetch = 0 : i64, scratch_operands = 4 : i64, tpu.core_type = #tpu.core_type<sc_vector_subcore>, window_params = [{transform_indices = #map}, {transform_indices = #map1}, {transform_indices = #map}]} {
    %mul3A = arith.constant 16 : i32
    %mul3A_0 = arith.muli %arg0, %mul3A : i32
    %add3A = arith.addi %mul3A_0, %arg1 : i32
    %dma_start3A = arith.constant 0 : i32
    %dma_start3A_1 = arith.constant 0 : i32
    %dma_start3A_2 = tpu.memref_slice %arg2[%add3A, %dma_start3A, %dma_start3A_1] : memref<32x80x125xi32, #tpu.memory_space<hbm>> -> memref<1x80x125xi32, #tpu.memory_space<hbm>>
    %dma_start3A_3 = tpu.memref_squeeze %dma_start3A_2 : memref<1x80x125xi32, #tpu.memory_space<hbm>> -> memref<80x125xi32, #tpu.memory_space<hbm>>
    %dma_start3A_4 = arith.constant 0 : i32
    %dma_start3A_5 = arith.constant 0 : i32
    %dma_start3A_6 = tpu.memref_slice %arg2[%add3A, %dma_start3A_4, %dma_start3A_5] : memref<32x80x125xi32, #tpu.memory_space<hbm>> -> memref<1x80x125xi32, #tpu.memory_space<hbm>>
    %dma_start3A_7 = tpu.memref_squeeze %dma_start3A_6 : memref<1x80x125xi32, #tpu.memory_space<hbm>> -> memref<80x125xi32, #tpu.memory_space<hbm>>
    tpu.enqueue_dma source(%dma_start3A_7 : memref<80x125xi32, #tpu.memory_space<hbm>>) target(%arg5 : memref<80x125xi32, #tpu.memory_space<vmem>>) target_semaphore(%arg8 : memref<!tpu.dma_semaphore, #tpu.memory_space<semaphore_mem>>)
    %scan3A = arith.constant 0 : i32
    %scan3A_8 = arith.constant 0 : i32
    %scan3A_9 = arith.constant 80 : i32
    %scan3A_10 = arith.addi %scan3A_8, %scan3A_9 : i32
    %scan3A_11 = arith.constant 1 : i32
    scf.for %scan3A_49 = %scan3A_8 to %scan3A_10 step %scan3A_11  : i32 {
      %broadcast_in_dim3A = arith.constant 0.000000e+00 : f32
      %broadcast_in_dim3A_50 = vector.broadcast %broadcast_in_dim3A : f32 to vector<16xf32>
      %swap3A = arith.index_cast %scan3A_49 : i32 to index
      %swap3A_51 = arith.constant 0 : index
      %swap3A_52 = tpu.vector_load %arg6[%swap3A, %swap3A_51] {strides = array<i32>} : memref<125x128xf32, #tpu.memory_space<vmem>>, vector<1x16xf32>,
      %swap3A_53 = vector.shape_cast %swap3A_52 : vector<1x16xf32> to vector<16xf32>
      %swap3A_54 = vector.shape_cast %broadcast_in_dim3A_50 : vector<16xf32> to vector<1x16xf32>
      tpu.vector_store %arg6[%swap3A, %swap3A_51], %swap3A_54 {strides = array<i32>} : memref<125x128xf32, #tpu.memory_space<vmem>>, vector<1x16xf32>,
      %broadcast_in_dim3A_55 = arith.constant 0.000000e+00 : f32
      %broadcast_in_dim3A_56 = vector.broadcast %broadcast_in_dim3A_55 : f32 to vector<16xf32>
      %swap3A_57 = arith.index_cast %scan3A_49 : i32 to index
      %swap3A_58 = arith.constant 16 : index
      %swap3A_59 = tpu.vector_load %arg6[%swap3A_57, %swap3A_58] {strides = array<i32>} : memref<125x128xf32, #tpu.memory_space<vmem>>, vector<1x16xf32>,
      %swap3A_60 = vector.shape_cast %swap3A_59 : vector<1x16xf32> to vector<16xf32>
      %swap3A_61 = vector.shape_cast %broadcast_in_dim3A_56 : vector<16xf32> to vector<1x16xf32>
      tpu.vector_store %arg6[%swap3A_57, %swap3A_58], %swap3A_61 {strides = array<i32>} : memref<125x128xf32, #tpu.memory_space<vmem>>, vector<1x16xf32>,
      %broadcast_in_dim3A_62 = arith.constant 0.000000e+00 : f32
      %broadcast_in_dim3A_63 = vector.broadcast %broadcast_in_dim3A_62 : f32 to vector<16xf32>
      %swap3A_64 = arith.index_cast %scan3A_49 : i32 to index
      %swap3A_65 = arith.constant 32 : index
      %swap3A_66 = tpu.vector_load %arg6[%swap3A_64, %swap3A_65] {strides = array<i32>} : memref<125x128xf32, #tpu.memory_space<vmem>>, vector<1x16xf32>,
      %swap3A_67 = vector.shape_cast %swap3A_66 : vector<1x16xf32> to vector<16xf32>
      %swap3A_68 = vector.shape_cast %broadcast_in_dim3A_63 : vector<16xf32> to vector<1x16xf32>
      tpu.vector_store %arg6[%swap3A_64, %swap3A_65], %swap3A_68 {strides = array<i32>} : memref<125x128xf32, #tpu.memory_space<vmem>>, vector<1x16xf32>,
      %broadcast_in_dim3A_69 = arith.constant 0.000000e+00 : f32
      %broadcast_in_dim3A_70 = vector.broadcast %broadcast_in_dim3A_69 : f32 to vector<16xf32>
      %swap3A_71 = arith.index_cast %scan3A_49 : i32 to index
      %swap3A_72 = arith.constant 48 : index
      %swap3A_73 = tpu.vector_load %arg6[%swap3A_71, %swap3A_72] {strides = array<i32>} : memref<125x128xf32, #tpu.memory_space<vmem>>, vector<1x16xf32>,
      %swap3A_74 = vector.shape_cast %swap3A_73 : vector<1x16xf32> to vector<16xf32>
      %swap3A_75 = vector.shape_cast %broadcast_in_dim3A_70 : vector<16xf32> to vector<1x16xf32>
      tpu.vector_store %arg6[%swap3A_71, %swap3A_72], %swap3A_75 {strides = array<i32>} : memref<125x128xf32, #tpu.memory_space<vmem>>, vector<1x16xf32>,
      %broadcast_in_dim3A_76 = arith.constant 0.000000e+00 : f32
      %broadcast_in_dim3A_77 = vector.broadcast %broadcast_in_dim3A_76 : f32 to vector<16xf32>
      %swap3A_78 = arith.index_cast %scan3A_49 : i32 to index
      %swap3A_79 = arith.constant 64 : index
      %swap3A_80 = tpu.vector_load %arg6[%swap3A_78, %swap3A_79] {strides = array<i32>} : memref<125x128xf32, #tpu.memory_space<vmem>>, vector<1x16xf32>,
      %swap3A_81 = vector.shape_cast %swap3A_80 : vector<1x16xf32> to vector<16xf32>
      %swap3A_82 = vector.shape_cast %broadcast_in_dim3A_77 : vector<16xf32> to vector<1x16xf32>
      tpu.vector_store %arg6[%swap3A_78, %swap3A_79], %swap3A_82 {strides = array<i32>} : memref<125x128xf32, #tpu.memory_space<vmem>>, vector<1x16xf32>,
      %broadcast_in_dim3A_83 = arith.constant 0.000000e+00 : f32
      %broadcast_in_dim3A_84 = vector.broadcast %broadcast_in_dim3A_83 : f32 to vector<16xf32>
      %swap3A_85 = arith.index_cast %scan3A_49 : i32 to index
      %swap3A_86 = arith.constant 80 : index
      %swap3A_87 = tpu.vector_load %arg6[%swap3A_85, %swap3A_86] {strides = array<i32>} : memref<125x128xf32, #tpu.memory_space<vmem>>, vector<1x16xf32>,
      %swap3A_88 = vector.shape_cast %swap3A_87 : vector<1x16xf32> to vector<16xf32>
      %swap3A_89 = vector.shape_cast %broadcast_in_dim3A_84 : vector<16xf32> to vector<1x16xf32>
      tpu.vector_store %arg6[%swap3A_85, %swap3A_86], %swap3A_89 {strides = array<i32>} : memref<125x128xf32, #tpu.memory_space<vmem>>, vector<1x16xf32>,
      %broadcast_in_dim3A_90 = arith.constant 0.000000e+00 : f32
      %broadcast_in_dim3A_91 = vector.broadcast %broadcast_in_dim3A_90 : f32 to vector<16xf32>
      %swap3A_92 = arith.index_cast %scan3A_49 : i32 to index
      %swap3A_93 = arith.constant 96 : index
      %swap3A_94 = tpu.vector_load %arg6[%swap3A_92, %swap3A_93] {strides = array<i32>} : memref<125x128xf32, #tpu.memory_space<vmem>>, vector<1x16xf32>,
      %swap3A_95 = vector.shape_cast %swap3A_94 : vector<1x16xf32> to vector<16xf32>
      %swap3A_96 = vector.shape_cast %broadcast_in_dim3A_91 : vector<16xf32> to vector<1x16xf32>
      tpu.vector_store %arg6[%swap3A_92, %swap3A_93], %swap3A_96 {strides = array<i32>} : memref<125x128xf32, #tpu.memory_space<vmem>>, vector<1x16xf32>,
      %broadcast_in_dim3A_97 = arith.constant 0.000000e+00 : f32
      %broadcast_in_dim3A_98 = vector.broadcast %broadcast_in_dim3A_97 : f32 to vector<16xf32>
      %swap3A_99 = arith.index_cast %scan3A_49 : i32 to index
      %swap3A_100 = arith.constant 112 : index
      %swap3A_101 = tpu.vector_load %arg6[%swap3A_99, %swap3A_100] {strides = array<i32>} : memref<125x128xf32, #tpu.memory_space<vmem>>, vector<1x16xf32>,
      %swap3A_102 = vector.shape_cast %swap3A_101 : vector<1x16xf32> to vector<16xf32>
      %swap3A_103 = vector.shape_cast %broadcast_in_dim3A_98 : vector<16xf32> to vector<1x16xf32>
      tpu.vector_store %arg6[%swap3A_99, %swap3A_100], %swap3A_103 {strides = array<i32>} : memref<125x128xf32, #tpu.memory_space<vmem>>, vector<1x16xf32>,
    }
    %scan3A_12 = arith.constant 80 : i32
    %scan3A_13 = arith.constant 0 : i32
    %scan3A_14 = arith.constant 0 : i32
    %scan3A_15 = arith.constant 8 : i32
    %scan3A_16 = arith.addi %scan3A_14, %scan3A_15 : i32
    %scan3A_17 = arith.constant 1 : i32
    scf.for %scan3A_49 = %scan3A_14 to %scan3A_16 step %scan3A_17  : i32 {
      %mul3A_50 = arith.constant 640 : i32
      %mul3A_51 = arith.muli %arg1, %mul3A_50 : i32
      %mul3A_52 = arith.constant 80 : i32
      %mul3A_53 = arith.muli %scan3A_49, %mul3A_52 : i32
      %add3A_54 = arith.addi %mul3A_51, %mul3A_53 : i32
      "tpu.region"() ({
        %run_scoped3A = tpu.sem_alloc : memref<!tpu.dma_semaphore, #tpu.memory_space<semaphore_mem>>
        %dma_start3A_55 = arith.constant 0 : i32
        %dma_start3A_56 = arith.constant 0 : i32
        %dma_start3A_57 = tpu.memref_slice %arg6[%dma_start3A_55, %dma_start3A_56] : memref<125x128xf32, #tpu.memory_space<vmem>> -> memref<80x128xf32, #tpu.memory_space<vmem>>
        %dma_start3A_58 = arith.constant 0 : i32
        %dma_start3A_59 = tpu.memref_slice %arg7[%add3A_54, %dma_start3A_58] : memref<10240x128xf32, #tpu.memory_space<vmem_shared>> -> memref<80x128xf32, #tpu.memory_space<vmem_shared>>
        %dma_start3A_60 = arith.constant 0 : i32
        %dma_start3A_61 = tpu.memref_slice %arg7[%add3A_54, %dma_start3A_60] : memref<10240x128xf32, #tpu.memory_space<vmem_shared>> -> memref<80x128xf32, #tpu.memory_space<vmem_shared>>
        %dma_start3A_62 = arith.constant 0 : i32
        %dma_start3A_63 = arith.constant 0 : i32
        %dma_start3A_64 = tpu.memref_slice %arg6[%dma_start3A_62, %dma_start3A_63] : memref<125x128xf32, #tpu.memory_space<vmem>> -> memref<80x128xf32, #tpu.memory_space<vmem>>
        tpu.enqueue_dma source(%dma_start3A_64 : memref<80x128xf32, #tpu.memory_space<vmem>>) target(%dma_start3A_61 : memref<80x128xf32, #tpu.memory_space<vmem_shared>>) target_semaphore(%run_scoped3A : memref<!tpu.dma_semaphore, #tpu.memory_space<semaphore_mem>>)
        %dma_wait3A_65 = arith.constant 0 : i32
        %dma_wait3A_66 = arith.constant 0 : i32
        %dma_wait3A_67 = tpu.memref_slice %arg6[%dma_wait3A_65, %dma_wait3A_66] : memref<125x128xf32, #tpu.memory_space<vmem>> -> memref<80x128xf32, #tpu.memory_space<vmem>>
        %dma_wait3A_68 = arith.constant 0 : i32
        %dma_wait3A_69 = tpu.memref_slice %arg7[%add3A_54, %dma_wait3A_68] : memref<10240x128xf32, #tpu.memory_space<vmem_shared>> -> memref<80x128xf32, #tpu.memory_space<vmem_shared>>
        %dma_wait3A_70 = arith.constant 0 : i32
        %dma_wait3A_71 = tpu.memref_slice %arg7[%add3A_54, %dma_wait3A_70] : memref<10240x128xf32, #tpu.memory_space<vmem_shared>> -> memref<80x128xf32, #tpu.memory_space<vmem_shared>>
        %dma_wait3A_72 = arith.constant 0 : i32
        %dma_wait3A_73 = arith.constant 0 : i32
        %dma_wait3A_74 = tpu.memref_slice %arg6[%dma_wait3A_72, %dma_wait3A_73] : memref<125x128xf32, #tpu.memory_space<vmem>> -> memref<80x128xf32, #tpu.memory_space<vmem>>
        tpu.wait_dma2 semaphore(%run_scoped3A : memref<!tpu.dma_semaphore, #tpu.memory_space<semaphore_mem>>) src(%dma_wait3A_74 : memref<80x128xf32, #tpu.memory_space<vmem>>) dst(%dma_wait3A_71 : memref<80x128xf32, #tpu.memory_space<vmem_shared>>)
        tpu.yield
      }) : () -> ()
    }
    %scan3A_18 = arith.constant 8 : i32
    %scan3A_19 = arith.constant 0 : i32
    %scan3A_20 = arith.constant 0 : i32
    %scan3A_21 = arith.constant 125 : i32
    %scan3A_22 = arith.addi %scan3A_20, %scan3A_21 : i32
    %scan3A_23 = arith.constant 1 : i32
    scf.for %scan3A_49 = %scan3A_20 to %scan3A_22 step %scan3A_23  : i32 {
      %broadcast_in_dim3A = arith.constant 1.000000e+00 : f32
      %broadcast_in_dim3A_50 = vector.broadcast %broadcast_in_dim3A : f32 to vector<16xf32>
      %swap3A = arith.index_cast %scan3A_49 : i32 to index
      %swap3A_51 = arith.constant 0 : index
      %swap3A_52 = tpu.vector_load %arg6[%swap3A, %swap3A_51] {strides = array<i32>} : memref<125x128xf32, #tpu.memory_space<vmem>>, vector<1x16xf32>,
      %swap3A_53 = vector.shape_cast %swap3A_52 : vector<1x16xf32> to vector<16xf32>
      %swap3A_54 = vector.shape_cast %broadcast_in_dim3A_50 : vector<16xf32> to vector<1x16xf32>
      tpu.vector_store %arg6[%swap3A, %swap3A_51], %swap3A_54 {strides = array<i32>} : memref<125x128xf32, #tpu.memory_space<vmem>>, vector<1x16xf32>,
      %broadcast_in_dim3A_55 = arith.constant 1.000000e+00 : f32
      %broadcast_in_dim3A_56 = vector.broadcast %broadcast_in_dim3A_55 : f32 to vector<16xf32>
      %swap3A_57 = arith.index_cast %scan3A_49 : i32 to index
      %swap3A_58 = arith.constant 16 : index
      %swap3A_59 = tpu.vector_load %arg6[%swap3A_57, %swap3A_58] {strides = array<i32>} : memref<125x128xf32, #tpu.memory_space<vmem>>, vector<1x16xf32>,
      %swap3A_60 = vector.shape_cast %swap3A_59 : vector<1x16xf32> to vector<16xf32>
      %swap3A_61 = vector.shape_cast %broadcast_in_dim3A_56 : vector<16xf32> to vector<1x16xf32>
      tpu.vector_store %arg6[%swap3A_57, %swap3A_58], %swap3A_61 {strides = array<i32>} : memref<125x128xf32, #tpu.memory_space<vmem>>, vector<1x16xf32>,
      %broadcast_in_dim3A_62 = arith.constant 1.000000e+00 : f32
      %broadcast_in_dim3A_63 = vector.broadcast %broadcast_in_dim3A_62 : f32 to vector<16xf32>
      %swap3A_64 = arith.index_cast %scan3A_49 : i32 to index
      %swap3A_65 = arith.constant 32 : index
      %swap3A_66 = tpu.vector_load %arg6[%swap3A_64, %swap3A_65] {strides = array<i32>} : memref<125x128xf32, #tpu.memory_space<vmem>>, vector<1x16xf32>,
      %swap3A_67 = vector.shape_cast %swap3A_66 : vector<1x16xf32> to vector<16xf32>
      %swap3A_68 = vector.shape_cast %broadcast_in_dim3A_63 : vector<16xf32> to vector<1x16xf32>
      tpu.vector_store %arg6[%swap3A_64, %swap3A_65], %swap3A_68 {strides = array<i32>} : memref<125x128xf32, #tpu.memory_space<vmem>>, vector<1x16xf32>,
      %broadcast_in_dim3A_69 = arith.constant 1.000000e+00 : f32
      %broadcast_in_dim3A_70 = vector.broadcast %broadcast_in_dim3A_69 : f32 to vector<16xf32>
      %swap3A_71 = arith.index_cast %scan3A_49 : i32 to index
      %swap3A_72 = arith.constant 48 : index
      %swap3A_73 = tpu.vector_load %arg6[%swap3A_71, %swap3A_72] {strides = array<i32>} : memref<125x128xf32, #tpu.memory_space<vmem>>, vector<1x16xf32>,
      %swap3A_74 = vector.shape_cast %swap3A_73 : vector<1x16xf32> to vector<16xf32>
      %swap3A_75 = vector.shape_cast %broadcast_in_dim3A_70 : vector<16xf32> to vector<1x16xf32>
      tpu.vector_store %arg6[%swap3A_71, %swap3A_72], %swap3A_75 {strides = array<i32>} : memref<125x128xf32, #tpu.memory_space<vmem>>, vector<1x16xf32>,
      %broadcast_in_dim3A_76 = arith.constant 1.000000e+00 : f32
      %broadcast_in_dim3A_77 = vector.broadcast %broadcast_in_dim3A_76 : f32 to vector<16xf32>
      %swap3A_78 = arith.index_cast %scan3A_49 : i32 to index
      %swap3A_79 = arith.constant 64 : index
      %swap3A_80 = tpu.vector_load %arg6[%swap3A_78, %swap3A_79] {strides = array<i32>} : memref<125x128xf32, #tpu.memory_space<vmem>>, vector<1x16xf32>,
      %swap3A_81 = vector.shape_cast %swap3A_80 : vector<1x16xf32> to vector<16xf32>
      %swap3A_82 = vector.shape_cast %broadcast_in_dim3A_77 : vector<16xf32> to vector<1x16xf32>
      tpu.vector_store %arg6[%swap3A_78, %swap3A_79], %swap3A_82 {strides = array<i32>} : memref<125x128xf32, #tpu.memory_space<vmem>>, vector<1x16xf32>,
      %broadcast_in_dim3A_83 = arith.constant 1.000000e+00 : f32
      %broadcast_in_dim3A_84 = vector.broadcast %broadcast_in_dim3A_83 : f32 to vector<16xf32>
      %swap3A_85 = arith.index_cast %scan3A_49 : i32 to index
      %swap3A_86 = arith.constant 80 : index
      %swap3A_87 = tpu.vector_load %arg6[%swap3A_85, %swap3A_86] {strides = array<i32>} : memref<125x128xf32, #tpu.memory_space<vmem>>, vector<1x16xf32>,
      %swap3A_88 = vector.shape_cast %swap3A_87 : vector<1x16xf32> to vector<16xf32>
      %swap3A_89 = vector.shape_cast %broadcast_in_dim3A_84 : vector<16xf32> to vector<1x16xf32>
      tpu.vector_store %arg6[%swap3A_85, %swap3A_86], %swap3A_89 {strides = array<i32>} : memref<125x128xf32, #tpu.memory_space<vmem>>, vector<1x16xf32>,
      %broadcast_in_dim3A_90 = arith.constant 1.000000e+00 : f32
      %broadcast_in_dim3A_91 = vector.broadcast %broadcast_in_dim3A_90 : f32 to vector<16xf32>
      %swap3A_92 = arith.index_cast %scan3A_49 : i32 to index
      %swap3A_93 = arith.constant 96 : index
      %swap3A_94 = tpu.vector_load %arg6[%swap3A_92, %swap3A_93] {strides = array<i32>} : memref<125x128xf32, #tpu.memory_space<vmem>>, vector<1x16xf32>,
      %swap3A_95 = vector.shape_cast %swap3A_94 : vector<1x16xf32> to vector<16xf32>
      %swap3A_96 = vector.shape_cast %broadcast_in_dim3A_91 : vector<16xf32> to vector<1x16xf32>
      tpu.vector_store %arg6[%swap3A_92, %swap3A_93], %swap3A_96 {strides = array<i32>} : memref<125x128xf32, #tpu.memory_space<vmem>>, vector<1x16xf32>,
      %broadcast_in_dim3A_97 = arith.constant 1.000000e+00 : f32
      %broadcast_in_dim3A_98 = vector.broadcast %broadcast_in_dim3A_97 : f32 to vector<16xf32>
      %swap3A_99 = arith.index_cast %scan3A_49 : i32 to index
      %swap3A_100 = arith.constant 112 : index
      %swap3A_101 = tpu.vector_load %arg6[%swap3A_99, %swap3A_100] {strides = array<i32>} : memref<125x128xf32, #tpu.memory_space<vmem>>, vector<1x16xf32>,
      %swap3A_102 = vector.shape_cast %swap3A_101 : vector<1x16xf32> to vector<16xf32>
      %swap3A_103 = vector.shape_cast %broadcast_in_dim3A_98 : vector<16xf32> to vector<1x16xf32>
      tpu.vector_store %arg6[%swap3A_99, %swap3A_100], %swap3A_103 {strides = array<i32>} : memref<125x128xf32, #tpu.memory_space<vmem>>, vector<1x16xf32>,
    }
    %scan3A_24 = arith.constant 125 : i32
    %dma_wait3A = arith.constant 0 : i32
    %dma_wait3A_25 = arith.constant 0 : i32
    %dma_wait3A_26 = tpu.memref_slice %arg2[%add3A, %dma_wait3A, %dma_wait3A_25] : memref<32x80x125xi32, #tpu.memory_space<hbm>> -> memref<1x80x125xi32, #tpu.memory_space<hbm>>
    %dma_wait3A_27 = tpu.memref_squeeze %dma_wait3A_26 : memref<1x80x125xi32, #tpu.memory_space<hbm>> -> memref<80x125xi32, #tpu.memory_space<hbm>>
    %dma_wait3A_28 = arith.constant 0 : i32
    %dma_wait3A_29 = arith.constant 0 : i32
    %dma_wait3A_30 = tpu.memref_slice %arg2[%add3A, %dma_wait3A_28, %dma_wait3A_29] : memref<32x80x125xi32, #tpu.memory_space<hbm>> -> memref<1x80x125xi32, #tpu.memory_space<hbm>>
    %dma_wait3A_31 = tpu.memref_squeeze %dma_wait3A_30 : memref<1x80x125xi32, #tpu.memory_space<hbm>> -> memref<80x125xi32, #tpu.memory_space<hbm>>
    tpu.wait_dma2 semaphore(%arg8 : memref<!tpu.dma_semaphore, #tpu.memory_space<semaphore_mem>>) src(%dma_wait3A_31 : memref<80x125xi32, #tpu.memory_space<hbm>>) dst(%arg5 : memref<80x125xi32, #tpu.memory_space<vmem>>)
    %barrier3A = arith.constant 0 : index
    tpu.barrier barrier_id(%barrier3A)
    %scan3A_32 = arith.constant 0 : i32
    %scan3A_33 = arith.constant 0 : i32
    %scan3A_34 = arith.constant 80 : i32
    %scan3A_35 = arith.addi %scan3A_33, %scan3A_34 : i32
    %scan3A_36 = arith.constant 1 : i32
    scf.for %scan3A_49 = %scan3A_33 to %scan3A_35 step %scan3A_36  : i32 {
      %dma_start3A_50 = arith.constant 0 : i32
      %dma_start3A_51 = tpu.memref_slice %arg5[%scan3A_49, %dma_start3A_50] : memref<80x125xi32, #tpu.memory_space<vmem>> -> memref<1x125xi32, #tpu.memory_space<vmem>>
      %dma_start3A_52 = tpu.memref_squeeze %dma_start3A_51 : memref<1x125xi32, #tpu.memory_space<vmem>> -> memref<125xi32, #tpu.memory_space<vmem>>
      %dma_start3A_53 = arith.constant 0 : i32
      %dma_start3A_54 = arith.constant 0 : i32
      %dma_start3A_55 = tpu.memref_slice %arg7[%dma_start3A_53, %dma_start3A_54] : memref<10240x128xf32, #tpu.memory_space<vmem_shared>> -> memref<10240x128xf32, #tpu.memory_space<vmem_shared>>
      tpu.enqueue_indirect_dma source(%arg6 : memref<125x128xf32, #tpu.memory_space<vmem>>) target(%dma_start3A_55 : memref<10240x128xf32, #tpu.memory_space<vmem_shared>>) offsets(%dma_start3A_52 : memref<125xi32, #tpu.memory_space<vmem>>) semaphore(%arg8 : memref<!tpu.dma_semaphore, #tpu.memory_space<semaphore_mem>>) {add = true}
      %ge3A = arith.constant 8 : i32
      %ge3A_56 = arith.cmpi sge, %scan3A_49, %ge3A : i32
      %convert_element_type3A = arith.extui %ge3A_56 : i1 to i32
      %cond3A = arith.constant 0 : i32
      %cond3A_57 = arith.cmpi ne, %convert_element_type3A, %cond3A : i32
      scf.if %cond3A_57 {
        tpu.wait_dma2 semaphore(%arg8 : memref<!tpu.dma_semaphore, #tpu.memory_space<semaphore_mem>>) src(%arg3 : memref<125x128xf32, #tpu.memory_space<hbm>>) dst(%arg6 : memref<125x128xf32, #tpu.memory_space<vmem>>)
      } else {
      }
    }
    %scan3A_37 = arith.constant 80 : i32
    %scan3A_38 = arith.constant 0 : i32
    %scan3A_39 = arith.constant 0 : i32
    %scan3A_40 = arith.constant 8 : i32
    %scan3A_41 = arith.addi %scan3A_39, %scan3A_40 : i32
    %scan3A_42 = arith.constant 1 : i32
    scf.for %scan3A_49 = %scan3A_39 to %scan3A_41 step %scan3A_42  : i32 {
      tpu.wait_dma2 semaphore(%arg8 : memref<!tpu.dma_semaphore, #tpu.memory_space<semaphore_mem>>) src(%arg3 : memref<125x128xf32, #tpu.memory_space<hbm>>) dst(%arg6 : memref<125x128xf32, #tpu.memory_space<vmem>>)
    }
    %scan3A_43 = arith.constant 8 : i32
    %barrier3A_44 = arith.constant 0 : index
    tpu.barrier barrier_id(%barrier3A_44)
    %mul3A_45 = arith.constant 640 : i32
    %mul3A_46 = arith.muli %arg1, %mul3A_45 : i32
    %mul3A_47 = arith.constant 640 : i32
    %mul3A_48 = arith.muli %arg1, %mul3A_47 : i32
    "tpu.region"() ({
      %run_scoped3A = tpu.sem_alloc : memref<!tpu.dma_semaphore, #tpu.memory_space<semaphore_mem>>
      %dma_start3A_49 = arith.constant 0 : i32
      %dma_start3A_50 = tpu.memref_slice %arg4[%arg0, %mul3A_48, %dma_start3A_49] : memref<2x10240x128xf32, #tpu.memory_space<hbm>> -> memref<1x640x128xf32, #tpu.memory_space<hbm>>
      %dma_start3A_51 = tpu.memref_squeeze %dma_start3A_50 : memref<1x640x128xf32, #tpu.memory_space<hbm>> -> memref<640x128xf32, #tpu.memory_space<hbm>>
      %dma_start3A_52 = arith.constant 0 : i32
      %dma_start3A_53 = tpu.memref_slice %arg7[%mul3A_46, %dma_start3A_52] : memref<10240x128xf32, #tpu.memory_space<vmem_shared>> -> memref<640x128xf32, #tpu.memory_space<vmem_shared>>
      tpu.enqueue_dma source(%dma_start3A_53 : memref<640x128xf32, #tpu.memory_space<vmem_shared>>) target(%dma_start3A_51 : memref<640x128xf32, #tpu.memory_space<hbm>>) target_semaphore(%run_scoped3A : memref<!tpu.dma_semaphore, #tpu.memory_space<semaphore_mem>>)
      %dma_wait3A_54 = arith.constant 0 : i32
      %dma_wait3A_55 = tpu.memref_slice %arg4[%arg0, %mul3A_48, %dma_wait3A_54] : memref<2x10240x128xf32, #tpu.memory_space<hbm>> -> memref<1x640x128xf32, #tpu.memory_space<hbm>>
      %dma_wait3A_56 = tpu.memref_squeeze %dma_wait3A_55 : memref<1x640x128xf32, #tpu.memory_space<hbm>> -> memref<640x128xf32, #tpu.memory_space<hbm>>
      %dma_wait3A_57 = arith.constant 0 : i32
      %dma_wait3A_58 = tpu.memref_slice %arg7[%mul3A_46, %dma_wait3A_57] : memref<10240x128xf32, #tpu.memory_space<vmem_shared>> -> memref<640x128xf32, #tpu.memory_space<vmem_shared>>
      tpu.wait_dma2 semaphore(%run_scoped3A : memref<!tpu.dma_semaphore, #tpu.memory_space<semaphore_mem>>) src(%dma_wait3A_58 : memref<640x128xf32, #tpu.memory_space<vmem_shared>>) dst(%dma_wait3A_56 : memref<640x128xf32, #tpu.memory_space<hbm>>)
      tpu.yield
    }) : () -> ()
    return
  }
}

#map = affine_map<(d0, d1) -> (0, 0)>
#map1 = affine_map<(d0, d1) -> (0, 0, 0)>
module attributes {stable_mosaic.version = 14 : i64} {
  func.func @_sc_aggregate(%arg0: i32, %arg1: i32, %arg2: memref<10000x128xf32, #tpu.memory_space<hbm>>, %arg3: memref<32x80x125xi32, #tpu.memory_space<hbm>>, %arg4: memref<32x80x125xi32, #tpu.memory_space<hbm>>, %arg5: memref<125x128xf32, #tpu.memory_space<hbm>>, %arg6: memref<2x10240x128xf32, #tpu.memory_space<hbm>>, %arg7: memref<2x16x125xi32, #tpu.memory_space<vmem>>, %arg8: memref<2x16x125xi32, #tpu.memory_space<vmem>>, %arg9: memref<125x128xf32, #tpu.memory_space<vmem>>, %arg10: memref<125x128xf32, #tpu.memory_space<vmem>>, %arg11: memref<10240x128xf32, #tpu.memory_space<vmem_shared>>, %arg12: memref<!tpu.dma_semaphore, #tpu.memory_space<semaphore_mem>>, %arg13: memref<!tpu.dma_semaphore, #tpu.memory_space<semaphore_mem>>, %arg14: memref<!tpu.dma_semaphore, #tpu.memory_space<semaphore_mem>>, %arg15: memref<!tpu.dma_semaphore, #tpu.memory_space<semaphore_mem>>, %arg16: memref<!tpu.dma_semaphore, #tpu.memory_space<semaphore_mem>>) attributes {dimension_semantics = [#tpu.dimension_semantics<core_parallel>, #tpu.dimension_semantics<subcore_parallel>], iteration_bounds = array<i64: 2, 16>, scalar_prefetch = 0 : i64, scratch_operands = 10 : i64, tpu.core_type = #tpu.core_type<sc_vector_subcore>, window_params = [{transform_indices = #map}, {transform_indices = #map1}, {transform_indices = #map1}, {transform_indices = #map}, {transform_indices = #map1}]} {
    %mul3A = arith.constant 16 : i32
    %mul3A_0 = arith.muli %arg0, %mul3A : i32
    %add3A = arith.addi %mul3A_0, %arg1 : i32
    %dma_start3A = arith.constant 0 : i32
    %dma_start3A_1 = arith.constant 0 : i32
    %dma_start3A_2 = arith.constant 0 : i32
    %dma_start3A_3 = tpu.memref_slice %arg7[%dma_start3A, %dma_start3A_1, %dma_start3A_2] : memref<2x16x125xi32, #tpu.memory_space<vmem>> -> memref<1x16x125xi32, #tpu.memory_space<vmem>>
    %dma_start3A_4 = tpu.memref_squeeze %dma_start3A_3 : memref<1x16x125xi32, #tpu.memory_space<vmem>> -> memref<16x125xi32, #tpu.memory_space<vmem>>
    %dma_start3A_5 = arith.constant 0 : i32
    %dma_start3A_6 = arith.constant 0 : i32
    %dma_start3A_7 = tpu.memref_slice %arg3[%add3A, %dma_start3A_5, %dma_start3A_6] : memref<32x80x125xi32, #tpu.memory_space<hbm>> -> memref<1x16x125xi32, #tpu.memory_space<hbm>>
    %dma_start3A_8 = tpu.memref_squeeze %dma_start3A_7 : memref<1x16x125xi32, #tpu.memory_space<hbm>> -> memref<16x125xi32, #tpu.memory_space<hbm>>
    %dma_start3A_9 = arith.constant 0 : i32
    %dma_start3A_10 = arith.constant 0 : i32
    %dma_start3A_11 = tpu.memref_slice %arg7[%dma_start3A, %dma_start3A_9, %dma_start3A_10] : memref<2x16x125xi32, #tpu.memory_space<vmem>> -> memref<1x16x125xi32, #tpu.memory_space<vmem>>
    %dma_start3A_12 = tpu.memref_squeeze %dma_start3A_11 : memref<1x16x125xi32, #tpu.memory_space<vmem>> -> memref<16x125xi32, #tpu.memory_space<vmem>>
    %dma_start3A_13 = arith.constant 0 : i32
    %dma_start3A_14 = arith.constant 0 : i32
    %dma_start3A_15 = tpu.memref_slice %arg3[%add3A, %dma_start3A_13, %dma_start3A_14] : memref<32x80x125xi32, #tpu.memory_space<hbm>> -> memref<1x16x125xi32, #tpu.memory_space<hbm>>
    %dma_start3A_16 = tpu.memref_squeeze %dma_start3A_15 : memref<1x16x125xi32, #tpu.memory_space<hbm>> -> memref<16x125xi32, #tpu.memory_space<hbm>>
    tpu.enqueue_dma source(%dma_start3A_16 : memref<16x125xi32, #tpu.memory_space<hbm>>) target(%dma_start3A_12 : memref<16x125xi32, #tpu.memory_space<vmem>>) target_semaphore(%arg16 : memref<!tpu.dma_semaphore, #tpu.memory_space<semaphore_mem>>)
    %dma_start3A_17 = arith.constant 0 : i32
    %dma_start3A_18 = arith.constant 0 : i32
    %dma_start3A_19 = arith.constant 0 : i32
    %dma_start3A_20 = tpu.memref_slice %arg8[%dma_start3A_17, %dma_start3A_18, %dma_start3A_19] : memref<2x16x125xi32, #tpu.memory_space<vmem>> -> memref<1x16x125xi32, #tpu.memory_space<vmem>>
    %dma_start3A_21 = tpu.memref_squeeze %dma_start3A_20 : memref<1x16x125xi32, #tpu.memory_space<vmem>> -> memref<16x125xi32, #tpu.memory_space<vmem>>
    %dma_start3A_22 = arith.constant 0 : i32
    %dma_start3A_23 = arith.constant 0 : i32
    %dma_start3A_24 = tpu.memref_slice %arg4[%add3A, %dma_start3A_22, %dma_start3A_23] : memref<32x80x125xi32, #tpu.memory_space<hbm>> -> memref<1x16x125xi32, #tpu.memory_space<hbm>>
    %dma_start3A_25 = tpu.memref_squeeze %dma_start3A_24 : memref<1x16x125xi32, #tpu.memory_space<hbm>> -> memref<16x125xi32, #tpu.memory_space<hbm>>
    %dma_start3A_26 = arith.constant 0 : i32
    %dma_start3A_27 = arith.constant 0 : i32
    %dma_start3A_28 = tpu.memref_slice %arg8[%dma_start3A_17, %dma_start3A_26, %dma_start3A_27] : memref<2x16x125xi32, #tpu.memory_space<vmem>> -> memref<1x16x125xi32, #tpu.memory_space<vmem>>
    %dma_start3A_29 = tpu.memref_squeeze %dma_start3A_28 : memref<1x16x125xi32, #tpu.memory_space<vmem>> -> memref<16x125xi32, #tpu.memory_space<vmem>>
    %dma_start3A_30 = arith.constant 0 : i32
    %dma_start3A_31 = arith.constant 0 : i32
    %dma_start3A_32 = tpu.memref_slice %arg4[%add3A, %dma_start3A_30, %dma_start3A_31] : memref<32x80x125xi32, #tpu.memory_space<hbm>> -> memref<1x16x125xi32, #tpu.memory_space<hbm>>
    %dma_start3A_33 = tpu.memref_squeeze %dma_start3A_32 : memref<1x16x125xi32, #tpu.memory_space<hbm>> -> memref<16x125xi32, #tpu.memory_space<hbm>>
    tpu.enqueue_dma source(%dma_start3A_33 : memref<16x125xi32, #tpu.memory_space<hbm>>) target(%dma_start3A_29 : memref<16x125xi32, #tpu.memory_space<vmem>>) target_semaphore(%arg16 : memref<!tpu.dma_semaphore, #tpu.memory_space<semaphore_mem>>)
    %scan3A = arith.constant 0 : i32
    %scan3A_34 = arith.constant 0 : i32
    %scan3A_35 = arith.constant 80 : i32
    %scan3A_36 = arith.addi %scan3A_34, %scan3A_35 : i32
    %scan3A_37 = arith.constant 1 : i32
    scf.for %scan3A_89 = %scan3A_34 to %scan3A_36 step %scan3A_37  : i32 {
      %broadcast_in_dim3A = arith.constant 0.000000e+00 : f32
      %broadcast_in_dim3A_90 = vector.broadcast %broadcast_in_dim3A : f32 to vector<16xf32>
      %swap3A = arith.index_cast %scan3A_89 : i32 to index
      %swap3A_91 = arith.constant 0 : index
      %swap3A_92 = tpu.vector_load %arg9[%swap3A, %swap3A_91] {strides = array<i32>} : memref<125x128xf32, #tpu.memory_space<vmem>>, vector<1x16xf32>,
      %swap3A_93 = vector.shape_cast %swap3A_92 : vector<1x16xf32> to vector<16xf32>
      %swap3A_94 = vector.shape_cast %broadcast_in_dim3A_90 : vector<16xf32> to vector<1x16xf32>
      tpu.vector_store %arg9[%swap3A, %swap3A_91], %swap3A_94 {strides = array<i32>} : memref<125x128xf32, #tpu.memory_space<vmem>>, vector<1x16xf32>,
      %broadcast_in_dim3A_95 = arith.constant 0.000000e+00 : f32
      %broadcast_in_dim3A_96 = vector.broadcast %broadcast_in_dim3A_95 : f32 to vector<16xf32>
      %swap3A_97 = arith.index_cast %scan3A_89 : i32 to index
      %swap3A_98 = arith.constant 16 : index
      %swap3A_99 = tpu.vector_load %arg9[%swap3A_97, %swap3A_98] {strides = array<i32>} : memref<125x128xf32, #tpu.memory_space<vmem>>, vector<1x16xf32>,
      %swap3A_100 = vector.shape_cast %swap3A_99 : vector<1x16xf32> to vector<16xf32>
      %swap3A_101 = vector.shape_cast %broadcast_in_dim3A_96 : vector<16xf32> to vector<1x16xf32>
      tpu.vector_store %arg9[%swap3A_97, %swap3A_98], %swap3A_101 {strides = array<i32>} : memref<125x128xf32, #tpu.memory_space<vmem>>, vector<1x16xf32>,
      %broadcast_in_dim3A_102 = arith.constant 0.000000e+00 : f32
      %broadcast_in_dim3A_103 = vector.broadcast %broadcast_in_dim3A_102 : f32 to vector<16xf32>
      %swap3A_104 = arith.index_cast %scan3A_89 : i32 to index
      %swap3A_105 = arith.constant 32 : index
      %swap3A_106 = tpu.vector_load %arg9[%swap3A_104, %swap3A_105] {strides = array<i32>} : memref<125x128xf32, #tpu.memory_space<vmem>>, vector<1x16xf32>,
      %swap3A_107 = vector.shape_cast %swap3A_106 : vector<1x16xf32> to vector<16xf32>
      %swap3A_108 = vector.shape_cast %broadcast_in_dim3A_103 : vector<16xf32> to vector<1x16xf32>
      tpu.vector_store %arg9[%swap3A_104, %swap3A_105], %swap3A_108 {strides = array<i32>} : memref<125x128xf32, #tpu.memory_space<vmem>>, vector<1x16xf32>,
      %broadcast_in_dim3A_109 = arith.constant 0.000000e+00 : f32
      %broadcast_in_dim3A_110 = vector.broadcast %broadcast_in_dim3A_109 : f32 to vector<16xf32>
      %swap3A_111 = arith.index_cast %scan3A_89 : i32 to index
      %swap3A_112 = arith.constant 48 : index
      %swap3A_113 = tpu.vector_load %arg9[%swap3A_111, %swap3A_112] {strides = array<i32>} : memref<125x128xf32, #tpu.memory_space<vmem>>, vector<1x16xf32>,
      %swap3A_114 = vector.shape_cast %swap3A_113 : vector<1x16xf32> to vector<16xf32>
      %swap3A_115 = vector.shape_cast %broadcast_in_dim3A_110 : vector<16xf32> to vector<1x16xf32>
      tpu.vector_store %arg9[%swap3A_111, %swap3A_112], %swap3A_115 {strides = array<i32>} : memref<125x128xf32, #tpu.memory_space<vmem>>, vector<1x16xf32>,
      %broadcast_in_dim3A_116 = arith.constant 0.000000e+00 : f32
      %broadcast_in_dim3A_117 = vector.broadcast %broadcast_in_dim3A_116 : f32 to vector<16xf32>
      %swap3A_118 = arith.index_cast %scan3A_89 : i32 to index
      %swap3A_119 = arith.constant 64 : index
      %swap3A_120 = tpu.vector_load %arg9[%swap3A_118, %swap3A_119] {strides = array<i32>} : memref<125x128xf32, #tpu.memory_space<vmem>>, vector<1x16xf32>,
      %swap3A_121 = vector.shape_cast %swap3A_120 : vector<1x16xf32> to vector<16xf32>
      %swap3A_122 = vector.shape_cast %broadcast_in_dim3A_117 : vector<16xf32> to vector<1x16xf32>
      tpu.vector_store %arg9[%swap3A_118, %swap3A_119], %swap3A_122 {strides = array<i32>} : memref<125x128xf32, #tpu.memory_space<vmem>>, vector<1x16xf32>,
      %broadcast_in_dim3A_123 = arith.constant 0.000000e+00 : f32
      %broadcast_in_dim3A_124 = vector.broadcast %broadcast_in_dim3A_123 : f32 to vector<16xf32>
      %swap3A_125 = arith.index_cast %scan3A_89 : i32 to index
      %swap3A_126 = arith.constant 80 : index
      %swap3A_127 = tpu.vector_load %arg9[%swap3A_125, %swap3A_126] {strides = array<i32>} : memref<125x128xf32, #tpu.memory_space<vmem>>, vector<1x16xf32>,
      %swap3A_128 = vector.shape_cast %swap3A_127 : vector<1x16xf32> to vector<16xf32>
      %swap3A_129 = vector.shape_cast %broadcast_in_dim3A_124 : vector<16xf32> to vector<1x16xf32>
      tpu.vector_store %arg9[%swap3A_125, %swap3A_126], %swap3A_129 {strides = array<i32>} : memref<125x128xf32, #tpu.memory_space<vmem>>, vector<1x16xf32>,
      %broadcast_in_dim3A_130 = arith.constant 0.000000e+00 : f32
      %broadcast_in_dim3A_131 = vector.broadcast %broadcast_in_dim3A_130 : f32 to vector<16xf32>
      %swap3A_132 = arith.index_cast %scan3A_89 : i32 to index
      %swap3A_133 = arith.constant 96 : index
      %swap3A_134 = tpu.vector_load %arg9[%swap3A_132, %swap3A_133] {strides = array<i32>} : memref<125x128xf32, #tpu.memory_space<vmem>>, vector<1x16xf32>,
      %swap3A_135 = vector.shape_cast %swap3A_134 : vector<1x16xf32> to vector<16xf32>
      %swap3A_136 = vector.shape_cast %broadcast_in_dim3A_131 : vector<16xf32> to vector<1x16xf32>
      tpu.vector_store %arg9[%swap3A_132, %swap3A_133], %swap3A_136 {strides = array<i32>} : memref<125x128xf32, #tpu.memory_space<vmem>>, vector<1x16xf32>,
      %broadcast_in_dim3A_137 = arith.constant 0.000000e+00 : f32
      %broadcast_in_dim3A_138 = vector.broadcast %broadcast_in_dim3A_137 : f32 to vector<16xf32>
      %swap3A_139 = arith.index_cast %scan3A_89 : i32 to index
      %swap3A_140 = arith.constant 112 : index
      %swap3A_141 = tpu.vector_load %arg9[%swap3A_139, %swap3A_140] {strides = array<i32>} : memref<125x128xf32, #tpu.memory_space<vmem>>, vector<1x16xf32>,
      %swap3A_142 = vector.shape_cast %swap3A_141 : vector<1x16xf32> to vector<16xf32>
      %swap3A_143 = vector.shape_cast %broadcast_in_dim3A_138 : vector<16xf32> to vector<1x16xf32>
      tpu.vector_store %arg9[%swap3A_139, %swap3A_140], %swap3A_143 {strides = array<i32>} : memref<125x128xf32, #tpu.memory_space<vmem>>, vector<1x16xf32>,
    }
    %scan3A_38 = arith.constant 80 : i32
    %scan3A_39 = arith.constant 0 : i32
    %scan3A_40 = arith.constant 0 : i32
    %scan3A_41 = arith.constant 8 : i32
    %scan3A_42 = arith.addi %scan3A_40, %scan3A_41 : i32
    %scan3A_43 = arith.constant 1 : i32
    scf.for %scan3A_89 = %scan3A_40 to %scan3A_42 step %scan3A_43  : i32 {
      %mul3A_90 = arith.constant 640 : i32
      %mul3A_91 = arith.muli %arg1, %mul3A_90 : i32
      %mul3A_92 = arith.constant 80 : i32
      %mul3A_93 = arith.muli %scan3A_89, %mul3A_92 : i32
      %add3A_94 = arith.addi %mul3A_91, %mul3A_93 : i32
      "tpu.region"() ({
        %run_scoped3A = tpu.sem_alloc : memref<!tpu.dma_semaphore, #tpu.memory_space<semaphore_mem>>
        %dma_start3A_95 = arith.constant 0 : i32
        %dma_start3A_96 = arith.constant 0 : i32
        %dma_start3A_97 = tpu.memref_slice %arg9[%dma_start3A_95, %dma_start3A_96] : memref<125x128xf32, #tpu.memory_space<vmem>> -> memref<80x128xf32, #tpu.memory_space<vmem>>
        %dma_start3A_98 = arith.constant 0 : i32
        %dma_start3A_99 = tpu.memref_slice %arg11[%add3A_94, %dma_start3A_98] : memref<10240x128xf32, #tpu.memory_space<vmem_shared>> -> memref<80x128xf32, #tpu.memory_space<vmem_shared>>
        %dma_start3A_100 = arith.constant 0 : i32
        %dma_start3A_101 = tpu.memref_slice %arg11[%add3A_94, %dma_start3A_100] : memref<10240x128xf32, #tpu.memory_space<vmem_shared>> -> memref<80x128xf32, #tpu.memory_space<vmem_shared>>
        %dma_start3A_102 = arith.constant 0 : i32
        %dma_start3A_103 = arith.constant 0 : i32
        %dma_start3A_104 = tpu.memref_slice %arg9[%dma_start3A_102, %dma_start3A_103] : memref<125x128xf32, #tpu.memory_space<vmem>> -> memref<80x128xf32, #tpu.memory_space<vmem>>
        tpu.enqueue_dma source(%dma_start3A_104 : memref<80x128xf32, #tpu.memory_space<vmem>>) target(%dma_start3A_101 : memref<80x128xf32, #tpu.memory_space<vmem_shared>>) target_semaphore(%run_scoped3A : memref<!tpu.dma_semaphore, #tpu.memory_space<semaphore_mem>>)
        %dma_wait3A_105 = arith.constant 0 : i32
        %dma_wait3A_106 = arith.constant 0 : i32
        %dma_wait3A_107 = tpu.memref_slice %arg9[%dma_wait3A_105, %dma_wait3A_106] : memref<125x128xf32, #tpu.memory_space<vmem>> -> memref<80x128xf32, #tpu.memory_space<vmem>>
        %dma_wait3A_108 = arith.constant 0 : i32
        %dma_wait3A_109 = tpu.memref_slice %arg11[%add3A_94, %dma_wait3A_108] : memref<10240x128xf32, #tpu.memory_space<vmem_shared>> -> memref<80x128xf32, #tpu.memory_space<vmem_shared>>
        %dma_wait3A_110 = arith.constant 0 : i32
        %dma_wait3A_111 = tpu.memref_slice %arg11[%add3A_94, %dma_wait3A_110] : memref<10240x128xf32, #tpu.memory_space<vmem_shared>> -> memref<80x128xf32, #tpu.memory_space<vmem_shared>>
        %dma_wait3A_112 = arith.constant 0 : i32
        %dma_wait3A_113 = arith.constant 0 : i32
        %dma_wait3A_114 = tpu.memref_slice %arg9[%dma_wait3A_112, %dma_wait3A_113] : memref<125x128xf32, #tpu.memory_space<vmem>> -> memref<80x128xf32, #tpu.memory_space<vmem>>
        tpu.wait_dma2 semaphore(%run_scoped3A : memref<!tpu.dma_semaphore, #tpu.memory_space<semaphore_mem>>) src(%dma_wait3A_114 : memref<80x128xf32, #tpu.memory_space<vmem>>) dst(%dma_wait3A_111 : memref<80x128xf32, #tpu.memory_space<vmem_shared>>)
        tpu.yield
      }) : () -> ()
    }
    %scan3A_44 = arith.constant 8 : i32
    %dma_wait3A = arith.constant 0 : i32
    %dma_wait3A_45 = arith.constant 0 : i32
    %dma_wait3A_46 = arith.constant 0 : i32
    %dma_wait3A_47 = tpu.memref_slice %arg7[%dma_wait3A, %dma_wait3A_45, %dma_wait3A_46] : memref<2x16x125xi32, #tpu.memory_space<vmem>> -> memref<1x16x125xi32, #tpu.memory_space<vmem>>
    %dma_wait3A_48 = tpu.memref_squeeze %dma_wait3A_47 : memref<1x16x125xi32, #tpu.memory_space<vmem>> -> memref<16x125xi32, #tpu.memory_space<vmem>>
    %dma_wait3A_49 = arith.constant 0 : i32
    %dma_wait3A_50 = arith.constant 0 : i32
    %dma_wait3A_51 = tpu.memref_slice %arg3[%add3A, %dma_wait3A_49, %dma_wait3A_50] : memref<32x80x125xi32, #tpu.memory_space<hbm>> -> memref<1x16x125xi32, #tpu.memory_space<hbm>>
    %dma_wait3A_52 = tpu.memref_squeeze %dma_wait3A_51 : memref<1x16x125xi32, #tpu.memory_space<hbm>> -> memref<16x125xi32, #tpu.memory_space<hbm>>
    %dma_wait3A_53 = arith.constant 0 : i32
    %dma_wait3A_54 = arith.constant 0 : i32
    %dma_wait3A_55 = tpu.memref_slice %arg7[%dma_wait3A, %dma_wait3A_53, %dma_wait3A_54] : memref<2x16x125xi32, #tpu.memory_space<vmem>> -> memref<1x16x125xi32, #tpu.memory_space<vmem>>
    %dma_wait3A_56 = tpu.memref_squeeze %dma_wait3A_55 : memref<1x16x125xi32, #tpu.memory_space<vmem>> -> memref<16x125xi32, #tpu.memory_space<vmem>>
    %dma_wait3A_57 = arith.constant 0 : i32
    %dma_wait3A_58 = arith.constant 0 : i32
    %dma_wait3A_59 = tpu.memref_slice %arg3[%add3A, %dma_wait3A_57, %dma_wait3A_58] : memref<32x80x125xi32, #tpu.memory_space<hbm>> -> memref<1x16x125xi32, #tpu.memory_space<hbm>>
    %dma_wait3A_60 = tpu.memref_squeeze %dma_wait3A_59 : memref<1x16x125xi32, #tpu.memory_space<hbm>> -> memref<16x125xi32, #tpu.memory_space<hbm>>
    tpu.wait_dma2 semaphore(%arg16 : memref<!tpu.dma_semaphore, #tpu.memory_space<semaphore_mem>>) src(%dma_wait3A_60 : memref<16x125xi32, #tpu.memory_space<hbm>>) dst(%dma_wait3A_56 : memref<16x125xi32, #tpu.memory_space<vmem>>)
    %dma_wait3A_61 = arith.constant 0 : i32
    %dma_wait3A_62 = arith.constant 0 : i32
    %dma_wait3A_63 = arith.constant 0 : i32
    %dma_wait3A_64 = tpu.memref_slice %arg8[%dma_wait3A_61, %dma_wait3A_62, %dma_wait3A_63] : memref<2x16x125xi32, #tpu.memory_space<vmem>> -> memref<1x16x125xi32, #tpu.memory_space<vmem>>
    %dma_wait3A_65 = tpu.memref_squeeze %dma_wait3A_64 : memref<1x16x125xi32, #tpu.memory_space<vmem>> -> memref<16x125xi32, #tpu.memory_space<vmem>>
    %dma_wait3A_66 = arith.constant 0 : i32
    %dma_wait3A_67 = arith.constant 0 : i32
    %dma_wait3A_68 = tpu.memref_slice %arg4[%add3A, %dma_wait3A_66, %dma_wait3A_67] : memref<32x80x125xi32, #tpu.memory_space<hbm>> -> memref<1x16x125xi32, #tpu.memory_space<hbm>>
    %dma_wait3A_69 = tpu.memref_squeeze %dma_wait3A_68 : memref<1x16x125xi32, #tpu.memory_space<hbm>> -> memref<16x125xi32, #tpu.memory_space<hbm>>
    %dma_wait3A_70 = arith.constant 0 : i32
    %dma_wait3A_71 = arith.constant 0 : i32
    %dma_wait3A_72 = tpu.memref_slice %arg8[%dma_wait3A_61, %dma_wait3A_70, %dma_wait3A_71] : memref<2x16x125xi32, #tpu.memory_space<vmem>> -> memref<1x16x125xi32, #tpu.memory_space<vmem>>
    %dma_wait3A_73 = tpu.memref_squeeze %dma_wait3A_72 : memref<1x16x125xi32, #tpu.memory_space<vmem>> -> memref<16x125xi32, #tpu.memory_space<vmem>>
    %dma_wait3A_74 = arith.constant 0 : i32
    %dma_wait3A_75 = arith.constant 0 : i32
    %dma_wait3A_76 = tpu.memref_slice %arg4[%add3A, %dma_wait3A_74, %dma_wait3A_75] : memref<32x80x125xi32, #tpu.memory_space<hbm>> -> memref<1x16x125xi32, #tpu.memory_space<hbm>>
    %dma_wait3A_77 = tpu.memref_squeeze %dma_wait3A_76 : memref<1x16x125xi32, #tpu.memory_space<hbm>> -> memref<16x125xi32, #tpu.memory_space<hbm>>
    tpu.wait_dma2 semaphore(%arg16 : memref<!tpu.dma_semaphore, #tpu.memory_space<semaphore_mem>>) src(%dma_wait3A_77 : memref<16x125xi32, #tpu.memory_space<hbm>>) dst(%dma_wait3A_73 : memref<16x125xi32, #tpu.memory_space<vmem>>)
    %barrier3A = arith.constant 0 : index
    tpu.barrier barrier_id(%barrier3A)
    %scan3A_78 = arith.constant 0 : i32
    %scan3A_79 = arith.constant 0 : i32
    %scan3A_80 = arith.constant 5 : i32
    %scan3A_81 = arith.addi %scan3A_79, %scan3A_80 : i32
    %scan3A_82 = arith.constant 1 : i32
    scf.for %scan3A_89 = %scan3A_79 to %scan3A_81 step %scan3A_82  : i32 {
      %rem3A = arith.constant 2 : i32
      %rem3A_90 = arith.remsi %scan3A_89, %rem3A : i32
      %sub3A = arith.constant 1 : i32
      %sub3A_91 = arith.subi %sub3A, %rem3A_90 : i32
      %add3A_92 = arith.constant 1 : i32
      %add3A_93 = arith.addi %scan3A_89, %add3A_92 : i32
      %lt3A = arith.constant 5 : i32
      %lt3A_94 = arith.cmpi slt, %add3A_93, %lt3A : i32
      %convert_element_type3A = arith.extui %lt3A_94 : i1 to i32
      %cond3A = arith.constant 0 : i32
      %cond3A_95 = arith.cmpi ne, %convert_element_type3A, %cond3A : i32
      scf.if %cond3A_95 {
        %add3A_336 = arith.constant 1 : i32
        %add3A_337 = arith.addi %scan3A_89, %add3A_336 : i32
        %mul3A_338 = arith.constant 16 : i32
        %mul3A_339 = arith.muli %add3A_337, %mul3A_338 : i32
        %dma_start3A_340 = arith.constant 0 : i32
        %dma_start3A_341 = arith.constant 0 : i32
        %dma_start3A_342 = tpu.memref_slice %arg7[%sub3A_91, %dma_start3A_340, %dma_start3A_341] : memref<2x16x125xi32, #tpu.memory_space<vmem>> -> memref<1x16x125xi32, #tpu.memory_space<vmem>>
        %dma_start3A_343 = tpu.memref_squeeze %dma_start3A_342 : memref<1x16x125xi32, #tpu.memory_space<vmem>> -> memref<16x125xi32, #tpu.memory_space<vmem>>
        %dma_start3A_344 = arith.constant 0 : i32
        %dma_start3A_345 = tpu.memref_slice %arg3[%add3A, %mul3A_339, %dma_start3A_344] : memref<32x80x125xi32, #tpu.memory_space<hbm>> -> memref<1x16x125xi32, #tpu.memory_space<hbm>>
        %dma_start3A_346 = tpu.memref_squeeze %dma_start3A_345 : memref<1x16x125xi32, #tpu.memory_space<hbm>> -> memref<16x125xi32, #tpu.memory_space<hbm>>
        %dma_start3A_347 = arith.constant 0 : i32
        %dma_start3A_348 = arith.constant 0 : i32
        %dma_start3A_349 = tpu.memref_slice %arg7[%sub3A_91, %dma_start3A_347, %dma_start3A_348] : memref<2x16x125xi32, #tpu.memory_space<vmem>> -> memref<1x16x125xi32, #tpu.memory_space<vmem>>
        %dma_start3A_350 = tpu.memref_squeeze %dma_start3A_349 : memref<1x16x125xi32, #tpu.memory_space<vmem>> -> memref<16x125xi32, #tpu.memory_space<vmem>>
        %dma_start3A_351 = arith.constant 0 : i32
        %dma_start3A_352 = tpu.memref_slice %arg3[%add3A, %mul3A_339, %dma_start3A_351] : memref<32x80x125xi32, #tpu.memory_space<hbm>> -> memref<1x16x125xi32, #tpu.memory_space<hbm>>
        %dma_start3A_353 = tpu.memref_squeeze %dma_start3A_352 : memref<1x16x125xi32, #tpu.memory_space<hbm>> -> memref<16x125xi32, #tpu.memory_space<hbm>>
        tpu.enqueue_dma source(%dma_start3A_353 : memref<16x125xi32, #tpu.memory_space<hbm>>) target(%dma_start3A_350 : memref<16x125xi32, #tpu.memory_space<vmem>>) target_semaphore(%arg16 : memref<!tpu.dma_semaphore, #tpu.memory_space<semaphore_mem>>)
        %add3A_354 = arith.constant 1 : i32
        %add3A_355 = arith.addi %scan3A_89, %add3A_354 : i32
        %mul3A_356 = arith.constant 16 : i32
        %mul3A_357 = arith.muli %add3A_355, %mul3A_356 : i32
        %dma_start3A_358 = arith.constant 0 : i32
        %dma_start3A_359 = arith.constant 0 : i32
        %dma_start3A_360 = tpu.memref_slice %arg8[%sub3A_91, %dma_start3A_358, %dma_start3A_359] : memref<2x16x125xi32, #tpu.memory_space<vmem>> -> memref<1x16x125xi32, #tpu.memory_space<vmem>>
        %dma_start3A_361 = tpu.memref_squeeze %dma_start3A_360 : memref<1x16x125xi32, #tpu.memory_space<vmem>> -> memref<16x125xi32, #tpu.memory_space<vmem>>
        %dma_start3A_362 = arith.constant 0 : i32
        %dma_start3A_363 = tpu.memref_slice %arg4[%add3A, %mul3A_357, %dma_start3A_362] : memref<32x80x125xi32, #tpu.memory_space<hbm>> -> memref<1x16x125xi32, #tpu.memory_space<hbm>>
        %dma_start3A_364 = tpu.memref_squeeze %dma_start3A_363 : memref<1x16x125xi32, #tpu.memory_space<hbm>> -> memref<16x125xi32, #tpu.memory_space<hbm>>
        %dma_start3A_365 = arith.constant 0 : i32
        %dma_start3A_366 = arith.constant 0 : i32
        %dma_start3A_367 = tpu.memref_slice %arg8[%sub3A_91, %dma_start3A_365, %dma_start3A_366] : memref<2x16x125xi32, #tpu.memory_space<vmem>> -> memref<1x16x125xi32, #tpu.memory_space<vmem>>
        %dma_start3A_368 = tpu.memref_squeeze %dma_start3A_367 : memref<1x16x125xi32, #tpu.memory_space<vmem>> -> memref<16x125xi32, #tpu.memory_space<vmem>>
        %dma_start3A_369 = arith.constant 0 : i32
        %dma_start3A_370 = tpu.memref_slice %arg4[%add3A, %mul3A_357, %dma_start3A_369] : memref<32x80x125xi32, #tpu.memory_space<hbm>> -> memref<1x16x125xi32, #tpu.memory_space<hbm>>
        %dma_start3A_371 = tpu.memref_squeeze %dma_start3A_370 : memref<1x16x125xi32, #tpu.memory_space<hbm>> -> memref<16x125xi32, #tpu.memory_space<hbm>>
        tpu.enqueue_dma source(%dma_start3A_371 : memref<16x125xi32, #tpu.memory_space<hbm>>) target(%dma_start3A_368 : memref<16x125xi32, #tpu.memory_space<vmem>>) target_semaphore(%arg16 : memref<!tpu.dma_semaphore, #tpu.memory_space<semaphore_mem>>)
      } else {
      }
      %gt3A = arith.constant 0 : i32
      %gt3A_96 = arith.cmpi sgt, %scan3A_89, %gt3A : i32
      %convert_element_type3A_97 = arith.extui %gt3A_96 : i1 to i32
      %cond3A_98 = arith.constant 0 : i32
      %cond3A_99 = arith.cmpi ne, %convert_element_type3A_97, %cond3A_98 : i32
      scf.if %cond3A_99 {
        tpu.wait_dma2 semaphore(%arg14 : memref<!tpu.dma_semaphore, #tpu.memory_space<semaphore_mem>>) src(%arg5 : memref<125x128xf32, #tpu.memory_space<hbm>>) dst(%arg9 : memref<125x128xf32, #tpu.memory_space<vmem>>)
      } else {
      }
      %dma_start3A_100 = arith.constant 0 : i32
      %dma_start3A_101 = arith.constant 0 : i32
      %dma_start3A_102 = tpu.memref_slice %arg7[%rem3A_90, %dma_start3A_100, %dma_start3A_101] : memref<2x16x125xi32, #tpu.memory_space<vmem>> -> memref<1x1x125xi32, #tpu.memory_space<vmem>>
      %dma_start3A_103 = tpu.memref_squeeze %dma_start3A_102 : memref<1x1x125xi32, #tpu.memory_space<vmem>> -> memref<125xi32, #tpu.memory_space<vmem>>
      %dma_start3A_104 = arith.constant 0 : i32
      %dma_start3A_105 = arith.constant 0 : i32
      %dma_start3A_106 = tpu.memref_slice %arg2[%dma_start3A_104, %dma_start3A_105] : memref<10000x128xf32, #tpu.memory_space<hbm>> -> memref<10000x128xf32, #tpu.memory_space<hbm>>
      tpu.enqueue_indirect_dma source(%dma_start3A_106 : memref<10000x128xf32, #tpu.memory_space<hbm>>) target(%arg9 : memref<125x128xf32, #tpu.memory_space<vmem>>) offsets(%dma_start3A_103 : memref<125xi32, #tpu.memory_space<vmem>>) semaphore(%arg12 : memref<!tpu.dma_semaphore, #tpu.memory_space<semaphore_mem>>)
      %gt3A_107 = arith.constant 0 : i32
      %gt3A_108 = arith.cmpi sgt, %scan3A_89, %gt3A_107 : i32
      %convert_element_type3A_109 = arith.extui %gt3A_108 : i1 to i32
      %cond3A_110 = arith.constant 0 : i32
      %cond3A_111 = arith.cmpi ne, %convert_element_type3A_109, %cond3A_110 : i32
      scf.if %cond3A_111 {
        tpu.wait_dma2 semaphore(%arg15 : memref<!tpu.dma_semaphore, #tpu.memory_space<semaphore_mem>>) src(%arg5 : memref<125x128xf32, #tpu.memory_space<hbm>>) dst(%arg10 : memref<125x128xf32, #tpu.memory_space<vmem>>)
      } else {
      }
      %dma_start3A_112 = arith.constant 1 : i32
      %dma_start3A_113 = arith.constant 0 : i32
      %dma_start3A_114 = tpu.memref_slice %arg7[%rem3A_90, %dma_start3A_112, %dma_start3A_113] : memref<2x16x125xi32, #tpu.memory_space<vmem>> -> memref<1x1x125xi32, #tpu.memory_space<vmem>>
      %dma_start3A_115 = tpu.memref_squeeze %dma_start3A_114 : memref<1x1x125xi32, #tpu.memory_space<vmem>> -> memref<125xi32, #tpu.memory_space<vmem>>
      %dma_start3A_116 = arith.constant 0 : i32
      %dma_start3A_117 = arith.constant 0 : i32
      %dma_start3A_118 = tpu.memref_slice %arg2[%dma_start3A_116, %dma_start3A_117] : memref<10000x128xf32, #tpu.memory_space<hbm>> -> memref<10000x128xf32, #tpu.memory_space<hbm>>
      tpu.enqueue_indirect_dma source(%dma_start3A_118 : memref<10000x128xf32, #tpu.memory_space<hbm>>) target(%arg10 : memref<125x128xf32, #tpu.memory_space<vmem>>) offsets(%dma_start3A_115 : memref<125xi32, #tpu.memory_space<vmem>>) semaphore(%arg13 : memref<!tpu.dma_semaphore, #tpu.memory_space<semaphore_mem>>)
      tpu.wait_dma2 semaphore(%arg12 : memref<!tpu.dma_semaphore, #tpu.memory_space<semaphore_mem>>) src(%arg5 : memref<125x128xf32, #tpu.memory_space<hbm>>) dst(%arg9 : memref<125x128xf32, #tpu.memory_space<vmem>>)
      %dma_start3A_119 = arith.constant 0 : i32
      %dma_start3A_120 = arith.constant 0 : i32
      %dma_start3A_121 = tpu.memref_slice %arg8[%rem3A_90, %dma_start3A_119, %dma_start3A_120] : memref<2x16x125xi32, #tpu.memory_space<vmem>> -> memref<1x1x125xi32, #tpu.memory_space<vmem>>
      %dma_start3A_122 = tpu.memref_squeeze %dma_start3A_121 : memref<1x1x125xi32, #tpu.memory_space<vmem>> -> memref<125xi32, #tpu.memory_space<vmem>>
      %dma_start3A_123 = arith.constant 0 : i32
      %dma_start3A_124 = arith.constant 0 : i32
      %dma_start3A_125 = tpu.memref_slice %arg11[%dma_start3A_123, %dma_start3A_124] : memref<10240x128xf32, #tpu.memory_space<vmem_shared>> -> memref<10240x128xf32, #tpu.memory_space<vmem_shared>>
      tpu.enqueue_indirect_dma source(%arg9 : memref<125x128xf32, #tpu.memory_space<vmem>>) target(%dma_start3A_125 : memref<10240x128xf32, #tpu.memory_space<vmem_shared>>) offsets(%dma_start3A_122 : memref<125xi32, #tpu.memory_space<vmem>>) semaphore(%arg14 : memref<!tpu.dma_semaphore, #tpu.memory_space<semaphore_mem>>) {add = true}
      tpu.wait_dma2 semaphore(%arg13 : memref<!tpu.dma_semaphore, #tpu.memory_space<semaphore_mem>>) src(%arg5 : memref<125x128xf32, #tpu.memory_space<hbm>>) dst(%arg10 : memref<125x128xf32, #tpu.memory_space<vmem>>)
      %dma_start3A_126 = arith.constant 1 : i32
      %dma_start3A_127 = arith.constant 0 : i32
      %dma_start3A_128 = tpu.memref_slice %arg8[%rem3A_90, %dma_start3A_126, %dma_start3A_127] : memref<2x16x125xi32, #tpu.memory_space<vmem>> -> memref<1x1x125xi32, #tpu.memory_space<vmem>>
      %dma_start3A_129 = tpu.memref_squeeze %dma_start3A_128 : memref<1x1x125xi32, #tpu.memory_space<vmem>> -> memref<125xi32, #tpu.memory_space<vmem>>
      %dma_start3A_130 = arith.constant 0 : i32
      %dma_start3A_131 = arith.constant 0 : i32
      %dma_start3A_132 = tpu.memref_slice %arg11[%dma_start3A_130, %dma_start3A_131] : memref<10240x128xf32, #tpu.memory_space<vmem_shared>> -> memref<10240x128xf32, #tpu.memory_space<vmem_shared>>
      tpu.enqueue_indirect_dma source(%arg10 : memref<125x128xf32, #tpu.memory_space<vmem>>) target(%dma_start3A_132 : memref<10240x128xf32, #tpu.memory_space<vmem_shared>>) offsets(%dma_start3A_129 : memref<125xi32, #tpu.memory_space<vmem>>) semaphore(%arg15 : memref<!tpu.dma_semaphore, #tpu.memory_space<semaphore_mem>>) {add = true}
      tpu.wait_dma2 semaphore(%arg14 : memref<!tpu.dma_semaphore, #tpu.memory_space<semaphore_mem>>) src(%arg5 : memref<125x128xf32, #tpu.memory_space<hbm>>) dst(%arg9 : memref<125x128xf32, #tpu.memory_space<vmem>>)
      %dma_start3A_133 = arith.constant 2 : i32
      %dma_start3A_134 = arith.constant 0 : i32
      %dma_start3A_135 = tpu.memref_slice %arg7[%rem3A_90, %dma_start3A_133, %dma_start3A_134] : memref<2x16x125xi32, #tpu.memory_space<vmem>> -> memref<1x1x125xi32, #tpu.memory_space<vmem>>
      %dma_start3A_136 = tpu.memref_squeeze %dma_start3A_135 : memref<1x1x125xi32, #tpu.memory_space<vmem>> -> memref<125xi32, #tpu.memory_space<vmem>>
      %dma_start3A_137 = arith.constant 0 : i32
      %dma_start3A_138 = arith.constant 0 : i32
      %dma_start3A_139 = tpu.memref_slice %arg2[%dma_start3A_137, %dma_start3A_138] : memref<10000x128xf32, #tpu.memory_space<hbm>> -> memref<10000x128xf32, #tpu.memory_space<hbm>>
      tpu.enqueue_indirect_dma source(%dma_start3A_139 : memref<10000x128xf32, #tpu.memory_space<hbm>>) target(%arg9 : memref<125x128xf32, #tpu.memory_space<vmem>>) offsets(%dma_start3A_136 : memref<125xi32, #tpu.memory_space<vmem>>) semaphore(%arg12 : memref<!tpu.dma_semaphore, #tpu.memory_space<semaphore_mem>>)
      tpu.wait_dma2 semaphore(%arg15 : memref<!tpu.dma_semaphore, #tpu.memory_space<semaphore_mem>>) src(%arg5 : memref<125x128xf32, #tpu.memory_space<hbm>>) dst(%arg10 : memref<125x128xf32, #tpu.memory_space<vmem>>)
      %dma_start3A_140 = arith.constant 3 : i32
      %dma_start3A_141 = arith.constant 0 : i32
      %dma_start3A_142 = tpu.memref_slice %arg7[%rem3A_90, %dma_start3A_140, %dma_start3A_141] : memref<2x16x125xi32, #tpu.memory_space<vmem>> -> memref<1x1x125xi32, #tpu.memory_space<vmem>>
      %dma_start3A_143 = tpu.memref_squeeze %dma_start3A_142 : memref<1x1x125xi32, #tpu.memory_space<vmem>> -> memref<125xi32, #tpu.memory_space<vmem>>
      %dma_start3A_144 = arith.constant 0 : i32
      %dma_start3A_145 = arith.constant 0 : i32
      %dma_start3A_146 = tpu.memref_slice %arg2[%dma_start3A_144, %dma_start3A_145] : memref<10000x128xf32, #tpu.memory_space<hbm>> -> memref<10000x128xf32, #tpu.memory_space<hbm>>
      tpu.enqueue_indirect_dma source(%dma_start3A_146 : memref<10000x128xf32, #tpu.memory_space<hbm>>) target(%arg10 : memref<125x128xf32, #tpu.memory_space<vmem>>) offsets(%dma_start3A_143 : memref<125xi32, #tpu.memory_space<vmem>>) semaphore(%arg13 : memref<!tpu.dma_semaphore, #tpu.memory_space<semaphore_mem>>)
      tpu.wait_dma2 semaphore(%arg12 : memref<!tpu.dma_semaphore, #tpu.memory_space<semaphore_mem>>) src(%arg5 : memref<125x128xf32, #tpu.memory_space<hbm>>) dst(%arg9 : memref<125x128xf32, #tpu.memory_space<vmem>>)
      %dma_start3A_147 = arith.constant 2 : i32
      %dma_start3A_148 = arith.constant 0 : i32
      %dma_start3A_149 = tpu.memref_slice %arg8[%rem3A_90, %dma_start3A_147, %dma_start3A_148] : memref<2x16x125xi32, #tpu.memory_space<vmem>> -> memref<1x1x125xi32, #tpu.memory_space<vmem>>
      %dma_start3A_150 = tpu.memref_squeeze %dma_start3A_149 : memref<1x1x125xi32, #tpu.memory_space<vmem>> -> memref<125xi32, #tpu.memory_space<vmem>>
      %dma_start3A_151 = arith.constant 0 : i32
      %dma_start3A_152 = arith.constant 0 : i32
      %dma_start3A_153 = tpu.memref_slice %arg11[%dma_start3A_151, %dma_start3A_152] : memref<10240x128xf32, #tpu.memory_space<vmem_shared>> -> memref<10240x128xf32, #tpu.memory_space<vmem_shared>>
      tpu.enqueue_indirect_dma source(%arg9 : memref<125x128xf32, #tpu.memory_space<vmem>>) target(%dma_start3A_153 : memref<10240x128xf32, #tpu.memory_space<vmem_shared>>) offsets(%dma_start3A_150 : memref<125xi32, #tpu.memory_space<vmem>>) semaphore(%arg14 : memref<!tpu.dma_semaphore, #tpu.memory_space<semaphore_mem>>) {add = true}
      tpu.wait_dma2 semaphore(%arg13 : memref<!tpu.dma_semaphore, #tpu.memory_space<semaphore_mem>>) src(%arg5 : memref<125x128xf32, #tpu.memory_space<hbm>>) dst(%arg10 : memref<125x128xf32, #tpu.memory_space<vmem>>)
      %dma_start3A_154 = arith.constant 3 : i32
      %dma_start3A_155 = arith.constant 0 : i32
      %dma_start3A_156 = tpu.memref_slice %arg8[%rem3A_90, %dma_start3A_154, %dma_start3A_155] : memref<2x16x125xi32, #tpu.memory_space<vmem>> -> memref<1x1x125xi32, #tpu.memory_space<vmem>>
      %dma_start3A_157 = tpu.memref_squeeze %dma_start3A_156 : memref<1x1x125xi32, #tpu.memory_space<vmem>> -> memref<125xi32, #tpu.memory_space<vmem>>
      %dma_start3A_158 = arith.constant 0 : i32
      %dma_start3A_159 = arith.constant 0 : i32
      %dma_start3A_160 = tpu.memref_slice %arg11[%dma_start3A_158, %dma_start3A_159] : memref<10240x128xf32, #tpu.memory_space<vmem_shared>> -> memref<10240x128xf32, #tpu.memory_space<vmem_shared>>
      tpu.enqueue_indirect_dma source(%arg10 : memref<125x128xf32, #tpu.memory_space<vmem>>) target(%dma_start3A_160 : memref<10240x128xf32, #tpu.memory_space<vmem_shared>>) offsets(%dma_start3A_157 : memref<125xi32, #tpu.memory_space<vmem>>) semaphore(%arg15 : memref<!tpu.dma_semaphore, #tpu.memory_space<semaphore_mem>>) {add = true}
      tpu.wait_dma2 semaphore(%arg14 : memref<!tpu.dma_semaphore, #tpu.memory_space<semaphore_mem>>) src(%arg5 : memref<125x128xf32, #tpu.memory_space<hbm>>) dst(%arg9 : memref<125x128xf32, #tpu.memory_space<vmem>>)
      %dma_start3A_161 = arith.constant 4 : i32
      %dma_start3A_162 = arith.constant 0 : i32
      %dma_start3A_163 = tpu.memref_slice %arg7[%rem3A_90, %dma_start3A_161, %dma_start3A_162] : memref<2x16x125xi32, #tpu.memory_space<vmem>> -> memref<1x1x125xi32, #tpu.memory_space<vmem>>
      %dma_start3A_164 = tpu.memref_squeeze %dma_start3A_163 : memref<1x1x125xi32, #tpu.memory_space<vmem>> -> memref<125xi32, #tpu.memory_space<vmem>>
      %dma_start3A_165 = arith.constant 0 : i32
      %dma_start3A_166 = arith.constant 0 : i32
      %dma_start3A_167 = tpu.memref_slice %arg2[%dma_start3A_165, %dma_start3A_166] : memref<10000x128xf32, #tpu.memory_space<hbm>> -> memref<10000x128xf32, #tpu.memory_space<hbm>>
      tpu.enqueue_indirect_dma source(%dma_start3A_167 : memref<10000x128xf32, #tpu.memory_space<hbm>>) target(%arg9 : memref<125x128xf32, #tpu.memory_space<vmem>>) offsets(%dma_start3A_164 : memref<125xi32, #tpu.memory_space<vmem>>) semaphore(%arg12 : memref<!tpu.dma_semaphore, #tpu.memory_space<semaphore_mem>>)
      tpu.wait_dma2 semaphore(%arg15 : memref<!tpu.dma_semaphore, #tpu.memory_space<semaphore_mem>>) src(%arg5 : memref<125x128xf32, #tpu.memory_space<hbm>>) dst(%arg10 : memref<125x128xf32, #tpu.memory_space<vmem>>)
      %dma_start3A_168 = arith.constant 5 : i32
      %dma_start3A_169 = arith.constant 0 : i32
      %dma_start3A_170 = tpu.memref_slice %arg7[%rem3A_90, %dma_start3A_168, %dma_start3A_169] : memref<2x16x125xi32, #tpu.memory_space<vmem>> -> memref<1x1x125xi32, #tpu.memory_space<vmem>>
      %dma_start3A_171 = tpu.memref_squeeze %dma_start3A_170 : memref<1x1x125xi32, #tpu.memory_space<vmem>> -> memref<125xi32, #tpu.memory_space<vmem>>
      %dma_start3A_172 = arith.constant 0 : i32
      %dma_start3A_173 = arith.constant 0 : i32
      %dma_start3A_174 = tpu.memref_slice %arg2[%dma_start3A_172, %dma_start3A_173] : memref<10000x128xf32, #tpu.memory_space<hbm>> -> memref<10000x128xf32, #tpu.memory_space<hbm>>
      tpu.enqueue_indirect_dma source(%dma_start3A_174 : memref<10000x128xf32, #tpu.memory_space<hbm>>) target(%arg10 : memref<125x128xf32, #tpu.memory_space<vmem>>) offsets(%dma_start3A_171 : memref<125xi32, #tpu.memory_space<vmem>>) semaphore(%arg13 : memref<!tpu.dma_semaphore, #tpu.memory_space<semaphore_mem>>)
      tpu.wait_dma2 semaphore(%arg12 : memref<!tpu.dma_semaphore, #tpu.memory_space<semaphore_mem>>) src(%arg5 : memref<125x128xf32, #tpu.memory_space<hbm>>) dst(%arg9 : memref<125x128xf32, #tpu.memory_space<vmem>>)
      %dma_start3A_175 = arith.constant 4 : i32
      %dma_start3A_176 = arith.constant 0 : i32
      %dma_start3A_177 = tpu.memref_slice %arg8[%rem3A_90, %dma_start3A_175, %dma_start3A_176] : memref<2x16x125xi32, #tpu.memory_space<vmem>> -> memref<1x1x125xi32, #tpu.memory_space<vmem>>
      %dma_start3A_178 = tpu.memref_squeeze %dma_start3A_177 : memref<1x1x125xi32, #tpu.memory_space<vmem>> -> memref<125xi32, #tpu.memory_space<vmem>>
      %dma_start3A_179 = arith.constant 0 : i32
      %dma_start3A_180 = arith.constant 0 : i32
      %dma_start3A_181 = tpu.memref_slice %arg11[%dma_start3A_179, %dma_start3A_180] : memref<10240x128xf32, #tpu.memory_space<vmem_shared>> -> memref<10240x128xf32, #tpu.memory_space<vmem_shared>>
      tpu.enqueue_indirect_dma source(%arg9 : memref<125x128xf32, #tpu.memory_space<vmem>>) target(%dma_start3A_181 : memref<10240x128xf32, #tpu.memory_space<vmem_shared>>) offsets(%dma_start3A_178 : memref<125xi32, #tpu.memory_space<vmem>>) semaphore(%arg14 : memref<!tpu.dma_semaphore, #tpu.memory_space<semaphore_mem>>) {add = true}
      tpu.wait_dma2 semaphore(%arg13 : memref<!tpu.dma_semaphore, #tpu.memory_space<semaphore_mem>>) src(%arg5 : memref<125x128xf32, #tpu.memory_space<hbm>>) dst(%arg10 : memref<125x128xf32, #tpu.memory_space<vmem>>)
      %dma_start3A_182 = arith.constant 5 : i32
      %dma_start3A_183 = arith.constant 0 : i32
      %dma_start3A_184 = tpu.memref_slice %arg8[%rem3A_90, %dma_start3A_182, %dma_start3A_183] : memref<2x16x125xi32, #tpu.memory_space<vmem>> -> memref<1x1x125xi32, #tpu.memory_space<vmem>>
      %dma_start3A_185 = tpu.memref_squeeze %dma_start3A_184 : memref<1x1x125xi32, #tpu.memory_space<vmem>> -> memref<125xi32, #tpu.memory_space<vmem>>
      %dma_start3A_186 = arith.constant 0 : i32
      %dma_start3A_187 = arith.constant 0 : i32
      %dma_start3A_188 = tpu.memref_slice %arg11[%dma_start3A_186, %dma_start3A_187] : memref<10240x128xf32, #tpu.memory_space<vmem_shared>> -> memref<10240x128xf32, #tpu.memory_space<vmem_shared>>
      tpu.enqueue_indirect_dma source(%arg10 : memref<125x128xf32, #tpu.memory_space<vmem>>) target(%dma_start3A_188 : memref<10240x128xf32, #tpu.memory_space<vmem_shared>>) offsets(%dma_start3A_185 : memref<125xi32, #tpu.memory_space<vmem>>) semaphore(%arg15 : memref<!tpu.dma_semaphore, #tpu.memory_space<semaphore_mem>>) {add = true}
      tpu.wait_dma2 semaphore(%arg14 : memref<!tpu.dma_semaphore, #tpu.memory_space<semaphore_mem>>) src(%arg5 : memref<125x128xf32, #tpu.memory_space<hbm>>) dst(%arg9 : memref<125x128xf32, #tpu.memory_space<vmem>>)
      %dma_start3A_189 = arith.constant 6 : i32
      %dma_start3A_190 = arith.constant 0 : i32
      %dma_start3A_191 = tpu.memref_slice %arg7[%rem3A_90, %dma_start3A_189, %dma_start3A_190] : memref<2x16x125xi32, #tpu.memory_space<vmem>> -> memref<1x1x125xi32, #tpu.memory_space<vmem>>
      %dma_start3A_192 = tpu.memref_squeeze %dma_start3A_191 : memref<1x1x125xi32, #tpu.memory_space<vmem>> -> memref<125xi32, #tpu.memory_space<vmem>>
      %dma_start3A_193 = arith.constant 0 : i32
      %dma_start3A_194 = arith.constant 0 : i32
      %dma_start3A_195 = tpu.memref_slice %arg2[%dma_start3A_193, %dma_start3A_194] : memref<10000x128xf32, #tpu.memory_space<hbm>> -> memref<10000x128xf32, #tpu.memory_space<hbm>>
      tpu.enqueue_indirect_dma source(%dma_start3A_195 : memref<10000x128xf32, #tpu.memory_space<hbm>>) target(%arg9 : memref<125x128xf32, #tpu.memory_space<vmem>>) offsets(%dma_start3A_192 : memref<125xi32, #tpu.memory_space<vmem>>) semaphore(%arg12 : memref<!tpu.dma_semaphore, #tpu.memory_space<semaphore_mem>>)
      tpu.wait_dma2 semaphore(%arg15 : memref<!tpu.dma_semaphore, #tpu.memory_space<semaphore_mem>>) src(%arg5 : memref<125x128xf32, #tpu.memory_space<hbm>>) dst(%arg10 : memref<125x128xf32, #tpu.memory_space<vmem>>)
      %dma_start3A_196 = arith.constant 7 : i32
      %dma_start3A_197 = arith.constant 0 : i32
      %dma_start3A_198 = tpu.memref_slice %arg7[%rem3A_90, %dma_start3A_196, %dma_start3A_197] : memref<2x16x125xi32, #tpu.memory_space<vmem>> -> memref<1x1x125xi32, #tpu.memory_space<vmem>>
      %dma_start3A_199 = tpu.memref_squeeze %dma_start3A_198 : memref<1x1x125xi32, #tpu.memory_space<vmem>> -> memref<125xi32, #tpu.memory_space<vmem>>
      %dma_start3A_200 = arith.constant 0 : i32
      %dma_start3A_201 = arith.constant 0 : i32
      %dma_start3A_202 = tpu.memref_slice %arg2[%dma_start3A_200, %dma_start3A_201] : memref<10000x128xf32, #tpu.memory_space<hbm>> -> memref<10000x128xf32, #tpu.memory_space<hbm>>
      tpu.enqueue_indirect_dma source(%dma_start3A_202 : memref<10000x128xf32, #tpu.memory_space<hbm>>) target(%arg10 : memref<125x128xf32, #tpu.memory_space<vmem>>) offsets(%dma_start3A_199 : memref<125xi32, #tpu.memory_space<vmem>>) semaphore(%arg13 : memref<!tpu.dma_semaphore, #tpu.memory_space<semaphore_mem>>)
      tpu.wait_dma2 semaphore(%arg12 : memref<!tpu.dma_semaphore, #tpu.memory_space<semaphore_mem>>) src(%arg5 : memref<125x128xf32, #tpu.memory_space<hbm>>) dst(%arg9 : memref<125x128xf32, #tpu.memory_space<vmem>>)
      %dma_start3A_203 = arith.constant 6 : i32
      %dma_start3A_204 = arith.constant 0 : i32
      %dma_start3A_205 = tpu.memref_slice %arg8[%rem3A_90, %dma_start3A_203, %dma_start3A_204] : memref<2x16x125xi32, #tpu.memory_space<vmem>> -> memref<1x1x125xi32, #tpu.memory_space<vmem>>
      %dma_start3A_206 = tpu.memref_squeeze %dma_start3A_205 : memref<1x1x125xi32, #tpu.memory_space<vmem>> -> memref<125xi32, #tpu.memory_space<vmem>>
      %dma_start3A_207 = arith.constant 0 : i32
      %dma_start3A_208 = arith.constant 0 : i32
      %dma_start3A_209 = tpu.memref_slice %arg11[%dma_start3A_207, %dma_start3A_208] : memref<10240x128xf32, #tpu.memory_space<vmem_shared>> -> memref<10240x128xf32, #tpu.memory_space<vmem_shared>>
      tpu.enqueue_indirect_dma source(%arg9 : memref<125x128xf32, #tpu.memory_space<vmem>>) target(%dma_start3A_209 : memref<10240x128xf32, #tpu.memory_space<vmem_shared>>) offsets(%dma_start3A_206 : memref<125xi32, #tpu.memory_space<vmem>>) semaphore(%arg14 : memref<!tpu.dma_semaphore, #tpu.memory_space<semaphore_mem>>) {add = true}
      tpu.wait_dma2 semaphore(%arg13 : memref<!tpu.dma_semaphore, #tpu.memory_space<semaphore_mem>>) src(%arg5 : memref<125x128xf32, #tpu.memory_space<hbm>>) dst(%arg10 : memref<125x128xf32, #tpu.memory_space<vmem>>)
      %dma_start3A_210 = arith.constant 7 : i32
      %dma_start3A_211 = arith.constant 0 : i32
      %dma_start3A_212 = tpu.memref_slice %arg8[%rem3A_90, %dma_start3A_210, %dma_start3A_211] : memref<2x16x125xi32, #tpu.memory_space<vmem>> -> memref<1x1x125xi32, #tpu.memory_space<vmem>>
      %dma_start3A_213 = tpu.memref_squeeze %dma_start3A_212 : memref<1x1x125xi32, #tpu.memory_space<vmem>> -> memref<125xi32, #tpu.memory_space<vmem>>
      %dma_start3A_214 = arith.constant 0 : i32
      %dma_start3A_215 = arith.constant 0 : i32
      %dma_start3A_216 = tpu.memref_slice %arg11[%dma_start3A_214, %dma_start3A_215] : memref<10240x128xf32, #tpu.memory_space<vmem_shared>> -> memref<10240x128xf32, #tpu.memory_space<vmem_shared>>
      tpu.enqueue_indirect_dma source(%arg10 : memref<125x128xf32, #tpu.memory_space<vmem>>) target(%dma_start3A_216 : memref<10240x128xf32, #tpu.memory_space<vmem_shared>>) offsets(%dma_start3A_213 : memref<125xi32, #tpu.memory_space<vmem>>) semaphore(%arg15 : memref<!tpu.dma_semaphore, #tpu.memory_space<semaphore_mem>>) {add = true}
      tpu.wait_dma2 semaphore(%arg14 : memref<!tpu.dma_semaphore, #tpu.memory_space<semaphore_mem>>) src(%arg5 : memref<125x128xf32, #tpu.memory_space<hbm>>) dst(%arg9 : memref<125x128xf32, #tpu.memory_space<vmem>>)
      %dma_start3A_217 = arith.constant 8 : i32
      %dma_start3A_218 = arith.constant 0 : i32
      %dma_start3A_219 = tpu.memref_slice %arg7[%rem3A_90, %dma_start3A_217, %dma_start3A_218] : memref<2x16x125xi32, #tpu.memory_space<vmem>> -> memref<1x1x125xi32, #tpu.memory_space<vmem>>
      %dma_start3A_220 = tpu.memref_squeeze %dma_start3A_219 : memref<1x1x125xi32, #tpu.memory_space<vmem>> -> memref<125xi32, #tpu.memory_space<vmem>>
      %dma_start3A_221 = arith.constant 0 : i32
      %dma_start3A_222 = arith.constant 0 : i32
      %dma_start3A_223 = tpu.memref_slice %arg2[%dma_start3A_221, %dma_start3A_222] : memref<10000x128xf32, #tpu.memory_space<hbm>> -> memref<10000x128xf32, #tpu.memory_space<hbm>>
      tpu.enqueue_indirect_dma source(%dma_start3A_223 : memref<10000x128xf32, #tpu.memory_space<hbm>>) target(%arg9 : memref<125x128xf32, #tpu.memory_space<vmem>>) offsets(%dma_start3A_220 : memref<125xi32, #tpu.memory_space<vmem>>) semaphore(%arg12 : memref<!tpu.dma_semaphore, #tpu.memory_space<semaphore_mem>>)
      tpu.wait_dma2 semaphore(%arg15 : memref<!tpu.dma_semaphore, #tpu.memory_space<semaphore_mem>>) src(%arg5 : memref<125x128xf32, #tpu.memory_space<hbm>>) dst(%arg10 : memref<125x128xf32, #tpu.memory_space<vmem>>)
      %dma_start3A_224 = arith.constant 9 : i32
      %dma_start3A_225 = arith.constant 0 : i32
      %dma_start3A_226 = tpu.memref_slice %arg7[%rem3A_90, %dma_start3A_224, %dma_start3A_225] : memref<2x16x125xi32, #tpu.memory_space<vmem>> -> memref<1x1x125xi32, #tpu.memory_space<vmem>>
      %dma_start3A_227 = tpu.memref_squeeze %dma_start3A_226 : memref<1x1x125xi32, #tpu.memory_space<vmem>> -> memref<125xi32, #tpu.memory_space<vmem>>
      %dma_start3A_228 = arith.constant 0 : i32
      %dma_start3A_229 = arith.constant 0 : i32
      %dma_start3A_230 = tpu.memref_slice %arg2[%dma_start3A_228, %dma_start3A_229] : memref<10000x128xf32, #tpu.memory_space<hbm>> -> memref<10000x128xf32, #tpu.memory_space<hbm>>
      tpu.enqueue_indirect_dma source(%dma_start3A_230 : memref<10000x128xf32, #tpu.memory_space<hbm>>) target(%arg10 : memref<125x128xf32, #tpu.memory_space<vmem>>) offsets(%dma_start3A_227 : memref<125xi32, #tpu.memory_space<vmem>>) semaphore(%arg13 : memref<!tpu.dma_semaphore, #tpu.memory_space<semaphore_mem>>)
      tpu.wait_dma2 semaphore(%arg12 : memref<!tpu.dma_semaphore, #tpu.memory_space<semaphore_mem>>) src(%arg5 : memref<125x128xf32, #tpu.memory_space<hbm>>) dst(%arg9 : memref<125x128xf32, #tpu.memory_space<vmem>>)
      %dma_start3A_231 = arith.constant 8 : i32
      %dma_start3A_232 = arith.constant 0 : i32
      %dma_start3A_233 = tpu.memref_slice %arg8[%rem3A_90, %dma_start3A_231, %dma_start3A_232] : memref<2x16x125xi32, #tpu.memory_space<vmem>> -> memref<1x1x125xi32, #tpu.memory_space<vmem>>
      %dma_start3A_234 = tpu.memref_squeeze %dma_start3A_233 : memref<1x1x125xi32, #tpu.memory_space<vmem>> -> memref<125xi32, #tpu.memory_space<vmem>>
      %dma_start3A_235 = arith.constant 0 : i32
      %dma_start3A_236 = arith.constant 0 : i32
      %dma_start3A_237 = tpu.memref_slice %arg11[%dma_start3A_235, %dma_start3A_236] : memref<10240x128xf32, #tpu.memory_space<vmem_shared>> -> memref<10240x128xf32, #tpu.memory_space<vmem_shared>>
      tpu.enqueue_indirect_dma source(%arg9 : memref<125x128xf32, #tpu.memory_space<vmem>>) target(%dma_start3A_237 : memref<10240x128xf32, #tpu.memory_space<vmem_shared>>) offsets(%dma_start3A_234 : memref<125xi32, #tpu.memory_space<vmem>>) semaphore(%arg14 : memref<!tpu.dma_semaphore, #tpu.memory_space<semaphore_mem>>) {add = true}
      tpu.wait_dma2 semaphore(%arg13 : memref<!tpu.dma_semaphore, #tpu.memory_space<semaphore_mem>>) src(%arg5 : memref<125x128xf32, #tpu.memory_space<hbm>>) dst(%arg10 : memref<125x128xf32, #tpu.memory_space<vmem>>)
      %dma_start3A_238 = arith.constant 9 : i32
      %dma_start3A_239 = arith.constant 0 : i32
      %dma_start3A_240 = tpu.memref_slice %arg8[%rem3A_90, %dma_start3A_238, %dma_start3A_239] : memref<2x16x125xi32, #tpu.memory_space<vmem>> -> memref<1x1x125xi32, #tpu.memory_space<vmem>>
      %dma_start3A_241 = tpu.memref_squeeze %dma_start3A_240 : memref<1x1x125xi32, #tpu.memory_space<vmem>> -> memref<125xi32, #tpu.memory_space<vmem>>
      %dma_start3A_242 = arith.constant 0 : i32
      %dma_start3A_243 = arith.constant 0 : i32
      %dma_start3A_244 = tpu.memref_slice %arg11[%dma_start3A_242, %dma_start3A_243] : memref<10240x128xf32, #tpu.memory_space<vmem_shared>> -> memref<10240x128xf32, #tpu.memory_space<vmem_shared>>
      tpu.enqueue_indirect_dma source(%arg10 : memref<125x128xf32, #tpu.memory_space<vmem>>) target(%dma_start3A_244 : memref<10240x128xf32, #tpu.memory_space<vmem_shared>>) offsets(%dma_start3A_241 : memref<125xi32, #tpu.memory_space<vmem>>) semaphore(%arg15 : memref<!tpu.dma_semaphore, #tpu.memory_space<semaphore_mem>>) {add = true}
      tpu.wait_dma2 semaphore(%arg14 : memref<!tpu.dma_semaphore, #tpu.memory_space<semaphore_mem>>) src(%arg5 : memref<125x128xf32, #tpu.memory_space<hbm>>) dst(%arg9 : memref<125x128xf32, #tpu.memory_space<vmem>>)
      %dma_start3A_245 = arith.constant 10 : i32
      %dma_start3A_246 = arith.constant 0 : i32
      %dma_start3A_247 = tpu.memref_slice %arg7[%rem3A_90, %dma_start3A_245, %dma_start3A_246] : memref<2x16x125xi32, #tpu.memory_space<vmem>> -> memref<1x1x125xi32, #tpu.memory_space<vmem>>
      %dma_start3A_248 = tpu.memref_squeeze %dma_start3A_247 : memref<1x1x125xi32, #tpu.memory_space<vmem>> -> memref<125xi32, #tpu.memory_space<vmem>>
      %dma_start3A_249 = arith.constant 0 : i32
      %dma_start3A_250 = arith.constant 0 : i32
      %dma_start3A_251 = tpu.memref_slice %arg2[%dma_start3A_249, %dma_start3A_250] : memref<10000x128xf32, #tpu.memory_space<hbm>> -> memref<10000x128xf32, #tpu.memory_space<hbm>>
      tpu.enqueue_indirect_dma source(%dma_start3A_251 : memref<10000x128xf32, #tpu.memory_space<hbm>>) target(%arg9 : memref<125x128xf32, #tpu.memory_space<vmem>>) offsets(%dma_start3A_248 : memref<125xi32, #tpu.memory_space<vmem>>) semaphore(%arg12 : memref<!tpu.dma_semaphore, #tpu.memory_space<semaphore_mem>>)
      tpu.wait_dma2 semaphore(%arg15 : memref<!tpu.dma_semaphore, #tpu.memory_space<semaphore_mem>>) src(%arg5 : memref<125x128xf32, #tpu.memory_space<hbm>>) dst(%arg10 : memref<125x128xf32, #tpu.memory_space<vmem>>)
      %dma_start3A_252 = arith.constant 11 : i32
      %dma_start3A_253 = arith.constant 0 : i32
      %dma_start3A_254 = tpu.memref_slice %arg7[%rem3A_90, %dma_start3A_252, %dma_start3A_253] : memref<2x16x125xi32, #tpu.memory_space<vmem>> -> memref<1x1x125xi32, #tpu.memory_space<vmem>>
      %dma_start3A_255 = tpu.memref_squeeze %dma_start3A_254 : memref<1x1x125xi32, #tpu.memory_space<vmem>> -> memref<125xi32, #tpu.memory_space<vmem>>
      %dma_start3A_256 = arith.constant 0 : i32
      %dma_start3A_257 = arith.constant 0 : i32
      %dma_start3A_258 = tpu.memref_slice %arg2[%dma_start3A_256, %dma_start3A_257] : memref<10000x128xf32, #tpu.memory_space<hbm>> -> memref<10000x128xf32, #tpu.memory_space<hbm>>
      tpu.enqueue_indirect_dma source(%dma_start3A_258 : memref<10000x128xf32, #tpu.memory_space<hbm>>) target(%arg10 : memref<125x128xf32, #tpu.memory_space<vmem>>) offsets(%dma_start3A_255 : memref<125xi32, #tpu.memory_space<vmem>>) semaphore(%arg13 : memref<!tpu.dma_semaphore, #tpu.memory_space<semaphore_mem>>)
      tpu.wait_dma2 semaphore(%arg12 : memref<!tpu.dma_semaphore, #tpu.memory_space<semaphore_mem>>) src(%arg5 : memref<125x128xf32, #tpu.memory_space<hbm>>) dst(%arg9 : memref<125x128xf32, #tpu.memory_space<vmem>>)
      %dma_start3A_259 = arith.constant 10 : i32
      %dma_start3A_260 = arith.constant 0 : i32
      %dma_start3A_261 = tpu.memref_slice %arg8[%rem3A_90, %dma_start3A_259, %dma_start3A_260] : memref<2x16x125xi32, #tpu.memory_space<vmem>> -> memref<1x1x125xi32, #tpu.memory_space<vmem>>
      %dma_start3A_262 = tpu.memref_squeeze %dma_start3A_261 : memref<1x1x125xi32, #tpu.memory_space<vmem>> -> memref<125xi32, #tpu.memory_space<vmem>>
      %dma_start3A_263 = arith.constant 0 : i32
      %dma_start3A_264 = arith.constant 0 : i32
      %dma_start3A_265 = tpu.memref_slice %arg11[%dma_start3A_263, %dma_start3A_264] : memref<10240x128xf32, #tpu.memory_space<vmem_shared>> -> memref<10240x128xf32, #tpu.memory_space<vmem_shared>>
      tpu.enqueue_indirect_dma source(%arg9 : memref<125x128xf32, #tpu.memory_space<vmem>>) target(%dma_start3A_265 : memref<10240x128xf32, #tpu.memory_space<vmem_shared>>) offsets(%dma_start3A_262 : memref<125xi32, #tpu.memory_space<vmem>>) semaphore(%arg14 : memref<!tpu.dma_semaphore, #tpu.memory_space<semaphore_mem>>) {add = true}
      tpu.wait_dma2 semaphore(%arg13 : memref<!tpu.dma_semaphore, #tpu.memory_space<semaphore_mem>>) src(%arg5 : memref<125x128xf32, #tpu.memory_space<hbm>>) dst(%arg10 : memref<125x128xf32, #tpu.memory_space<vmem>>)
      %dma_start3A_266 = arith.constant 11 : i32
      %dma_start3A_267 = arith.constant 0 : i32
      %dma_start3A_268 = tpu.memref_slice %arg8[%rem3A_90, %dma_start3A_266, %dma_start3A_267] : memref<2x16x125xi32, #tpu.memory_space<vmem>> -> memref<1x1x125xi32, #tpu.memory_space<vmem>>
      %dma_start3A_269 = tpu.memref_squeeze %dma_start3A_268 : memref<1x1x125xi32, #tpu.memory_space<vmem>> -> memref<125xi32, #tpu.memory_space<vmem>>
      %dma_start3A_270 = arith.constant 0 : i32
      %dma_start3A_271 = arith.constant 0 : i32
      %dma_start3A_272 = tpu.memref_slice %arg11[%dma_start3A_270, %dma_start3A_271] : memref<10240x128xf32, #tpu.memory_space<vmem_shared>> -> memref<10240x128xf32, #tpu.memory_space<vmem_shared>>
      tpu.enqueue_indirect_dma source(%arg10 : memref<125x128xf32, #tpu.memory_space<vmem>>) target(%dma_start3A_272 : memref<10240x128xf32, #tpu.memory_space<vmem_shared>>) offsets(%dma_start3A_269 : memref<125xi32, #tpu.memory_space<vmem>>) semaphore(%arg15 : memref<!tpu.dma_semaphore, #tpu.memory_space<semaphore_mem>>) {add = true}
      tpu.wait_dma2 semaphore(%arg14 : memref<!tpu.dma_semaphore, #tpu.memory_space<semaphore_mem>>) src(%arg5 : memref<125x128xf32, #tpu.memory_space<hbm>>) dst(%arg9 : memref<125x128xf32, #tpu.memory_space<vmem>>)
      %dma_start3A_273 = arith.constant 12 : i32
      %dma_start3A_274 = arith.constant 0 : i32
      %dma_start3A_275 = tpu.memref_slice %arg7[%rem3A_90, %dma_start3A_273, %dma_start3A_274] : memref<2x16x125xi32, #tpu.memory_space<vmem>> -> memref<1x1x125xi32, #tpu.memory_space<vmem>>
      %dma_start3A_276 = tpu.memref_squeeze %dma_start3A_275 : memref<1x1x125xi32, #tpu.memory_space<vmem>> -> memref<125xi32, #tpu.memory_space<vmem>>
      %dma_start3A_277 = arith.constant 0 : i32
      %dma_start3A_278 = arith.constant 0 : i32
      %dma_start3A_279 = tpu.memref_slice %arg2[%dma_start3A_277, %dma_start3A_278] : memref<10000x128xf32, #tpu.memory_space<hbm>> -> memref<10000x128xf32, #tpu.memory_space<hbm>>
      tpu.enqueue_indirect_dma source(%dma_start3A_279 : memref<10000x128xf32, #tpu.memory_space<hbm>>) target(%arg9 : memref<125x128xf32, #tpu.memory_space<vmem>>) offsets(%dma_start3A_276 : memref<125xi32, #tpu.memory_space<vmem>>) semaphore(%arg12 : memref<!tpu.dma_semaphore, #tpu.memory_space<semaphore_mem>>)
      tpu.wait_dma2 semaphore(%arg15 : memref<!tpu.dma_semaphore, #tpu.memory_space<semaphore_mem>>) src(%arg5 : memref<125x128xf32, #tpu.memory_space<hbm>>) dst(%arg10 : memref<125x128xf32, #tpu.memory_space<vmem>>)
      %dma_start3A_280 = arith.constant 13 : i32
      %dma_start3A_281 = arith.constant 0 : i32
      %dma_start3A_282 = tpu.memref_slice %arg7[%rem3A_90, %dma_start3A_280, %dma_start3A_281] : memref<2x16x125xi32, #tpu.memory_space<vmem>> -> memref<1x1x125xi32, #tpu.memory_space<vmem>>
      %dma_start3A_283 = tpu.memref_squeeze %dma_start3A_282 : memref<1x1x125xi32, #tpu.memory_space<vmem>> -> memref<125xi32, #tpu.memory_space<vmem>>
      %dma_start3A_284 = arith.constant 0 : i32
      %dma_start3A_285 = arith.constant 0 : i32
      %dma_start3A_286 = tpu.memref_slice %arg2[%dma_start3A_284, %dma_start3A_285] : memref<10000x128xf32, #tpu.memory_space<hbm>> -> memref<10000x128xf32, #tpu.memory_space<hbm>>
      tpu.enqueue_indirect_dma source(%dma_start3A_286 : memref<10000x128xf32, #tpu.memory_space<hbm>>) target(%arg10 : memref<125x128xf32, #tpu.memory_space<vmem>>) offsets(%dma_start3A_283 : memref<125xi32, #tpu.memory_space<vmem>>) semaphore(%arg13 : memref<!tpu.dma_semaphore, #tpu.memory_space<semaphore_mem>>)
      tpu.wait_dma2 semaphore(%arg12 : memref<!tpu.dma_semaphore, #tpu.memory_space<semaphore_mem>>) src(%arg5 : memref<125x128xf32, #tpu.memory_space<hbm>>) dst(%arg9 : memref<125x128xf32, #tpu.memory_space<vmem>>)
      %dma_start3A_287 = arith.constant 12 : i32
      %dma_start3A_288 = arith.constant 0 : i32
      %dma_start3A_289 = tpu.memref_slice %arg8[%rem3A_90, %dma_start3A_287, %dma_start3A_288] : memref<2x16x125xi32, #tpu.memory_space<vmem>> -> memref<1x1x125xi32, #tpu.memory_space<vmem>>
      %dma_start3A_290 = tpu.memref_squeeze %dma_start3A_289 : memref<1x1x125xi32, #tpu.memory_space<vmem>> -> memref<125xi32, #tpu.memory_space<vmem>>
      %dma_start3A_291 = arith.constant 0 : i32
      %dma_start3A_292 = arith.constant 0 : i32
      %dma_start3A_293 = tpu.memref_slice %arg11[%dma_start3A_291, %dma_start3A_292] : memref<10240x128xf32, #tpu.memory_space<vmem_shared>> -> memref<10240x128xf32, #tpu.memory_space<vmem_shared>>
      tpu.enqueue_indirect_dma source(%arg9 : memref<125x128xf32, #tpu.memory_space<vmem>>) target(%dma_start3A_293 : memref<10240x128xf32, #tpu.memory_space<vmem_shared>>) offsets(%dma_start3A_290 : memref<125xi32, #tpu.memory_space<vmem>>) semaphore(%arg14 : memref<!tpu.dma_semaphore, #tpu.memory_space<semaphore_mem>>) {add = true}
      tpu.wait_dma2 semaphore(%arg13 : memref<!tpu.dma_semaphore, #tpu.memory_space<semaphore_mem>>) src(%arg5 : memref<125x128xf32, #tpu.memory_space<hbm>>) dst(%arg10 : memref<125x128xf32, #tpu.memory_space<vmem>>)
      %dma_start3A_294 = arith.constant 13 : i32
      %dma_start3A_295 = arith.constant 0 : i32
      %dma_start3A_296 = tpu.memref_slice %arg8[%rem3A_90, %dma_start3A_294, %dma_start3A_295] : memref<2x16x125xi32, #tpu.memory_space<vmem>> -> memref<1x1x125xi32, #tpu.memory_space<vmem>>
      %dma_start3A_297 = tpu.memref_squeeze %dma_start3A_296 : memref<1x1x125xi32, #tpu.memory_space<vmem>> -> memref<125xi32, #tpu.memory_space<vmem>>
      %dma_start3A_298 = arith.constant 0 : i32
      %dma_start3A_299 = arith.constant 0 : i32
      %dma_start3A_300 = tpu.memref_slice %arg11[%dma_start3A_298, %dma_start3A_299] : memref<10240x128xf32, #tpu.memory_space<vmem_shared>> -> memref<10240x128xf32, #tpu.memory_space<vmem_shared>>
      tpu.enqueue_indirect_dma source(%arg10 : memref<125x128xf32, #tpu.memory_space<vmem>>) target(%dma_start3A_300 : memref<10240x128xf32, #tpu.memory_space<vmem_shared>>) offsets(%dma_start3A_297 : memref<125xi32, #tpu.memory_space<vmem>>) semaphore(%arg15 : memref<!tpu.dma_semaphore, #tpu.memory_space<semaphore_mem>>) {add = true}
      tpu.wait_dma2 semaphore(%arg14 : memref<!tpu.dma_semaphore, #tpu.memory_space<semaphore_mem>>) src(%arg5 : memref<125x128xf32, #tpu.memory_space<hbm>>) dst(%arg9 : memref<125x128xf32, #tpu.memory_space<vmem>>)
      %dma_start3A_301 = arith.constant 14 : i32
      %dma_start3A_302 = arith.constant 0 : i32
      %dma_start3A_303 = tpu.memref_slice %arg7[%rem3A_90, %dma_start3A_301, %dma_start3A_302] : memref<2x16x125xi32, #tpu.memory_space<vmem>> -> memref<1x1x125xi32, #tpu.memory_space<vmem>>
      %dma_start3A_304 = tpu.memref_squeeze %dma_start3A_303 : memref<1x1x125xi32, #tpu.memory_space<vmem>> -> memref<125xi32, #tpu.memory_space<vmem>>
      %dma_start3A_305 = arith.constant 0 : i32
      %dma_start3A_306 = arith.constant 0 : i32
      %dma_start3A_307 = tpu.memref_slice %arg2[%dma_start3A_305, %dma_start3A_306] : memref<10000x128xf32, #tpu.memory_space<hbm>> -> memref<10000x128xf32, #tpu.memory_space<hbm>>
      tpu.enqueue_indirect_dma source(%dma_start3A_307 : memref<10000x128xf32, #tpu.memory_space<hbm>>) target(%arg9 : memref<125x128xf32, #tpu.memory_space<vmem>>) offsets(%dma_start3A_304 : memref<125xi32, #tpu.memory_space<vmem>>) semaphore(%arg12 : memref<!tpu.dma_semaphore, #tpu.memory_space<semaphore_mem>>)
      tpu.wait_dma2 semaphore(%arg15 : memref<!tpu.dma_semaphore, #tpu.memory_space<semaphore_mem>>) src(%arg5 : memref<125x128xf32, #tpu.memory_space<hbm>>) dst(%arg10 : memref<125x128xf32, #tpu.memory_space<vmem>>)
      %dma_start3A_308 = arith.constant 15 : i32
      %dma_start3A_309 = arith.constant 0 : i32
      %dma_start3A_310 = tpu.memref_slice %arg7[%rem3A_90, %dma_start3A_308, %dma_start3A_309] : memref<2x16x125xi32, #tpu.memory_space<vmem>> -> memref<1x1x125xi32, #tpu.memory_space<vmem>>
      %dma_start3A_311 = tpu.memref_squeeze %dma_start3A_310 : memref<1x1x125xi32, #tpu.memory_space<vmem>> -> memref<125xi32, #tpu.memory_space<vmem>>
      %dma_start3A_312 = arith.constant 0 : i32
      %dma_start3A_313 = arith.constant 0 : i32
      %dma_start3A_314 = tpu.memref_slice %arg2[%dma_start3A_312, %dma_start3A_313] : memref<10000x128xf32, #tpu.memory_space<hbm>> -> memref<10000x128xf32, #tpu.memory_space<hbm>>
      tpu.enqueue_indirect_dma source(%dma_start3A_314 : memref<10000x128xf32, #tpu.memory_space<hbm>>) target(%arg10 : memref<125x128xf32, #tpu.memory_space<vmem>>) offsets(%dma_start3A_311 : memref<125xi32, #tpu.memory_space<vmem>>) semaphore(%arg13 : memref<!tpu.dma_semaphore, #tpu.memory_space<semaphore_mem>>)
      tpu.wait_dma2 semaphore(%arg12 : memref<!tpu.dma_semaphore, #tpu.memory_space<semaphore_mem>>) src(%arg5 : memref<125x128xf32, #tpu.memory_space<hbm>>) dst(%arg9 : memref<125x128xf32, #tpu.memory_space<vmem>>)
      %dma_start3A_315 = arith.constant 14 : i32
      %dma_start3A_316 = arith.constant 0 : i32
      %dma_start3A_317 = tpu.memref_slice %arg8[%rem3A_90, %dma_start3A_315, %dma_start3A_316] : memref<2x16x125xi32, #tpu.memory_space<vmem>> -> memref<1x1x125xi32, #tpu.memory_space<vmem>>
      %dma_start3A_318 = tpu.memref_squeeze %dma_start3A_317 : memref<1x1x125xi32, #tpu.memory_space<vmem>> -> memref<125xi32, #tpu.memory_space<vmem>>
      %dma_start3A_319 = arith.constant 0 : i32
      %dma_start3A_320 = arith.constant 0 : i32
      %dma_start3A_321 = tpu.memref_slice %arg11[%dma_start3A_319, %dma_start3A_320] : memref<10240x128xf32, #tpu.memory_space<vmem_shared>> -> memref<10240x128xf32, #tpu.memory_space<vmem_shared>>
      tpu.enqueue_indirect_dma source(%arg9 : memref<125x128xf32, #tpu.memory_space<vmem>>) target(%dma_start3A_321 : memref<10240x128xf32, #tpu.memory_space<vmem_shared>>) offsets(%dma_start3A_318 : memref<125xi32, #tpu.memory_space<vmem>>) semaphore(%arg14 : memref<!tpu.dma_semaphore, #tpu.memory_space<semaphore_mem>>) {add = true}
      tpu.wait_dma2 semaphore(%arg13 : memref<!tpu.dma_semaphore, #tpu.memory_space<semaphore_mem>>) src(%arg5 : memref<125x128xf32, #tpu.memory_space<hbm>>) dst(%arg10 : memref<125x128xf32, #tpu.memory_space<vmem>>)
      %dma_start3A_322 = arith.constant 15 : i32
      %dma_start3A_323 = arith.constant 0 : i32
      %dma_start3A_324 = tpu.memref_slice %arg8[%rem3A_90, %dma_start3A_322, %dma_start3A_323] : memref<2x16x125xi32, #tpu.memory_space<vmem>> -> memref<1x1x125xi32, #tpu.memory_space<vmem>>
      %dma_start3A_325 = tpu.memref_squeeze %dma_start3A_324 : memref<1x1x125xi32, #tpu.memory_space<vmem>> -> memref<125xi32, #tpu.memory_space<vmem>>
      %dma_start3A_326 = arith.constant 0 : i32
      %dma_start3A_327 = arith.constant 0 : i32
      %dma_start3A_328 = tpu.memref_slice %arg11[%dma_start3A_326, %dma_start3A_327] : memref<10240x128xf32, #tpu.memory_space<vmem_shared>> -> memref<10240x128xf32, #tpu.memory_space<vmem_shared>>
      tpu.enqueue_indirect_dma source(%arg10 : memref<125x128xf32, #tpu.memory_space<vmem>>) target(%dma_start3A_328 : memref<10240x128xf32, #tpu.memory_space<vmem_shared>>) offsets(%dma_start3A_325 : memref<125xi32, #tpu.memory_space<vmem>>) semaphore(%arg15 : memref<!tpu.dma_semaphore, #tpu.memory_space<semaphore_mem>>) {add = true}
      %add3A_329 = arith.constant 1 : i32
      %add3A_330 = arith.addi %scan3A_89, %add3A_329 : i32
      %lt3A_331 = arith.constant 5 : i32
      %lt3A_332 = arith.cmpi slt, %add3A_330, %lt3A_331 : i32
      %convert_element_type3A_333 = arith.extui %lt3A_332 : i1 to i32
      %cond3A_334 = arith.constant 0 : i32
      %cond3A_335 = arith.cmpi ne, %convert_element_type3A_333, %cond3A_334 : i32
      scf.if %cond3A_335 {
        %dma_wait3A_336 = arith.constant 0 : i32
        %dma_wait3A_337 = arith.constant 0 : i32
        %dma_wait3A_338 = tpu.memref_slice %arg7[%sub3A_91, %dma_wait3A_336, %dma_wait3A_337] : memref<2x16x125xi32, #tpu.memory_space<vmem>> -> memref<1x16x125xi32, #tpu.memory_space<vmem>>
        %dma_wait3A_339 = tpu.memref_squeeze %dma_wait3A_338 : memref<1x16x125xi32, #tpu.memory_space<vmem>> -> memref<16x125xi32, #tpu.memory_space<vmem>>
        %dma_wait3A_340 = arith.constant 0 : i32
        %dma_wait3A_341 = arith.constant 0 : i32
        %dma_wait3A_342 = tpu.memref_slice %arg3[%add3A, %dma_wait3A_340, %dma_wait3A_341] : memref<32x80x125xi32, #tpu.memory_space<hbm>> -> memref<1x16x125xi32, #tpu.memory_space<hbm>>
        %dma_wait3A_343 = tpu.memref_squeeze %dma_wait3A_342 : memref<1x16x125xi32, #tpu.memory_space<hbm>> -> memref<16x125xi32, #tpu.memory_space<hbm>>
        %dma_wait3A_344 = arith.constant 0 : i32
        %dma_wait3A_345 = arith.constant 0 : i32
        %dma_wait3A_346 = tpu.memref_slice %arg7[%sub3A_91, %dma_wait3A_344, %dma_wait3A_345] : memref<2x16x125xi32, #tpu.memory_space<vmem>> -> memref<1x16x125xi32, #tpu.memory_space<vmem>>
        %dma_wait3A_347 = tpu.memref_squeeze %dma_wait3A_346 : memref<1x16x125xi32, #tpu.memory_space<vmem>> -> memref<16x125xi32, #tpu.memory_space<vmem>>
        %dma_wait3A_348 = arith.constant 0 : i32
        %dma_wait3A_349 = arith.constant 0 : i32
        %dma_wait3A_350 = tpu.memref_slice %arg3[%add3A, %dma_wait3A_348, %dma_wait3A_349] : memref<32x80x125xi32, #tpu.memory_space<hbm>> -> memref<1x16x125xi32, #tpu.memory_space<hbm>>
        %dma_wait3A_351 = tpu.memref_squeeze %dma_wait3A_350 : memref<1x16x125xi32, #tpu.memory_space<hbm>> -> memref<16x125xi32, #tpu.memory_space<hbm>>
        tpu.wait_dma2 semaphore(%arg16 : memref<!tpu.dma_semaphore, #tpu.memory_space<semaphore_mem>>) src(%dma_wait3A_351 : memref<16x125xi32, #tpu.memory_space<hbm>>) dst(%dma_wait3A_347 : memref<16x125xi32, #tpu.memory_space<vmem>>)
        %dma_wait3A_352 = arith.constant 0 : i32
        %dma_wait3A_353 = arith.constant 0 : i32
        %dma_wait3A_354 = tpu.memref_slice %arg8[%sub3A_91, %dma_wait3A_352, %dma_wait3A_353] : memref<2x16x125xi32, #tpu.memory_space<vmem>> -> memref<1x16x125xi32, #tpu.memory_space<vmem>>
        %dma_wait3A_355 = tpu.memref_squeeze %dma_wait3A_354 : memref<1x16x125xi32, #tpu.memory_space<vmem>> -> memref<16x125xi32, #tpu.memory_space<vmem>>
        %dma_wait3A_356 = arith.constant 0 : i32
        %dma_wait3A_357 = arith.constant 0 : i32
        %dma_wait3A_358 = tpu.memref_slice %arg4[%add3A, %dma_wait3A_356, %dma_wait3A_357] : memref<32x80x125xi32, #tpu.memory_space<hbm>> -> memref<1x16x125xi32, #tpu.memory_space<hbm>>
        %dma_wait3A_359 = tpu.memref_squeeze %dma_wait3A_358 : memref<1x16x125xi32, #tpu.memory_space<hbm>> -> memref<16x125xi32, #tpu.memory_space<hbm>>
        %dma_wait3A_360 = arith.constant 0 : i32
        %dma_wait3A_361 = arith.constant 0 : i32
        %dma_wait3A_362 = tpu.memref_slice %arg8[%sub3A_91, %dma_wait3A_360, %dma_wait3A_361] : memref<2x16x125xi32, #tpu.memory_space<vmem>> -> memref<1x16x125xi32, #tpu.memory_space<vmem>>
        %dma_wait3A_363 = tpu.memref_squeeze %dma_wait3A_362 : memref<1x16x125xi32, #tpu.memory_space<vmem>> -> memref<16x125xi32, #tpu.memory_space<vmem>>
        %dma_wait3A_364 = arith.constant 0 : i32
        %dma_wait3A_365 = arith.constant 0 : i32
        %dma_wait3A_366 = tpu.memref_slice %arg4[%add3A, %dma_wait3A_364, %dma_wait3A_365] : memref<32x80x125xi32, #tpu.memory_space<hbm>> -> memref<1x16x125xi32, #tpu.memory_space<hbm>>
        %dma_wait3A_367 = tpu.memref_squeeze %dma_wait3A_366 : memref<1x16x125xi32, #tpu.memory_space<hbm>> -> memref<16x125xi32, #tpu.memory_space<hbm>>
        tpu.wait_dma2 semaphore(%arg16 : memref<!tpu.dma_semaphore, #tpu.memory_space<semaphore_mem>>) src(%dma_wait3A_367 : memref<16x125xi32, #tpu.memory_space<hbm>>) dst(%dma_wait3A_363 : memref<16x125xi32, #tpu.memory_space<vmem>>)
      } else {
      }
    }
    %scan3A_83 = arith.constant 5 : i32
    tpu.wait_dma2 semaphore(%arg14 : memref<!tpu.dma_semaphore, #tpu.memory_space<semaphore_mem>>) src(%arg5 : memref<125x128xf32, #tpu.memory_space<hbm>>) dst(%arg9 : memref<125x128xf32, #tpu.memory_space<vmem>>)
    tpu.wait_dma2 semaphore(%arg15 : memref<!tpu.dma_semaphore, #tpu.memory_space<semaphore_mem>>) src(%arg5 : memref<125x128xf32, #tpu.memory_space<hbm>>) dst(%arg10 : memref<125x128xf32, #tpu.memory_space<vmem>>)
    %barrier3A_84 = arith.constant 0 : index
    tpu.barrier barrier_id(%barrier3A_84)
    %mul3A_85 = arith.constant 640 : i32
    %mul3A_86 = arith.muli %arg1, %mul3A_85 : i32
    %mul3A_87 = arith.constant 640 : i32
    %mul3A_88 = arith.muli %arg1, %mul3A_87 : i32
    "tpu.region"() ({
      %run_scoped3A = tpu.sem_alloc : memref<!tpu.dma_semaphore, #tpu.memory_space<semaphore_mem>>
      %dma_start3A_89 = arith.constant 0 : i32
      %dma_start3A_90 = tpu.memref_slice %arg6[%arg0, %mul3A_88, %dma_start3A_89] : memref<2x10240x128xf32, #tpu.memory_space<hbm>> -> memref<1x640x128xf32, #tpu.memory_space<hbm>>
      %dma_start3A_91 = tpu.memref_squeeze %dma_start3A_90 : memref<1x640x128xf32, #tpu.memory_space<hbm>> -> memref<640x128xf32, #tpu.memory_space<hbm>>
      %dma_start3A_92 = arith.constant 0 : i32
      %dma_start3A_93 = tpu.memref_slice %arg11[%mul3A_86, %dma_start3A_92] : memref<10240x128xf32, #tpu.memory_space<vmem_shared>> -> memref<640x128xf32, #tpu.memory_space<vmem_shared>>
      tpu.enqueue_dma source(%dma_start3A_93 : memref<640x128xf32, #tpu.memory_space<vmem_shared>>) target(%dma_start3A_91 : memref<640x128xf32, #tpu.memory_space<hbm>>) target_semaphore(%run_scoped3A : memref<!tpu.dma_semaphore, #tpu.memory_space<semaphore_mem>>)
      %dma_wait3A_94 = arith.constant 0 : i32
      %dma_wait3A_95 = tpu.memref_slice %arg6[%arg0, %mul3A_88, %dma_wait3A_94] : memref<2x10240x128xf32, #tpu.memory_space<hbm>> -> memref<1x640x128xf32, #tpu.memory_space<hbm>>
      %dma_wait3A_96 = tpu.memref_squeeze %dma_wait3A_95 : memref<1x640x128xf32, #tpu.memory_space<hbm>> -> memref<640x128xf32, #tpu.memory_space<hbm>>
      %dma_wait3A_97 = arith.constant 0 : i32
      %dma_wait3A_98 = tpu.memref_slice %arg11[%mul3A_86, %dma_wait3A_97] : memref<10240x128xf32, #tpu.memory_space<vmem_shared>> -> memref<640x128xf32, #tpu.memory_space<vmem_shared>>
      tpu.wait_dma2 semaphore(%run_scoped3A : memref<!tpu.dma_semaphore, #tpu.memory_space<semaphore_mem>>) src(%dma_wait3A_98 : memref<640x128xf32, #tpu.memory_space<vmem_shared>>) dst(%dma_wait3A_96 : memref<640x128xf32, #tpu.memory_space<hbm>>)
      tpu.yield
    }) : () -> ()
    return
  }
}

#map = affine_map<(d0, d1) -> (0, 0)>
#map1 = affine_map<(d0, d1) -> (0, 0, 0)>
module attributes {stable_mosaic.version = 14 : i64} {
  func.func @_sc_aggregate(%arg0: i32, %arg1: i32, %arg2: memref<10000x128xf32, #tpu.memory_space<hbm>>, %arg3: memref<32x80x125xi32, #tpu.memory_space<hbm>>, %arg4: memref<32x80x125xi32, #tpu.memory_space<hbm>>, %arg5: memref<125x128xf32, #tpu.memory_space<hbm>>, %arg6: memref<2x10240x128xf32, #tpu.memory_space<hbm>>, %arg7: memref<2x16x125xi32, #tpu.memory_space<vmem>>, %arg8: memref<2x16x125xi32, #tpu.memory_space<vmem>>, %arg9: memref<125x128xf32, #tpu.memory_space<vmem>>, %arg10: memref<125x128xf32, #tpu.memory_space<vmem>>, %arg11: memref<10240x128xf32, #tpu.memory_space<vmem_shared>>, %arg12: memref<!tpu.dma_semaphore, #tpu.memory_space<semaphore_mem>>, %arg13: memref<!tpu.dma_semaphore, #tpu.memory_space<semaphore_mem>>, %arg14: memref<!tpu.dma_semaphore, #tpu.memory_space<semaphore_mem>>, %arg15: memref<!tpu.dma_semaphore, #tpu.memory_space<semaphore_mem>>, %arg16: memref<!tpu.dma_semaphore, #tpu.memory_space<semaphore_mem>>) attributes {dimension_semantics = [#tpu.dimension_semantics<core_parallel>, #tpu.dimension_semantics<subcore_parallel>], iteration_bounds = array<i64: 2, 16>, scalar_prefetch = 0 : i64, scratch_operands = 10 : i64, tpu.core_type = #tpu.core_type<sc_vector_subcore>, window_params = [{transform_indices = #map}, {transform_indices = #map1}, {transform_indices = #map1}, {transform_indices = #map}, {transform_indices = #map1}]} {
    %mul3A = arith.constant 16 : i32
    %mul3A_0 = arith.muli %arg0, %mul3A : i32
    %add3A = arith.addi %mul3A_0, %arg1 : i32
    %dma_start3A = arith.constant 0 : i32
    %dma_start3A_1 = arith.constant 0 : i32
    %dma_start3A_2 = arith.constant 0 : i32
    %dma_start3A_3 = tpu.memref_slice %arg7[%dma_start3A, %dma_start3A_1, %dma_start3A_2] : memref<2x16x125xi32, #tpu.memory_space<vmem>> -> memref<1x16x125xi32, #tpu.memory_space<vmem>>
    %dma_start3A_4 = tpu.memref_squeeze %dma_start3A_3 : memref<1x16x125xi32, #tpu.memory_space<vmem>> -> memref<16x125xi32, #tpu.memory_space<vmem>>
    %dma_start3A_5 = arith.constant 0 : i32
    %dma_start3A_6 = arith.constant 0 : i32
    %dma_start3A_7 = tpu.memref_slice %arg3[%add3A, %dma_start3A_5, %dma_start3A_6] : memref<32x80x125xi32, #tpu.memory_space<hbm>> -> memref<1x16x125xi32, #tpu.memory_space<hbm>>
    %dma_start3A_8 = tpu.memref_squeeze %dma_start3A_7 : memref<1x16x125xi32, #tpu.memory_space<hbm>> -> memref<16x125xi32, #tpu.memory_space<hbm>>
    %dma_start3A_9 = arith.constant 0 : i32
    %dma_start3A_10 = arith.constant 0 : i32
    %dma_start3A_11 = tpu.memref_slice %arg7[%dma_start3A, %dma_start3A_9, %dma_start3A_10] : memref<2x16x125xi32, #tpu.memory_space<vmem>> -> memref<1x16x125xi32, #tpu.memory_space<vmem>>
    %dma_start3A_12 = tpu.memref_squeeze %dma_start3A_11 : memref<1x16x125xi32, #tpu.memory_space<vmem>> -> memref<16x125xi32, #tpu.memory_space<vmem>>
    %dma_start3A_13 = arith.constant 0 : i32
    %dma_start3A_14 = arith.constant 0 : i32
    %dma_start3A_15 = tpu.memref_slice %arg3[%add3A, %dma_start3A_13, %dma_start3A_14] : memref<32x80x125xi32, #tpu.memory_space<hbm>> -> memref<1x16x125xi32, #tpu.memory_space<hbm>>
    %dma_start3A_16 = tpu.memref_squeeze %dma_start3A_15 : memref<1x16x125xi32, #tpu.memory_space<hbm>> -> memref<16x125xi32, #tpu.memory_space<hbm>>
    tpu.enqueue_dma source(%dma_start3A_16 : memref<16x125xi32, #tpu.memory_space<hbm>>) target(%dma_start3A_12 : memref<16x125xi32, #tpu.memory_space<vmem>>) target_semaphore(%arg16 : memref<!tpu.dma_semaphore, #tpu.memory_space<semaphore_mem>>)
    %dma_start3A_17 = arith.constant 0 : i32
    %dma_start3A_18 = arith.constant 0 : i32
    %dma_start3A_19 = arith.constant 0 : i32
    %dma_start3A_20 = tpu.memref_slice %arg8[%dma_start3A_17, %dma_start3A_18, %dma_start3A_19] : memref<2x16x125xi32, #tpu.memory_space<vmem>> -> memref<1x16x125xi32, #tpu.memory_space<vmem>>
    %dma_start3A_21 = tpu.memref_squeeze %dma_start3A_20 : memref<1x16x125xi32, #tpu.memory_space<vmem>> -> memref<16x125xi32, #tpu.memory_space<vmem>>
    %dma_start3A_22 = arith.constant 0 : i32
    %dma_start3A_23 = arith.constant 0 : i32
    %dma_start3A_24 = tpu.memref_slice %arg4[%add3A, %dma_start3A_22, %dma_start3A_23] : memref<32x80x125xi32, #tpu.memory_space<hbm>> -> memref<1x16x125xi32, #tpu.memory_space<hbm>>
    %dma_start3A_25 = tpu.memref_squeeze %dma_start3A_24 : memref<1x16x125xi32, #tpu.memory_space<hbm>> -> memref<16x125xi32, #tpu.memory_space<hbm>>
    %dma_start3A_26 = arith.constant 0 : i32
    %dma_start3A_27 = arith.constant 0 : i32
    %dma_start3A_28 = tpu.memref_slice %arg8[%dma_start3A_17, %dma_start3A_26, %dma_start3A_27] : memref<2x16x125xi32, #tpu.memory_space<vmem>> -> memref<1x16x125xi32, #tpu.memory_space<vmem>>
    %dma_start3A_29 = tpu.memref_squeeze %dma_start3A_28 : memref<1x16x125xi32, #tpu.memory_space<vmem>> -> memref<16x125xi32, #tpu.memory_space<vmem>>
    %dma_start3A_30 = arith.constant 0 : i32
    %dma_start3A_31 = arith.constant 0 : i32
    %dma_start3A_32 = tpu.memref_slice %arg4[%add3A, %dma_start3A_30, %dma_start3A_31] : memref<32x80x125xi32, #tpu.memory_space<hbm>> -> memref<1x16x125xi32, #tpu.memory_space<hbm>>
    %dma_start3A_33 = tpu.memref_squeeze %dma_start3A_32 : memref<1x16x125xi32, #tpu.memory_space<hbm>> -> memref<16x125xi32, #tpu.memory_space<hbm>>
    tpu.enqueue_dma source(%dma_start3A_33 : memref<16x125xi32, #tpu.memory_space<hbm>>) target(%dma_start3A_29 : memref<16x125xi32, #tpu.memory_space<vmem>>) target_semaphore(%arg16 : memref<!tpu.dma_semaphore, #tpu.memory_space<semaphore_mem>>)
    %scan3A = arith.constant 0 : i32
    %scan3A_34 = arith.constant 0 : i32
    %scan3A_35 = arith.constant 80 : i32
    %scan3A_36 = arith.addi %scan3A_34, %scan3A_35 : i32
    %scan3A_37 = arith.constant 1 : i32
    scf.for %scan3A_89 = %scan3A_34 to %scan3A_36 step %scan3A_37  : i32 {
      %broadcast_in_dim3A = arith.constant 0.000000e+00 : f32
      %broadcast_in_dim3A_90 = vector.broadcast %broadcast_in_dim3A : f32 to vector<16xf32>
      %swap3A = arith.index_cast %scan3A_89 : i32 to index
      %swap3A_91 = arith.constant 0 : index
      %swap3A_92 = tpu.vector_load %arg9[%swap3A, %swap3A_91] {strides = array<i32>} : memref<125x128xf32, #tpu.memory_space<vmem>>, vector<1x16xf32>,
      %swap3A_93 = vector.shape_cast %swap3A_92 : vector<1x16xf32> to vector<16xf32>
      %swap3A_94 = vector.shape_cast %broadcast_in_dim3A_90 : vector<16xf32> to vector<1x16xf32>
      tpu.vector_store %arg9[%swap3A, %swap3A_91], %swap3A_94 {strides = array<i32>} : memref<125x128xf32, #tpu.memory_space<vmem>>, vector<1x16xf32>,
      %broadcast_in_dim3A_95 = arith.constant 0.000000e+00 : f32
      %broadcast_in_dim3A_96 = vector.broadcast %broadcast_in_dim3A_95 : f32 to vector<16xf32>
      %swap3A_97 = arith.index_cast %scan3A_89 : i32 to index
      %swap3A_98 = arith.constant 16 : index
      %swap3A_99 = tpu.vector_load %arg9[%swap3A_97, %swap3A_98] {strides = array<i32>} : memref<125x128xf32, #tpu.memory_space<vmem>>, vector<1x16xf32>,
      %swap3A_100 = vector.shape_cast %swap3A_99 : vector<1x16xf32> to vector<16xf32>
      %swap3A_101 = vector.shape_cast %broadcast_in_dim3A_96 : vector<16xf32> to vector<1x16xf32>
      tpu.vector_store %arg9[%swap3A_97, %swap3A_98], %swap3A_101 {strides = array<i32>} : memref<125x128xf32, #tpu.memory_space<vmem>>, vector<1x16xf32>,
      %broadcast_in_dim3A_102 = arith.constant 0.000000e+00 : f32
      %broadcast_in_dim3A_103 = vector.broadcast %broadcast_in_dim3A_102 : f32 to vector<16xf32>
      %swap3A_104 = arith.index_cast %scan3A_89 : i32 to index
      %swap3A_105 = arith.constant 32 : index
      %swap3A_106 = tpu.vector_load %arg9[%swap3A_104, %swap3A_105] {strides = array<i32>} : memref<125x128xf32, #tpu.memory_space<vmem>>, vector<1x16xf32>,
      %swap3A_107 = vector.shape_cast %swap3A_106 : vector<1x16xf32> to vector<16xf32>
      %swap3A_108 = vector.shape_cast %broadcast_in_dim3A_103 : vector<16xf32> to vector<1x16xf32>
      tpu.vector_store %arg9[%swap3A_104, %swap3A_105], %swap3A_108 {strides = array<i32>} : memref<125x128xf32, #tpu.memory_space<vmem>>, vector<1x16xf32>,
      %broadcast_in_dim3A_109 = arith.constant 0.000000e+00 : f32
      %broadcast_in_dim3A_110 = vector.broadcast %broadcast_in_dim3A_109 : f32 to vector<16xf32>
      %swap3A_111 = arith.index_cast %scan3A_89 : i32 to index
      %swap3A_112 = arith.constant 48 : index
      %swap3A_113 = tpu.vector_load %arg9[%swap3A_111, %swap3A_112] {strides = array<i32>} : memref<125x128xf32, #tpu.memory_space<vmem>>, vector<1x16xf32>,
      %swap3A_114 = vector.shape_cast %swap3A_113 : vector<1x16xf32> to vector<16xf32>
      %swap3A_115 = vector.shape_cast %broadcast_in_dim3A_110 : vector<16xf32> to vector<1x16xf32>
      tpu.vector_store %arg9[%swap3A_111, %swap3A_112], %swap3A_115 {strides = array<i32>} : memref<125x128xf32, #tpu.memory_space<vmem>>, vector<1x16xf32>,
      %broadcast_in_dim3A_116 = arith.constant 0.000000e+00 : f32
      %broadcast_in_dim3A_117 = vector.broadcast %broadcast_in_dim3A_116 : f32 to vector<16xf32>
      %swap3A_118 = arith.index_cast %scan3A_89 : i32 to index
      %swap3A_119 = arith.constant 64 : index
      %swap3A_120 = tpu.vector_load %arg9[%swap3A_118, %swap3A_119] {strides = array<i32>} : memref<125x128xf32, #tpu.memory_space<vmem>>, vector<1x16xf32>,
      %swap3A_121 = vector.shape_cast %swap3A_120 : vector<1x16xf32> to vector<16xf32>
      %swap3A_122 = vector.shape_cast %broadcast_in_dim3A_117 : vector<16xf32> to vector<1x16xf32>
      tpu.vector_store %arg9[%swap3A_118, %swap3A_119], %swap3A_122 {strides = array<i32>} : memref<125x128xf32, #tpu.memory_space<vmem>>, vector<1x16xf32>,
      %broadcast_in_dim3A_123 = arith.constant 0.000000e+00 : f32
      %broadcast_in_dim3A_124 = vector.broadcast %broadcast_in_dim3A_123 : f32 to vector<16xf32>
      %swap3A_125 = arith.index_cast %scan3A_89 : i32 to index
      %swap3A_126 = arith.constant 80 : index
      %swap3A_127 = tpu.vector_load %arg9[%swap3A_125, %swap3A_126] {strides = array<i32>} : memref<125x128xf32, #tpu.memory_space<vmem>>, vector<1x16xf32>,
      %swap3A_128 = vector.shape_cast %swap3A_127 : vector<1x16xf32> to vector<16xf32>
      %swap3A_129 = vector.shape_cast %broadcast_in_dim3A_124 : vector<16xf32> to vector<1x16xf32>
      tpu.vector_store %arg9[%swap3A_125, %swap3A_126], %swap3A_129 {strides = array<i32>} : memref<125x128xf32, #tpu.memory_space<vmem>>, vector<1x16xf32>,
      %broadcast_in_dim3A_130 = arith.constant 0.000000e+00 : f32
      %broadcast_in_dim3A_131 = vector.broadcast %broadcast_in_dim3A_130 : f32 to vector<16xf32>
      %swap3A_132 = arith.index_cast %scan3A_89 : i32 to index
      %swap3A_133 = arith.constant 96 : index
      %swap3A_134 = tpu.vector_load %arg9[%swap3A_132, %swap3A_133] {strides = array<i32>} : memref<125x128xf32, #tpu.memory_space<vmem>>, vector<1x16xf32>,
      %swap3A_135 = vector.shape_cast %swap3A_134 : vector<1x16xf32> to vector<16xf32>
      %swap3A_136 = vector.shape_cast %broadcast_in_dim3A_131 : vector<16xf32> to vector<1x16xf32>
      tpu.vector_store %arg9[%swap3A_132, %swap3A_133], %swap3A_136 {strides = array<i32>} : memref<125x128xf32, #tpu.memory_space<vmem>>, vector<1x16xf32>,
      %broadcast_in_dim3A_137 = arith.constant 0.000000e+00 : f32
      %broadcast_in_dim3A_138 = vector.broadcast %broadcast_in_dim3A_137 : f32 to vector<16xf32>
      %swap3A_139 = arith.index_cast %scan3A_89 : i32 to index
      %swap3A_140 = arith.constant 112 : index
      %swap3A_141 = tpu.vector_load %arg9[%swap3A_139, %swap3A_140] {strides = array<i32>} : memref<125x128xf32, #tpu.memory_space<vmem>>, vector<1x16xf32>,
      %swap3A_142 = vector.shape_cast %swap3A_141 : vector<1x16xf32> to vector<16xf32>
      %swap3A_143 = vector.shape_cast %broadcast_in_dim3A_138 : vector<16xf32> to vector<1x16xf32>
      tpu.vector_store %arg9[%swap3A_139, %swap3A_140], %swap3A_143 {strides = array<i32>} : memref<125x128xf32, #tpu.memory_space<vmem>>, vector<1x16xf32>,
    }
    %scan3A_38 = arith.constant 80 : i32
    %scan3A_39 = arith.constant 0 : i32
    %scan3A_40 = arith.constant 0 : i32
    %scan3A_41 = arith.constant 8 : i32
    %scan3A_42 = arith.addi %scan3A_40, %scan3A_41 : i32
    %scan3A_43 = arith.constant 1 : i32
    scf.for %scan3A_89 = %scan3A_40 to %scan3A_42 step %scan3A_43  : i32 {
      %mul3A_90 = arith.constant 640 : i32
      %mul3A_91 = arith.muli %arg1, %mul3A_90 : i32
      %mul3A_92 = arith.constant 80 : i32
      %mul3A_93 = arith.muli %scan3A_89, %mul3A_92 : i32
      %add3A_94 = arith.addi %mul3A_91, %mul3A_93 : i32
      "tpu.region"() ({
        %run_scoped3A = tpu.sem_alloc : memref<!tpu.dma_semaphore, #tpu.memory_space<semaphore_mem>>
        %dma_start3A_95 = arith.constant 0 : i32
        %dma_start3A_96 = arith.constant 0 : i32
        %dma_start3A_97 = tpu.memref_slice %arg9[%dma_start3A_95, %dma_start3A_96] : memref<125x128xf32, #tpu.memory_space<vmem>> -> memref<80x128xf32, #tpu.memory_space<vmem>>
        %dma_start3A_98 = arith.constant 0 : i32
        %dma_start3A_99 = tpu.memref_slice %arg11[%add3A_94, %dma_start3A_98] : memref<10240x128xf32, #tpu.memory_space<vmem_shared>> -> memref<80x128xf32, #tpu.memory_space<vmem_shared>>
        %dma_start3A_100 = arith.constant 0 : i32
        %dma_start3A_101 = tpu.memref_slice %arg11[%add3A_94, %dma_start3A_100] : memref<10240x128xf32, #tpu.memory_space<vmem_shared>> -> memref<80x128xf32, #tpu.memory_space<vmem_shared>>
        %dma_start3A_102 = arith.constant 0 : i32
        %dma_start3A_103 = arith.constant 0 : i32
        %dma_start3A_104 = tpu.memref_slice %arg9[%dma_start3A_102, %dma_start3A_103] : memref<125x128xf32, #tpu.memory_space<vmem>> -> memref<80x128xf32, #tpu.memory_space<vmem>>
        tpu.enqueue_dma source(%dma_start3A_104 : memref<80x128xf32, #tpu.memory_space<vmem>>) target(%dma_start3A_101 : memref<80x128xf32, #tpu.memory_space<vmem_shared>>) target_semaphore(%run_scoped3A : memref<!tpu.dma_semaphore, #tpu.memory_space<semaphore_mem>>)
        %dma_wait3A_105 = arith.constant 0 : i32
        %dma_wait3A_106 = arith.constant 0 : i32
        %dma_wait3A_107 = tpu.memref_slice %arg9[%dma_wait3A_105, %dma_wait3A_106] : memref<125x128xf32, #tpu.memory_space<vmem>> -> memref<80x128xf32, #tpu.memory_space<vmem>>
        %dma_wait3A_108 = arith.constant 0 : i32
        %dma_wait3A_109 = tpu.memref_slice %arg11[%add3A_94, %dma_wait3A_108] : memref<10240x128xf32, #tpu.memory_space<vmem_shared>> -> memref<80x128xf32, #tpu.memory_space<vmem_shared>>
        %dma_wait3A_110 = arith.constant 0 : i32
        %dma_wait3A_111 = tpu.memref_slice %arg11[%add3A_94, %dma_wait3A_110] : memref<10240x128xf32, #tpu.memory_space<vmem_shared>> -> memref<80x128xf32, #tpu.memory_space<vmem_shared>>
        %dma_wait3A_112 = arith.constant 0 : i32
        %dma_wait3A_113 = arith.constant 0 : i32
        %dma_wait3A_114 = tpu.memref_slice %arg9[%dma_wait3A_112, %dma_wait3A_113] : memref<125x128xf32, #tpu.memory_space<vmem>> -> memref<80x128xf32, #tpu.memory_space<vmem>>
        tpu.wait_dma2 semaphore(%run_scoped3A : memref<!tpu.dma_semaphore, #tpu.memory_space<semaphore_mem>>) src(%dma_wait3A_114 : memref<80x128xf32, #tpu.memory_space<vmem>>) dst(%dma_wait3A_111 : memref<80x128xf32, #tpu.memory_space<vmem_shared>>)
        tpu.yield
      }) : () -> ()
    }
    %scan3A_44 = arith.constant 8 : i32
    %dma_wait3A = arith.constant 0 : i32
    %dma_wait3A_45 = arith.constant 0 : i32
    %dma_wait3A_46 = arith.constant 0 : i32
    %dma_wait3A_47 = tpu.memref_slice %arg7[%dma_wait3A, %dma_wait3A_45, %dma_wait3A_46] : memref<2x16x125xi32, #tpu.memory_space<vmem>> -> memref<1x16x125xi32, #tpu.memory_space<vmem>>
    %dma_wait3A_48 = tpu.memref_squeeze %dma_wait3A_47 : memref<1x16x125xi32, #tpu.memory_space<vmem>> -> memref<16x125xi32, #tpu.memory_space<vmem>>
    %dma_wait3A_49 = arith.constant 0 : i32
    %dma_wait3A_50 = arith.constant 0 : i32
    %dma_wait3A_51 = tpu.memref_slice %arg3[%add3A, %dma_wait3A_49, %dma_wait3A_50] : memref<32x80x125xi32, #tpu.memory_space<hbm>> -> memref<1x16x125xi32, #tpu.memory_space<hbm>>
    %dma_wait3A_52 = tpu.memref_squeeze %dma_wait3A_51 : memref<1x16x125xi32, #tpu.memory_space<hbm>> -> memref<16x125xi32, #tpu.memory_space<hbm>>
    %dma_wait3A_53 = arith.constant 0 : i32
    %dma_wait3A_54 = arith.constant 0 : i32
    %dma_wait3A_55 = tpu.memref_slice %arg7[%dma_wait3A, %dma_wait3A_53, %dma_wait3A_54] : memref<2x16x125xi32, #tpu.memory_space<vmem>> -> memref<1x16x125xi32, #tpu.memory_space<vmem>>
    %dma_wait3A_56 = tpu.memref_squeeze %dma_wait3A_55 : memref<1x16x125xi32, #tpu.memory_space<vmem>> -> memref<16x125xi32, #tpu.memory_space<vmem>>
    %dma_wait3A_57 = arith.constant 0 : i32
    %dma_wait3A_58 = arith.constant 0 : i32
    %dma_wait3A_59 = tpu.memref_slice %arg3[%add3A, %dma_wait3A_57, %dma_wait3A_58] : memref<32x80x125xi32, #tpu.memory_space<hbm>> -> memref<1x16x125xi32, #tpu.memory_space<hbm>>
    %dma_wait3A_60 = tpu.memref_squeeze %dma_wait3A_59 : memref<1x16x125xi32, #tpu.memory_space<hbm>> -> memref<16x125xi32, #tpu.memory_space<hbm>>
    tpu.wait_dma2 semaphore(%arg16 : memref<!tpu.dma_semaphore, #tpu.memory_space<semaphore_mem>>) src(%dma_wait3A_60 : memref<16x125xi32, #tpu.memory_space<hbm>>) dst(%dma_wait3A_56 : memref<16x125xi32, #tpu.memory_space<vmem>>)
    %dma_wait3A_61 = arith.constant 0 : i32
    %dma_wait3A_62 = arith.constant 0 : i32
    %dma_wait3A_63 = arith.constant 0 : i32
    %dma_wait3A_64 = tpu.memref_slice %arg8[%dma_wait3A_61, %dma_wait3A_62, %dma_wait3A_63] : memref<2x16x125xi32, #tpu.memory_space<vmem>> -> memref<1x16x125xi32, #tpu.memory_space<vmem>>
    %dma_wait3A_65 = tpu.memref_squeeze %dma_wait3A_64 : memref<1x16x125xi32, #tpu.memory_space<vmem>> -> memref<16x125xi32, #tpu.memory_space<vmem>>
    %dma_wait3A_66 = arith.constant 0 : i32
    %dma_wait3A_67 = arith.constant 0 : i32
    %dma_wait3A_68 = tpu.memref_slice %arg4[%add3A, %dma_wait3A_66, %dma_wait3A_67] : memref<32x80x125xi32, #tpu.memory_space<hbm>> -> memref<1x16x125xi32, #tpu.memory_space<hbm>>
    %dma_wait3A_69 = tpu.memref_squeeze %dma_wait3A_68 : memref<1x16x125xi32, #tpu.memory_space<hbm>> -> memref<16x125xi32, #tpu.memory_space<hbm>>
    %dma_wait3A_70 = arith.constant 0 : i32
    %dma_wait3A_71 = arith.constant 0 : i32
    %dma_wait3A_72 = tpu.memref_slice %arg8[%dma_wait3A_61, %dma_wait3A_70, %dma_wait3A_71] : memref<2x16x125xi32, #tpu.memory_space<vmem>> -> memref<1x16x125xi32, #tpu.memory_space<vmem>>
    %dma_wait3A_73 = tpu.memref_squeeze %dma_wait3A_72 : memref<1x16x125xi32, #tpu.memory_space<vmem>> -> memref<16x125xi32, #tpu.memory_space<vmem>>
    %dma_wait3A_74 = arith.constant 0 : i32
    %dma_wait3A_75 = arith.constant 0 : i32
    %dma_wait3A_76 = tpu.memref_slice %arg4[%add3A, %dma_wait3A_74, %dma_wait3A_75] : memref<32x80x125xi32, #tpu.memory_space<hbm>> -> memref<1x16x125xi32, #tpu.memory_space<hbm>>
    %dma_wait3A_77 = tpu.memref_squeeze %dma_wait3A_76 : memref<1x16x125xi32, #tpu.memory_space<hbm>> -> memref<16x125xi32, #tpu.memory_space<hbm>>
    tpu.wait_dma2 semaphore(%arg16 : memref<!tpu.dma_semaphore, #tpu.memory_space<semaphore_mem>>) src(%dma_wait3A_77 : memref<16x125xi32, #tpu.memory_space<hbm>>) dst(%dma_wait3A_73 : memref<16x125xi32, #tpu.memory_space<vmem>>)
    %barrier3A = arith.constant 0 : index
    tpu.barrier barrier_id(%barrier3A)
    %scan3A_78 = arith.constant 0 : i32
    %scan3A_79 = arith.constant 0 : i32
    %scan3A_80 = arith.constant 5 : i32
    %scan3A_81 = arith.addi %scan3A_79, %scan3A_80 : i32
    %scan3A_82 = arith.constant 1 : i32
    scf.for %scan3A_89 = %scan3A_79 to %scan3A_81 step %scan3A_82  : i32 {
      %rem3A = arith.constant 2 : i32
      %rem3A_90 = arith.remsi %scan3A_89, %rem3A : i32
      %sub3A = arith.constant 1 : i32
      %sub3A_91 = arith.subi %sub3A, %rem3A_90 : i32
      %add3A_92 = arith.constant 1 : i32
      %add3A_93 = arith.addi %scan3A_89, %add3A_92 : i32
      %lt3A = arith.constant 5 : i32
      %lt3A_94 = arith.cmpi slt, %add3A_93, %lt3A : i32
      %convert_element_type3A = arith.extui %lt3A_94 : i1 to i32
      %cond3A = arith.constant 0 : i32
      %cond3A_95 = arith.cmpi ne, %convert_element_type3A, %cond3A : i32
      scf.if %cond3A_95 {
        %add3A_336 = arith.constant 1 : i32
        %add3A_337 = arith.addi %scan3A_89, %add3A_336 : i32
        %mul3A_338 = arith.constant 16 : i32
        %mul3A_339 = arith.muli %add3A_337, %mul3A_338 : i32
        %dma_start3A_340 = arith.constant 0 : i32
        %dma_start3A_341 = arith.constant 0 : i32
        %dma_start3A_342 = tpu.memref_slice %arg7[%sub3A_91, %dma_start3A_340, %dma_start3A_341] : memref<2x16x125xi32, #tpu.memory_space<vmem>> -> memref<1x16x125xi32, #tpu.memory_space<vmem>>
        %dma_start3A_343 = tpu.memref_squeeze %dma_start3A_342 : memref<1x16x125xi32, #tpu.memory_space<vmem>> -> memref<16x125xi32, #tpu.memory_space<vmem>>
        %dma_start3A_344 = arith.constant 0 : i32
        %dma_start3A_345 = tpu.memref_slice %arg3[%add3A, %mul3A_339, %dma_start3A_344] : memref<32x80x125xi32, #tpu.memory_space<hbm>> -> memref<1x16x125xi32, #tpu.memory_space<hbm>>
        %dma_start3A_346 = tpu.memref_squeeze %dma_start3A_345 : memref<1x16x125xi32, #tpu.memory_space<hbm>> -> memref<16x125xi32, #tpu.memory_space<hbm>>
        %dma_start3A_347 = arith.constant 0 : i32
        %dma_start3A_348 = arith.constant 0 : i32
        %dma_start3A_349 = tpu.memref_slice %arg7[%sub3A_91, %dma_start3A_347, %dma_start3A_348] : memref<2x16x125xi32, #tpu.memory_space<vmem>> -> memref<1x16x125xi32, #tpu.memory_space<vmem>>
        %dma_start3A_350 = tpu.memref_squeeze %dma_start3A_349 : memref<1x16x125xi32, #tpu.memory_space<vmem>> -> memref<16x125xi32, #tpu.memory_space<vmem>>
        %dma_start3A_351 = arith.constant 0 : i32
        %dma_start3A_352 = tpu.memref_slice %arg3[%add3A, %mul3A_339, %dma_start3A_351] : memref<32x80x125xi32, #tpu.memory_space<hbm>> -> memref<1x16x125xi32, #tpu.memory_space<hbm>>
        %dma_start3A_353 = tpu.memref_squeeze %dma_start3A_352 : memref<1x16x125xi32, #tpu.memory_space<hbm>> -> memref<16x125xi32, #tpu.memory_space<hbm>>
        tpu.enqueue_dma source(%dma_start3A_353 : memref<16x125xi32, #tpu.memory_space<hbm>>) target(%dma_start3A_350 : memref<16x125xi32, #tpu.memory_space<vmem>>) target_semaphore(%arg16 : memref<!tpu.dma_semaphore, #tpu.memory_space<semaphore_mem>>)
        %add3A_354 = arith.constant 1 : i32
        %add3A_355 = arith.addi %scan3A_89, %add3A_354 : i32
        %mul3A_356 = arith.constant 16 : i32
        %mul3A_357 = arith.muli %add3A_355, %mul3A_356 : i32
        %dma_start3A_358 = arith.constant 0 : i32
        %dma_start3A_359 = arith.constant 0 : i32
        %dma_start3A_360 = tpu.memref_slice %arg8[%sub3A_91, %dma_start3A_358, %dma_start3A_359] : memref<2x16x125xi32, #tpu.memory_space<vmem>> -> memref<1x16x125xi32, #tpu.memory_space<vmem>>
        %dma_start3A_361 = tpu.memref_squeeze %dma_start3A_360 : memref<1x16x125xi32, #tpu.memory_space<vmem>> -> memref<16x125xi32, #tpu.memory_space<vmem>>
        %dma_start3A_362 = arith.constant 0 : i32
        %dma_start3A_363 = tpu.memref_slice %arg4[%add3A, %mul3A_357, %dma_start3A_362] : memref<32x80x125xi32, #tpu.memory_space<hbm>> -> memref<1x16x125xi32, #tpu.memory_space<hbm>>
        %dma_start3A_364 = tpu.memref_squeeze %dma_start3A_363 : memref<1x16x125xi32, #tpu.memory_space<hbm>> -> memref<16x125xi32, #tpu.memory_space<hbm>>
        %dma_start3A_365 = arith.constant 0 : i32
        %dma_start3A_366 = arith.constant 0 : i32
        %dma_start3A_367 = tpu.memref_slice %arg8[%sub3A_91, %dma_start3A_365, %dma_start3A_366] : memref<2x16x125xi32, #tpu.memory_space<vmem>> -> memref<1x16x125xi32, #tpu.memory_space<vmem>>
        %dma_start3A_368 = tpu.memref_squeeze %dma_start3A_367 : memref<1x16x125xi32, #tpu.memory_space<vmem>> -> memref<16x125xi32, #tpu.memory_space<vmem>>
        %dma_start3A_369 = arith.constant 0 : i32
        %dma_start3A_370 = tpu.memref_slice %arg4[%add3A, %mul3A_357, %dma_start3A_369] : memref<32x80x125xi32, #tpu.memory_space<hbm>> -> memref<1x16x125xi32, #tpu.memory_space<hbm>>
        %dma_start3A_371 = tpu.memref_squeeze %dma_start3A_370 : memref<1x16x125xi32, #tpu.memory_space<hbm>> -> memref<16x125xi32, #tpu.memory_space<hbm>>
        tpu.enqueue_dma source(%dma_start3A_371 : memref<16x125xi32, #tpu.memory_space<hbm>>) target(%dma_start3A_368 : memref<16x125xi32, #tpu.memory_space<vmem>>) target_semaphore(%arg16 : memref<!tpu.dma_semaphore, #tpu.memory_space<semaphore_mem>>)
      } else {
      }
      %gt3A = arith.constant 0 : i32
      %gt3A_96 = arith.cmpi sgt, %scan3A_89, %gt3A : i32
      %convert_element_type3A_97 = arith.extui %gt3A_96 : i1 to i32
      %cond3A_98 = arith.constant 0 : i32
      %cond3A_99 = arith.cmpi ne, %convert_element_type3A_97, %cond3A_98 : i32
      scf.if %cond3A_99 {
        tpu.wait_dma2 semaphore(%arg14 : memref<!tpu.dma_semaphore, #tpu.memory_space<semaphore_mem>>) src(%arg5 : memref<125x128xf32, #tpu.memory_space<hbm>>) dst(%arg9 : memref<125x128xf32, #tpu.memory_space<vmem>>)
      } else {
      }
      %dma_start3A_100 = arith.constant 0 : i32
      %dma_start3A_101 = arith.constant 0 : i32
      %dma_start3A_102 = tpu.memref_slice %arg7[%rem3A_90, %dma_start3A_100, %dma_start3A_101] : memref<2x16x125xi32, #tpu.memory_space<vmem>> -> memref<1x1x125xi32, #tpu.memory_space<vmem>>
      %dma_start3A_103 = tpu.memref_squeeze %dma_start3A_102 : memref<1x1x125xi32, #tpu.memory_space<vmem>> -> memref<125xi32, #tpu.memory_space<vmem>>
      %dma_start3A_104 = arith.constant 0 : i32
      %dma_start3A_105 = arith.constant 0 : i32
      %dma_start3A_106 = tpu.memref_slice %arg2[%dma_start3A_104, %dma_start3A_105] : memref<10000x128xf32, #tpu.memory_space<hbm>> -> memref<10000x128xf32, #tpu.memory_space<hbm>>
      tpu.enqueue_indirect_dma source(%dma_start3A_106 : memref<10000x128xf32, #tpu.memory_space<hbm>>) target(%arg9 : memref<125x128xf32, #tpu.memory_space<vmem>>) offsets(%dma_start3A_103 : memref<125xi32, #tpu.memory_space<vmem>>) semaphore(%arg12 : memref<!tpu.dma_semaphore, #tpu.memory_space<semaphore_mem>>)
      %gt3A_107 = arith.constant 0 : i32
      %gt3A_108 = arith.cmpi sgt, %scan3A_89, %gt3A_107 : i32
      %convert_element_type3A_109 = arith.extui %gt3A_108 : i1 to i32
      %cond3A_110 = arith.constant 0 : i32
      %cond3A_111 = arith.cmpi ne, %convert_element_type3A_109, %cond3A_110 : i32
      scf.if %cond3A_111 {
        tpu.wait_dma2 semaphore(%arg15 : memref<!tpu.dma_semaphore, #tpu.memory_space<semaphore_mem>>) src(%arg5 : memref<125x128xf32, #tpu.memory_space<hbm>>) dst(%arg10 : memref<125x128xf32, #tpu.memory_space<vmem>>)
      } else {
      }
      %dma_start3A_112 = arith.constant 1 : i32
      %dma_start3A_113 = arith.constant 0 : i32
      %dma_start3A_114 = tpu.memref_slice %arg7[%rem3A_90, %dma_start3A_112, %dma_start3A_113] : memref<2x16x125xi32, #tpu.memory_space<vmem>> -> memref<1x1x125xi32, #tpu.memory_space<vmem>>
      %dma_start3A_115 = tpu.memref_squeeze %dma_start3A_114 : memref<1x1x125xi32, #tpu.memory_space<vmem>> -> memref<125xi32, #tpu.memory_space<vmem>>
      %dma_start3A_116 = arith.constant 0 : i32
      %dma_start3A_117 = arith.constant 0 : i32
      %dma_start3A_118 = tpu.memref_slice %arg2[%dma_start3A_116, %dma_start3A_117] : memref<10000x128xf32, #tpu.memory_space<hbm>> -> memref<10000x128xf32, #tpu.memory_space<hbm>>
      tpu.enqueue_indirect_dma source(%dma_start3A_118 : memref<10000x128xf32, #tpu.memory_space<hbm>>) target(%arg10 : memref<125x128xf32, #tpu.memory_space<vmem>>) offsets(%dma_start3A_115 : memref<125xi32, #tpu.memory_space<vmem>>) semaphore(%arg13 : memref<!tpu.dma_semaphore, #tpu.memory_space<semaphore_mem>>)
      tpu.wait_dma2 semaphore(%arg12 : memref<!tpu.dma_semaphore, #tpu.memory_space<semaphore_mem>>) src(%arg5 : memref<125x128xf32, #tpu.memory_space<hbm>>) dst(%arg9 : memref<125x128xf32, #tpu.memory_space<vmem>>)
      %dma_start3A_119 = arith.constant 0 : i32
      %dma_start3A_120 = arith.constant 0 : i32
      %dma_start3A_121 = tpu.memref_slice %arg8[%rem3A_90, %dma_start3A_119, %dma_start3A_120] : memref<2x16x125xi32, #tpu.memory_space<vmem>> -> memref<1x1x125xi32, #tpu.memory_space<vmem>>
      %dma_start3A_122 = tpu.memref_squeeze %dma_start3A_121 : memref<1x1x125xi32, #tpu.memory_space<vmem>> -> memref<125xi32, #tpu.memory_space<vmem>>
      %dma_start3A_123 = arith.constant 0 : i32
      %dma_start3A_124 = arith.constant 0 : i32
      %dma_start3A_125 = tpu.memref_slice %arg11[%dma_start3A_123, %dma_start3A_124] : memref<10240x128xf32, #tpu.memory_space<vmem_shared>> -> memref<10240x128xf32, #tpu.memory_space<vmem_shared>>
      tpu.enqueue_indirect_dma source(%arg9 : memref<125x128xf32, #tpu.memory_space<vmem>>) target(%dma_start3A_125 : memref<10240x128xf32, #tpu.memory_space<vmem_shared>>) offsets(%dma_start3A_122 : memref<125xi32, #tpu.memory_space<vmem>>) semaphore(%arg14 : memref<!tpu.dma_semaphore, #tpu.memory_space<semaphore_mem>>) {add = true}
      tpu.wait_dma2 semaphore(%arg13 : memref<!tpu.dma_semaphore, #tpu.memory_space<semaphore_mem>>) src(%arg5 : memref<125x128xf32, #tpu.memory_space<hbm>>) dst(%arg10 : memref<125x128xf32, #tpu.memory_space<vmem>>)
      %dma_start3A_126 = arith.constant 1 : i32
      %dma_start3A_127 = arith.constant 0 : i32
      %dma_start3A_128 = tpu.memref_slice %arg8[%rem3A_90, %dma_start3A_126, %dma_start3A_127] : memref<2x16x125xi32, #tpu.memory_space<vmem>> -> memref<1x1x125xi32, #tpu.memory_space<vmem>>
      %dma_start3A_129 = tpu.memref_squeeze %dma_start3A_128 : memref<1x1x125xi32, #tpu.memory_space<vmem>> -> memref<125xi32, #tpu.memory_space<vmem>>
      %dma_start3A_130 = arith.constant 0 : i32
      %dma_start3A_131 = arith.constant 0 : i32
      %dma_start3A_132 = tpu.memref_slice %arg11[%dma_start3A_130, %dma_start3A_131] : memref<10240x128xf32, #tpu.memory_space<vmem_shared>> -> memref<10240x128xf32, #tpu.memory_space<vmem_shared>>
      tpu.enqueue_indirect_dma source(%arg10 : memref<125x128xf32, #tpu.memory_space<vmem>>) target(%dma_start3A_132 : memref<10240x128xf32, #tpu.memory_space<vmem_shared>>) offsets(%dma_start3A_129 : memref<125xi32, #tpu.memory_space<vmem>>) semaphore(%arg15 : memref<!tpu.dma_semaphore, #tpu.memory_space<semaphore_mem>>) {add = true}
      tpu.wait_dma2 semaphore(%arg14 : memref<!tpu.dma_semaphore, #tpu.memory_space<semaphore_mem>>) src(%arg5 : memref<125x128xf32, #tpu.memory_space<hbm>>) dst(%arg9 : memref<125x128xf32, #tpu.memory_space<vmem>>)
      %dma_start3A_133 = arith.constant 2 : i32
      %dma_start3A_134 = arith.constant 0 : i32
      %dma_start3A_135 = tpu.memref_slice %arg7[%rem3A_90, %dma_start3A_133, %dma_start3A_134] : memref<2x16x125xi32, #tpu.memory_space<vmem>> -> memref<1x1x125xi32, #tpu.memory_space<vmem>>
      %dma_start3A_136 = tpu.memref_squeeze %dma_start3A_135 : memref<1x1x125xi32, #tpu.memory_space<vmem>> -> memref<125xi32, #tpu.memory_space<vmem>>
      %dma_start3A_137 = arith.constant 0 : i32
      %dma_start3A_138 = arith.constant 0 : i32
      %dma_start3A_139 = tpu.memref_slice %arg2[%dma_start3A_137, %dma_start3A_138] : memref<10000x128xf32, #tpu.memory_space<hbm>> -> memref<10000x128xf32, #tpu.memory_space<hbm>>
      tpu.enqueue_indirect_dma source(%dma_start3A_139 : memref<10000x128xf32, #tpu.memory_space<hbm>>) target(%arg9 : memref<125x128xf32, #tpu.memory_space<vmem>>) offsets(%dma_start3A_136 : memref<125xi32, #tpu.memory_space<vmem>>) semaphore(%arg12 : memref<!tpu.dma_semaphore, #tpu.memory_space<semaphore_mem>>)
      tpu.wait_dma2 semaphore(%arg15 : memref<!tpu.dma_semaphore, #tpu.memory_space<semaphore_mem>>) src(%arg5 : memref<125x128xf32, #tpu.memory_space<hbm>>) dst(%arg10 : memref<125x128xf32, #tpu.memory_space<vmem>>)
      %dma_start3A_140 = arith.constant 3 : i32
      %dma_start3A_141 = arith.constant 0 : i32
      %dma_start3A_142 = tpu.memref_slice %arg7[%rem3A_90, %dma_start3A_140, %dma_start3A_141] : memref<2x16x125xi32, #tpu.memory_space<vmem>> -> memref<1x1x125xi32, #tpu.memory_space<vmem>>
      %dma_start3A_143 = tpu.memref_squeeze %dma_start3A_142 : memref<1x1x125xi32, #tpu.memory_space<vmem>> -> memref<125xi32, #tpu.memory_space<vmem>>
      %dma_start3A_144 = arith.constant 0 : i32
      %dma_start3A_145 = arith.constant 0 : i32
      %dma_start3A_146 = tpu.memref_slice %arg2[%dma_start3A_144, %dma_start3A_145] : memref<10000x128xf32, #tpu.memory_space<hbm>> -> memref<10000x128xf32, #tpu.memory_space<hbm>>
      tpu.enqueue_indirect_dma source(%dma_start3A_146 : memref<10000x128xf32, #tpu.memory_space<hbm>>) target(%arg10 : memref<125x128xf32, #tpu.memory_space<vmem>>) offsets(%dma_start3A_143 : memref<125xi32, #tpu.memory_space<vmem>>) semaphore(%arg13 : memref<!tpu.dma_semaphore, #tpu.memory_space<semaphore_mem>>)
      tpu.wait_dma2 semaphore(%arg12 : memref<!tpu.dma_semaphore, #tpu.memory_space<semaphore_mem>>) src(%arg5 : memref<125x128xf32, #tpu.memory_space<hbm>>) dst(%arg9 : memref<125x128xf32, #tpu.memory_space<vmem>>)
      %dma_start3A_147 = arith.constant 2 : i32
      %dma_start3A_148 = arith.constant 0 : i32
      %dma_start3A_149 = tpu.memref_slice %arg8[%rem3A_90, %dma_start3A_147, %dma_start3A_148] : memref<2x16x125xi32, #tpu.memory_space<vmem>> -> memref<1x1x125xi32, #tpu.memory_space<vmem>>
      %dma_start3A_150 = tpu.memref_squeeze %dma_start3A_149 : memref<1x1x125xi32, #tpu.memory_space<vmem>> -> memref<125xi32, #tpu.memory_space<vmem>>
      %dma_start3A_151 = arith.constant 0 : i32
      %dma_start3A_152 = arith.constant 0 : i32
      %dma_start3A_153 = tpu.memref_slice %arg11[%dma_start3A_151, %dma_start3A_152] : memref<10240x128xf32, #tpu.memory_space<vmem_shared>> -> memref<10240x128xf32, #tpu.memory_space<vmem_shared>>
      tpu.enqueue_indirect_dma source(%arg9 : memref<125x128xf32, #tpu.memory_space<vmem>>) target(%dma_start3A_153 : memref<10240x128xf32, #tpu.memory_space<vmem_shared>>) offsets(%dma_start3A_150 : memref<125xi32, #tpu.memory_space<vmem>>) semaphore(%arg14 : memref<!tpu.dma_semaphore, #tpu.memory_space<semaphore_mem>>) {add = true}
      tpu.wait_dma2 semaphore(%arg13 : memref<!tpu.dma_semaphore, #tpu.memory_space<semaphore_mem>>) src(%arg5 : memref<125x128xf32, #tpu.memory_space<hbm>>) dst(%arg10 : memref<125x128xf32, #tpu.memory_space<vmem>>)
      %dma_start3A_154 = arith.constant 3 : i32
      %dma_start3A_155 = arith.constant 0 : i32
      %dma_start3A_156 = tpu.memref_slice %arg8[%rem3A_90, %dma_start3A_154, %dma_start3A_155] : memref<2x16x125xi32, #tpu.memory_space<vmem>> -> memref<1x1x125xi32, #tpu.memory_space<vmem>>
      %dma_start3A_157 = tpu.memref_squeeze %dma_start3A_156 : memref<1x1x125xi32, #tpu.memory_space<vmem>> -> memref<125xi32, #tpu.memory_space<vmem>>
      %dma_start3A_158 = arith.constant 0 : i32
      %dma_start3A_159 = arith.constant 0 : i32
      %dma_start3A_160 = tpu.memref_slice %arg11[%dma_start3A_158, %dma_start3A_159] : memref<10240x128xf32, #tpu.memory_space<vmem_shared>> -> memref<10240x128xf32, #tpu.memory_space<vmem_shared>>
      tpu.enqueue_indirect_dma source(%arg10 : memref<125x128xf32, #tpu.memory_space<vmem>>) target(%dma_start3A_160 : memref<10240x128xf32, #tpu.memory_space<vmem_shared>>) offsets(%dma_start3A_157 : memref<125xi32, #tpu.memory_space<vmem>>) semaphore(%arg15 : memref<!tpu.dma_semaphore, #tpu.memory_space<semaphore_mem>>) {add = true}
      tpu.wait_dma2 semaphore(%arg14 : memref<!tpu.dma_semaphore, #tpu.memory_space<semaphore_mem>>) src(%arg5 : memref<125x128xf32, #tpu.memory_space<hbm>>) dst(%arg9 : memref<125x128xf32, #tpu.memory_space<vmem>>)
      %dma_start3A_161 = arith.constant 4 : i32
      %dma_start3A_162 = arith.constant 0 : i32
      %dma_start3A_163 = tpu.memref_slice %arg7[%rem3A_90, %dma_start3A_161, %dma_start3A_162] : memref<2x16x125xi32, #tpu.memory_space<vmem>> -> memref<1x1x125xi32, #tpu.memory_space<vmem>>
      %dma_start3A_164 = tpu.memref_squeeze %dma_start3A_163 : memref<1x1x125xi32, #tpu.memory_space<vmem>> -> memref<125xi32, #tpu.memory_space<vmem>>
      %dma_start3A_165 = arith.constant 0 : i32
      %dma_start3A_166 = arith.constant 0 : i32
      %dma_start3A_167 = tpu.memref_slice %arg2[%dma_start3A_165, %dma_start3A_166] : memref<10000x128xf32, #tpu.memory_space<hbm>> -> memref<10000x128xf32, #tpu.memory_space<hbm>>
      tpu.enqueue_indirect_dma source(%dma_start3A_167 : memref<10000x128xf32, #tpu.memory_space<hbm>>) target(%arg9 : memref<125x128xf32, #tpu.memory_space<vmem>>) offsets(%dma_start3A_164 : memref<125xi32, #tpu.memory_space<vmem>>) semaphore(%arg12 : memref<!tpu.dma_semaphore, #tpu.memory_space<semaphore_mem>>)
      tpu.wait_dma2 semaphore(%arg15 : memref<!tpu.dma_semaphore, #tpu.memory_space<semaphore_mem>>) src(%arg5 : memref<125x128xf32, #tpu.memory_space<hbm>>) dst(%arg10 : memref<125x128xf32, #tpu.memory_space<vmem>>)
      %dma_start3A_168 = arith.constant 5 : i32
      %dma_start3A_169 = arith.constant 0 : i32
      %dma_start3A_170 = tpu.memref_slice %arg7[%rem3A_90, %dma_start3A_168, %dma_start3A_169] : memref<2x16x125xi32, #tpu.memory_space<vmem>> -> memref<1x1x125xi32, #tpu.memory_space<vmem>>
      %dma_start3A_171 = tpu.memref_squeeze %dma_start3A_170 : memref<1x1x125xi32, #tpu.memory_space<vmem>> -> memref<125xi32, #tpu.memory_space<vmem>>
      %dma_start3A_172 = arith.constant 0 : i32
      %dma_start3A_173 = arith.constant 0 : i32
      %dma_start3A_174 = tpu.memref_slice %arg2[%dma_start3A_172, %dma_start3A_173] : memref<10000x128xf32, #tpu.memory_space<hbm>> -> memref<10000x128xf32, #tpu.memory_space<hbm>>
      tpu.enqueue_indirect_dma source(%dma_start3A_174 : memref<10000x128xf32, #tpu.memory_space<hbm>>) target(%arg10 : memref<125x128xf32, #tpu.memory_space<vmem>>) offsets(%dma_start3A_171 : memref<125xi32, #tpu.memory_space<vmem>>) semaphore(%arg13 : memref<!tpu.dma_semaphore, #tpu.memory_space<semaphore_mem>>)
      tpu.wait_dma2 semaphore(%arg12 : memref<!tpu.dma_semaphore, #tpu.memory_space<semaphore_mem>>) src(%arg5 : memref<125x128xf32, #tpu.memory_space<hbm>>) dst(%arg9 : memref<125x128xf32, #tpu.memory_space<vmem>>)
      %dma_start3A_175 = arith.constant 4 : i32
      %dma_start3A_176 = arith.constant 0 : i32
      %dma_start3A_177 = tpu.memref_slice %arg8[%rem3A_90, %dma_start3A_175, %dma_start3A_176] : memref<2x16x125xi32, #tpu.memory_space<vmem>> -> memref<1x1x125xi32, #tpu.memory_space<vmem>>
      %dma_start3A_178 = tpu.memref_squeeze %dma_start3A_177 : memref<1x1x125xi32, #tpu.memory_space<vmem>> -> memref<125xi32, #tpu.memory_space<vmem>>
      %dma_start3A_179 = arith.constant 0 : i32
      %dma_start3A_180 = arith.constant 0 : i32
      %dma_start3A_181 = tpu.memref_slice %arg11[%dma_start3A_179, %dma_start3A_180] : memref<10240x128xf32, #tpu.memory_space<vmem_shared>> -> memref<10240x128xf32, #tpu.memory_space<vmem_shared>>
      tpu.enqueue_indirect_dma source(%arg9 : memref<125x128xf32, #tpu.memory_space<vmem>>) target(%dma_start3A_181 : memref<10240x128xf32, #tpu.memory_space<vmem_shared>>) offsets(%dma_start3A_178 : memref<125xi32, #tpu.memory_space<vmem>>) semaphore(%arg14 : memref<!tpu.dma_semaphore, #tpu.memory_space<semaphore_mem>>) {add = true}
      tpu.wait_dma2 semaphore(%arg13 : memref<!tpu.dma_semaphore, #tpu.memory_space<semaphore_mem>>) src(%arg5 : memref<125x128xf32, #tpu.memory_space<hbm>>) dst(%arg10 : memref<125x128xf32, #tpu.memory_space<vmem>>)
      %dma_start3A_182 = arith.constant 5 : i32
      %dma_start3A_183 = arith.constant 0 : i32
      %dma_start3A_184 = tpu.memref_slice %arg8[%rem3A_90, %dma_start3A_182, %dma_start3A_183] : memref<2x16x125xi32, #tpu.memory_space<vmem>> -> memref<1x1x125xi32, #tpu.memory_space<vmem>>
      %dma_start3A_185 = tpu.memref_squeeze %dma_start3A_184 : memref<1x1x125xi32, #tpu.memory_space<vmem>> -> memref<125xi32, #tpu.memory_space<vmem>>
      %dma_start3A_186 = arith.constant 0 : i32
      %dma_start3A_187 = arith.constant 0 : i32
      %dma_start3A_188 = tpu.memref_slice %arg11[%dma_start3A_186, %dma_start3A_187] : memref<10240x128xf32, #tpu.memory_space<vmem_shared>> -> memref<10240x128xf32, #tpu.memory_space<vmem_shared>>
      tpu.enqueue_indirect_dma source(%arg10 : memref<125x128xf32, #tpu.memory_space<vmem>>) target(%dma_start3A_188 : memref<10240x128xf32, #tpu.memory_space<vmem_shared>>) offsets(%dma_start3A_185 : memref<125xi32, #tpu.memory_space<vmem>>) semaphore(%arg15 : memref<!tpu.dma_semaphore, #tpu.memory_space<semaphore_mem>>) {add = true}
      tpu.wait_dma2 semaphore(%arg14 : memref<!tpu.dma_semaphore, #tpu.memory_space<semaphore_mem>>) src(%arg5 : memref<125x128xf32, #tpu.memory_space<hbm>>) dst(%arg9 : memref<125x128xf32, #tpu.memory_space<vmem>>)
      %dma_start3A_189 = arith.constant 6 : i32
      %dma_start3A_190 = arith.constant 0 : i32
      %dma_start3A_191 = tpu.memref_slice %arg7[%rem3A_90, %dma_start3A_189, %dma_start3A_190] : memref<2x16x125xi32, #tpu.memory_space<vmem>> -> memref<1x1x125xi32, #tpu.memory_space<vmem>>
      %dma_start3A_192 = tpu.memref_squeeze %dma_start3A_191 : memref<1x1x125xi32, #tpu.memory_space<vmem>> -> memref<125xi32, #tpu.memory_space<vmem>>
      %dma_start3A_193 = arith.constant 0 : i32
      %dma_start3A_194 = arith.constant 0 : i32
      %dma_start3A_195 = tpu.memref_slice %arg2[%dma_start3A_193, %dma_start3A_194] : memref<10000x128xf32, #tpu.memory_space<hbm>> -> memref<10000x128xf32, #tpu.memory_space<hbm>>
      tpu.enqueue_indirect_dma source(%dma_start3A_195 : memref<10000x128xf32, #tpu.memory_space<hbm>>) target(%arg9 : memref<125x128xf32, #tpu.memory_space<vmem>>) offsets(%dma_start3A_192 : memref<125xi32, #tpu.memory_space<vmem>>) semaphore(%arg12 : memref<!tpu.dma_semaphore, #tpu.memory_space<semaphore_mem>>)
      tpu.wait_dma2 semaphore(%arg15 : memref<!tpu.dma_semaphore, #tpu.memory_space<semaphore_mem>>) src(%arg5 : memref<125x128xf32, #tpu.memory_space<hbm>>) dst(%arg10 : memref<125x128xf32, #tpu.memory_space<vmem>>)
      %dma_start3A_196 = arith.constant 7 : i32
      %dma_start3A_197 = arith.constant 0 : i32
      %dma_start3A_198 = tpu.memref_slice %arg7[%rem3A_90, %dma_start3A_196, %dma_start3A_197] : memref<2x16x125xi32, #tpu.memory_space<vmem>> -> memref<1x1x125xi32, #tpu.memory_space<vmem>>
      %dma_start3A_199 = tpu.memref_squeeze %dma_start3A_198 : memref<1x1x125xi32, #tpu.memory_space<vmem>> -> memref<125xi32, #tpu.memory_space<vmem>>
      %dma_start3A_200 = arith.constant 0 : i32
      %dma_start3A_201 = arith.constant 0 : i32
      %dma_start3A_202 = tpu.memref_slice %arg2[%dma_start3A_200, %dma_start3A_201] : memref<10000x128xf32, #tpu.memory_space<hbm>> -> memref<10000x128xf32, #tpu.memory_space<hbm>>
      tpu.enqueue_indirect_dma source(%dma_start3A_202 : memref<10000x128xf32, #tpu.memory_space<hbm>>) target(%arg10 : memref<125x128xf32, #tpu.memory_space<vmem>>) offsets(%dma_start3A_199 : memref<125xi32, #tpu.memory_space<vmem>>) semaphore(%arg13 : memref<!tpu.dma_semaphore, #tpu.memory_space<semaphore_mem>>)
      tpu.wait_dma2 semaphore(%arg12 : memref<!tpu.dma_semaphore, #tpu.memory_space<semaphore_mem>>) src(%arg5 : memref<125x128xf32, #tpu.memory_space<hbm>>) dst(%arg9 : memref<125x128xf32, #tpu.memory_space<vmem>>)
      %dma_start3A_203 = arith.constant 6 : i32
      %dma_start3A_204 = arith.constant 0 : i32
      %dma_start3A_205 = tpu.memref_slice %arg8[%rem3A_90, %dma_start3A_203, %dma_start3A_204] : memref<2x16x125xi32, #tpu.memory_space<vmem>> -> memref<1x1x125xi32, #tpu.memory_space<vmem>>
      %dma_start3A_206 = tpu.memref_squeeze %dma_start3A_205 : memref<1x1x125xi32, #tpu.memory_space<vmem>> -> memref<125xi32, #tpu.memory_space<vmem>>
      %dma_start3A_207 = arith.constant 0 : i32
      %dma_start3A_208 = arith.constant 0 : i32
      %dma_start3A_209 = tpu.memref_slice %arg11[%dma_start3A_207, %dma_start3A_208] : memref<10240x128xf32, #tpu.memory_space<vmem_shared>> -> memref<10240x128xf32, #tpu.memory_space<vmem_shared>>
      tpu.enqueue_indirect_dma source(%arg9 : memref<125x128xf32, #tpu.memory_space<vmem>>) target(%dma_start3A_209 : memref<10240x128xf32, #tpu.memory_space<vmem_shared>>) offsets(%dma_start3A_206 : memref<125xi32, #tpu.memory_space<vmem>>) semaphore(%arg14 : memref<!tpu.dma_semaphore, #tpu.memory_space<semaphore_mem>>) {add = true}
      tpu.wait_dma2 semaphore(%arg13 : memref<!tpu.dma_semaphore, #tpu.memory_space<semaphore_mem>>) src(%arg5 : memref<125x128xf32, #tpu.memory_space<hbm>>) dst(%arg10 : memref<125x128xf32, #tpu.memory_space<vmem>>)
      %dma_start3A_210 = arith.constant 7 : i32
      %dma_start3A_211 = arith.constant 0 : i32
      %dma_start3A_212 = tpu.memref_slice %arg8[%rem3A_90, %dma_start3A_210, %dma_start3A_211] : memref<2x16x125xi32, #tpu.memory_space<vmem>> -> memref<1x1x125xi32, #tpu.memory_space<vmem>>
      %dma_start3A_213 = tpu.memref_squeeze %dma_start3A_212 : memref<1x1x125xi32, #tpu.memory_space<vmem>> -> memref<125xi32, #tpu.memory_space<vmem>>
      %dma_start3A_214 = arith.constant 0 : i32
      %dma_start3A_215 = arith.constant 0 : i32
      %dma_start3A_216 = tpu.memref_slice %arg11[%dma_start3A_214, %dma_start3A_215] : memref<10240x128xf32, #tpu.memory_space<vmem_shared>> -> memref<10240x128xf32, #tpu.memory_space<vmem_shared>>
      tpu.enqueue_indirect_dma source(%arg10 : memref<125x128xf32, #tpu.memory_space<vmem>>) target(%dma_start3A_216 : memref<10240x128xf32, #tpu.memory_space<vmem_shared>>) offsets(%dma_start3A_213 : memref<125xi32, #tpu.memory_space<vmem>>) semaphore(%arg15 : memref<!tpu.dma_semaphore, #tpu.memory_space<semaphore_mem>>) {add = true}
      tpu.wait_dma2 semaphore(%arg14 : memref<!tpu.dma_semaphore, #tpu.memory_space<semaphore_mem>>) src(%arg5 : memref<125x128xf32, #tpu.memory_space<hbm>>) dst(%arg9 : memref<125x128xf32, #tpu.memory_space<vmem>>)
      %dma_start3A_217 = arith.constant 8 : i32
      %dma_start3A_218 = arith.constant 0 : i32
      %dma_start3A_219 = tpu.memref_slice %arg7[%rem3A_90, %dma_start3A_217, %dma_start3A_218] : memref<2x16x125xi32, #tpu.memory_space<vmem>> -> memref<1x1x125xi32, #tpu.memory_space<vmem>>
      %dma_start3A_220 = tpu.memref_squeeze %dma_start3A_219 : memref<1x1x125xi32, #tpu.memory_space<vmem>> -> memref<125xi32, #tpu.memory_space<vmem>>
      %dma_start3A_221 = arith.constant 0 : i32
      %dma_start3A_222 = arith.constant 0 : i32
      %dma_start3A_223 = tpu.memref_slice %arg2[%dma_start3A_221, %dma_start3A_222] : memref<10000x128xf32, #tpu.memory_space<hbm>> -> memref<10000x128xf32, #tpu.memory_space<hbm>>
      tpu.enqueue_indirect_dma source(%dma_start3A_223 : memref<10000x128xf32, #tpu.memory_space<hbm>>) target(%arg9 : memref<125x128xf32, #tpu.memory_space<vmem>>) offsets(%dma_start3A_220 : memref<125xi32, #tpu.memory_space<vmem>>) semaphore(%arg12 : memref<!tpu.dma_semaphore, #tpu.memory_space<semaphore_mem>>)
      tpu.wait_dma2 semaphore(%arg15 : memref<!tpu.dma_semaphore, #tpu.memory_space<semaphore_mem>>) src(%arg5 : memref<125x128xf32, #tpu.memory_space<hbm>>) dst(%arg10 : memref<125x128xf32, #tpu.memory_space<vmem>>)
      %dma_start3A_224 = arith.constant 9 : i32
      %dma_start3A_225 = arith.constant 0 : i32
      %dma_start3A_226 = tpu.memref_slice %arg7[%rem3A_90, %dma_start3A_224, %dma_start3A_225] : memref<2x16x125xi32, #tpu.memory_space<vmem>> -> memref<1x1x125xi32, #tpu.memory_space<vmem>>
      %dma_start3A_227 = tpu.memref_squeeze %dma_start3A_226 : memref<1x1x125xi32, #tpu.memory_space<vmem>> -> memref<125xi32, #tpu.memory_space<vmem>>
      %dma_start3A_228 = arith.constant 0 : i32
      %dma_start3A_229 = arith.constant 0 : i32
      %dma_start3A_230 = tpu.memref_slice %arg2[%dma_start3A_228, %dma_start3A_229] : memref<10000x128xf32, #tpu.memory_space<hbm>> -> memref<10000x128xf32, #tpu.memory_space<hbm>>
      tpu.enqueue_indirect_dma source(%dma_start3A_230 : memref<10000x128xf32, #tpu.memory_space<hbm>>) target(%arg10 : memref<125x128xf32, #tpu.memory_space<vmem>>) offsets(%dma_start3A_227 : memref<125xi32, #tpu.memory_space<vmem>>) semaphore(%arg13 : memref<!tpu.dma_semaphore, #tpu.memory_space<semaphore_mem>>)
      tpu.wait_dma2 semaphore(%arg12 : memref<!tpu.dma_semaphore, #tpu.memory_space<semaphore_mem>>) src(%arg5 : memref<125x128xf32, #tpu.memory_space<hbm>>) dst(%arg9 : memref<125x128xf32, #tpu.memory_space<vmem>>)
      %dma_start3A_231 = arith.constant 8 : i32
      %dma_start3A_232 = arith.constant 0 : i32
      %dma_start3A_233 = tpu.memref_slice %arg8[%rem3A_90, %dma_start3A_231, %dma_start3A_232] : memref<2x16x125xi32, #tpu.memory_space<vmem>> -> memref<1x1x125xi32, #tpu.memory_space<vmem>>
      %dma_start3A_234 = tpu.memref_squeeze %dma_start3A_233 : memref<1x1x125xi32, #tpu.memory_space<vmem>> -> memref<125xi32, #tpu.memory_space<vmem>>
      %dma_start3A_235 = arith.constant 0 : i32
      %dma_start3A_236 = arith.constant 0 : i32
      %dma_start3A_237 = tpu.memref_slice %arg11[%dma_start3A_235, %dma_start3A_236] : memref<10240x128xf32, #tpu.memory_space<vmem_shared>> -> memref<10240x128xf32, #tpu.memory_space<vmem_shared>>
      tpu.enqueue_indirect_dma source(%arg9 : memref<125x128xf32, #tpu.memory_space<vmem>>) target(%dma_start3A_237 : memref<10240x128xf32, #tpu.memory_space<vmem_shared>>) offsets(%dma_start3A_234 : memref<125xi32, #tpu.memory_space<vmem>>) semaphore(%arg14 : memref<!tpu.dma_semaphore, #tpu.memory_space<semaphore_mem>>) {add = true}
      tpu.wait_dma2 semaphore(%arg13 : memref<!tpu.dma_semaphore, #tpu.memory_space<semaphore_mem>>) src(%arg5 : memref<125x128xf32, #tpu.memory_space<hbm>>) dst(%arg10 : memref<125x128xf32, #tpu.memory_space<vmem>>)
      %dma_start3A_238 = arith.constant 9 : i32
      %dma_start3A_239 = arith.constant 0 : i32
      %dma_start3A_240 = tpu.memref_slice %arg8[%rem3A_90, %dma_start3A_238, %dma_start3A_239] : memref<2x16x125xi32, #tpu.memory_space<vmem>> -> memref<1x1x125xi32, #tpu.memory_space<vmem>>
      %dma_start3A_241 = tpu.memref_squeeze %dma_start3A_240 : memref<1x1x125xi32, #tpu.memory_space<vmem>> -> memref<125xi32, #tpu.memory_space<vmem>>
      %dma_start3A_242 = arith.constant 0 : i32
      %dma_start3A_243 = arith.constant 0 : i32
      %dma_start3A_244 = tpu.memref_slice %arg11[%dma_start3A_242, %dma_start3A_243] : memref<10240x128xf32, #tpu.memory_space<vmem_shared>> -> memref<10240x128xf32, #tpu.memory_space<vmem_shared>>
      tpu.enqueue_indirect_dma source(%arg10 : memref<125x128xf32, #tpu.memory_space<vmem>>) target(%dma_start3A_244 : memref<10240x128xf32, #tpu.memory_space<vmem_shared>>) offsets(%dma_start3A_241 : memref<125xi32, #tpu.memory_space<vmem>>) semaphore(%arg15 : memref<!tpu.dma_semaphore, #tpu.memory_space<semaphore_mem>>) {add = true}
      tpu.wait_dma2 semaphore(%arg14 : memref<!tpu.dma_semaphore, #tpu.memory_space<semaphore_mem>>) src(%arg5 : memref<125x128xf32, #tpu.memory_space<hbm>>) dst(%arg9 : memref<125x128xf32, #tpu.memory_space<vmem>>)
      %dma_start3A_245 = arith.constant 10 : i32
      %dma_start3A_246 = arith.constant 0 : i32
      %dma_start3A_247 = tpu.memref_slice %arg7[%rem3A_90, %dma_start3A_245, %dma_start3A_246] : memref<2x16x125xi32, #tpu.memory_space<vmem>> -> memref<1x1x125xi32, #tpu.memory_space<vmem>>
      %dma_start3A_248 = tpu.memref_squeeze %dma_start3A_247 : memref<1x1x125xi32, #tpu.memory_space<vmem>> -> memref<125xi32, #tpu.memory_space<vmem>>
      %dma_start3A_249 = arith.constant 0 : i32
      %dma_start3A_250 = arith.constant 0 : i32
      %dma_start3A_251 = tpu.memref_slice %arg2[%dma_start3A_249, %dma_start3A_250] : memref<10000x128xf32, #tpu.memory_space<hbm>> -> memref<10000x128xf32, #tpu.memory_space<hbm>>
      tpu.enqueue_indirect_dma source(%dma_start3A_251 : memref<10000x128xf32, #tpu.memory_space<hbm>>) target(%arg9 : memref<125x128xf32, #tpu.memory_space<vmem>>) offsets(%dma_start3A_248 : memref<125xi32, #tpu.memory_space<vmem>>) semaphore(%arg12 : memref<!tpu.dma_semaphore, #tpu.memory_space<semaphore_mem>>)
      tpu.wait_dma2 semaphore(%arg15 : memref<!tpu.dma_semaphore, #tpu.memory_space<semaphore_mem>>) src(%arg5 : memref<125x128xf32, #tpu.memory_space<hbm>>) dst(%arg10 : memref<125x128xf32, #tpu.memory_space<vmem>>)
      %dma_start3A_252 = arith.constant 11 : i32
      %dma_start3A_253 = arith.constant 0 : i32
      %dma_start3A_254 = tpu.memref_slice %arg7[%rem3A_90, %dma_start3A_252, %dma_start3A_253] : memref<2x16x125xi32, #tpu.memory_space<vmem>> -> memref<1x1x125xi32, #tpu.memory_space<vmem>>
      %dma_start3A_255 = tpu.memref_squeeze %dma_start3A_254 : memref<1x1x125xi32, #tpu.memory_space<vmem>> -> memref<125xi32, #tpu.memory_space<vmem>>
      %dma_start3A_256 = arith.constant 0 : i32
      %dma_start3A_257 = arith.constant 0 : i32
      %dma_start3A_258 = tpu.memref_slice %arg2[%dma_start3A_256, %dma_start3A_257] : memref<10000x128xf32, #tpu.memory_space<hbm>> -> memref<10000x128xf32, #tpu.memory_space<hbm>>
      tpu.enqueue_indirect_dma source(%dma_start3A_258 : memref<10000x128xf32, #tpu.memory_space<hbm>>) target(%arg10 : memref<125x128xf32, #tpu.memory_space<vmem>>) offsets(%dma_start3A_255 : memref<125xi32, #tpu.memory_space<vmem>>) semaphore(%arg13 : memref<!tpu.dma_semaphore, #tpu.memory_space<semaphore_mem>>)
      tpu.wait_dma2 semaphore(%arg12 : memref<!tpu.dma_semaphore, #tpu.memory_space<semaphore_mem>>) src(%arg5 : memref<125x128xf32, #tpu.memory_space<hbm>>) dst(%arg9 : memref<125x128xf32, #tpu.memory_space<vmem>>)
      %dma_start3A_259 = arith.constant 10 : i32
      %dma_start3A_260 = arith.constant 0 : i32
      %dma_start3A_261 = tpu.memref_slice %arg8[%rem3A_90, %dma_start3A_259, %dma_start3A_260] : memref<2x16x125xi32, #tpu.memory_space<vmem>> -> memref<1x1x125xi32, #tpu.memory_space<vmem>>
      %dma_start3A_262 = tpu.memref_squeeze %dma_start3A_261 : memref<1x1x125xi32, #tpu.memory_space<vmem>> -> memref<125xi32, #tpu.memory_space<vmem>>
      %dma_start3A_263 = arith.constant 0 : i32
      %dma_start3A_264 = arith.constant 0 : i32
      %dma_start3A_265 = tpu.memref_slice %arg11[%dma_start3A_263, %dma_start3A_264] : memref<10240x128xf32, #tpu.memory_space<vmem_shared>> -> memref<10240x128xf32, #tpu.memory_space<vmem_shared>>
      tpu.enqueue_indirect_dma source(%arg9 : memref<125x128xf32, #tpu.memory_space<vmem>>) target(%dma_start3A_265 : memref<10240x128xf32, #tpu.memory_space<vmem_shared>>) offsets(%dma_start3A_262 : memref<125xi32, #tpu.memory_space<vmem>>) semaphore(%arg14 : memref<!tpu.dma_semaphore, #tpu.memory_space<semaphore_mem>>) {add = true}
      tpu.wait_dma2 semaphore(%arg13 : memref<!tpu.dma_semaphore, #tpu.memory_space<semaphore_mem>>) src(%arg5 : memref<125x128xf32, #tpu.memory_space<hbm>>) dst(%arg10 : memref<125x128xf32, #tpu.memory_space<vmem>>)
      %dma_start3A_266 = arith.constant 11 : i32
      %dma_start3A_267 = arith.constant 0 : i32
      %dma_start3A_268 = tpu.memref_slice %arg8[%rem3A_90, %dma_start3A_266, %dma_start3A_267] : memref<2x16x125xi32, #tpu.memory_space<vmem>> -> memref<1x1x125xi32, #tpu.memory_space<vmem>>
      %dma_start3A_269 = tpu.memref_squeeze %dma_start3A_268 : memref<1x1x125xi32, #tpu.memory_space<vmem>> -> memref<125xi32, #tpu.memory_space<vmem>>
      %dma_start3A_270 = arith.constant 0 : i32
      %dma_start3A_271 = arith.constant 0 : i32
      %dma_start3A_272 = tpu.memref_slice %arg11[%dma_start3A_270, %dma_start3A_271] : memref<10240x128xf32, #tpu.memory_space<vmem_shared>> -> memref<10240x128xf32, #tpu.memory_space<vmem_shared>>
      tpu.enqueue_indirect_dma source(%arg10 : memref<125x128xf32, #tpu.memory_space<vmem>>) target(%dma_start3A_272 : memref<10240x128xf32, #tpu.memory_space<vmem_shared>>) offsets(%dma_start3A_269 : memref<125xi32, #tpu.memory_space<vmem>>) semaphore(%arg15 : memref<!tpu.dma_semaphore, #tpu.memory_space<semaphore_mem>>) {add = true}
      tpu.wait_dma2 semaphore(%arg14 : memref<!tpu.dma_semaphore, #tpu.memory_space<semaphore_mem>>) src(%arg5 : memref<125x128xf32, #tpu.memory_space<hbm>>) dst(%arg9 : memref<125x128xf32, #tpu.memory_space<vmem>>)
      %dma_start3A_273 = arith.constant 12 : i32
      %dma_start3A_274 = arith.constant 0 : i32
      %dma_start3A_275 = tpu.memref_slice %arg7[%rem3A_90, %dma_start3A_273, %dma_start3A_274] : memref<2x16x125xi32, #tpu.memory_space<vmem>> -> memref<1x1x125xi32, #tpu.memory_space<vmem>>
      %dma_start3A_276 = tpu.memref_squeeze %dma_start3A_275 : memref<1x1x125xi32, #tpu.memory_space<vmem>> -> memref<125xi32, #tpu.memory_space<vmem>>
      %dma_start3A_277 = arith.constant 0 : i32
      %dma_start3A_278 = arith.constant 0 : i32
      %dma_start3A_279 = tpu.memref_slice %arg2[%dma_start3A_277, %dma_start3A_278] : memref<10000x128xf32, #tpu.memory_space<hbm>> -> memref<10000x128xf32, #tpu.memory_space<hbm>>
      tpu.enqueue_indirect_dma source(%dma_start3A_279 : memref<10000x128xf32, #tpu.memory_space<hbm>>) target(%arg9 : memref<125x128xf32, #tpu.memory_space<vmem>>) offsets(%dma_start3A_276 : memref<125xi32, #tpu.memory_space<vmem>>) semaphore(%arg12 : memref<!tpu.dma_semaphore, #tpu.memory_space<semaphore_mem>>)
      tpu.wait_dma2 semaphore(%arg15 : memref<!tpu.dma_semaphore, #tpu.memory_space<semaphore_mem>>) src(%arg5 : memref<125x128xf32, #tpu.memory_space<hbm>>) dst(%arg10 : memref<125x128xf32, #tpu.memory_space<vmem>>)
      %dma_start3A_280 = arith.constant 13 : i32
      %dma_start3A_281 = arith.constant 0 : i32
      %dma_start3A_282 = tpu.memref_slice %arg7[%rem3A_90, %dma_start3A_280, %dma_start3A_281] : memref<2x16x125xi32, #tpu.memory_space<vmem>> -> memref<1x1x125xi32, #tpu.memory_space<vmem>>
      %dma_start3A_283 = tpu.memref_squeeze %dma_start3A_282 : memref<1x1x125xi32, #tpu.memory_space<vmem>> -> memref<125xi32, #tpu.memory_space<vmem>>
      %dma_start3A_284 = arith.constant 0 : i32
      %dma_start3A_285 = arith.constant 0 : i32
      %dma_start3A_286 = tpu.memref_slice %arg2[%dma_start3A_284, %dma_start3A_285] : memref<10000x128xf32, #tpu.memory_space<hbm>> -> memref<10000x128xf32, #tpu.memory_space<hbm>>
      tpu.enqueue_indirect_dma source(%dma_start3A_286 : memref<10000x128xf32, #tpu.memory_space<hbm>>) target(%arg10 : memref<125x128xf32, #tpu.memory_space<vmem>>) offsets(%dma_start3A_283 : memref<125xi32, #tpu.memory_space<vmem>>) semaphore(%arg13 : memref<!tpu.dma_semaphore, #tpu.memory_space<semaphore_mem>>)
      tpu.wait_dma2 semaphore(%arg12 : memref<!tpu.dma_semaphore, #tpu.memory_space<semaphore_mem>>) src(%arg5 : memref<125x128xf32, #tpu.memory_space<hbm>>) dst(%arg9 : memref<125x128xf32, #tpu.memory_space<vmem>>)
      %dma_start3A_287 = arith.constant 12 : i32
      %dma_start3A_288 = arith.constant 0 : i32
      %dma_start3A_289 = tpu.memref_slice %arg8[%rem3A_90, %dma_start3A_287, %dma_start3A_288] : memref<2x16x125xi32, #tpu.memory_space<vmem>> -> memref<1x1x125xi32, #tpu.memory_space<vmem>>
      %dma_start3A_290 = tpu.memref_squeeze %dma_start3A_289 : memref<1x1x125xi32, #tpu.memory_space<vmem>> -> memref<125xi32, #tpu.memory_space<vmem>>
      %dma_start3A_291 = arith.constant 0 : i32
      %dma_start3A_292 = arith.constant 0 : i32
      %dma_start3A_293 = tpu.memref_slice %arg11[%dma_start3A_291, %dma_start3A_292] : memref<10240x128xf32, #tpu.memory_space<vmem_shared>> -> memref<10240x128xf32, #tpu.memory_space<vmem_shared>>
      tpu.enqueue_indirect_dma source(%arg9 : memref<125x128xf32, #tpu.memory_space<vmem>>) target(%dma_start3A_293 : memref<10240x128xf32, #tpu.memory_space<vmem_shared>>) offsets(%dma_start3A_290 : memref<125xi32, #tpu.memory_space<vmem>>) semaphore(%arg14 : memref<!tpu.dma_semaphore, #tpu.memory_space<semaphore_mem>>) {add = true}
      tpu.wait_dma2 semaphore(%arg13 : memref<!tpu.dma_semaphore, #tpu.memory_space<semaphore_mem>>) src(%arg5 : memref<125x128xf32, #tpu.memory_space<hbm>>) dst(%arg10 : memref<125x128xf32, #tpu.memory_space<vmem>>)
      %dma_start3A_294 = arith.constant 13 : i32
      %dma_start3A_295 = arith.constant 0 : i32
      %dma_start3A_296 = tpu.memref_slice %arg8[%rem3A_90, %dma_start3A_294, %dma_start3A_295] : memref<2x16x125xi32, #tpu.memory_space<vmem>> -> memref<1x1x125xi32, #tpu.memory_space<vmem>>
      %dma_start3A_297 = tpu.memref_squeeze %dma_start3A_296 : memref<1x1x125xi32, #tpu.memory_space<vmem>> -> memref<125xi32, #tpu.memory_space<vmem>>
      %dma_start3A_298 = arith.constant 0 : i32
      %dma_start3A_299 = arith.constant 0 : i32
      %dma_start3A_300 = tpu.memref_slice %arg11[%dma_start3A_298, %dma_start3A_299] : memref<10240x128xf32, #tpu.memory_space<vmem_shared>> -> memref<10240x128xf32, #tpu.memory_space<vmem_shared>>
      tpu.enqueue_indirect_dma source(%arg10 : memref<125x128xf32, #tpu.memory_space<vmem>>) target(%dma_start3A_300 : memref<10240x128xf32, #tpu.memory_space<vmem_shared>>) offsets(%dma_start3A_297 : memref<125xi32, #tpu.memory_space<vmem>>) semaphore(%arg15 : memref<!tpu.dma_semaphore, #tpu.memory_space<semaphore_mem>>) {add = true}
      tpu.wait_dma2 semaphore(%arg14 : memref<!tpu.dma_semaphore, #tpu.memory_space<semaphore_mem>>) src(%arg5 : memref<125x128xf32, #tpu.memory_space<hbm>>) dst(%arg9 : memref<125x128xf32, #tpu.memory_space<vmem>>)
      %dma_start3A_301 = arith.constant 14 : i32
      %dma_start3A_302 = arith.constant 0 : i32
      %dma_start3A_303 = tpu.memref_slice %arg7[%rem3A_90, %dma_start3A_301, %dma_start3A_302] : memref<2x16x125xi32, #tpu.memory_space<vmem>> -> memref<1x1x125xi32, #tpu.memory_space<vmem>>
      %dma_start3A_304 = tpu.memref_squeeze %dma_start3A_303 : memref<1x1x125xi32, #tpu.memory_space<vmem>> -> memref<125xi32, #tpu.memory_space<vmem>>
      %dma_start3A_305 = arith.constant 0 : i32
      %dma_start3A_306 = arith.constant 0 : i32
      %dma_start3A_307 = tpu.memref_slice %arg2[%dma_start3A_305, %dma_start3A_306] : memref<10000x128xf32, #tpu.memory_space<hbm>> -> memref<10000x128xf32, #tpu.memory_space<hbm>>
      tpu.enqueue_indirect_dma source(%dma_start3A_307 : memref<10000x128xf32, #tpu.memory_space<hbm>>) target(%arg9 : memref<125x128xf32, #tpu.memory_space<vmem>>) offsets(%dma_start3A_304 : memref<125xi32, #tpu.memory_space<vmem>>) semaphore(%arg12 : memref<!tpu.dma_semaphore, #tpu.memory_space<semaphore_mem>>)
      tpu.wait_dma2 semaphore(%arg15 : memref<!tpu.dma_semaphore, #tpu.memory_space<semaphore_mem>>) src(%arg5 : memref<125x128xf32, #tpu.memory_space<hbm>>) dst(%arg10 : memref<125x128xf32, #tpu.memory_space<vmem>>)
      %dma_start3A_308 = arith.constant 15 : i32
      %dma_start3A_309 = arith.constant 0 : i32
      %dma_start3A_310 = tpu.memref_slice %arg7[%rem3A_90, %dma_start3A_308, %dma_start3A_309] : memref<2x16x125xi32, #tpu.memory_space<vmem>> -> memref<1x1x125xi32, #tpu.memory_space<vmem>>
      %dma_start3A_311 = tpu.memref_squeeze %dma_start3A_310 : memref<1x1x125xi32, #tpu.memory_space<vmem>> -> memref<125xi32, #tpu.memory_space<vmem>>
      %dma_start3A_312 = arith.constant 0 : i32
      %dma_start3A_313 = arith.constant 0 : i32
      %dma_start3A_314 = tpu.memref_slice %arg2[%dma_start3A_312, %dma_start3A_313] : memref<10000x128xf32, #tpu.memory_space<hbm>> -> memref<10000x128xf32, #tpu.memory_space<hbm>>
      tpu.enqueue_indirect_dma source(%dma_start3A_314 : memref<10000x128xf32, #tpu.memory_space<hbm>>) target(%arg10 : memref<125x128xf32, #tpu.memory_space<vmem>>) offsets(%dma_start3A_311 : memref<125xi32, #tpu.memory_space<vmem>>) semaphore(%arg13 : memref<!tpu.dma_semaphore, #tpu.memory_space<semaphore_mem>>)
      tpu.wait_dma2 semaphore(%arg12 : memref<!tpu.dma_semaphore, #tpu.memory_space<semaphore_mem>>) src(%arg5 : memref<125x128xf32, #tpu.memory_space<hbm>>) dst(%arg9 : memref<125x128xf32, #tpu.memory_space<vmem>>)
      %dma_start3A_315 = arith.constant 14 : i32
      %dma_start3A_316 = arith.constant 0 : i32
      %dma_start3A_317 = tpu.memref_slice %arg8[%rem3A_90, %dma_start3A_315, %dma_start3A_316] : memref<2x16x125xi32, #tpu.memory_space<vmem>> -> memref<1x1x125xi32, #tpu.memory_space<vmem>>
      %dma_start3A_318 = tpu.memref_squeeze %dma_start3A_317 : memref<1x1x125xi32, #tpu.memory_space<vmem>> -> memref<125xi32, #tpu.memory_space<vmem>>
      %dma_start3A_319 = arith.constant 0 : i32
      %dma_start3A_320 = arith.constant 0 : i32
      %dma_start3A_321 = tpu.memref_slice %arg11[%dma_start3A_319, %dma_start3A_320] : memref<10240x128xf32, #tpu.memory_space<vmem_shared>> -> memref<10240x128xf32, #tpu.memory_space<vmem_shared>>
      tpu.enqueue_indirect_dma source(%arg9 : memref<125x128xf32, #tpu.memory_space<vmem>>) target(%dma_start3A_321 : memref<10240x128xf32, #tpu.memory_space<vmem_shared>>) offsets(%dma_start3A_318 : memref<125xi32, #tpu.memory_space<vmem>>) semaphore(%arg14 : memref<!tpu.dma_semaphore, #tpu.memory_space<semaphore_mem>>) {add = true}
      tpu.wait_dma2 semaphore(%arg13 : memref<!tpu.dma_semaphore, #tpu.memory_space<semaphore_mem>>) src(%arg5 : memref<125x128xf32, #tpu.memory_space<hbm>>) dst(%arg10 : memref<125x128xf32, #tpu.memory_space<vmem>>)
      %dma_start3A_322 = arith.constant 15 : i32
      %dma_start3A_323 = arith.constant 0 : i32
      %dma_start3A_324 = tpu.memref_slice %arg8[%rem3A_90, %dma_start3A_322, %dma_start3A_323] : memref<2x16x125xi32, #tpu.memory_space<vmem>> -> memref<1x1x125xi32, #tpu.memory_space<vmem>>
      %dma_start3A_325 = tpu.memref_squeeze %dma_start3A_324 : memref<1x1x125xi32, #tpu.memory_space<vmem>> -> memref<125xi32, #tpu.memory_space<vmem>>
      %dma_start3A_326 = arith.constant 0 : i32
      %dma_start3A_327 = arith.constant 0 : i32
      %dma_start3A_328 = tpu.memref_slice %arg11[%dma_start3A_326, %dma_start3A_327] : memref<10240x128xf32, #tpu.memory_space<vmem_shared>> -> memref<10240x128xf32, #tpu.memory_space<vmem_shared>>
      tpu.enqueue_indirect_dma source(%arg10 : memref<125x128xf32, #tpu.memory_space<vmem>>) target(%dma_start3A_328 : memref<10240x128xf32, #tpu.memory_space<vmem_shared>>) offsets(%dma_start3A_325 : memref<125xi32, #tpu.memory_space<vmem>>) semaphore(%arg15 : memref<!tpu.dma_semaphore, #tpu.memory_space<semaphore_mem>>) {add = true}
      %add3A_329 = arith.constant 1 : i32
      %add3A_330 = arith.addi %scan3A_89, %add3A_329 : i32
      %lt3A_331 = arith.constant 5 : i32
      %lt3A_332 = arith.cmpi slt, %add3A_330, %lt3A_331 : i32
      %convert_element_type3A_333 = arith.extui %lt3A_332 : i1 to i32
      %cond3A_334 = arith.constant 0 : i32
      %cond3A_335 = arith.cmpi ne, %convert_element_type3A_333, %cond3A_334 : i32
      scf.if %cond3A_335 {
        %dma_wait3A_336 = arith.constant 0 : i32
        %dma_wait3A_337 = arith.constant 0 : i32
        %dma_wait3A_338 = tpu.memref_slice %arg7[%sub3A_91, %dma_wait3A_336, %dma_wait3A_337] : memref<2x16x125xi32, #tpu.memory_space<vmem>> -> memref<1x16x125xi32, #tpu.memory_space<vmem>>
        %dma_wait3A_339 = tpu.memref_squeeze %dma_wait3A_338 : memref<1x16x125xi32, #tpu.memory_space<vmem>> -> memref<16x125xi32, #tpu.memory_space<vmem>>
        %dma_wait3A_340 = arith.constant 0 : i32
        %dma_wait3A_341 = arith.constant 0 : i32
        %dma_wait3A_342 = tpu.memref_slice %arg3[%add3A, %dma_wait3A_340, %dma_wait3A_341] : memref<32x80x125xi32, #tpu.memory_space<hbm>> -> memref<1x16x125xi32, #tpu.memory_space<hbm>>
        %dma_wait3A_343 = tpu.memref_squeeze %dma_wait3A_342 : memref<1x16x125xi32, #tpu.memory_space<hbm>> -> memref<16x125xi32, #tpu.memory_space<hbm>>
        %dma_wait3A_344 = arith.constant 0 : i32
        %dma_wait3A_345 = arith.constant 0 : i32
        %dma_wait3A_346 = tpu.memref_slice %arg7[%sub3A_91, %dma_wait3A_344, %dma_wait3A_345] : memref<2x16x125xi32, #tpu.memory_space<vmem>> -> memref<1x16x125xi32, #tpu.memory_space<vmem>>
        %dma_wait3A_347 = tpu.memref_squeeze %dma_wait3A_346 : memref<1x16x125xi32, #tpu.memory_space<vmem>> -> memref<16x125xi32, #tpu.memory_space<vmem>>
        %dma_wait3A_348 = arith.constant 0 : i32
        %dma_wait3A_349 = arith.constant 0 : i32
        %dma_wait3A_350 = tpu.memref_slice %arg3[%add3A, %dma_wait3A_348, %dma_wait3A_349] : memref<32x80x125xi32, #tpu.memory_space<hbm>> -> memref<1x16x125xi32, #tpu.memory_space<hbm>>
        %dma_wait3A_351 = tpu.memref_squeeze %dma_wait3A_350 : memref<1x16x125xi32, #tpu.memory_space<hbm>> -> memref<16x125xi32, #tpu.memory_space<hbm>>
        tpu.wait_dma2 semaphore(%arg16 : memref<!tpu.dma_semaphore, #tpu.memory_space<semaphore_mem>>) src(%dma_wait3A_351 : memref<16x125xi32, #tpu.memory_space<hbm>>) dst(%dma_wait3A_347 : memref<16x125xi32, #tpu.memory_space<vmem>>)
        %dma_wait3A_352 = arith.constant 0 : i32
        %dma_wait3A_353 = arith.constant 0 : i32
        %dma_wait3A_354 = tpu.memref_slice %arg8[%sub3A_91, %dma_wait3A_352, %dma_wait3A_353] : memref<2x16x125xi32, #tpu.memory_space<vmem>> -> memref<1x16x125xi32, #tpu.memory_space<vmem>>
        %dma_wait3A_355 = tpu.memref_squeeze %dma_wait3A_354 : memref<1x16x125xi32, #tpu.memory_space<vmem>> -> memref<16x125xi32, #tpu.memory_space<vmem>>
        %dma_wait3A_356 = arith.constant 0 : i32
        %dma_wait3A_357 = arith.constant 0 : i32
        %dma_wait3A_358 = tpu.memref_slice %arg4[%add3A, %dma_wait3A_356, %dma_wait3A_357] : memref<32x80x125xi32, #tpu.memory_space<hbm>> -> memref<1x16x125xi32, #tpu.memory_space<hbm>>
        %dma_wait3A_359 = tpu.memref_squeeze %dma_wait3A_358 : memref<1x16x125xi32, #tpu.memory_space<hbm>> -> memref<16x125xi32, #tpu.memory_space<hbm>>
        %dma_wait3A_360 = arith.constant 0 : i32
        %dma_wait3A_361 = arith.constant 0 : i32
        %dma_wait3A_362 = tpu.memref_slice %arg8[%sub3A_91, %dma_wait3A_360, %dma_wait3A_361] : memref<2x16x125xi32, #tpu.memory_space<vmem>> -> memref<1x16x125xi32, #tpu.memory_space<vmem>>
        %dma_wait3A_363 = tpu.memref_squeeze %dma_wait3A_362 : memref<1x16x125xi32, #tpu.memory_space<vmem>> -> memref<16x125xi32, #tpu.memory_space<vmem>>
        %dma_wait3A_364 = arith.constant 0 : i32
        %dma_wait3A_365 = arith.constant 0 : i32
        %dma_wait3A_366 = tpu.memref_slice %arg4[%add3A, %dma_wait3A_364, %dma_wait3A_365] : memref<32x80x125xi32, #tpu.memory_space<hbm>> -> memref<1x16x125xi32, #tpu.memory_space<hbm>>
        %dma_wait3A_367 = tpu.memref_squeeze %dma_wait3A_366 : memref<1x16x125xi32, #tpu.memory_space<hbm>> -> memref<16x125xi32, #tpu.memory_space<hbm>>
        tpu.wait_dma2 semaphore(%arg16 : memref<!tpu.dma_semaphore, #tpu.memory_space<semaphore_mem>>) src(%dma_wait3A_367 : memref<16x125xi32, #tpu.memory_space<hbm>>) dst(%dma_wait3A_363 : memref<16x125xi32, #tpu.memory_space<vmem>>)
      } else {
      }
    }
    %scan3A_83 = arith.constant 5 : i32
    tpu.wait_dma2 semaphore(%arg14 : memref<!tpu.dma_semaphore, #tpu.memory_space<semaphore_mem>>) src(%arg5 : memref<125x128xf32, #tpu.memory_space<hbm>>) dst(%arg9 : memref<125x128xf32, #tpu.memory_space<vmem>>)
    tpu.wait_dma2 semaphore(%arg15 : memref<!tpu.dma_semaphore, #tpu.memory_space<semaphore_mem>>) src(%arg5 : memref<125x128xf32, #tpu.memory_space<hbm>>) dst(%arg10 : memref<125x128xf32, #tpu.memory_space<vmem>>)
    %barrier3A_84 = arith.constant 0 : index
    tpu.barrier barrier_id(%barrier3A_84)
    %mul3A_85 = arith.constant 640 : i32
    %mul3A_86 = arith.muli %arg1, %mul3A_85 : i32
    %mul3A_87 = arith.constant 640 : i32
    %mul3A_88 = arith.muli %arg1, %mul3A_87 : i32
    "tpu.region"() ({
      %run_scoped3A = tpu.sem_alloc : memref<!tpu.dma_semaphore, #tpu.memory_space<semaphore_mem>>
      %dma_start3A_89 = arith.constant 0 : i32
      %dma_start3A_90 = tpu.memref_slice %arg6[%arg0, %mul3A_88, %dma_start3A_89] : memref<2x10240x128xf32, #tpu.memory_space<hbm>> -> memref<1x640x128xf32, #tpu.memory_space<hbm>>
      %dma_start3A_91 = tpu.memref_squeeze %dma_start3A_90 : memref<1x640x128xf32, #tpu.memory_space<hbm>> -> memref<640x128xf32, #tpu.memory_space<hbm>>
      %dma_start3A_92 = arith.constant 0 : i32
      %dma_start3A_93 = tpu.memref_slice %arg11[%mul3A_86, %dma_start3A_92] : memref<10240x128xf32, #tpu.memory_space<vmem_shared>> -> memref<640x128xf32, #tpu.memory_space<vmem_shared>>
      tpu.enqueue_dma source(%dma_start3A_93 : memref<640x128xf32, #tpu.memory_space<vmem_shared>>) target(%dma_start3A_91 : memref<640x128xf32, #tpu.memory_space<hbm>>) target_semaphore(%run_scoped3A : memref<!tpu.dma_semaphore, #tpu.memory_space<semaphore_mem>>)
      %dma_wait3A_94 = arith.constant 0 : i32
      %dma_wait3A_95 = tpu.memref_slice %arg6[%arg0, %mul3A_88, %dma_wait3A_94] : memref<2x10240x128xf32, #tpu.memory_space<hbm>> -> memref<1x640x128xf32, #tpu.memory_space<hbm>>
      %dma_wait3A_96 = tpu.memref_squeeze %dma_wait3A_95 : memref<1x640x128xf32, #tpu.memory_space<hbm>> -> memref<640x128xf32, #tpu.memory_space<hbm>>
      %dma_wait3A_97 = arith.constant 0 : i32
      %dma_wait3A_98 = tpu.memref_slice %arg11[%mul3A_86, %dma_wait3A_97] : memref<10240x128xf32, #tpu.memory_space<vmem_shared>> -> memref<640x128xf32, #tpu.memory_space<vmem_shared>>
      tpu.wait_dma2 semaphore(%run_scoped3A : memref<!tpu.dma_semaphore, #tpu.memory_space<semaphore_mem>>) src(%dma_wait3A_98 : memref<640x128xf32, #tpu.memory_space<vmem_shared>>) dst(%dma_wait3A_96 : memref<640x128xf32, #tpu.memory_space<hbm>>)
      tpu.yield
    }) : () -> ()
    return
  }
}

module attributes {stable_mosaic.version = 14 : i64} {
  func.func @_pre_body(%arg0: memref<2x10240x128xf32, #tpu.memory_space<vmem>>, %arg1: memref<10000x128xf32, #tpu.memory_space<vmem>>, %arg2: memref<128x128xf32, #tpu.memory_space<vmem>>, %arg3: memref<1x128xf32, #tpu.memory_space<vmem>>, %arg4: memref<128x128xf32, #tpu.memory_space<vmem>>, %arg5: memref<10000x128xf32, #tpu.memory_space<vmem>>, %arg6: memref<10000x128xf32, #tpu.memory_space<vmem>>) attributes {dimension_semantics = [], scalar_prefetch = 0 : i64, scratch_operands = 0 : i64, tpu.core_type = #tpu.core_type<tc>} {
    %get3A = arith.constant 0 : index
    %get3A_0 = arith.constant 0 : index
    %get3A_1 = arith.constant 0 : index
    %get3A_2 = vector.load %arg0[%get3A, %get3A_0, %get3A_1] : memref<2x10240x128xf32, #tpu.memory_space<vmem>>, vector<1x10000x128xf32>
    %get3A_3 = vector.shape_cast %get3A_2 : vector<1x10000x128xf32> to vector<10000x128xf32>
    %get3A_4 = arith.constant 1 : index
    %get3A_5 = arith.constant 0 : index
    %get3A_6 = arith.constant 0 : index
    %get3A_7 = vector.load %arg0[%get3A_4, %get3A_5, %get3A_6] : memref<2x10240x128xf32, #tpu.memory_space<vmem>>, vector<1x10000x128xf32>
    %get3A_8 = vector.shape_cast %get3A_7 : vector<1x10000x128xf32> to vector<10000x128xf32>
    %add3A = arith.addf %get3A_3, %get3A_8 : vector<10000x128xf32>
    %gt3A = arith.constant 0.000000e+00 : f32
    %gt3A_9 = vector.broadcast %gt3A : f32 to vector<10000x128xf32>
    %gt3A_10 = arith.cmpf ogt, %add3A, %gt3A_9 : vector<10000x128xf32>
    %rsqrt3A = math.rsqrt %add3A : vector<10000x128xf32>
    %jit3A = arith.constant 0.000000e+00 : f32
    %broadcast_in_dim3A = vector.broadcast %jit3A : f32 to vector<10000x128xf32>
    %select_n3A = arith.select %gt3A_10, %rsqrt3A, %broadcast_in_dim3A : vector<10000x128xi1>, vector<10000x128xf32>
    %swap3A = arith.constant 0 : index
    %swap3A_11 = arith.constant 0 : index
    %swap3A_12 = vector.load %arg5[%swap3A, %swap3A_11] : memref<10000x128xf32, #tpu.memory_space<vmem>>, vector<10000x128xf32>
    tpu.vector_store %arg5[%swap3A, %swap3A_11], %select_n3A {strides = array<i32>} : memref<10000x128xf32, #tpu.memory_space<vmem>>, vector<10000x128xf32>,
    %get3A_13 = arith.constant 0 : index
    %get3A_14 = arith.constant 0 : index
    %get3A_15 = vector.load %arg1[%get3A_13, %get3A_14] : memref<10000x128xf32, #tpu.memory_space<vmem>>, vector<10000x128xf32>
    %get3A_16 = arith.constant 0 : index
    %get3A_17 = arith.constant 0 : index
    %get3A_18 = vector.load %arg2[%get3A_16, %get3A_17] : memref<128x128xf32, #tpu.memory_space<vmem>>, vector<128x128xf32>
    %dot_general3A = arith.constant dense<0.000000e+00> : vector<10000x128xf32>
    %dot_general3A_19 = tpu.matmul %get3A_15, %get3A_18, %dot_general3A {dimension_numbers = #tpu.dot_dimension_numbers<[1], [1], [0], [0], [0, 0, 1, 0], [], []>, transpose_lhs_hint = false} : vector<10000x128xf32>, vector<128x128xf32>, vector<10000x128xf32> -> vector<10000x128xf32>
    %get3A_20 = arith.constant 0 : index
    %get3A_21 = arith.constant 0 : index
    %get3A_22 = vector.load %arg3[%get3A_20, %get3A_21] : memref<1x128xf32, #tpu.memory_space<vmem>>, vector<1x128xf32>
    %add3A_23 = vector.broadcast %get3A_22 : vector<1x128xf32> to vector<10000x128xf32>
    %add3A_24 = arith.addf %dot_general3A_19, %add3A_23 : vector<10000x128xf32>
    %max3A = arith.constant 0.000000e+00 : f32
    %max3A_25 = vector.broadcast %max3A : f32 to vector<10000x128xf32>
    %max3A_26 = arith.maximumf %add3A_24, %max3A_25 : vector<10000x128xf32>
    %get3A_27 = arith.constant 0 : index
    %get3A_28 = arith.constant 0 : index
    %get3A_29 = vector.load %arg4[%get3A_27, %get3A_28] : memref<128x128xf32, #tpu.memory_space<vmem>>, vector<128x128xf32>
    %dot_general3A_30 = arith.constant dense<0.000000e+00> : vector<10000x128xf32>
    %dot_general3A_31 = tpu.matmul %max3A_26, %get3A_29, %dot_general3A_30 {dimension_numbers = #tpu.dot_dimension_numbers<[1], [1], [0], [0], [0, 0, 1, 0], [], []>, transpose_lhs_hint = false} : vector<10000x128xf32>, vector<128x128xf32>, vector<10000x128xf32> -> vector<10000x128xf32>
    %mul3A = arith.mulf %dot_general3A_31, %select_n3A : vector<10000x128xf32>
    %swap3A_32 = arith.constant 0 : index
    %swap3A_33 = arith.constant 0 : index
    %swap3A_34 = vector.load %arg6[%swap3A_32, %swap3A_33] : memref<10000x128xf32, #tpu.memory_space<vmem>>, vector<10000x128xf32>
    tpu.vector_store %arg6[%swap3A_32, %swap3A_33], %mul3A {strides = array<i32>} : memref<10000x128xf32, #tpu.memory_space<vmem>>, vector<10000x128xf32>,
    return
  }
}

module attributes {stable_mosaic.version = 14 : i64} {
  func.func @_layer_mm0_body(%arg0: memref<2x10240x128xf32, #tpu.memory_space<vmem>>, %arg1: memref<10000x128xf32, #tpu.memory_space<vmem>>, %arg2: memref<1x128xf32, #tpu.memory_space<vmem>>, %arg3: memref<1x128xf32, #tpu.memory_space<vmem>>, %arg4: memref<1x128xf32, #tpu.memory_space<vmem>>, %arg5: memref<128x128xf32, #tpu.memory_space<vmem>>, %arg6: memref<10000x128xf32, #tpu.memory_space<vmem>>, %arg7: memref<10000x128xf32, #tpu.memory_space<vmem>>) attributes {dimension_semantics = [], scalar_prefetch = 0 : i64, scratch_operands = 0 : i64, tpu.core_type = #tpu.core_type<tc>} {
    %get3A = arith.constant 0 : index
    %get3A_0 = arith.constant 0 : index
    %get3A_1 = arith.constant 0 : index
    %get3A_2 = vector.load %arg0[%get3A, %get3A_0, %get3A_1] : memref<2x10240x128xf32, #tpu.memory_space<vmem>>, vector<1x10000x128xf32>
    %get3A_3 = vector.shape_cast %get3A_2 : vector<1x10000x128xf32> to vector<10000x128xf32>
    %get3A_4 = arith.constant 1 : index
    %get3A_5 = arith.constant 0 : index
    %get3A_6 = arith.constant 0 : index
    %get3A_7 = vector.load %arg0[%get3A_4, %get3A_5, %get3A_6] : memref<2x10240x128xf32, #tpu.memory_space<vmem>>, vector<1x10000x128xf32>
    %get3A_8 = vector.shape_cast %get3A_7 : vector<1x10000x128xf32> to vector<10000x128xf32>
    %add3A = arith.addf %get3A_3, %get3A_8 : vector<10000x128xf32>
    %get3A_9 = arith.constant 0 : index
    %get3A_10 = arith.constant 0 : index
    %get3A_11 = vector.load %arg1[%get3A_9, %get3A_10] : memref<10000x128xf32, #tpu.memory_space<vmem>>, vector<10000x128xf32>
    %mul3A = arith.mulf %add3A, %get3A_11 : vector<10000x128xf32>
    %get3A_12 = arith.constant 0 : index
    %get3A_13 = arith.constant 0 : index
    %get3A_14 = vector.load %arg2[%get3A_12, %get3A_13] : memref<1x128xf32, #tpu.memory_space<vmem>>, vector<1x128xf32>
    %add3A_15 = vector.broadcast %get3A_14 : vector<1x128xf32> to vector<10000x128xf32>
    %add3A_16 = arith.addf %mul3A, %add3A_15 : vector<10000x128xf32>
    %swap3A = arith.constant 0 : index
    %swap3A_17 = arith.constant 0 : index
    %swap3A_18 = vector.load %arg6[%swap3A, %swap3A_17] : memref<10000x128xf32, #tpu.memory_space<vmem>>, vector<10000x128xf32>
    tpu.vector_store %arg6[%swap3A, %swap3A_17], %add3A_16 {strides = array<i32>} : memref<10000x128xf32, #tpu.memory_space<vmem>>, vector<10000x128xf32>,
    %reduce_sum3A = arith.constant dense<0.000000e+00> : vector<128xf32>
    %reduce_sum3A_19 = vector.multi_reduction <add>, %add3A_16, %reduce_sum3A [0] : vector<10000x128xf32> to vector<128xf32>
    %broadcast_in_dim3A = vector.shape_cast %reduce_sum3A_19 : vector<128xf32> to vector<1x128xf32>
    %div3A = arith.constant 1.000000e+04 : f32
    %div3A_20 = vector.broadcast %div3A : f32 to vector<1x128xf32>
    %div3A_21 = arith.divf %broadcast_in_dim3A, %div3A_20 : vector<1x128xf32>
    %mul3A_22 = arith.mulf %add3A_16, %add3A_16 : vector<10000x128xf32>
    %reduce_sum3A_23 = arith.constant dense<0.000000e+00> : vector<128xf32>
    %reduce_sum3A_24 = vector.multi_reduction <add>, %mul3A_22, %reduce_sum3A_23 [0] : vector<10000x128xf32> to vector<128xf32>
    %broadcast_in_dim3A_25 = vector.shape_cast %reduce_sum3A_24 : vector<128xf32> to vector<1x128xf32>
    %div3A_26 = arith.constant 1.000000e+04 : f32
    %div3A_27 = vector.broadcast %div3A_26 : f32 to vector<1x128xf32>
    %div3A_28 = arith.divf %broadcast_in_dim3A_25, %div3A_27 : vector<1x128xf32>
    %mul3A_29 = arith.mulf %div3A_21, %div3A_21 : vector<1x128xf32>
    %sub3A = arith.subf %div3A_28, %mul3A_29 : vector<1x128xf32>
    %sub3A_30 = vector.broadcast %div3A_21 : vector<1x128xf32> to vector<10000x128xf32>
    %sub3A_31 = arith.subf %add3A_16, %sub3A_30 : vector<10000x128xf32>
    %add3A_32 = arith.constant 9.99999974E-6 : f32
    %add3A_33 = vector.broadcast %add3A_32 : f32 to vector<1x128xf32>
    %add3A_34 = arith.addf %sub3A, %add3A_33 : vector<1x128xf32>
    %rsqrt3A = math.rsqrt %add3A_34 : vector<1x128xf32>
    %mul3A_35 = vector.broadcast %rsqrt3A : vector<1x128xf32> to vector<10000x128xf32>
    %mul3A_36 = arith.mulf %sub3A_31, %mul3A_35 : vector<10000x128xf32>
    %get3A_37 = arith.constant 0 : index
    %get3A_38 = arith.constant 0 : index
    %get3A_39 = vector.load %arg3[%get3A_37, %get3A_38] : memref<1x128xf32, #tpu.memory_space<vmem>>, vector<1x128xf32>
    %mul3A_40 = vector.broadcast %get3A_39 : vector<1x128xf32> to vector<10000x128xf32>
    %mul3A_41 = arith.mulf %mul3A_36, %mul3A_40 : vector<10000x128xf32>
    %get3A_42 = arith.constant 0 : index
    %get3A_43 = arith.constant 0 : index
    %get3A_44 = vector.load %arg4[%get3A_42, %get3A_43] : memref<1x128xf32, #tpu.memory_space<vmem>>, vector<1x128xf32>
    %add3A_45 = vector.broadcast %get3A_44 : vector<1x128xf32> to vector<10000x128xf32>
    %add3A_46 = arith.addf %mul3A_41, %add3A_45 : vector<10000x128xf32>
    %max3A = arith.constant 0.000000e+00 : f32
    %max3A_47 = vector.broadcast %max3A : f32 to vector<10000x128xf32>
    %max3A_48 = arith.maximumf %add3A_46, %max3A_47 : vector<10000x128xf32>
    %get3A_49 = arith.constant 0 : index
    %get3A_50 = arith.constant 0 : index
    %get3A_51 = vector.load %arg5[%get3A_49, %get3A_50] : memref<128x128xf32, #tpu.memory_space<vmem>>, vector<128x128xf32>
    %dot_general3A = arith.constant dense<0.000000e+00> : vector<10000x128xf32>
    %dot_general3A_52 = tpu.matmul %max3A_48, %get3A_51, %dot_general3A {dimension_numbers = #tpu.dot_dimension_numbers<[1], [1], [0], [0], [0, 0, 1, 0], [], []>, transpose_lhs_hint = false} : vector<10000x128xf32>, vector<128x128xf32>, vector<10000x128xf32> -> vector<10000x128xf32>
    %get3A_53 = arith.constant 0 : index
    %get3A_54 = arith.constant 0 : index
    %get3A_55 = vector.load %arg1[%get3A_53, %get3A_54] : memref<10000x128xf32, #tpu.memory_space<vmem>>, vector<10000x128xf32>
    %mul3A_56 = arith.mulf %dot_general3A_52, %get3A_55 : vector<10000x128xf32>
    %swap3A_57 = arith.constant 0 : index
    %swap3A_58 = arith.constant 0 : index
    %swap3A_59 = vector.load %arg7[%swap3A_57, %swap3A_58] : memref<10000x128xf32, #tpu.memory_space<vmem>>, vector<10000x128xf32>
    tpu.vector_store %arg7[%swap3A_57, %swap3A_58], %mul3A_56 {strides = array<i32>} : memref<10000x128xf32, #tpu.memory_space<vmem>>, vector<10000x128xf32>,
    return
  }
}

module attributes {stable_mosaic.version = 14 : i64} {
  func.func @_layer_mm_body(%arg0: memref<2x10240x128xf32, #tpu.memory_space<vmem>>, %arg1: memref<10000x128xf32, #tpu.memory_space<vmem>>, %arg2: memref<1x128xf32, #tpu.memory_space<vmem>>, %arg3: memref<10000x128xf32, #tpu.memory_space<vmem>>, %arg4: memref<1x128xf32, #tpu.memory_space<vmem>>, %arg5: memref<1x128xf32, #tpu.memory_space<vmem>>, %arg6: memref<128x128xf32, #tpu.memory_space<vmem>>, %arg7: memref<10000x128xf32, #tpu.memory_space<vmem>>, %arg8: memref<10000x128xf32, #tpu.memory_space<vmem>>) attributes {dimension_semantics = [], scalar_prefetch = 0 : i64, scratch_operands = 0 : i64, tpu.core_type = #tpu.core_type<tc>} {
    %get3A = arith.constant 0 : index
    %get3A_0 = arith.constant 0 : index
    %get3A_1 = arith.constant 0 : index
    %get3A_2 = vector.load %arg0[%get3A, %get3A_0, %get3A_1] : memref<2x10240x128xf32, #tpu.memory_space<vmem>>, vector<1x10000x128xf32>
    %get3A_3 = vector.shape_cast %get3A_2 : vector<1x10000x128xf32> to vector<10000x128xf32>
    %get3A_4 = arith.constant 1 : index
    %get3A_5 = arith.constant 0 : index
    %get3A_6 = arith.constant 0 : index
    %get3A_7 = vector.load %arg0[%get3A_4, %get3A_5, %get3A_6] : memref<2x10240x128xf32, #tpu.memory_space<vmem>>, vector<1x10000x128xf32>
    %get3A_8 = vector.shape_cast %get3A_7 : vector<1x10000x128xf32> to vector<10000x128xf32>
    %add3A = arith.addf %get3A_3, %get3A_8 : vector<10000x128xf32>
    %get3A_9 = arith.constant 0 : index
    %get3A_10 = arith.constant 0 : index
    %get3A_11 = vector.load %arg1[%get3A_9, %get3A_10] : memref<10000x128xf32, #tpu.memory_space<vmem>>, vector<10000x128xf32>
    %mul3A = arith.mulf %add3A, %get3A_11 : vector<10000x128xf32>
    %get3A_12 = arith.constant 0 : index
    %get3A_13 = arith.constant 0 : index
    %get3A_14 = vector.load %arg2[%get3A_12, %get3A_13] : memref<1x128xf32, #tpu.memory_space<vmem>>, vector<1x128xf32>
    %add3A_15 = vector.broadcast %get3A_14 : vector<1x128xf32> to vector<10000x128xf32>
    %add3A_16 = arith.addf %mul3A, %add3A_15 : vector<10000x128xf32>
    %get3A_17 = arith.constant 0 : index
    %get3A_18 = arith.constant 0 : index
    %get3A_19 = vector.load %arg3[%get3A_17, %get3A_18] : memref<10000x128xf32, #tpu.memory_space<vmem>>, vector<10000x128xf32>
    %add3A_20 = arith.addf %add3A_16, %get3A_19 : vector<10000x128xf32>
    %swap3A = arith.constant 0 : index
    %swap3A_21 = arith.constant 0 : index
    %swap3A_22 = vector.load %arg7[%swap3A, %swap3A_21] : memref<10000x128xf32, #tpu.memory_space<vmem>>, vector<10000x128xf32>
    tpu.vector_store %arg7[%swap3A, %swap3A_21], %add3A_20 {strides = array<i32>} : memref<10000x128xf32, #tpu.memory_space<vmem>>, vector<10000x128xf32>,
    %reduce_sum3A = arith.constant dense<0.000000e+00> : vector<128xf32>
    %reduce_sum3A_23 = vector.multi_reduction <add>, %add3A_20, %reduce_sum3A [0] : vector<10000x128xf32> to vector<128xf32>
    %broadcast_in_dim3A = vector.shape_cast %reduce_sum3A_23 : vector<128xf32> to vector<1x128xf32>
    %div3A = arith.constant 1.000000e+04 : f32
    %div3A_24 = vector.broadcast %div3A : f32 to vector<1x128xf32>
    %div3A_25 = arith.divf %broadcast_in_dim3A, %div3A_24 : vector<1x128xf32>
    %mul3A_26 = arith.mulf %add3A_20, %add3A_20 : vector<10000x128xf32>
    %reduce_sum3A_27 = arith.constant dense<0.000000e+00> : vector<128xf32>
    %reduce_sum3A_28 = vector.multi_reduction <add>, %mul3A_26, %reduce_sum3A_27 [0] : vector<10000x128xf32> to vector<128xf32>
    %broadcast_in_dim3A_29 = vector.shape_cast %reduce_sum3A_28 : vector<128xf32> to vector<1x128xf32>
    %div3A_30 = arith.constant 1.000000e+04 : f32
    %div3A_31 = vector.broadcast %div3A_30 : f32 to vector<1x128xf32>
    %div3A_32 = arith.divf %broadcast_in_dim3A_29, %div3A_31 : vector<1x128xf32>
    %mul3A_33 = arith.mulf %div3A_25, %div3A_25 : vector<1x128xf32>
    %sub3A = arith.subf %div3A_32, %mul3A_33 : vector<1x128xf32>
    %sub3A_34 = vector.broadcast %div3A_25 : vector<1x128xf32> to vector<10000x128xf32>
    %sub3A_35 = arith.subf %add3A_20, %sub3A_34 : vector<10000x128xf32>
    %add3A_36 = arith.constant 9.99999974E-6 : f32
    %add3A_37 = vector.broadcast %add3A_36 : f32 to vector<1x128xf32>
    %add3A_38 = arith.addf %sub3A, %add3A_37 : vector<1x128xf32>
    %rsqrt3A = math.rsqrt %add3A_38 : vector<1x128xf32>
    %mul3A_39 = vector.broadcast %rsqrt3A : vector<1x128xf32> to vector<10000x128xf32>
    %mul3A_40 = arith.mulf %sub3A_35, %mul3A_39 : vector<10000x128xf32>
    %get3A_41 = arith.constant 0 : index
    %get3A_42 = arith.constant 0 : index
    %get3A_43 = vector.load %arg4[%get3A_41, %get3A_42] : memref<1x128xf32, #tpu.memory_space<vmem>>, vector<1x128xf32>
    %mul3A_44 = vector.broadcast %get3A_43 : vector<1x128xf32> to vector<10000x128xf32>
    %mul3A_45 = arith.mulf %mul3A_40, %mul3A_44 : vector<10000x128xf32>
    %get3A_46 = arith.constant 0 : index
    %get3A_47 = arith.constant 0 : index
    %get3A_48 = vector.load %arg5[%get3A_46, %get3A_47] : memref<1x128xf32, #tpu.memory_space<vmem>>, vector<1x128xf32>
    %add3A_49 = vector.broadcast %get3A_48 : vector<1x128xf32> to vector<10000x128xf32>
    %add3A_50 = arith.addf %mul3A_45, %add3A_49 : vector<10000x128xf32>
    %max3A = arith.constant 0.000000e+00 : f32
    %max3A_51 = vector.broadcast %max3A : f32 to vector<10000x128xf32>
    %max3A_52 = arith.maximumf %add3A_50, %max3A_51 : vector<10000x128xf32>
    %get3A_53 = arith.constant 0 : index
    %get3A_54 = arith.constant 0 : index
    %get3A_55 = vector.load %arg6[%get3A_53, %get3A_54] : memref<128x128xf32, #tpu.memory_space<vmem>>, vector<128x128xf32>
    %dot_general3A = arith.constant dense<0.000000e+00> : vector<10000x128xf32>
    %dot_general3A_56 = tpu.matmul %max3A_52, %get3A_55, %dot_general3A {dimension_numbers = #tpu.dot_dimension_numbers<[1], [1], [0], [0], [0, 0, 1, 0], [], []>, transpose_lhs_hint = false} : vector<10000x128xf32>, vector<128x128xf32>, vector<10000x128xf32> -> vector<10000x128xf32>
    %get3A_57 = arith.constant 0 : index
    %get3A_58 = arith.constant 0 : index
    %get3A_59 = vector.load %arg1[%get3A_57, %get3A_58] : memref<10000x128xf32, #tpu.memory_space<vmem>>, vector<10000x128xf32>
    %mul3A_60 = arith.mulf %dot_general3A_56, %get3A_59 : vector<10000x128xf32>
    %swap3A_61 = arith.constant 0 : index
    %swap3A_62 = arith.constant 0 : index
    %swap3A_63 = vector.load %arg8[%swap3A_61, %swap3A_62] : memref<10000x128xf32, #tpu.memory_space<vmem>>, vector<10000x128xf32>
    tpu.vector_store %arg8[%swap3A_61, %swap3A_62], %mul3A_60 {strides = array<i32>} : memref<10000x128xf32, #tpu.memory_space<vmem>>, vector<10000x128xf32>,
    return
  }
}

module attributes {stable_mosaic.version = 14 : i64} {
  func.func @_layer_pred_body(%arg0: memref<2x10240x128xf32, #tpu.memory_space<vmem>>, %arg1: memref<10000x128xf32, #tpu.memory_space<vmem>>, %arg2: memref<1x128xf32, #tpu.memory_space<vmem>>, %arg3: memref<10000x128xf32, #tpu.memory_space<vmem>>, %arg4: memref<1x128xf32, #tpu.memory_space<vmem>>, %arg5: memref<1x128xf32, #tpu.memory_space<vmem>>, %arg6: memref<128x128xf32, #tpu.memory_space<vmem>>, %arg7: memref<1x128xf32, #tpu.memory_space<vmem>>, %arg8: memref<10000x128xf32, #tpu.memory_space<vmem>>) attributes {dimension_semantics = [], scalar_prefetch = 0 : i64, scratch_operands = 0 : i64, tpu.core_type = #tpu.core_type<tc>} {
    %get3A = arith.constant 0 : index
    %get3A_0 = arith.constant 0 : index
    %get3A_1 = arith.constant 0 : index
    %get3A_2 = vector.load %arg0[%get3A, %get3A_0, %get3A_1] : memref<2x10240x128xf32, #tpu.memory_space<vmem>>, vector<1x10000x128xf32>
    %get3A_3 = vector.shape_cast %get3A_2 : vector<1x10000x128xf32> to vector<10000x128xf32>
    %get3A_4 = arith.constant 1 : index
    %get3A_5 = arith.constant 0 : index
    %get3A_6 = arith.constant 0 : index
    %get3A_7 = vector.load %arg0[%get3A_4, %get3A_5, %get3A_6] : memref<2x10240x128xf32, #tpu.memory_space<vmem>>, vector<1x10000x128xf32>
    %get3A_8 = vector.shape_cast %get3A_7 : vector<1x10000x128xf32> to vector<10000x128xf32>
    %add3A = arith.addf %get3A_3, %get3A_8 : vector<10000x128xf32>
    %get3A_9 = arith.constant 0 : index
    %get3A_10 = arith.constant 0 : index
    %get3A_11 = vector.load %arg1[%get3A_9, %get3A_10] : memref<10000x128xf32, #tpu.memory_space<vmem>>, vector<10000x128xf32>
    %mul3A = arith.mulf %add3A, %get3A_11 : vector<10000x128xf32>
    %get3A_12 = arith.constant 0 : index
    %get3A_13 = arith.constant 0 : index
    %get3A_14 = vector.load %arg2[%get3A_12, %get3A_13] : memref<1x128xf32, #tpu.memory_space<vmem>>, vector<1x128xf32>
    %add3A_15 = vector.broadcast %get3A_14 : vector<1x128xf32> to vector<10000x128xf32>
    %add3A_16 = arith.addf %mul3A, %add3A_15 : vector<10000x128xf32>
    %get3A_17 = arith.constant 0 : index
    %get3A_18 = arith.constant 0 : index
    %get3A_19 = vector.load %arg3[%get3A_17, %get3A_18] : memref<10000x128xf32, #tpu.memory_space<vmem>>, vector<10000x128xf32>
    %add3A_20 = arith.addf %add3A_16, %get3A_19 : vector<10000x128xf32>
    %reduce_sum3A = arith.constant dense<0.000000e+00> : vector<128xf32>
    %reduce_sum3A_21 = vector.multi_reduction <add>, %add3A_20, %reduce_sum3A [0] : vector<10000x128xf32> to vector<128xf32>
    %broadcast_in_dim3A = vector.shape_cast %reduce_sum3A_21 : vector<128xf32> to vector<1x128xf32>
    %div3A = arith.constant 1.000000e+04 : f32
    %div3A_22 = vector.broadcast %div3A : f32 to vector<1x128xf32>
    %div3A_23 = arith.divf %broadcast_in_dim3A, %div3A_22 : vector<1x128xf32>
    %mul3A_24 = arith.mulf %add3A_20, %add3A_20 : vector<10000x128xf32>
    %reduce_sum3A_25 = arith.constant dense<0.000000e+00> : vector<128xf32>
    %reduce_sum3A_26 = vector.multi_reduction <add>, %mul3A_24, %reduce_sum3A_25 [0] : vector<10000x128xf32> to vector<128xf32>
    %broadcast_in_dim3A_27 = vector.shape_cast %reduce_sum3A_26 : vector<128xf32> to vector<1x128xf32>
    %div3A_28 = arith.constant 1.000000e+04 : f32
    %div3A_29 = vector.broadcast %div3A_28 : f32 to vector<1x128xf32>
    %div3A_30 = arith.divf %broadcast_in_dim3A_27, %div3A_29 : vector<1x128xf32>
    %mul3A_31 = arith.mulf %div3A_23, %div3A_23 : vector<1x128xf32>
    %sub3A = arith.subf %div3A_30, %mul3A_31 : vector<1x128xf32>
    %sub3A_32 = vector.broadcast %div3A_23 : vector<1x128xf32> to vector<10000x128xf32>
    %sub3A_33 = arith.subf %add3A_20, %sub3A_32 : vector<10000x128xf32>
    %add3A_34 = arith.constant 9.99999974E-6 : f32
    %add3A_35 = vector.broadcast %add3A_34 : f32 to vector<1x128xf32>
    %add3A_36 = arith.addf %sub3A, %add3A_35 : vector<1x128xf32>
    %rsqrt3A = math.rsqrt %add3A_36 : vector<1x128xf32>
    %mul3A_37 = vector.broadcast %rsqrt3A : vector<1x128xf32> to vector<10000x128xf32>
    %mul3A_38 = arith.mulf %sub3A_33, %mul3A_37 : vector<10000x128xf32>
    %get3A_39 = arith.constant 0 : index
    %get3A_40 = arith.constant 0 : index
    %get3A_41 = vector.load %arg4[%get3A_39, %get3A_40] : memref<1x128xf32, #tpu.memory_space<vmem>>, vector<1x128xf32>
    %mul3A_42 = vector.broadcast %get3A_41 : vector<1x128xf32> to vector<10000x128xf32>
    %mul3A_43 = arith.mulf %mul3A_38, %mul3A_42 : vector<10000x128xf32>
    %get3A_44 = arith.constant 0 : index
    %get3A_45 = arith.constant 0 : index
    %get3A_46 = vector.load %arg5[%get3A_44, %get3A_45] : memref<1x128xf32, #tpu.memory_space<vmem>>, vector<1x128xf32>
    %add3A_47 = vector.broadcast %get3A_46 : vector<1x128xf32> to vector<10000x128xf32>
    %add3A_48 = arith.addf %mul3A_43, %add3A_47 : vector<10000x128xf32>
    %max3A = arith.constant 0.000000e+00 : f32
    %max3A_49 = vector.broadcast %max3A : f32 to vector<10000x128xf32>
    %max3A_50 = arith.maximumf %add3A_48, %max3A_49 : vector<10000x128xf32>
    %get3A_51 = arith.constant 0 : index
    %get3A_52 = arith.constant 0 : index
    %get3A_53 = vector.load %arg6[%get3A_51, %get3A_52] : memref<128x128xf32, #tpu.memory_space<vmem>>, vector<128x128xf32>
    %dot_general3A = arith.constant dense<0.000000e+00> : vector<10000x128xf32>
    %dot_general3A_54 = tpu.matmul %max3A_50, %get3A_53, %dot_general3A {dimension_numbers = #tpu.dot_dimension_numbers<[1], [1], [0], [0], [0, 0, 1, 0], [], []>, transpose_lhs_hint = false} : vector<10000x128xf32>, vector<128x128xf32>, vector<10000x128xf32> -> vector<10000x128xf32>
    %get3A_55 = arith.constant 0 : index
    %get3A_56 = arith.constant 0 : index
    %get3A_57 = vector.load %arg7[%get3A_55, %get3A_56] : memref<1x128xf32, #tpu.memory_space<vmem>>, vector<1x128xf32>
    %add3A_58 = vector.broadcast %get3A_57 : vector<1x128xf32> to vector<10000x128xf32>
    %add3A_59 = arith.addf %dot_general3A_54, %add3A_58 : vector<10000x128xf32>
    %swap3A = arith.constant 0 : index
    %swap3A_60 = arith.constant 0 : index
    %swap3A_61 = vector.load %arg8[%swap3A, %swap3A_60] : memref<10000x128xf32, #tpu.memory_space<vmem>>, vector<10000x128xf32>
    tpu.vector_store %arg8[%swap3A, %swap3A_60], %add3A_59 {strides = array<i32>} : memref<10000x128xf32, #tpu.memory_space<vmem>>, vector<10000x128xf32>,
    return
  }
}

</mosaic_0001>

<sc_bundles>
// kernel: kernel.10.cloned.1.call-start
scs
__scs_entry_jumppad:
0x0: {  	(pc) =	sbr.rel $0x88, $3  }
0x1: {  	(tag) =	ssettag $0x0;
	lr =	simm.s32 $0x1  }
0x2: {  	[smem:$0x3F97] =	sst lr;
	_ =	strace $0xD0000000  }
0x3: {  	_ = 	snop  }
0x4: {  	_ = 	snop  }
0x5: {  	_ = 	snop  }
0x6: {  	_ = 	snop  }
0x7: {  	_ = 	snop  }
__scs_overlays_trampoline_lowered:
0x8: {  	[smem:$0x3FA6] =	sst s0  }
0x9: {  	[smem:$0x3FA7] =	sst s1  }
0xa: {  	[smem:$0x3FA8] =	sst s2  }
0xb: {  	[smem:$0x3FA9] =	sst s3  }
0xc: {  	[smem:$0x3FAA] =	sst s4  }
0xd: {  	[smem:$0x3FAB] =	sst s5  }
0xe: {  	[smem:$0x3FAC] =	sst s6  }
0xf: {  	[smem:$0x3FAD] =	sst s7  }
0x10: {  	[smem:$0x3FAE] =	sst s8  }
0x11: {  	[smem:$0x3FAF] =	sst s9;
	s0 =	simm.s32 @!p0 $0x0  }
0x12: {  	s1 =	sld [smem:$0x3F95];
	s0 =	simm.s32 @p0 $0x1  }
0x13: {  	[smem:$0x3FB0] =	sst s0;
	s0 =	simm.s32 @!p1 $0x0  }
0x14: {  	s2 =	sld [smem:$0x3F94];
	s0 =	simm.s32 @p1 $0x1  }
0x15: {  	[smem:$0x3FB1] =	sst s0;
	s0 =	simm.s32 @!p2 $0x0  }
0x16: {  	s3 =	sld [smem:$0x3FDB];
	s0 =	simm.s32 @p2 $0x1  }
0x17: {  	s4 =	simm.s32 $0x1BF5;
	[smem:$0x3FB3] =	sst s0  }
0x18: {  	s0 =	sld [smem:$0x3F96];
	_ =	swait.ge [sflag:s4], $0x0  }
0x19: {  	s7 =	sld [smem:$0x3F97]  }
0x1a: {  	s8 =	sadd.s32 $0xFFFFE003, lr  }
0x1b: {  	s9 =	sadd.s32 $0xFFFFFEF7, lr;
	s5 =	simm.s32 $0xFFFFFFFF;
	p2 =	slt.u32 s8, $0xFFFFF086  }
0x1c: {  	p1 =	slt.u32 s9, $0xF7A;
	s5 =	simm.s32 @!p2 $0x0  }
0x1d: {  	s5 =	simm.s32 @p1 $0x1;
	p0 =	seq.s32 s7, s2  }
0x1e: {  	s7 =	smul.u32 @!p0 $0xF7A, s2;
	p2 =	seq.s32 @!p0 s5, $0x0  }
0x1f: {  	s9 =	smul.u32 $0xF7A, s1;
	s8 =	simm.s32 @!p0 $0x1BF5;
	p2 =	por !p2, p0  }
0x20: {  	[sflag:s8] =	ssyncset.s32 @!p0 $0xFFFFF086;
	s6 =	sadd.s32 @!p0 s3, s7;
	s7 =	simm.s32 @!p0 $0x108  }
0x21: {  	s3 =	sadd.s32 s3, s9;
	s6 =	sadd.s32 @!p0 $0x88, s6;
	s7 =	simm.s32 @p2 $0x1082  }
0x22: {  	[simem:s7], [sflag:s8] =	dma.local @!p0 [hbm:s6], $0xF7A  }
0x23: {  	s9 =	sor.u32 $0xD0000000, s2;
	s6 =	simm.s32 $0x108;
	_ =	swait.ge @!p0 [sflag:s8], $0x0  }
0x24: {  	s3 =	sadd.s32 $0x88, s3;
	s6 =	simm.s32 @!p1 $0x1082;
	[sflag:s4] =	ssyncset.s32 $0xFFFFF086  }
0x25: {  	[simem:s6], [sflag:s4] =	dma.local [hbm:s3], $0xF7A  }
0x26: {  	[smem:$0x3F97] =	sst s1;
	(tag) =	ssettag s2;
	_ =	strace s9  }
0x27: {  	s1 =	sld [smem:$0x3FA7]  }
0x28: {  	s2 =	sld [smem:$0x3FA8]  }
0x29: {  	s4 =	sld [smem:$0x3FAA]  }
0x2a: {  	p0 =	seq.s32 s5, $0x0;
	s5 =	sld [smem:$0x3FAB]  }
0x2b: {  	s6 =	sld [smem:$0x3FAC]  }
0x2c: {  	s7 =	sld [smem:$0x3FAD]  }
0x2d: {  	s3 =	simm.s32 $0x108;
	s8 =	sld [smem:$0x3FAE]  }
0x2e: {  	s3 =	simm.s32 @!p0 $0x1082;
	s9 =	sld [smem:$0x3FAF]  }
0x2f: {  	lr =	sadd.s32 s0, s3;
	s0 =	sld [smem:$0x3FA6]  }
0x30: {  	s3 =	sld [smem:$0x3FA9]  }
0x31: {  	[smem:$0x3FB2] =	sst s10  }
0x32: {  	s10 =	sld [smem:$0x3FB0];
	_ =	sdelay $0x3  }
0x33: {  	p0 =	seq.s32 s10, $0x1;
	s10 =	sld [smem:$0x3FB2];
	_ =	sdelay $0x3  }
0x34: {  	[smem:$0x3FB2] =	sst s10  }
0x35: {  	s10 =	sld [smem:$0x3FB1];
	_ =	sdelay $0x3  }
0x36: {  	p1 =	seq.s32 s10, $0x1;
	s10 =	sld [smem:$0x3FB2];
	_ =	sdelay $0x3  }
0x37: {  	[smem:$0x3FB2] =	sst s10  }
0x38: {  	s10 =	sld [smem:$0x3FB3]  }
0x39: {  	_ = 	snop;
	(pc) =	sbr.ind lr, $3  }
0x3a: {  	_ = 	snop  }
0x3b: {  	_ = 	snop  }
0x3c: {  	p2 =	seq.s32 s10, $0x1;
	s10 =	sld [smem:$0x3FB2]  }
0x3d: {  	_ =	shalt  }
0x3e: {  	_ =	shalt  }
0x3f: {  	_ =	shalt  }
0x40: {  	_ =	shalt  }
0x41: {  	_ =	shalt  }
0x42: {  	_ =	shalt  }
0x43: {  	_ =	shalt  }
0x44: {  	_ =	shalt  }
0x45: {  	_ =	shalt  }
0x46: {  	_ =	shalt  }
0x47: {  	_ =	shalt  }
0x48: {  	_ =	shalt  }
0x49: {  	_ =	shalt  }
0x4a: {  	_ =	shalt  }
0x4b: {  	_ =	shalt  }
0x4c: {  	_ =	shalt  }
0x4d: {  	_ =	shalt  }
0x4e: {  	_ =	shalt  }
0x4f: {  	_ =	shalt  }
0x50: {  	_ =	shalt  }
0x51: {  	_ =	shalt  }
0x52: {  	_ =	shalt  }
0x53: {  	_ =	shalt  }
0x54: {  	_ =	shalt  }
0x55: {  	_ =	shalt  }
0x56: {  	_ =	shalt  }
0x57: {  	_ =	shalt  }
0x58: {  	_ =	shalt  }
0x59: {  	_ =	shalt  }
0x5a: {  	_ =	shalt  }
0x5b: {  	_ =	shalt  }
0x5c: {  	_ =	shalt  }
0x5d: {  	_ =	shalt  }
0x5e: {  	_ =	shalt  }
0x5f: {  	_ =	shalt  }
0x60: {  	_ =	shalt  }
0x61: {  	_ =	shalt  }
0x62: {  	_ =	shalt  }
0x63: {  	_ =	shalt  }
0x64: {  	_ =	shalt  }
0x65: {  	_ =	shalt  }
0x66: {  	_ =	shalt  }
0x67: {  	_ =	shalt  }
0x68: {  	_ =	shalt  }
0x69: {  	_ =	shalt  }
0x6a: {  	_ =	shalt  }
0x6b: {  	_ =	shalt  }
0x6c: {  	_ =	shalt  }
0x6d: {  	_ =	shalt  }
0x6e: {  	_ =	shalt  }
0x6f: {  	_ =	shalt  }
0x70: {  	_ =	shalt  }
0x71: {  	_ =	shalt  }
0x72: {  	_ =	shalt  }
0x73: {  	_ =	shalt  }
0x74: {  	_ =	shalt  }
0x75: {  	_ =	shalt  }
0x76: {  	_ =	shalt  }
0x77: {  	_ =	shalt  }
0x78: {  	_ =	shalt  }
0x79: {  	_ =	shalt  }
0x7a: {  	_ =	shalt  }
0x7b: {  	_ =	shalt  }
0x7c: {  	_ =	shalt  }
0x7d: {  	_ =	shalt  }
0x7e: {  	_ =	shalt  }
0x7f: {  	_ =	shalt  }
0x80: {  	_ =	shalt  }
0x81: {  	_ =	shalt  }
0x82: {  	_ =	shalt  }
0x83: {  	_ =	shalt  }
0x84: {  	_ =	shalt  }
0x85: {  	_ =	shalt  }
0x86: {  	_ =	shalt  }
0x87: {  	_ =	shalt  }
.Lfunc_end0:
.L_simem_size_0:
called_computation_lowered:
.L_overlay_start_0:
0x88: {  	s2 =	sld [smem:$0x3FD9]  }
0x89: {  	s3 =	sld [smem:$0x3FFE];
	_ =	sdelay $0x1  }
0x8a: {  	s1 =	srdreg.scid  }
0x8b: {  	s0 =	sand.u32 $0x1, s1  }
0x8c: {  	s17 =	sshll.u32 s0, $0xA;
	s2 =	sadd.s32 s3, s2  }
0x8d: {  	s2 =	sadd.s32 s2, s17  }
0x8e: {  	[smem:$0x3FBE] =	sst s2  }
0x8f: {  	_ = 	snop  }
0x90: {  	s2 =	sld [smem:$0x3FD0];
	(tm) =	ssettm $0x1  }
0x91: {  	s18 =	sld [smem:$0x3FFB];
	_ =	sdelay $0x3  }
0x92: {  	_ =	strace s18  }
0x93: {  	s3 =	sld [smem:$0x3FFC];
	_ =	sdelay $0x3  }
0x94: {  	_ =	strace s3  }
0x95: {  	s3 =	sld [smem:$0x3FFD];
	_ =	sdelay $0x3  }
0x96: {  	_ =	strace s3  }
0x97: {  	_ =	strace $0x8FFFFFFF  }
0x98: {  	s19 =	sld [smem:$0x3FDB];
	_ =	sdelay $0x1  }
0x99: {  	s4 =	simm.s32 $_scs_section_size  }
0x9a: {  	s5 =	simm.s32 $_size__tile_overlayer_lowered;
	s6 =	simm.s32 $_tile_overlayer_lowered  }
0x9b: {  	s22 =	simm.s32 $0x1BFF;
	s21 =	sshll.u32 s6, $0x1;
	s3 =	sadd.s32 s4, s19  }
0x9c: {  	s7 =	simm.s32 $0x0;
	s20 =	sshll.u32 s5, $0x1;
	s5 =	sadd.s32 s21, s3  }
0x9d: {  	[timem:s7], [sflag:s22] =	dma.local [hbm:s5], s20  }
0x9e: {  	_ =	swait.ge [sflag:s22], s20  }
0x9f: {  	s4 =	ssub.s32 $0x0, s20;
	[sflag:s22] =	ssyncset.done $0x0  }
0xa0: {  	[sflag:s22] =	ssyncadd.s32 s4;
	_ =	sdelay $0x1  }
0xa1: {  	s23 =	simm.s32 $0x1B8B  }
0xa2: {  	_ =	swait.ge [sflag:s23], $0x1  }
0xa3: {  	[sflag:s23] =	ssyncset.done $0x0  }
0xa4: {  	s25 =	simm.s32 $0x1B8E;
	s24 =	sld [smem:$0x3FFE];
	[sflag:s23] =	ssyncadd.s32 $0xFFFFFFFF  }
0xa5: {  	s26 =	simm.s32 $execute0_lowered;
	[smem:$0x3FD2] =	sst s25  }
0xa6: {  	s5 =	sshll.u32 s26, $0x1;
	_ =	strace $0x80000046;
	[dreg:$0x1] =	wrdreg $0xFFFFFFFF  }
0xa7: {  	s28 =	simm.s32 $_size_execute0_lowered;
	s3 =	sadd.s32 s3, s5;
	[dreg:$0x0] =	wrdreg $0x0  }
0xa8: {  	s5 =	sshll.u32 s28, $0x1;
	[dreg:$0x2] =	wrdreg s3  }
0xa9: {  	[dreg:$0x3] =	wrdreg s5  }
0xaa: {  	[dreg:$0x4] =	wrdreg $0xC0  }
0xab: {  	_ =	task [dreg:s7], $0x5FFFF  }
0xac: {  	[dreg:$0x1] =	wrdreg $0xFFFFFFFF  }
0xad: {  	[dreg:$0x0] =	wrdreg $0x60  }
0xae: {  	[dreg:$0x2] =	wrdreg s2  }
0xaf: {  	[dreg:$0x3] =	wrdreg s24  }
0xb0: {  	[dreg:$0x4] =	wrdreg $0x68000  }
0xb1: {  	[dreg:$0x5] =	wrdreg $0x9  }
0xb2: {  	_ =	task.clear_ibuf [dreg:s7], $0x6FFFF;
	_ =	strace $0x90000046  }
0xb3: {  	s29 =	simm.s32 $0x9;
	_ =	strace $0x80000048  }
0xb4: {  	_ =	swait.ge [sflag:s29], $0x1  }
0xb5: {  	[sflag:s29] =	ssyncadd.s32 $0xFFFFFFFF  }
0xb6: {  	_ =	strace $0x90000048  }
0xb7: {  	_ =	sfence  }
0xb8: {  	s30 =	sld [smem:$0x0];
	_ =	sdelay $0x2  }
0xb9: {  	s31 =	sshll.u32 s1, $0xD;
	s1 =	sshrl.u32 s1, $0x2  }
0xba: {  	s3 =	sand.u32 $0x4000, s31;
	s1 =	sadd.s32 s1, s30  }
0xbb: {  	s0 =	sor.u32 s3, s0;
	s1 =	sshll.u32 s1, $0x11  }
0xbc: {  	s0 =	sor.u32 s1, s0  }
0xbd: {  	s0 =	sadd.s32 $0x8F2B, s0  }
0xbe: {  	[sflag:s0] =	ssyncadd.remote.s32 $0x1  }
0xbf: {  	_ =	sfence.sel $0xFFFF  }
0xc0: {  	[dreg:$0x0] =	wrdreg $0xFFFFFFFF;
	(pc) =	sbr.abs _section_cstart, $3  }
0xc1: {  	[dreg:$0x1] =	wrdreg $0xFFFFFFFF  }
0xc2: {  	_ =	task.clear_ibuf [dreg:s7], $0x2FFFF;
	_ =	strace $0x9FFFFFFF  }
0xc3: {  	(tm) =	ssettm $0x7FFFFFFF  }
tec
execute0_lowered:
.L_overlay_start_1:
0x0: {  	(tag) =	ssettag $0x1  }
0x1: {  	s4 =	rddreg [dreg:$0x0]  }
0x2: {  	s5 =	rddreg [dreg:$0x1]  }
0x3: {  	s2 =	rddreg [dreg:$0x2]  }
0x4: {  	s0 =	srdreg.scid;
	s1 =	rddreg [dreg:$0x3];
	s3 =	simm.s32 $0x0  }
0x5: {  	s15 =	simm.s32 $0x2800;
	s16 =	simm.s32 $0x2;
	s17 =	simm.s32 $0x1  }
0x6: {  	s18 =	simm.s32 $0x7D;
	s6 =	sand.u32 $0x1, s0;
	s0 =	stileid.u32  }
0x7: {  	s21 =	simm.s32 $0x0;
	[smem:$0x7FF] =	sst s3;
	s7 =	smul.u32 $0x140000, s6  }
0x8: {  	s8 =	smul.u32 $0x14000, s0;
	s9 =	sshll.u32 s6, $0x4;
	s6 =	ssub.s32 $0x2, s6  }
0x9: {  	s29 =	smul.u32 $0x50000, s0;
	_ =	strace $0x80000047;
	s19 =	sshll.u32 s0, $0x6  }
0xa: {  	s9 =	sor.u32 s0, s9;
	s30 =	sshrl.u32 s6, $0x1;
	s7 =	sadd.s32 s8, s7  }
0xb: {  	s19 =	sor.u32 $0x1C02, s19;
	s28 =	smul.u32 $0x500, s9;
	s7 =	sshrl.u32 s7, $0x3  }
0xc: {  	s31 =	sshrl.u32 s29, $0x2;
	s5 =	sadd.s32 s7, s5;
	s7 =	ssub.s32 s6, s30  }
0xd: {  	s4 =	sadd.s32 s4, s28;
	s6 =	sadd.s32 s31, s2;
	s5 =	sadd.s32 $0x3400, s5  }
0xe: {  	s7 =	smax.u32 s7, $0x1;
	s8 =	sadd.s32 $0x2800, s6;
	s9 =	sadd.s32 $0x5000, s6  }
0xf: {  	s10 =	sadd.s32 $0x7800, s6;
	s11 =	sadd.s32 $0xA000, s6;
	s12 =	sadd.s32 $0xC800, s6  }
0x10: {  	v0 =	vimm.f32 $0.0e+00;
	v1 =	vimm.f32 $1.000000000e+00;
	s13 =	sadd.s32 $0xF000, s6;
	s14 =	sadd.s32 $0x11800, s6;
	s20 =	sshrl.u32 s6, $0x3  }
.LBB2_1:
0x11: {  	[tilespmem:s3], [sflag:$0x1] =	stream.linear.gather [hbm4b:s4+s3], $0x2800, $0x38;
	[tilespmem:$0x1A800] =	vst v63  }
0x12: {  	s22 =	simm.s32 $0x0;
	s23 =	simm.s32 $0x200  }
.LBB2_2:
0x13: {  	p0 =	sne.s32 s23, $0x9E00;
	[tilespmem:s22+$0x2870] =	vst v0  }
0x14: {  	[tilespmem:s22+$0x2800] =	vst v0  }
0x15: {  	[tilespmem:s22+$0x2810] =	vst v0  }
.Ltmp0:
0x16: {  	[tilespmem:s22+$0x2820] =	vst v0;
	(pc) =	sbr.rel @p0 .LBB2_2-.Ltmp0, $4  }
0x17: {  	[tilespmem:s22+$0x2830] =	vst v0  }
0x18: {  	[tilespmem:s22+$0x2840] =	vst v0  }
0x19: {  	[tilespmem:s22+$0x2850] =	vst v0  }
0x1a: {  	[tilespmem:s22+$0x2860] =	vst v0;
	s22 =	sshra.s32 s23, $0x2;
	s23 =	sadd.s32 $0x200, s23  }
0x1b: {  	[tilespmem:s22+$0x2870] =	vst v0  }
0x1c: {  	[tilespmem:s22+$0x2800] =	vst v0  }
0x1d: {  	[tilespmem:s22+$0x2810] =	vst v0  }
0x1e: {  	[tilespmem:s22+$0x2820] =	vst v0  }
0x1f: {  	[tilespmem:s22+$0x2830] =	vst v0  }
0x20: {  	[tilespmem:s22+$0x2840] =	vst v0  }
0x21: {  	[tilespmem:s22+$0x2850] =	vst v0  }
0x22: {  	[tilespmem:s22+$0x2860] =	vst v0  }
0x23: {  	[spmem:s6] =	stream.linear.scatter [tilespmem:s15], [sflag:$0x2], $0x2800, $0x38;
	[tilespmem:$0x1A800] =	vst v63  }
0x24: {  	_ =	swait.ge [sflag:s16], $0x2800  }
0x25: {  	[sflag:s16] =	ssyncset.done $0x0  }
0x26: {  	[sflag:s16] =	ssyncadd.s32 $0xFFFFD800  }
0x27: {  	[spmem:s8] =	stream.linear.scatter [tilespmem:s15], [sflag:$0x2], $0x2800, $0x38;
	[tilespmem:$0x1A800] =	vst v63  }
0x28: {  	_ =	swait.ge [sflag:s16], $0x2800  }
0x29: {  	[sflag:s16] =	ssyncset.done $0x0  }
0x2a: {  	[sflag:s16] =	ssyncadd.s32 $0xFFFFD800  }
0x2b: {  	[spmem:s9] =	stream.linear.scatter [tilespmem:s15], [sflag:$0x2], $0x2800, $0x38;
	[tilespmem:$0x1A800] =	vst v63  }
0x2c: {  	_ =	swait.ge [sflag:s16], $0x2800  }
0x2d: {  	[sflag:s16] =	ssyncset.done $0x0  }
0x2e: {  	[sflag:s16] =	ssyncadd.s32 $0xFFFFD800  }
0x2f: {  	[spmem:s10] =	stream.linear.scatter [tilespmem:s15], [sflag:$0x2], $0x2800, $0x38;
	[tilespmem:$0x1A800] =	vst v63  }
0x30: {  	_ =	swait.ge [sflag:s16], $0x2800  }
0x31: {  	[sflag:s16] =	ssyncset.done $0x0  }
0x32: {  	[sflag:s16] =	ssyncadd.s32 $0xFFFFD800  }
0x33: {  	[spmem:s11] =	stream.linear.scatter [tilespmem:s15], [sflag:$0x2], $0x2800, $0x38;
	[tilespmem:$0x1A800] =	vst v63  }
0x34: {  	_ =	swait.ge [sflag:s16], $0x2800  }
0x35: {  	[sflag:s16] =	ssyncset.done $0x0  }
0x36: {  	[sflag:s16] =	ssyncadd.s32 $0xFFFFD800  }
0x37: {  	[spmem:s12] =	stream.linear.scatter [tilespmem:s15], [sflag:$0x2], $0x2800, $0x38;
	[tilespmem:$0x1A800] =	vst v63  }
0x38: {  	_ =	swait.ge [sflag:s16], $0x2800  }
0x39: {  	[sflag:s16] =	ssyncset.done $0x0  }
0x3a: {  	[sflag:s16] =	ssyncadd.s32 $0xFFFFD800  }
0x3b: {  	[spmem:s13] =	stream.linear.scatter [tilespmem:s15], [sflag:$0x2], $0x2800, $0x38;
	[tilespmem:$0x1A800] =	vst v63  }
0x3c: {  	_ =	swait.ge [sflag:s16], $0x2800  }
0x3d: {  	[sflag:s16] =	ssyncset.done $0x0  }
0x3e: {  	[sflag:s16] =	ssyncadd.s32 $0xFFFFD800  }
0x3f: {  	[spmem:s14] =	stream.linear.scatter [tilespmem:s15], [sflag:$0x2], $0x2800, $0x38;
	[tilespmem:$0x1A800] =	vst v63  }
0x40: {  	_ =	swait.ge [sflag:s16], $0x2800  }
0x41: {  	[sflag:s16] =	ssyncset.done $0x0  }
0x42: {  	s22 =	simm.s32 $0x0;
	s23 =	simm.s32 $0x200;
	[sflag:s16] =	ssyncadd.s32 $0xFFFFD800  }
.LBB2_4:
0x43: {  	p0 =	sne.s32 s23, $0xF800;
	[tilespmem:s22+$0x2870] =	vst v1  }
0x44: {  	[tilespmem:s22+$0x2800] =	vst v1  }
0x45: {  	[tilespmem:s22+$0x2810] =	vst v1  }
.Ltmp1:
0x46: {  	[tilespmem:s22+$0x2820] =	vst v1;
	(pc) =	sbr.rel @p0 .LBB2_4-.Ltmp1, $4  }
0x47: {  	[tilespmem:s22+$0x2830] =	vst v1  }
0x48: {  	[tilespmem:s22+$0x2840] =	vst v1  }
0x49: {  	[tilespmem:s22+$0x2850] =	vst v1  }
0x4a: {  	[tilespmem:s22+$0x2860] =	vst v1;
	s22 =	sshra.s32 s23, $0x2;
	s23 =	sadd.s32 $0x200, s23  }
0x4b: {  	[tilespmem:s22+$0x2870] =	vst v1  }
0x4c: {  	[tilespmem:s22+$0x2800] =	vst v1  }
0x4d: {  	[tilespmem:s22+$0x2810] =	vst v1  }
0x4e: {  	[tilespmem:s22+$0x2820] =	vst v1  }
0x4f: {  	[tilespmem:s22+$0x2830] =	vst v1  }
0x50: {  	[tilespmem:s22+$0x2840] =	vst v1  }
0x51: {  	[tilespmem:s22+$0x2850] =	vst v1  }
0x52: {  	[tilespmem:s22+$0x2860] =	vst v1  }
0x53: {  	_ =	swait.ge [sflag:s17], $0x2800  }
0x54: {  	[sflag:s17] =	ssyncset.done $0x0  }
0x55: {  	p0 =	por $0x1, $0x1;
	[sflag:s17] =	ssyncadd.s32 $0xFFFFD800  }
0x56: {  	s22 =	simm.s32 $0x0;
	s24 =	simm.s32 @!p0 $0x1;
	[bflag:$0x0] =	sbarrier.arrive $0xFFFF  }
0x57: {  	[spmem:s2] =	stream.indirect.scatter.add.f32 [tilespmem:s15], [sflag:$0x1], $0x80, s22, s18, $0xb8;
	[tilespmem:$0x1A800] =	vst v63  }
0x58: {  	_ =	swait.ge @!p0 [sflag:s24], $0x3E80  }
0x59: {  	s23 =	simm.s32 $0x1;
	[sflag:s24] =	ssyncset.done @!p0 $0x0  }
.LBB2_6:
0x5a: {  	[sflag:s24] =	ssyncadd.s32 @!p0 $0xFFFFC180  }
0x5b: {  	s22 =	sadd.s32 $0x80, s22;
	s24 =	smov.u32 s23;
	s23 =	sadd.s32 $0x1, s23  }
0x5c: {  	p1 =	sne.s32 s23, $0x50  }
0x5d: {  	[spmem:s2] =	stream.indirect.scatter.add.f32 [tilespmem:s15], [sflag:$0x1], $0x80, s22, s18, $0xb8;
	[tilespmem:$0x1A800] =	vst v63  }
.Ltmp2:
0x5e: {  	_ = 	snop;
	(pc) =	sbr.rel @p1 .LBB2_6-.Ltmp2, $4  }
0x5f: {  	p0 =	slt.u32 s24, $0x8  }
0x60: {  	s24 =	simm.s32 @!p0 $0x1  }
0x61: {  	_ =	swait.ge @!p0 [sflag:s24], $0x3E80  }
0x62: {  	[sflag:s24] =	ssyncset.done @!p0 $0x0  }
0x63: {  	[sflag:s24] =	ssyncadd.s32 @!p0 $0xFFFFC180  }
0x64: {  	_ =	swait.ge [sflag:s17], $0x3E80  }
0x65: {  	[sflag:s17] =	ssyncset.done $0x0  }
0x66: {  	[sflag:s17] =	ssyncadd.s32 $0xFFFFC180  }
0x67: {  	_ =	swait.ge [sflag:s17], $0x3E80  }
0x68: {  	[sflag:s17] =	ssyncset.done $0x0  }
0x69: {  	[sflag:s17] =	ssyncadd.s32 $0xFFFFC180  }
0x6a: {  	_ =	swait.ge [sflag:s17], $0x3E80  }
0x6b: {  	[sflag:s17] =	ssyncset.done $0x0  }
0x6c: {  	[sflag:s17] =	ssyncadd.s32 $0xFFFFC180  }
0x6d: {  	_ =	swait.ge [sflag:s17], $0x3E80  }
0x6e: {  	[sflag:s17] =	ssyncset.done $0x0  }
0x6f: {  	[sflag:s17] =	ssyncadd.s32 $0xFFFFC180  }
0x70: {  	_ =	swait.ge [sflag:s17], $0x3E80  }
0x71: {  	[sflag:s17] =	ssyncset.done $0x0  }
0x72: {  	[sflag:s17] =	ssyncadd.s32 $0xFFFFC180  }
0x73: {  	_ =	swait.ge [sflag:s17], $0x3E80  }
0x74: {  	[sflag:s17] =	ssyncset.done $0x0  }
0x75: {  	[sflag:s17] =	ssyncadd.s32 $0xFFFFC180  }
0x76: {  	_ =	swait.ge [sflag:s17], $0x3E80  }
0x77: {  	[sflag:s17] =	ssyncset.done $0x0  }
0x78: {  	[sflag:s17] =	ssyncadd.s32 $0xFFFFC180  }
0x79: {  	_ =	swait.ge [sflag:s17], $0x3E80  }
0x7a: {  	s21 =	sadd.s32 $0x1, s21;
	[sflag:s17] =	ssyncset.done $0x0  }
0x7b: {  	p0 =	sne.s32 s21, s7;
	[sflag:s17] =	ssyncadd.s32 $0xFFFFC180  }
.Ltmp3:
0x7c: {  	[bflag:$0x0] =	sbarrier.arrive $0xFFFF;
	(pc) =	sbr.rel @p0 .LBB2_1-.Ltmp3, $4  }
0x7d: {  	[hbm:s5], [sflag:s19] =	dma.local [spmem:s20], $0x2800  }
0x7e: {  	_ =	swait.ge [sflag:s16], $0x2800  }
0x7f: {  	[sflag:s16] =	ssyncset.done $0x0  }
0x80: {  	[sflag:s16] =	ssyncadd.s32 $0xFFFFD800  }
0x81: {  	_ =	sfence.sel $0x180000  }
0x82: {  	[bflag:$0x0] =	sbarrier.arrive $0xFFFF  }
0x83: {  	p0 =	sne.s32 s0, $0x0;
	_ =	strace $0x90000047  }
0x84: {  	s0 =	sadd.s32 @!p0 $0x100000, s1;
	[bflag:$0x2] =	sbarrier.arrive $0xFFFF  }
0x85: {  	[sflag:s0] =	ssyncadd.tile.s32 @!p0 $0x1;
	_ =	shalt  }
.Lfunc_end2:
_tile_overlayer_lowered:
.L_overlay_start_2:
0x86: {  	(tag) =	ssettag $0x2  }
0x87: {  	s0 =	rddreg [dreg:$0x0];
	s2 =	stileid.u32  }
0x88: {  	s1 =	rddreg [dreg:$0x1];
	p0 =	sne.s32 s2, $0x0  }
0x89: {  	s3 =	rddreg [dreg:$0x2];
	[bflag:$0x3] =	sbarrier.arrive $0xFFFF;
	s2 =	simm.s32 @!p0 $0x1C02  }
0x8a: {  	[timem:s3], [sflag:s2] =	dma.local @!p0 [hbm:s0], s1  }
0x8b: {  	s0 =	simm.s32 @!p0 $0x2  }
0x8c: {  	_ =	swait.ge @!p0 [sflag:s0], s1  }
0x8d: {  	s1 =	ssub.s32 @!p0 $0x0, s1;
	[sflag:s0] =	ssyncset.done @!p0 $0x0  }
0x8e: {  	[sflag:s0] =	ssyncadd.s32 @!p0 s1  }
0x8f: {  	[bflag:$0x3] =	sbarrier.arrive $0xFFFF  }
0x90: {  	_ =	shalt  }

// kernel: kernel.13.cloned.1.call-start
scs
__scs_entry_jumppad:
0x0: {  	(pc) =	sbr.rel $0x88, $3  }
0x1: {  	(tag) =	ssettag $0x0;
	lr =	simm.s32 $0x1  }
0x2: {  	[smem:$0x3F97] =	sst lr;
	_ =	strace $0xD0000000  }
0x3: {  	_ = 	snop  }
0x4: {  	_ = 	snop  }
0x5: {  	_ = 	snop  }
0x6: {  	_ = 	snop  }
0x7: {  	_ = 	snop  }
__scs_overlays_trampoline_lowered:
0x8: {  	[smem:$0x3FA6] =	sst s0  }
0x9: {  	[smem:$0x3FA7] =	sst s1  }
0xa: {  	[smem:$0x3FA8] =	sst s2  }
0xb: {  	[smem:$0x3FA9] =	sst s3  }
0xc: {  	[smem:$0x3FAA] =	sst s4  }
0xd: {  	[smem:$0x3FAB] =	sst s5  }
0xe: {  	[smem:$0x3FAC] =	sst s6  }
0xf: {  	[smem:$0x3FAD] =	sst s7  }
0x10: {  	[smem:$0x3FAE] =	sst s8  }
0x11: {  	[smem:$0x3FAF] =	sst s9;
	s0 =	simm.s32 @!p0 $0x0  }
0x12: {  	s1 =	sld [smem:$0x3F95];
	s0 =	simm.s32 @p0 $0x1  }
0x13: {  	[smem:$0x3FB0] =	sst s0;
	s0 =	simm.s32 @!p1 $0x0  }
0x14: {  	s2 =	sld [smem:$0x3F94];
	s0 =	simm.s32 @p1 $0x1  }
0x15: {  	[smem:$0x3FB1] =	sst s0;
	s0 =	simm.s32 @!p2 $0x0  }
0x16: {  	s3 =	sld [smem:$0x3FDB];
	s0 =	simm.s32 @p2 $0x1  }
0x17: {  	s4 =	simm.s32 $0x1BF5;
	[smem:$0x3FB3] =	sst s0  }
0x18: {  	s0 =	sld [smem:$0x3F96];
	_ =	swait.ge [sflag:s4], $0x0  }
0x19: {  	s7 =	sld [smem:$0x3F97]  }
0x1a: {  	s8 =	sadd.s32 $0xFFFFE003, lr  }
0x1b: {  	s9 =	sadd.s32 $0xFFFFFEF7, lr;
	s5 =	simm.s32 $0xFFFFFFFF;
	p2 =	slt.u32 s8, $0xFFFFF086  }
0x1c: {  	p1 =	slt.u32 s9, $0xF7A;
	s5 =	simm.s32 @!p2 $0x0  }
0x1d: {  	s5 =	simm.s32 @p1 $0x1;
	p0 =	seq.s32 s7, s2  }
0x1e: {  	s7 =	smul.u32 @!p0 $0xF7A, s2;
	p2 =	seq.s32 @!p0 s5, $0x0  }
0x1f: {  	s9 =	smul.u32 $0xF7A, s1;
	s8 =	simm.s32 @!p0 $0x1BF5;
	p2 =	por !p2, p0  }
0x20: {  	[sflag:s8] =	ssyncset.s32 @!p0 $0xFFFFF086;
	s6 =	sadd.s32 @!p0 s3, s7;
	s7 =	simm.s32 @!p0 $0x108  }
0x21: {  	s3 =	sadd.s32 s3, s9;
	s6 =	sadd.s32 @!p0 $0x88, s6;
	s7 =	simm.s32 @p2 $0x1082  }
0x22: {  	[simem:s7], [sflag:s8] =	dma.local @!p0 [hbm:s6], $0xF7A  }
0x23: {  	s9 =	sor.u32 $0xD0000000, s2;
	s6 =	simm.s32 $0x108;
	_ =	swait.ge @!p0 [sflag:s8], $0x0  }
0x24: {  	s3 =	sadd.s32 $0x88, s3;
	s6 =	simm.s32 @!p1 $0x1082;
	[sflag:s4] =	ssyncset.s32 $0xFFFFF086  }
0x25: {  	[simem:s6], [sflag:s4] =	dma.local [hbm:s3], $0xF7A  }
0x26: {  	[smem:$0x3F97] =	sst s1;
	(tag) =	ssettag s2;
	_ =	strace s9  }
0x27: {  	s1 =	sld [smem:$0x3FA7]  }
0x28: {  	s2 =	sld [smem:$0x3FA8]  }
0x29: {  	s4 =	sld [smem:$0x3FAA]  }
0x2a: {  	p0 =	seq.s32 s5, $0x0;
	s5 =	sld [smem:$0x3FAB]  }
0x2b: {  	s6 =	sld [smem:$0x3FAC]  }
0x2c: {  	s7 =	sld [smem:$0x3FAD]  }
0x2d: {  	s3 =	simm.s32 $0x108;
	s8 =	sld [smem:$0x3FAE]  }
0x2e: {  	s3 =	simm.s32 @!p0 $0x1082;
	s9 =	sld [smem:$0x3FAF]  }
0x2f: {  	lr =	sadd.s32 s0, s3;
	s0 =	sld [smem:$0x3FA6]  }
0x30: {  	s3 =	sld [smem:$0x3FA9]  }
0x31: {  	[smem:$0x3FB2] =	sst s10  }
0x32: {  	s10 =	sld [smem:$0x3FB0];
	_ =	sdelay $0x3  }
0x33: {  	p0 =	seq.s32 s10, $0x1;
	s10 =	sld [smem:$0x3FB2];
	_ =	sdelay $0x3  }
0x34: {  	[smem:$0x3FB2] =	sst s10  }
0x35: {  	s10 =	sld [smem:$0x3FB1];
	_ =	sdelay $0x3  }
0x36: {  	p1 =	seq.s32 s10, $0x1;
	s10 =	sld [smem:$0x3FB2];
	_ =	sdelay $0x3  }
0x37: {  	[smem:$0x3FB2] =	sst s10  }
0x38: {  	s10 =	sld [smem:$0x3FB3]  }
0x39: {  	_ = 	snop;
	(pc) =	sbr.ind lr, $3  }
0x3a: {  	_ = 	snop  }
0x3b: {  	_ = 	snop  }
0x3c: {  	p2 =	seq.s32 s10, $0x1;
	s10 =	sld [smem:$0x3FB2]  }
0x3d: {  	_ =	shalt  }
0x3e: {  	_ =	shalt  }
0x3f: {  	_ =	shalt  }
0x40: {  	_ =	shalt  }
0x41: {  	_ =	shalt  }
0x42: {  	_ =	shalt  }
0x43: {  	_ =	shalt  }
0x44: {  	_ =	shalt  }
0x45: {  	_ =	shalt  }
0x46: {  	_ =	shalt  }
0x47: {  	_ =	shalt  }
0x48: {  	_ =	shalt  }
0x49: {  	_ =	shalt  }
0x4a: {  	_ =	shalt  }
0x4b: {  	_ =	shalt  }
0x4c: {  	_ =	shalt  }
0x4d: {  	_ =	shalt  }
0x4e: {  	_ =	shalt  }
0x4f: {  	_ =	shalt  }
0x50: {  	_ =	shalt  }
0x51: {  	_ =	shalt  }
0x52: {  	_ =	shalt  }
0x53: {  	_ =	shalt  }
0x54: {  	_ =	shalt  }
0x55: {  	_ =	shalt  }
0x56: {  	_ =	shalt  }
0x57: {  	_ =	shalt  }
0x58: {  	_ =	shalt  }
0x59: {  	_ =	shalt  }
0x5a: {  	_ =	shalt  }
0x5b: {  	_ =	shalt  }
0x5c: {  	_ =	shalt  }
0x5d: {  	_ =	shalt  }
0x5e: {  	_ =	shalt  }
0x5f: {  	_ =	shalt  }
0x60: {  	_ =	shalt  }
0x61: {  	_ =	shalt  }
0x62: {  	_ =	shalt  }
0x63: {  	_ =	shalt  }
0x64: {  	_ =	shalt  }
0x65: {  	_ =	shalt  }
0x66: {  	_ =	shalt  }
0x67: {  	_ =	shalt  }
0x68: {  	_ =	shalt  }
0x69: {  	_ =	shalt  }
0x6a: {  	_ =	shalt  }
0x6b: {  	_ =	shalt  }
0x6c: {  	_ =	shalt  }
0x6d: {  	_ =	shalt  }
0x6e: {  	_ =	shalt  }
0x6f: {  	_ =	shalt  }
0x70: {  	_ =	shalt  }
0x71: {  	_ =	shalt  }
0x72: {  	_ =	shalt  }
0x73: {  	_ =	shalt  }
0x74: {  	_ =	shalt  }
0x75: {  	_ =	shalt  }
0x76: {  	_ =	shalt  }
0x77: {  	_ =	shalt  }
0x78: {  	_ =	shalt  }
0x79: {  	_ =	shalt  }
0x7a: {  	_ =	shalt  }
0x7b: {  	_ =	shalt  }
0x7c: {  	_ =	shalt  }
0x7d: {  	_ =	shalt  }
0x7e: {  	_ =	shalt  }
0x7f: {  	_ =	shalt  }
0x80: {  	_ =	shalt  }
0x81: {  	_ =	shalt  }
0x82: {  	_ =	shalt  }
0x83: {  	_ =	shalt  }
0x84: {  	_ =	shalt  }
0x85: {  	_ =	shalt  }
0x86: {  	_ =	shalt  }
0x87: {  	_ =	shalt  }
.Lfunc_end0:
.L_simem_size_0:
called_computation.1_lowered:
.L_overlay_start_0:
0x88: {  	s2 =	sld [smem:$0x3FD9]  }
0x89: {  	s3 =	sld [smem:$0x3FFE];
	_ =	sdelay $0x1  }
0x8a: {  	s1 =	srdreg.scid  }
0x8b: {  	s0 =	sand.u32 $0x1, s1  }
0x8c: {  	s17 =	sshll.u32 s0, $0xA;
	s2 =	sadd.s32 s3, s2  }
0x8d: {  	s2 =	sadd.s32 s2, s17  }
0x8e: {  	[smem:$0x3FBE] =	sst s2  }
0x8f: {  	_ = 	snop  }
0x90: {  	s2 =	sld [smem:$0x3FD0];
	(tm) =	ssettm $0x1  }
0x91: {  	s18 =	sld [smem:$0x3FFB];
	_ =	sdelay $0x3  }
0x92: {  	_ =	strace s18  }
0x93: {  	s3 =	sld [smem:$0x3FFC];
	_ =	sdelay $0x3  }
0x94: {  	_ =	strace s3  }
0x95: {  	s3 =	sld [smem:$0x3FFD];
	_ =	sdelay $0x3  }
0x96: {  	_ =	strace s3  }
0x97: {  	_ =	strace $0x8FFFFFFF  }
0x98: {  	s19 =	sld [smem:$0x3FDB];
	_ =	sdelay $0x1  }
0x99: {  	s4 =	simm.s32 $_scs_section_size  }
0x9a: {  	s5 =	simm.s32 $_size__tile_overlayer_lowered;
	s6 =	simm.s32 $_tile_overlayer_lowered  }
0x9b: {  	s22 =	simm.s32 $0x1BFF;
	s21 =	sshll.u32 s6, $0x1;
	s3 =	sadd.s32 s4, s19  }
0x9c: {  	s7 =	simm.s32 $0x0;
	s20 =	sshll.u32 s5, $0x1;
	s5 =	sadd.s32 s21, s3  }
0x9d: {  	[timem:s7], [sflag:s22] =	dma.local [hbm:s5], s20  }
0x9e: {  	_ =	swait.ge [sflag:s22], s20  }
0x9f: {  	s4 =	ssub.s32 $0x0, s20;
	[sflag:s22] =	ssyncset.done $0x0  }
0xa0: {  	[sflag:s22] =	ssyncadd.s32 s4;
	_ =	sdelay $0x1  }
0xa1: {  	s23 =	simm.s32 $0x1B8B  }
0xa2: {  	_ =	swait.ge [sflag:s23], $0x1  }
0xa3: {  	[sflag:s23] =	ssyncset.done $0x0  }
0xa4: {  	s25 =	simm.s32 $0x1B8E;
	s24 =	sld [smem:$0x3FFE];
	[sflag:s23] =	ssyncadd.s32 $0xFFFFFFFF  }
0xa5: {  	s26 =	simm.s32 $execute0_lowered;
	[smem:$0x3FD2] =	sst s25  }
0xa6: {  	s5 =	sshll.u32 s26, $0x1;
	_ =	strace $0x80000049;
	[dreg:$0x1] =	wrdreg $0xFFFFFFFF  }
0xa7: {  	s28 =	simm.s32 $_size_execute0_lowered;
	s3 =	sadd.s32 s3, s5;
	[dreg:$0x0] =	wrdreg $0x0  }
0xa8: {  	s5 =	sshll.u32 s28, $0x1;
	[dreg:$0x2] =	wrdreg s3  }
0xa9: {  	[dreg:$0x3] =	wrdreg s5  }
0xaa: {  	[dreg:$0x4] =	wrdreg $0xC0  }
0xab: {  	_ =	task [dreg:s7], $0x5FFFF  }
0xac: {  	[dreg:$0x1] =	wrdreg $0xFFFFFFFF  }
0xad: {  	[dreg:$0x0] =	wrdreg $0x60  }
0xae: {  	[dreg:$0x2] =	wrdreg s24  }
0xaf: {  	[dreg:$0x3] =	wrdreg s2  }
0xb0: {  	[dreg:$0x4] =	wrdreg $0xA0000  }
0xb1: {  	[dreg:$0x5] =	wrdreg $0x9  }
0xb2: {  	_ =	task.clear_ibuf [dreg:s7], $0x6FFFF;
	_ =	strace $0x90000049  }
0xb3: {  	s29 =	simm.s32 $0x9;
	_ =	strace $0x8000004B  }
0xb4: {  	_ =	swait.ge [sflag:s29], $0x1  }
0xb5: {  	[sflag:s29] =	ssyncadd.s32 $0xFFFFFFFF  }
0xb6: {  	_ =	strace $0x9000004B  }
0xb7: {  	_ =	sfence  }
0xb8: {  	s30 =	sld [smem:$0x0];
	_ =	sdelay $0x2  }
0xb9: {  	s31 =	sshll.u32 s1, $0xD;
	s1 =	sshrl.u32 s1, $0x2  }
0xba: {  	s3 =	sand.u32 $0x4000, s31;
	s1 =	sadd.s32 s1, s30  }
0xbb: {  	s0 =	sor.u32 s3, s0;
	s1 =	sshll.u32 s1, $0x11  }
0xbc: {  	s0 =	sor.u32 s1, s0  }
0xbd: {  	s0 =	sadd.s32 $0x8F2B, s0  }
0xbe: {  	[sflag:s0] =	ssyncadd.remote.s32 $0x1  }
0xbf: {  	_ =	sfence.sel $0xFFFF  }
0xc0: {  	[dreg:$0x0] =	wrdreg $0xFFFFFFFF;
	(pc) =	sbr.abs _section_cstart, $3  }
0xc1: {  	[dreg:$0x1] =	wrdreg $0xFFFFFFFF  }
0xc2: {  	_ =	task.clear_ibuf [dreg:s7], $0x2FFFF;
	_ =	strace $0x9FFFFFFF  }
0xc3: {  	(tm) =	ssettm $0x7FFFFFFF  }
tec
execute0_lowered:
.L_overlay_start_1:
0x0: {  	(tag) =	ssettag $0x1  }
0x1: {  	s0 =	rddreg [dreg:$0x0]  }
0x2: {  	s1 =	rddreg [dreg:$0x1]  }
0x3: {  	s2 =	rddreg [dreg:$0x2]  }
0x4: {  	s3 =	srdreg.scid;
	s4 =	simm.s32 $0x0;
	s22 =	stileid.u32  }
0x5: {  	s21 =	simm.s32 $0x2000;
	s28 =	simm.s32 $0x2;
	s7 =	smul.u32 $0x14000, s22  }
0x6: {  	s29 =	simm.s32 $0x3;
	s30 =	simm.s32 $0x4;
	s11 =	smul.u32 $0x50000, s22  }
0x7: {  	s31 =	simm.s32 $0x0;
	s12 =	sand.u32 $0x1, s3;
	s19 =	smul.u32 $0x2800, s22  }
0x8: {  	[smem:$0x7FF] =	sst s4;
	s6 =	smul.u32 $0x140000, s12;
	s5 =	sshll.u32 s12, $0x4  }
0x9: {  	_ =	strace $0x8000004A;
	s9 =	ssub.s32 $0x2, s12;
	s26 =	smul.u32 $0x28000, s12  }
0xa: {  	s8 =	sor.u32 s22, s5;
	s5 =	sadd.s32 $0x3400, s0;
	s10 =	sshrl.u32 s9, $0x1  }
0xb: {  	s25 =	sshrl.u32 s11, $0x2;
	s22 =	simm.s32 $0x6;
	s7 =	sadd.s32 s7, s6  }
0xc: {  	s8 =	smul.u32 $0x2800, s8;
	s6 =	sadd.s32 $0x53400, s0;
	s13 =	ssub.s32 s9, s10  }
0xd: {  	s10 =	sadd.s32 s25, s2;
	s25 =	simm.s32 $0x6000;
	s7 =	sshrl.u32 s7, $0x3  }
0xe: {  	s11 =	smax.u32 s13, $0x1;
	s12 =	sadd.s32 $0x2800, s10;
	s13 =	sadd.s32 $0x5000, s10  }
0xf: {  	s14 =	sadd.s32 $0x7800, s10;
	s15 =	sadd.s32 $0xA000, s10;
	s16 =	sadd.s32 $0xC800, s10  }
.Ltmp0:
0x10: {  	s17 =	sadd.s32 $0xF000, s10;
	s8 =	sshrl.u32 s8, $0x3;
	(pc) =	sbr.rel .LBB2_1-.Ltmp0, $4  }
0x11: {  	s18 =	sadd.s32 $0x11800, s10;
	s0 =	sadd.s32 s7, s0;
	s23 =	sadd.s32 s6, s8  }
0x12: {  	s24 =	sadd.s32 s1, s8;
	s9 =	sadd.s32 $0x5D400, s0;
	[dreg:$0x4] =	wrdreg s23  }
0x13: {  	s0 =	sadd.s32 s19, s26;
	s26 =	simm.s32 $0x1;
	[dreg:$0x5] =	wrdreg s24  }
0x14: {  	v0 =	vimm.f32 $0.0e+00;
	s19 =	sadd.s32 $0x800, s0;
	s23 =	simm.s32 $0x5;
	s24 =	simm.s32 $0x7D  }
.LBB2_8:
0x15: {  	_ =	swait.ge [sflag:s29], $0x3E80  }
0x16: {  	[sflag:s29] =	ssyncset.done $0x0  }
0x17: {  	[sflag:s29] =	ssyncadd.s32 $0xFFFFC180  }
0x18: {  	s0 =	stileid.u32;
	_ =	swait.ge [sflag:s30], $0x3E80  }
0x19: {  	s3 =	sshrl.u32 s10, $0x3;
	s31 =	sadd.s32 $0x1, s31;
	[sflag:s30] =	ssyncset.done $0x0  }
0x1a: {  	s0 =	sshll.u32 s0, $0x6;
	p0 =	sne.s32 s31, s11;
	[sflag:s30] =	ssyncadd.s32 $0xFFFFC180  }
.Ltmp1:
0x1b: {  	s0 =	sor.u32 $0x1C06, s0;
	[bflag:$0x0] =	sbarrier.arrive $0xFFFF;
	(pc) =	sbr.rel @!p0 .LBB2_9-.Ltmp1, $4  }
0x1c: {  	[hbm:s9], [sflag:s0] =	dma.local [spmem:s3], $0x2800  }
0x1d: {  	_ =	swait.ge [sflag:s22], $0x2800  }
0x1e: {  	[sflag:s22] =	ssyncset.done $0x0  }
0x1f: {  	[sflag:s22] =	ssyncadd.s32 $0xFFFFD800  }
.LBB2_1:
0x20: {  	s0 =	simm.s32 $0x0;
	s3 =	rddreg [dreg:$0x4]  }
0x21: {  	[tilespmem:s0], [sflag:$0x5] =	stream.linear.gather [hbm4b:s3+s0], $0x800, $0x38;
	[tilespmem:$0x1E000] =	vst v63  }
0x22: {  	s20 =	rddreg [dreg:$0x5];
	s4 =	simm.s32 $0x1000  }
0x23: {  	[tilespmem:s4], [sflag:$0x5] =	stream.linear.gather [hbm4b:s20+s0], $0x800, $0x38;
	[tilespmem:$0x1E000] =	vst v63  }
0x24: {  	s0 =	simm.s32 $0x0;
	s20 =	simm.s32 $0x200  }
.LBB2_2:
0x25: {  	p0 =	sne.s32 s20, $0x9E00;
	[tilespmem:s0+$0x2070] =	vst v0  }
0x26: {  	[tilespmem:s0+$0x2000] =	vst v0  }
0x27: {  	[tilespmem:s0+$0x2010] =	vst v0  }
.Ltmp2:
0x28: {  	[tilespmem:s0+$0x2020] =	vst v0;
	(pc) =	sbr.rel @p0 .LBB2_2-.Ltmp2, $4  }
0x29: {  	[tilespmem:s0+$0x2030] =	vst v0  }
0x2a: {  	[tilespmem:s0+$0x2040] =	vst v0  }
0x2b: {  	[tilespmem:s0+$0x2050] =	vst v0  }
0x2c: {  	[tilespmem:s0+$0x2060] =	vst v0;
	s0 =	sshra.s32 s20, $0x2;
	s20 =	sadd.s32 $0x200, s20  }
0x2d: {  	[tilespmem:s0+$0x2070] =	vst v0  }
0x2e: {  	[tilespmem:s0+$0x2000] =	vst v0  }
0x2f: {  	[tilespmem:s0+$0x2010] =	vst v0  }
0x30: {  	[tilespmem:s0+$0x2020] =	vst v0  }
0x31: {  	[tilespmem:s0+$0x2030] =	vst v0  }
0x32: {  	[tilespmem:s0+$0x2040] =	vst v0  }
0x33: {  	[tilespmem:s0+$0x2050] =	vst v0  }
0x34: {  	[tilespmem:s0+$0x2060] =	vst v0  }
0x35: {  	[spmem:s10] =	stream.linear.scatter [tilespmem:s21], [sflag:$0x6], $0x2800, $0x38;
	[tilespmem:$0x1E000] =	vst v63  }
0x36: {  	_ =	swait.ge [sflag:s22], $0x2800  }
0x37: {  	[sflag:s22] =	ssyncset.done $0x0  }
0x38: {  	[sflag:s22] =	ssyncadd.s32 $0xFFFFD800  }
0x39: {  	[spmem:s12] =	stream.linear.scatter [tilespmem:s21], [sflag:$0x6], $0x2800, $0x38;
	[tilespmem:$0x1E000] =	vst v63  }
0x3a: {  	_ =	swait.ge [sflag:s22], $0x2800  }
0x3b: {  	[sflag:s22] =	ssyncset.done $0x0  }
0x3c: {  	[sflag:s22] =	ssyncadd.s32 $0xFFFFD800  }
0x3d: {  	[spmem:s13] =	stream.linear.scatter [tilespmem:s21], [sflag:$0x6], $0x2800, $0x38;
	[tilespmem:$0x1E000] =	vst v63  }
0x3e: {  	_ =	swait.ge [sflag:s22], $0x2800  }
0x3f: {  	[sflag:s22] =	ssyncset.done $0x0  }
0x40: {  	[sflag:s22] =	ssyncadd.s32 $0xFFFFD800  }
0x41: {  	[spmem:s14] =	stream.linear.scatter [tilespmem:s21], [sflag:$0x6], $0x2800, $0x38;
	[tilespmem:$0x1E000] =	vst v63  }
0x42: {  	_ =	swait.ge [sflag:s22], $0x2800  }
0x43: {  	[sflag:s22] =	ssyncset.done $0x0  }
0x44: {  	[sflag:s22] =	ssyncadd.s32 $0xFFFFD800  }
0x45: {  	[spmem:s15] =	stream.linear.scatter [tilespmem:s21], [sflag:$0x6], $0x2800, $0x38;
	[tilespmem:$0x1E000] =	vst v63  }
0x46: {  	_ =	swait.ge [sflag:s22], $0x2800  }
0x47: {  	[sflag:s22] =	ssyncset.done $0x0  }
0x48: {  	[sflag:s22] =	ssyncadd.s32 $0xFFFFD800  }
0x49: {  	[spmem:s16] =	stream.linear.scatter [tilespmem:s21], [sflag:$0x6], $0x2800, $0x38;
	[tilespmem:$0x1E000] =	vst v63  }
0x4a: {  	_ =	swait.ge [sflag:s22], $0x2800  }
0x4b: {  	[sflag:s22] =	ssyncset.done $0x0  }
0x4c: {  	[sflag:s22] =	ssyncadd.s32 $0xFFFFD800  }
0x4d: {  	[spmem:s17] =	stream.linear.scatter [tilespmem:s21], [sflag:$0x6], $0x2800, $0x38;
	[tilespmem:$0x1E000] =	vst v63  }
0x4e: {  	_ =	swait.ge [sflag:s22], $0x2800  }
0x4f: {  	[sflag:s22] =	ssyncset.done $0x0  }
0x50: {  	[sflag:s22] =	ssyncadd.s32 $0xFFFFD800  }
0x51: {  	[spmem:s18] =	stream.linear.scatter [tilespmem:s21], [sflag:$0x6], $0x2800, $0x38;
	[tilespmem:$0x1E000] =	vst v63  }
0x52: {  	_ =	swait.ge [sflag:s22], $0x2800  }
0x53: {  	[sflag:s22] =	ssyncset.done $0x0  }
0x54: {  	[sflag:s22] =	ssyncadd.s32 $0xFFFFD800  }
0x55: {  	_ =	swait.ge [sflag:s23], $0x800  }
0x56: {  	[sflag:s23] =	ssyncset.done $0x0  }
0x57: {  	[sflag:s23] =	ssyncadd.s32 $0xFFFFF800  }
.Ltmp3:
0x58: {  	_ =	swait.ge [sflag:s23], $0x800;
	(pc) =	sbr.rel .LBB2_4-.Ltmp3, $4  }
0x59: {  	[sflag:s23] =	ssyncset.done $0x0  }
0x5a: {  	[sflag:s23] =	ssyncadd.s32 $0xFFFFF800  }
0x5b: {  	[bflag:$0x0] =	sbarrier.arrive $0xFFFF  }
0x5c: {  	s0 =	simm.s32 $0x0  }
.LBB2_6:
0x5d: {  	_ =	swait.ge [sflag:s29], $0x3E80  }
0x5e: {  	[sflag:s29] =	ssyncset.done $0x0  }
0x5f: {  	s20 =	simm.s32 @p0 $0x0;
	[sflag:s29] =	ssyncadd.s32 $0xFFFFC180  }
0x60: {  	[tilespmem:s21], [sflag:$0x1] =	stream.indirect.gather [hbm4b:s5+s24], $0x80, s20, s24, $0xb8;
	[tilespmem:$0x1E000] =	vst v63  }
0x61: {  	_ =	swait.ge [sflag:s30], $0x3E80  }
0x62: {  	[sflag:s30] =	ssyncset.done $0x0  }
0x63: {  	[sflag:s30] =	ssyncadd.s32 $0xFFFFC180  }
.LBB2_7:
0x64: {  	s3 =	sor.u32 $0x80, s20  }
0x65: {  	[tilespmem:s25], [sflag:$0x2] =	stream.indirect.gather [hbm4b:s5+s24], $0x80, s3, s24, $0xb8;
	[tilespmem:$0x1E000] =	vst v63  }
0x66: {  	_ =	swait.ge [sflag:s26], $0x3E80  }
0x67: {  	[sflag:s26] =	ssyncset.done $0x0  }
0x68: {  	s7 =	sor.u32 $0x1000, s20;
	[sflag:s26] =	ssyncadd.s32 $0xFFFFC180  }
0x69: {  	[spmem:s2] =	stream.indirect.scatter.add.f32 [tilespmem:s21], [sflag:$0x3], $0x80, s7, s24, $0xb8;
	[tilespmem:$0x1E000] =	vst v63  }
0x6a: {  	_ =	swait.ge [sflag:s28], $0x3E80  }
0x6b: {  	[sflag:s28] =	ssyncset.done $0x0  }
0x6c: {  	s8 =	sor.u32 $0x1080, s20;
	[sflag:s28] =	ssyncadd.s32 $0xFFFFC180  }
0x6d: {  	[spmem:s2] =	stream.indirect.scatter.add.f32 [tilespmem:s25], [sflag:$0x4], $0x80, s8, s24, $0xb8;
	[tilespmem:$0x1E000] =	vst v63  }
0x6e: {  	_ =	swait.ge [sflag:s29], $0x3E80  }
0x6f: {  	[sflag:s29] =	ssyncset.done $0x0  }
0x70: {  	s4 =	sor.u32 $0x100, s20;
	[sflag:s29] =	ssyncadd.s32 $0xFFFFC180  }
0x71: {  	[tilespmem:s21], [sflag:$0x1] =	stream.indirect.gather [hbm4b:s5+s24], $0x80, s4, s24, $0xb8;
	[tilespmem:$0x1E000] =	vst v63  }
0x72: {  	_ =	swait.ge [sflag:s30], $0x3E80  }
0x73: {  	[sflag:s30] =	ssyncset.done $0x0  }
0x74: {  	s7 =	sor.u32 $0x180, s20;
	[sflag:s30] =	ssyncadd.s32 $0xFFFFC180  }
0x75: {  	[tilespmem:s25], [sflag:$0x2] =	stream.indirect.gather [hbm4b:s5+s24], $0x80, s7, s24, $0xb8;
	[tilespmem:$0x1E000] =	vst v63  }
0x76: {  	_ =	swait.ge [sflag:s26], $0x3E80  }
0x77: {  	[sflag:s26] =	ssyncset.done $0x0  }
0x78: {  	s8 =	sor.u32 $0x1100, s20;
	[sflag:s26] =	ssyncadd.s32 $0xFFFFC180  }
0x79: {  	[spmem:s2] =	stream.indirect.scatter.add.f32 [tilespmem:s21], [sflag:$0x3], $0x80, s8, s24, $0xb8;
	[tilespmem:$0x1E000] =	vst v63  }
0x7a: {  	_ =	swait.ge [sflag:s28], $0x3E80  }
0x7b: {  	[sflag:s28] =	ssyncset.done $0x0  }
0x7c: {  	s4 =	sor.u32 $0x1180, s20;
	[sflag:s28] =	ssyncadd.s32 $0xFFFFC180  }
0x7d: {  	[spmem:s2] =	stream.indirect.scatter.add.f32 [tilespmem:s25], [sflag:$0x4], $0x80, s4, s24, $0xb8;
	[tilespmem:$0x1E000] =	vst v63  }
0x7e: {  	_ =	swait.ge [sflag:s29], $0x3E80  }
0x7f: {  	[sflag:s29] =	ssyncset.done $0x0  }
0x80: {  	s7 =	sor.u32 $0x200, s20;
	[sflag:s29] =	ssyncadd.s32 $0xFFFFC180  }
0x81: {  	[tilespmem:s21], [sflag:$0x1] =	stream.indirect.gather [hbm4b:s5+s24], $0x80, s7, s24, $0xb8;
	[tilespmem:$0x1E000] =	vst v63  }
0x82: {  	_ =	swait.ge [sflag:s30], $0x3E80  }
0x83: {  	[sflag:s30] =	ssyncset.done $0x0  }
0x84: {  	s8 =	sor.u32 $0x280, s20;
	[sflag:s30] =	ssyncadd.s32 $0xFFFFC180  }
0x85: {  	[tilespmem:s25], [sflag:$0x2] =	stream.indirect.gather [hbm4b:s5+s24], $0x80, s8, s24, $0xb8;
	[tilespmem:$0x1E000] =	vst v63  }
0x86: {  	_ =	swait.ge [sflag:s26], $0x3E80  }
0x87: {  	[sflag:s26] =	ssyncset.done $0x0  }
0x88: {  	s4 =	sor.u32 $0x1200, s20;
	[sflag:s26] =	ssyncadd.s32 $0xFFFFC180  }
0x89: {  	[spmem:s2] =	stream.indirect.scatter.add.f32 [tilespmem:s21], [sflag:$0x3], $0x80, s4, s24, $0xb8;
	[tilespmem:$0x1E000] =	vst v63  }
0x8a: {  	_ =	swait.ge [sflag:s28], $0x3E80  }
0x8b: {  	[sflag:s28] =	ssyncset.done $0x0  }
0x8c: {  	s7 =	sor.u32 $0x1280, s20;
	[sflag:s28] =	ssyncadd.s32 $0xFFFFC180  }
0x8d: {  	[spmem:s2] =	stream.indirect.scatter.add.f32 [tilespmem:s25], [sflag:$0x4], $0x80, s7, s24, $0xb8;
	[tilespmem:$0x1E000] =	vst v63  }
0x8e: {  	_ =	swait.ge [sflag:s29], $0x3E80  }
0x8f: {  	[sflag:s29] =	ssyncset.done $0x0  }
0x90: {  	s8 =	sor.u32 $0x300, s20;
	[sflag:s29] =	ssyncadd.s32 $0xFFFFC180  }
0x91: {  	[tilespmem:s21], [sflag:$0x1] =	stream.indirect.gather [hbm4b:s5+s24], $0x80, s8, s24, $0xb8;
	[tilespmem:$0x1E000] =	vst v63  }
0x92: {  	_ =	swait.ge [sflag:s30], $0x3E80  }
0x93: {  	[sflag:s30] =	ssyncset.done $0x0  }
0x94: {  	s4 =	sor.u32 $0x380, s20;
	[sflag:s30] =	ssyncadd.s32 $0xFFFFC180  }
0x95: {  	[tilespmem:s25], [sflag:$0x2] =	stream.indirect.gather [hbm4b:s5+s24], $0x80, s4, s24, $0xb8;
	[tilespmem:$0x1E000] =	vst v63  }
0x96: {  	_ =	swait.ge [sflag:s26], $0x3E80  }
0x97: {  	[sflag:s26] =	ssyncset.done $0x0  }
0x98: {  	s7 =	sor.u32 $0x1300, s20;
	[sflag:s26] =	ssyncadd.s32 $0xFFFFC180  }
0x99: {  	[spmem:s2] =	stream.indirect.scatter.add.f32 [tilespmem:s21], [sflag:$0x3], $0x80, s7, s24, $0xb8;
	[tilespmem:$0x1E000] =	vst v63  }
0x9a: {  	_ =	swait.ge [sflag:s28], $0x3E80  }
0x9b: {  	[sflag:s28] =	ssyncset.done $0x0  }
0x9c: {  	s8 =	sor.u32 $0x1380, s20;
	[sflag:s28] =	ssyncadd.s32 $0xFFFFC180  }
0x9d: {  	[spmem:s2] =	stream.indirect.scatter.add.f32 [tilespmem:s25], [sflag:$0x4], $0x80, s8, s24, $0xb8;
	[tilespmem:$0x1E000] =	vst v63  }
0x9e: {  	_ =	swait.ge [sflag:s29], $0x3E80  }
0x9f: {  	[sflag:s29] =	ssyncset.done $0x0  }
0xa0: {  	s4 =	sor.u32 $0x400, s20;
	[sflag:s29] =	ssyncadd.s32 $0xFFFFC180  }
0xa1: {  	[tilespmem:s21], [sflag:$0x1] =	stream.indirect.gather [hbm4b:s5+s24], $0x80, s4, s24, $0xb8;
	[tilespmem:$0x1E000] =	vst v63  }
0xa2: {  	_ =	swait.ge [sflag:s30], $0x3E80  }
0xa3: {  	[sflag:s30] =	ssyncset.done $0x0  }
0xa4: {  	s7 =	sor.u32 $0x480, s20;
	[sflag:s30] =	ssyncadd.s32 $0xFFFFC180  }
0xa5: {  	[tilespmem:s25], [sflag:$0x2] =	stream.indirect.gather [hbm4b:s5+s24], $0x80, s7, s24, $0xb8;
	[tilespmem:$0x1E000] =	vst v63  }
0xa6: {  	_ =	swait.ge [sflag:s26], $0x3E80  }
0xa7: {  	[sflag:s26] =	ssyncset.done $0x0  }
0xa8: {  	s8 =	sor.u32 $0x1400, s20;
	[sflag:s26] =	ssyncadd.s32 $0xFFFFC180  }
0xa9: {  	[spmem:s2] =	stream.indirect.scatter.add.f32 [tilespmem:s21], [sflag:$0x3], $0x80, s8, s24, $0xb8;
	[tilespmem:$0x1E000] =	vst v63  }
0xaa: {  	_ =	swait.ge [sflag:s28], $0x3E80  }
0xab: {  	[sflag:s28] =	ssyncset.done $0x0  }
0xac: {  	s4 =	sor.u32 $0x1480, s20;
	[sflag:s28] =	ssyncadd.s32 $0xFFFFC180  }
0xad: {  	[spmem:s2] =	stream.indirect.scatter.add.f32 [tilespmem:s25], [sflag:$0x4], $0x80, s4, s24, $0xb8;
	[tilespmem:$0x1E000] =	vst v63  }
0xae: {  	_ =	swait.ge [sflag:s29], $0x3E80  }
0xaf: {  	[sflag:s29] =	ssyncset.done $0x0  }
0xb0: {  	s7 =	sor.u32 $0x500, s20;
	[sflag:s29] =	ssyncadd.s32 $0xFFFFC180  }
0xb1: {  	[tilespmem:s21], [sflag:$0x1] =	stream.indirect.gather [hbm4b:s5+s24], $0x80, s7, s24, $0xb8;
	[tilespmem:$0x1E000] =	vst v63  }
0xb2: {  	_ =	swait.ge [sflag:s30], $0x3E80  }
0xb3: {  	[sflag:s30] =	ssyncset.done $0x0  }
0xb4: {  	s8 =	sor.u32 $0x580, s20;
	[sflag:s30] =	ssyncadd.s32 $0xFFFFC180  }
0xb5: {  	[tilespmem:s25], [sflag:$0x2] =	stream.indirect.gather [hbm4b:s5+s24], $0x80, s8, s24, $0xb8;
	[tilespmem:$0x1E000] =	vst v63  }
0xb6: {  	_ =	swait.ge [sflag:s26], $0x3E80  }
0xb7: {  	[sflag:s26] =	ssyncset.done $0x0  }
0xb8: {  	s4 =	sor.u32 $0x1500, s20;
	[sflag:s26] =	ssyncadd.s32 $0xFFFFC180  }
0xb9: {  	[spmem:s2] =	stream.indirect.scatter.add.f32 [tilespmem:s21], [sflag:$0x3], $0x80, s4, s24, $0xb8;
	[tilespmem:$0x1E000] =	vst v63  }
0xba: {  	_ =	swait.ge [sflag:s28], $0x3E80  }
0xbb: {  	[sflag:s28] =	ssyncset.done $0x0  }
0xbc: {  	s7 =	sor.u32 $0x1580, s20;
	[sflag:s28] =	ssyncadd.s32 $0xFFFFC180  }
0xbd: {  	[spmem:s2] =	stream.indirect.scatter.add.f32 [tilespmem:s25], [sflag:$0x4], $0x80, s7, s24, $0xb8;
	[tilespmem:$0x1E000] =	vst v63  }
0xbe: {  	_ =	swait.ge [sflag:s29], $0x3E80  }
0xbf: {  	[sflag:s29] =	ssyncset.done $0x0  }
0xc0: {  	s8 =	sor.u32 $0x600, s20;
	[sflag:s29] =	ssyncadd.s32 $0xFFFFC180  }
0xc1: {  	[tilespmem:s21], [sflag:$0x1] =	stream.indirect.gather [hbm4b:s5+s24], $0x80, s8, s24, $0xb8;
	[tilespmem:$0x1E000] =	vst v63  }
0xc2: {  	_ =	swait.ge [sflag:s30], $0x3E80  }
0xc3: {  	[sflag:s30] =	ssyncset.done $0x0  }
0xc4: {  	s4 =	sor.u32 $0x680, s20;
	[sflag:s30] =	ssyncadd.s32 $0xFFFFC180  }
0xc5: {  	[tilespmem:s25], [sflag:$0x2] =	stream.indirect.gather [hbm4b:s5+s24], $0x80, s4, s24, $0xb8;
	[tilespmem:$0x1E000] =	vst v63  }
0xc6: {  	_ =	swait.ge [sflag:s26], $0x3E80  }
0xc7: {  	[sflag:s26] =	ssyncset.done $0x0  }
0xc8: {  	s7 =	sor.u32 $0x1600, s20;
	[sflag:s26] =	ssyncadd.s32 $0xFFFFC180  }
0xc9: {  	[spmem:s2] =	stream.indirect.scatter.add.f32 [tilespmem:s21], [sflag:$0x3], $0x80, s7, s24, $0xb8;
	[tilespmem:$0x1E000] =	vst v63  }
0xca: {  	_ =	swait.ge [sflag:s28], $0x3E80  }
0xcb: {  	[sflag:s28] =	ssyncset.done $0x0  }
0xcc: {  	s8 =	sor.u32 $0x1680, s20;
	[sflag:s28] =	ssyncadd.s32 $0xFFFFC180  }
0xcd: {  	[spmem:s2] =	stream.indirect.scatter.add.f32 [tilespmem:s25], [sflag:$0x4], $0x80, s8, s24, $0xb8;
	[tilespmem:$0x1E000] =	vst v63  }
0xce: {  	_ =	swait.ge [sflag:s29], $0x3E80  }
0xcf: {  	[sflag:s29] =	ssyncset.done $0x0  }
0xd0: {  	s4 =	sor.u32 $0x700, s20;
	[sflag:s29] =	ssyncadd.s32 $0xFFFFC180  }
0xd1: {  	[tilespmem:s21], [sflag:$0x1] =	stream.indirect.gather [hbm4b:s5+s24], $0x80, s4, s24, $0xb8;
	[tilespmem:$0x1E000] =	vst v63  }
0xd2: {  	_ =	swait.ge [sflag:s30], $0x3E80  }
0xd3: {  	[sflag:s30] =	ssyncset.done $0x0  }
0xd4: {  	s7 =	sor.u32 $0x780, s20;
	[sflag:s30] =	ssyncadd.s32 $0xFFFFC180  }
0xd5: {  	[tilespmem:s25], [sflag:$0x2] =	stream.indirect.gather [hbm4b:s5+s24], $0x80, s7, s24, $0xb8;
	[tilespmem:$0x1E000] =	vst v63  }
0xd6: {  	_ =	swait.ge [sflag:s26], $0x3E80  }
0xd7: {  	[sflag:s26] =	ssyncset.done $0x0  }
0xd8: {  	s8 =	sor.u32 $0x1700, s20;
	[sflag:s26] =	ssyncadd.s32 $0xFFFFC180  }
0xd9: {  	[spmem:s2] =	stream.indirect.scatter.add.f32 [tilespmem:s21], [sflag:$0x3], $0x80, s8, s24, $0xb8;
	[tilespmem:$0x1E000] =	vst v63  }
0xda: {  	_ =	swait.ge [sflag:s28], $0x3E80  }
0xdb: {  	s0 =	sadd.s32 @!p0 $0x800, s0;
	s3 =	simm.s32 @!p0 $0x5;
	[sflag:s28] =	ssyncset.done $0x0  }
0xdc: {  	p1 =	sne.s32 @!p0 s0, $0x2800;
	s20 =	sor.u32 $0x1780, s20;
	[sflag:s28] =	ssyncadd.s32 $0xFFFFC180  }
0xdd: {  	[spmem:s2] =	stream.indirect.scatter.add.f32 [tilespmem:s25], [sflag:$0x4], $0x80, s20, s24, $0xb8;
	[tilespmem:$0x1E000] =	vst v63  }
0xde: {  	p1 =	por p0, !p1;
	_ =	swait.ge @!p0 [sflag:s3], $0x800  }
.Ltmp4:
0xdf: {  	[sflag:s3] =	ssyncset.done @!p0 $0x0;
	(pc) =	sbr.rel @p1 .LBB2_8-.Ltmp4, $4  }
0xe0: {  	[sflag:s3] =	ssyncadd.s32 @!p0 $0xFFFFF800  }
0xe1: {  	_ =	swait.ge @!p0 [sflag:s3], $0x800  }
0xe2: {  	[sflag:s3] =	ssyncset.done @!p0 $0x0  }
0xe3: {  	[sflag:s3] =	ssyncadd.s32 @!p0 $0xFFFFF800  }
.LBB2_4:
0xe4: {  	p0 =	seq.s32 s0, $0x2000  }
0xe5: {  	p1 =	sne.s32 @!p0 s0, $0x0  }
0xe6: {  	s3 =	sadd.s32 @!p0 s0, s19;
	p1 =	por p0, p1  }
.Ltmp5:
0xe7: {  	s20 =	sand.u32 @!p0 $0x800, s0;
	s3 =	sshrl.u32 @!p0 s3, $0x3;
	(pc) =	sbr.rel @p1 .LBB2_6-.Ltmp5, $4  }
0xe8: {  	s8 =	simm.s32 @!p0 $0x0;
	s4 =	sxor.u32 @!p0 $0x800, s20;
	s7 =	sadd.s32 @!p0 s6, s3  }
0xe9: {  	[tilespmem:s4], [sflag:$0x5] =	stream.linear.gather @!p0 [hbm4b:s7+s8], $0x800, $0x38;
	[tilespmem:$0x1E000] =	vst v63  }
0xea: {  	s3 =	sadd.s32 @!p0 s1, s3;
	s4 =	sxor.u32 @!p0 $0x1800, s20  }
0xeb: {  	[tilespmem:s4], [sflag:$0x5] =	stream.linear.gather @!p0 [hbm4b:s3+s8], $0x800, $0x38;
	[tilespmem:$0x1E000] =	vst v63  }
.Ltmp6:
0xec: {  	(pc) =	sbr.rel .LBB2_7-.Ltmp6, $3  }
0xed: {  	_ =	sdelay $0x1  }
0xee: {  	s20 =	simm.s32 $0x0  }
0xef: {  	[tilespmem:s21], [sflag:$0x1] =	stream.indirect.gather [hbm4b:s5+s24], $0x80, s20, s24, $0xb8;
	[tilespmem:$0x1E000] =	vst v63  }
.LBB2_9:
0xf0: {  	_ =	sfence.sel $0x180000  }
0xf1: {  	[bflag:$0x0] =	sbarrier.arrive $0xFFFF  }
0xf2: {  	_ =	strace $0x9000004A  }
0xf3: {  	s0 =	stileid.u32;
	[bflag:$0x2] =	sbarrier.arrive $0xFFFF  }
0xf4: {  	p0 =	sne.s32 s0, $0x0;
	s0 =	rddreg [dreg:$0x3]  }
0xf5: {  	s0 =	sadd.s32 @!p0 $0x100000, s0  }
0xf6: {  	[sflag:s0] =	ssyncadd.tile.s32 @!p0 $0x1;
	_ =	shalt  }
.Lfunc_end2:
_tile_overlayer_lowered:
.L_overlay_start_2:
0xf7: {  	(tag) =	ssettag $0x2  }
0xf8: {  	s0 =	rddreg [dreg:$0x0];
	s2 =	stileid.u32  }
0xf9: {  	s1 =	rddreg [dreg:$0x1];
	p0 =	sne.s32 s2, $0x0  }
0xfa: {  	s3 =	rddreg [dreg:$0x2];
	[bflag:$0x3] =	sbarrier.arrive $0xFFFF;
	s2 =	simm.s32 @!p0 $0x1C06  }
0xfb: {  	[timem:s3], [sflag:s2] =	dma.local @!p0 [hbm:s0], s1  }
0xfc: {  	s0 =	simm.s32 @!p0 $0x6  }
0xfd: {  	_ =	swait.ge @!p0 [sflag:s0], s1  }
0xfe: {  	s1 =	ssub.s32 @!p0 $0x0, s1;
	[sflag:s0] =	ssyncset.done @!p0 $0x0  }
0xff: {  	[sflag:s0] =	ssyncadd.s32 @!p0 s1  }
0x100: {  	[bflag:$0x3] =	sbarrier.arrive $0xFFFF  }
0x101: {  	_ =	shalt  }

// kernel: kernel.16.cloned.1.call-start
scs
__scs_entry_jumppad:
0x0: {  	(pc) =	sbr.rel $0x88, $3  }
0x1: {  	(tag) =	ssettag $0x0;
	lr =	simm.s32 $0x1  }
0x2: {  	[smem:$0x3F97] =	sst lr;
	_ =	strace $0xD0000000  }
0x3: {  	_ = 	snop  }
0x4: {  	_ = 	snop  }
0x5: {  	_ = 	snop  }
0x6: {  	_ = 	snop  }
0x7: {  	_ = 	snop  }
__scs_overlays_trampoline_lowered:
0x8: {  	[smem:$0x3FA6] =	sst s0  }
0x9: {  	[smem:$0x3FA7] =	sst s1  }
0xa: {  	[smem:$0x3FA8] =	sst s2  }
0xb: {  	[smem:$0x3FA9] =	sst s3  }
0xc: {  	[smem:$0x3FAA] =	sst s4  }
0xd: {  	[smem:$0x3FAB] =	sst s5  }
0xe: {  	[smem:$0x3FAC] =	sst s6  }
0xf: {  	[smem:$0x3FAD] =	sst s7  }
0x10: {  	[smem:$0x3FAE] =	sst s8  }
0x11: {  	[smem:$0x3FAF] =	sst s9;
	s0 =	simm.s32 @!p0 $0x0  }
0x12: {  	s1 =	sld [smem:$0x3F95];
	s0 =	simm.s32 @p0 $0x1  }
0x13: {  	[smem:$0x3FB0] =	sst s0;
	s0 =	simm.s32 @!p1 $0x0  }
0x14: {  	s2 =	sld [smem:$0x3F94];
	s0 =	simm.s32 @p1 $0x1  }
0x15: {  	[smem:$0x3FB1] =	sst s0;
	s0 =	simm.s32 @!p2 $0x0  }
0x16: {  	s3 =	sld [smem:$0x3FDB];
	s0 =	simm.s32 @p2 $0x1  }
0x17: {  	s4 =	simm.s32 $0x1BF5;
	[smem:$0x3FB3] =	sst s0  }
0x18: {  	s0 =	sld [smem:$0x3F96];
	_ =	swait.ge [sflag:s4], $0x0  }
0x19: {  	s7 =	sld [smem:$0x3F97]  }
0x1a: {  	s8 =	sadd.s32 $0xFFFFE003, lr  }
0x1b: {  	s9 =	sadd.s32 $0xFFFFFEF7, lr;
	s5 =	simm.s32 $0xFFFFFFFF;
	p2 =	slt.u32 s8, $0xFFFFF086  }
0x1c: {  	p1 =	slt.u32 s9, $0xF7A;
	s5 =	simm.s32 @!p2 $0x0  }
0x1d: {  	s5 =	simm.s32 @p1 $0x1;
	p0 =	seq.s32 s7, s2  }
0x1e: {  	s7 =	smul.u32 @!p0 $0xF7A, s2;
	p2 =	seq.s32 @!p0 s5, $0x0  }
0x1f: {  	s9 =	smul.u32 $0xF7A, s1;
	s8 =	simm.s32 @!p0 $0x1BF5;
	p2 =	por !p2, p0  }
0x20: {  	[sflag:s8] =	ssyncset.s32 @!p0 $0xFFFFF086;
	s6 =	sadd.s32 @!p0 s3, s7;
	s7 =	simm.s32 @!p0 $0x108  }
0x21: {  	s3 =	sadd.s32 s3, s9;
	s6 =	sadd.s32 @!p0 $0x88, s6;
	s7 =	simm.s32 @p2 $0x1082  }
0x22: {  	[simem:s7], [sflag:s8] =	dma.local @!p0 [hbm:s6], $0xF7A  }
0x23: {  	s9 =	sor.u32 $0xD0000000, s2;
	s6 =	simm.s32 $0x108;
	_ =	swait.ge @!p0 [sflag:s8], $0x0  }
0x24: {  	s3 =	sadd.s32 $0x88, s3;
	s6 =	simm.s32 @!p1 $0x1082;
	[sflag:s4] =	ssyncset.s32 $0xFFFFF086  }
0x25: {  	[simem:s6], [sflag:s4] =	dma.local [hbm:s3], $0xF7A  }
0x26: {  	[smem:$0x3F97] =	sst s1;
	(tag) =	ssettag s2;
	_ =	strace s9  }
0x27: {  	s1 =	sld [smem:$0x3FA7]  }
0x28: {  	s2 =	sld [smem:$0x3FA8]  }
0x29: {  	s4 =	sld [smem:$0x3FAA]  }
0x2a: {  	p0 =	seq.s32 s5, $0x0;
	s5 =	sld [smem:$0x3FAB]  }
0x2b: {  	s6 =	sld [smem:$0x3FAC]  }
0x2c: {  	s7 =	sld [smem:$0x3FAD]  }
0x2d: {  	s3 =	simm.s32 $0x108;
	s8 =	sld [smem:$0x3FAE]  }
0x2e: {  	s3 =	simm.s32 @!p0 $0x1082;
	s9 =	sld [smem:$0x3FAF]  }
0x2f: {  	lr =	sadd.s32 s0, s3;
	s0 =	sld [smem:$0x3FA6]  }
0x30: {  	s3 =	sld [smem:$0x3FA9]  }
0x31: {  	[smem:$0x3FB2] =	sst s10  }
0x32: {  	s10 =	sld [smem:$0x3FB0];
	_ =	sdelay $0x3  }
0x33: {  	p0 =	seq.s32 s10, $0x1;
	s10 =	sld [smem:$0x3FB2];
	_ =	sdelay $0x3  }
0x34: {  	[smem:$0x3FB2] =	sst s10  }
0x35: {  	s10 =	sld [smem:$0x3FB1];
	_ =	sdelay $0x3  }
0x36: {  	p1 =	seq.s32 s10, $0x1;
	s10 =	sld [smem:$0x3FB2];
	_ =	sdelay $0x3  }
0x37: {  	[smem:$0x3FB2] =	sst s10  }
0x38: {  	s10 =	sld [smem:$0x3FB3]  }
0x39: {  	_ = 	snop;
	(pc) =	sbr.ind lr, $3  }
0x3a: {  	_ = 	snop  }
0x3b: {  	_ = 	snop  }
0x3c: {  	p2 =	seq.s32 s10, $0x1;
	s10 =	sld [smem:$0x3FB2]  }
0x3d: {  	_ =	shalt  }
0x3e: {  	_ =	shalt  }
0x3f: {  	_ =	shalt  }
0x40: {  	_ =	shalt  }
0x41: {  	_ =	shalt  }
0x42: {  	_ =	shalt  }
0x43: {  	_ =	shalt  }
0x44: {  	_ =	shalt  }
0x45: {  	_ =	shalt  }
0x46: {  	_ =	shalt  }
0x47: {  	_ =	shalt  }
0x48: {  	_ =	shalt  }
0x49: {  	_ =	shalt  }
0x4a: {  	_ =	shalt  }
0x4b: {  	_ =	shalt  }
0x4c: {  	_ =	shalt  }
0x4d: {  	_ =	shalt  }
0x4e: {  	_ =	shalt  }
0x4f: {  	_ =	shalt  }
0x50: {  	_ =	shalt  }
0x51: {  	_ =	shalt  }
0x52: {  	_ =	shalt  }
0x53: {  	_ =	shalt  }
0x54: {  	_ =	shalt  }
0x55: {  	_ =	shalt  }
0x56: {  	_ =	shalt  }
0x57: {  	_ =	shalt  }
0x58: {  	_ =	shalt  }
0x59: {  	_ =	shalt  }
0x5a: {  	_ =	shalt  }
0x5b: {  	_ =	shalt  }
0x5c: {  	_ =	shalt  }
0x5d: {  	_ =	shalt  }
0x5e: {  	_ =	shalt  }
0x5f: {  	_ =	shalt  }
0x60: {  	_ =	shalt  }
0x61: {  	_ =	shalt  }
0x62: {  	_ =	shalt  }
0x63: {  	_ =	shalt  }
0x64: {  	_ =	shalt  }
0x65: {  	_ =	shalt  }
0x66: {  	_ =	shalt  }
0x67: {  	_ =	shalt  }
0x68: {  	_ =	shalt  }
0x69: {  	_ =	shalt  }
0x6a: {  	_ =	shalt  }
0x6b: {  	_ =	shalt  }
0x6c: {  	_ =	shalt  }
0x6d: {  	_ =	shalt  }
0x6e: {  	_ =	shalt  }
0x6f: {  	_ =	shalt  }
0x70: {  	_ =	shalt  }
0x71: {  	_ =	shalt  }
0x72: {  	_ =	shalt  }
0x73: {  	_ =	shalt  }
0x74: {  	_ =	shalt  }
0x75: {  	_ =	shalt  }
0x76: {  	_ =	shalt  }
0x77: {  	_ =	shalt  }
0x78: {  	_ =	shalt  }
0x79: {  	_ =	shalt  }
0x7a: {  	_ =	shalt  }
0x7b: {  	_ =	shalt  }
0x7c: {  	_ =	shalt  }
0x7d: {  	_ =	shalt  }
0x7e: {  	_ =	shalt  }
0x7f: {  	_ =	shalt  }
0x80: {  	_ =	shalt  }
0x81: {  	_ =	shalt  }
0x82: {  	_ =	shalt  }
0x83: {  	_ =	shalt  }
0x84: {  	_ =	shalt  }
0x85: {  	_ =	shalt  }
0x86: {  	_ =	shalt  }
0x87: {  	_ =	shalt  }
.Lfunc_end0:
.L_simem_size_0:
called_computation.2_lowered:
.L_overlay_start_0:
0x88: {  	s2 =	sld [smem:$0x3FD9]  }
0x89: {  	s3 =	sld [smem:$0x3FFE];
	_ =	sdelay $0x1  }
0x8a: {  	s1 =	srdreg.scid  }
0x8b: {  	s0 =	sand.u32 $0x1, s1  }
0x8c: {  	s17 =	sshll.u32 s0, $0xA;
	s2 =	sadd.s32 s3, s2  }
0x8d: {  	s2 =	sadd.s32 s2, s17  }
0x8e: {  	[smem:$0x3FBE] =	sst s2  }
0x8f: {  	_ = 	snop  }
0x90: {  	s2 =	sld [smem:$0x3FD0];
	(tm) =	ssettm $0x1  }
0x91: {  	s18 =	sld [smem:$0x3FFB];
	_ =	sdelay $0x3  }
0x92: {  	_ =	strace s18  }
0x93: {  	s3 =	sld [smem:$0x3FFC];
	_ =	sdelay $0x3  }
0x94: {  	_ =	strace s3  }
0x95: {  	s3 =	sld [smem:$0x3FFD];
	_ =	sdelay $0x3  }
0x96: {  	_ =	strace s3  }
0x97: {  	_ =	strace $0x8FFFFFFF  }
0x98: {  	s19 =	sld [smem:$0x3FDB];
	_ =	sdelay $0x1  }
0x99: {  	s4 =	simm.s32 $_scs_section_size  }
0x9a: {  	s5 =	simm.s32 $_size__tile_overlayer_lowered;
	s6 =	simm.s32 $_tile_overlayer_lowered  }
0x9b: {  	s22 =	simm.s32 $0x1BFF;
	s21 =	sshll.u32 s6, $0x1;
	s3 =	sadd.s32 s4, s19  }
0x9c: {  	s7 =	simm.s32 $0x0;
	s20 =	sshll.u32 s5, $0x1;
	s5 =	sadd.s32 s21, s3  }
0x9d: {  	[timem:s7], [sflag:s22] =	dma.local [hbm:s5], s20  }
0x9e: {  	_ =	swait.ge [sflag:s22], s20  }
0x9f: {  	s4 =	ssub.s32 $0x0, s20;
	[sflag:s22] =	ssyncset.done $0x0  }
0xa0: {  	[sflag:s22] =	ssyncadd.s32 s4;
	_ =	sdelay $0x1  }
0xa1: {  	s23 =	simm.s32 $0x1B8B  }
0xa2: {  	_ =	swait.ge [sflag:s23], $0x1  }
0xa3: {  	[sflag:s23] =	ssyncset.done $0x0  }
0xa4: {  	s25 =	simm.s32 $0x1B8E;
	s24 =	sld [smem:$0x3FFE];
	[sflag:s23] =	ssyncadd.s32 $0xFFFFFFFF  }
0xa5: {  	s26 =	simm.s32 $execute0_lowered;
	[smem:$0x3FD2] =	sst s25  }
0xa6: {  	s5 =	sshll.u32 s26, $0x1;
	_ =	strace $0x8000004C;
	[dreg:$0x1] =	wrdreg $0xFFFFFFFF  }
0xa7: {  	s28 =	simm.s32 $_size_execute0_lowered;
	s3 =	sadd.s32 s3, s5;
	[dreg:$0x0] =	wrdreg $0x0  }
0xa8: {  	s5 =	sshll.u32 s28, $0x1;
	[dreg:$0x2] =	wrdreg s3  }
0xa9: {  	[dreg:$0x3] =	wrdreg s5  }
0xaa: {  	[dreg:$0x4] =	wrdreg $0xC0  }
0xab: {  	_ =	task [dreg:s7], $0x5FFFF  }
0xac: {  	[dreg:$0x1] =	wrdreg $0xFFFFFFFF  }
0xad: {  	[dreg:$0x0] =	wrdreg $0x60  }
0xae: {  	[dreg:$0x2] =	wrdreg s24  }
0xaf: {  	[dreg:$0x3] =	wrdreg s2  }
0xb0: {  	[dreg:$0x4] =	wrdreg $0xA0000  }
0xb1: {  	[dreg:$0x5] =	wrdreg $0x9  }
0xb2: {  	_ =	task.clear_ibuf [dreg:s7], $0x6FFFF;
	_ =	strace $0x9000004C  }
0xb3: {  	s29 =	simm.s32 $0x9;
	_ =	strace $0x8000004E  }
0xb4: {  	_ =	swait.ge [sflag:s29], $0x1  }
0xb5: {  	[sflag:s29] =	ssyncadd.s32 $0xFFFFFFFF  }
0xb6: {  	_ =	strace $0x9000004E  }
0xb7: {  	_ =	sfence  }
0xb8: {  	s30 =	sld [smem:$0x0];
	_ =	sdelay $0x2  }
0xb9: {  	s31 =	sshll.u32 s1, $0xD;
	s1 =	sshrl.u32 s1, $0x2  }
0xba: {  	s3 =	sand.u32 $0x4000, s31;
	s1 =	sadd.s32 s1, s30  }
0xbb: {  	s0 =	sor.u32 s3, s0;
	s1 =	sshll.u32 s1, $0x11  }
0xbc: {  	s0 =	sor.u32 s1, s0  }
0xbd: {  	s0 =	sadd.s32 $0x8F2B, s0  }
0xbe: {  	[sflag:s0] =	ssyncadd.remote.s32 $0x1  }
0xbf: {  	_ =	sfence.sel $0xFFFF  }
0xc0: {  	[dreg:$0x0] =	wrdreg $0xFFFFFFFF;
	(pc) =	sbr.abs _section_cstart, $3  }
0xc1: {  	[dreg:$0x1] =	wrdreg $0xFFFFFFFF  }
0xc2: {  	_ =	task.clear_ibuf [dreg:s7], $0x2FFFF;
	_ =	strace $0x9FFFFFFF  }
0xc3: {  	(tm) =	ssettm $0x7FFFFFFF  }
tec
execute0_lowered:
.L_overlay_start_1:
0x0: {  	(tag) =	ssettag $0x1  }
0x1: {  	s0 =	rddreg [dreg:$0x0]  }
0x2: {  	s1 =	rddreg [dreg:$0x1]  }
0x3: {  	s2 =	rddreg [dreg:$0x2]  }
0x4: {  	s3 =	srdreg.scid;
	s4 =	simm.s32 $0x0;
	s22 =	stileid.u32  }
0x5: {  	s21 =	simm.s32 $0x2000;
	s28 =	simm.s32 $0x2;
	s7 =	smul.u32 $0x14000, s22  }
0x6: {  	s29 =	simm.s32 $0x3;
	s30 =	simm.s32 $0x4;
	s11 =	smul.u32 $0x50000, s22  }
0x7: {  	s31 =	simm.s32 $0x0;
	s12 =	sand.u32 $0x1, s3;
	s19 =	smul.u32 $0x2800, s22  }
0x8: {  	[smem:$0x7FF] =	sst s4;
	s6 =	smul.u32 $0x140000, s12;
	s5 =	sshll.u32 s12, $0x4  }
0x9: {  	_ =	strace $0x8000004D;
	s9 =	ssub.s32 $0x2, s12;
	s26 =	smul.u32 $0x28000, s12  }
0xa: {  	s8 =	sor.u32 s22, s5;
	s5 =	sadd.s32 $0x3400, s0;
	s10 =	sshrl.u32 s9, $0x1  }
0xb: {  	s25 =	sshrl.u32 s11, $0x2;
	s22 =	simm.s32 $0x6;
	s7 =	sadd.s32 s7, s6  }
0xc: {  	s8 =	smul.u32 $0x2800, s8;
	s6 =	sadd.s32 $0x53400, s0;
	s13 =	ssub.s32 s9, s10  }
0xd: {  	s10 =	sadd.s32 s25, s2;
	s25 =	simm.s32 $0x6000;
	s7 =	sshrl.u32 s7, $0x3  }
0xe: {  	s11 =	smax.u32 s13, $0x1;
	s12 =	sadd.s32 $0x2800, s10;
	s13 =	sadd.s32 $0x5000, s10  }
0xf: {  	s14 =	sadd.s32 $0x7800, s10;
	s15 =	sadd.s32 $0xA000, s10;
	s16 =	sadd.s32 $0xC800, s10  }
.Ltmp0:
0x10: {  	s17 =	sadd.s32 $0xF000, s10;
	s8 =	sshrl.u32 s8, $0x3;
	(pc) =	sbr.rel .LBB2_1-.Ltmp0, $4  }
0x11: {  	s18 =	sadd.s32 $0x11800, s10;
	s0 =	sadd.s32 s7, s0;
	s23 =	sadd.s32 s6, s8  }
0x12: {  	s24 =	sadd.s32 s1, s8;
	s9 =	sadd.s32 $0x5D400, s0;
	[dreg:$0x4] =	wrdreg s23  }
0x13: {  	s0 =	sadd.s32 s19, s26;
	s26 =	simm.s32 $0x1;
	[dreg:$0x5] =	wrdreg s24  }
0x14: {  	v0 =	vimm.f32 $0.0e+00;
	s19 =	sadd.s32 $0x800, s0;
	s23 =	simm.s32 $0x5;
	s24 =	simm.s32 $0x7D  }
.LBB2_8:
0x15: {  	_ =	swait.ge [sflag:s29], $0x3E80  }
0x16: {  	[sflag:s29] =	ssyncset.done $0x0  }
0x17: {  	[sflag:s29] =	ssyncadd.s32 $0xFFFFC180  }
0x18: {  	s0 =	stileid.u32;
	_ =	swait.ge [sflag:s30], $0x3E80  }
0x19: {  	s3 =	sshrl.u32 s10, $0x3;
	s31 =	sadd.s32 $0x1, s31;
	[sflag:s30] =	ssyncset.done $0x0  }
0x1a: {  	s0 =	sshll.u32 s0, $0x6;
	p0 =	sne.s32 s31, s11;
	[sflag:s30] =	ssyncadd.s32 $0xFFFFC180  }
.Ltmp1:
0x1b: {  	s0 =	sor.u32 $0x1C06, s0;
	[bflag:$0x0] =	sbarrier.arrive $0xFFFF;
	(pc) =	sbr.rel @!p0 .LBB2_9-.Ltmp1, $4  }
0x1c: {  	[hbm:s9], [sflag:s0] =	dma.local [spmem:s3], $0x2800  }
0x1d: {  	_ =	swait.ge [sflag:s22], $0x2800  }
0x1e: {  	[sflag:s22] =	ssyncset.done $0x0  }
0x1f: {  	[sflag:s22] =	ssyncadd.s32 $0xFFFFD800  }
.LBB2_1:
0x20: {  	s0 =	simm.s32 $0x0;
	s3 =	rddreg [dreg:$0x4]  }
0x21: {  	[tilespmem:s0], [sflag:$0x5] =	stream.linear.gather [hbm4b:s3+s0], $0x800, $0x38;
	[tilespmem:$0x1E000] =	vst v63  }
0x22: {  	s20 =	rddreg [dreg:$0x5];
	s4 =	simm.s32 $0x1000  }
0x23: {  	[tilespmem:s4], [sflag:$0x5] =	stream.linear.gather [hbm4b:s20+s0], $0x800, $0x38;
	[tilespmem:$0x1E000] =	vst v63  }
0x24: {  	s0 =	simm.s32 $0x0;
	s20 =	simm.s32 $0x200  }
.LBB2_2:
0x25: {  	p0 =	sne.s32 s20, $0x9E00;
	[tilespmem:s0+$0x2070] =	vst v0  }
0x26: {  	[tilespmem:s0+$0x2000] =	vst v0  }
0x27: {  	[tilespmem:s0+$0x2010] =	vst v0  }
.Ltmp2:
0x28: {  	[tilespmem:s0+$0x2020] =	vst v0;
	(pc) =	sbr.rel @p0 .LBB2_2-.Ltmp2, $4  }
0x29: {  	[tilespmem:s0+$0x2030] =	vst v0  }
0x2a: {  	[tilespmem:s0+$0x2040] =	vst v0  }
0x2b: {  	[tilespmem:s0+$0x2050] =	vst v0  }
0x2c: {  	[tilespmem:s0+$0x2060] =	vst v0;
	s0 =	sshra.s32 s20, $0x2;
	s20 =	sadd.s32 $0x200, s20  }
0x2d: {  	[tilespmem:s0+$0x2070] =	vst v0  }
0x2e: {  	[tilespmem:s0+$0x2000] =	vst v0  }
0x2f: {  	[tilespmem:s0+$0x2010] =	vst v0  }
0x30: {  	[tilespmem:s0+$0x2020] =	vst v0  }
0x31: {  	[tilespmem:s0+$0x2030] =	vst v0  }
0x32: {  	[tilespmem:s0+$0x2040] =	vst v0  }
0x33: {  	[tilespmem:s0+$0x2050] =	vst v0  }
0x34: {  	[tilespmem:s0+$0x2060] =	vst v0  }
0x35: {  	[spmem:s10] =	stream.linear.scatter [tilespmem:s21], [sflag:$0x6], $0x2800, $0x38;
	[tilespmem:$0x1E000] =	vst v63  }
0x36: {  	_ =	swait.ge [sflag:s22], $0x2800  }
0x37: {  	[sflag:s22] =	ssyncset.done $0x0  }
0x38: {  	[sflag:s22] =	ssyncadd.s32 $0xFFFFD800  }
0x39: {  	[spmem:s12] =	stream.linear.scatter [tilespmem:s21], [sflag:$0x6], $0x2800, $0x38;
	[tilespmem:$0x1E000] =	vst v63  }
0x3a: {  	_ =	swait.ge [sflag:s22], $0x2800  }
0x3b: {  	[sflag:s22] =	ssyncset.done $0x0  }
0x3c: {  	[sflag:s22] =	ssyncadd.s32 $0xFFFFD800  }
0x3d: {  	[spmem:s13] =	stream.linear.scatter [tilespmem:s21], [sflag:$0x6], $0x2800, $0x38;
	[tilespmem:$0x1E000] =	vst v63  }
0x3e: {  	_ =	swait.ge [sflag:s22], $0x2800  }
0x3f: {  	[sflag:s22] =	ssyncset.done $0x0  }
0x40: {  	[sflag:s22] =	ssyncadd.s32 $0xFFFFD800  }
0x41: {  	[spmem:s14] =	stream.linear.scatter [tilespmem:s21], [sflag:$0x6], $0x2800, $0x38;
	[tilespmem:$0x1E000] =	vst v63  }
0x42: {  	_ =	swait.ge [sflag:s22], $0x2800  }
0x43: {  	[sflag:s22] =	ssyncset.done $0x0  }
0x44: {  	[sflag:s22] =	ssyncadd.s32 $0xFFFFD800  }
0x45: {  	[spmem:s15] =	stream.linear.scatter [tilespmem:s21], [sflag:$0x6], $0x2800, $0x38;
	[tilespmem:$0x1E000] =	vst v63  }
0x46: {  	_ =	swait.ge [sflag:s22], $0x2800  }
0x47: {  	[sflag:s22] =	ssyncset.done $0x0  }
0x48: {  	[sflag:s22] =	ssyncadd.s32 $0xFFFFD800  }
0x49: {  	[spmem:s16] =	stream.linear.scatter [tilespmem:s21], [sflag:$0x6], $0x2800, $0x38;
	[tilespmem:$0x1E000] =	vst v63  }
0x4a: {  	_ =	swait.ge [sflag:s22], $0x2800  }
0x4b: {  	[sflag:s22] =	ssyncset.done $0x0  }
0x4c: {  	[sflag:s22] =	ssyncadd.s32 $0xFFFFD800  }
0x4d: {  	[spmem:s17] =	stream.linear.scatter [tilespmem:s21], [sflag:$0x6], $0x2800, $0x38;
	[tilespmem:$0x1E000] =	vst v63  }
0x4e: {  	_ =	swait.ge [sflag:s22], $0x2800  }
0x4f: {  	[sflag:s22] =	ssyncset.done $0x0  }
0x50: {  	[sflag:s22] =	ssyncadd.s32 $0xFFFFD800  }
0x51: {  	[spmem:s18] =	stream.linear.scatter [tilespmem:s21], [sflag:$0x6], $0x2800, $0x38;
	[tilespmem:$0x1E000] =	vst v63  }
0x52: {  	_ =	swait.ge [sflag:s22], $0x2800  }
0x53: {  	[sflag:s22] =	ssyncset.done $0x0  }
0x54: {  	[sflag:s22] =	ssyncadd.s32 $0xFFFFD800  }
0x55: {  	_ =	swait.ge [sflag:s23], $0x800  }
0x56: {  	[sflag:s23] =	ssyncset.done $0x0  }
0x57: {  	[sflag:s23] =	ssyncadd.s32 $0xFFFFF800  }
.Ltmp3:
0x58: {  	_ =	swait.ge [sflag:s23], $0x800;
	(pc) =	sbr.rel .LBB2_4-.Ltmp3, $4  }
0x59: {  	[sflag:s23] =	ssyncset.done $0x0  }
0x5a: {  	[sflag:s23] =	ssyncadd.s32 $0xFFFFF800  }
0x5b: {  	[bflag:$0x0] =	sbarrier.arrive $0xFFFF  }
0x5c: {  	s0 =	simm.s32 $0x0  }
.LBB2_6:
0x5d: {  	_ =	swait.ge [sflag:s29], $0x3E80  }
0x5e: {  	[sflag:s29] =	ssyncset.done $0x0  }
0x5f: {  	s20 =	simm.s32 @p0 $0x0;
	[sflag:s29] =	ssyncadd.s32 $0xFFFFC180  }
0x60: {  	[tilespmem:s21], [sflag:$0x1] =	stream.indirect.gather [hbm4b:s5+s24], $0x80, s20, s24, $0xb8;
	[tilespmem:$0x1E000] =	vst v63  }
0x61: {  	_ =	swait.ge [sflag:s30], $0x3E80  }
0x62: {  	[sflag:s30] =	ssyncset.done $0x0  }
0x63: {  	[sflag:s30] =	ssyncadd.s32 $0xFFFFC180  }
.LBB2_7:
0x64: {  	s3 =	sor.u32 $0x80, s20  }
0x65: {  	[tilespmem:s25], [sflag:$0x2] =	stream.indirect.gather [hbm4b:s5+s24], $0x80, s3, s24, $0xb8;
	[tilespmem:$0x1E000] =	vst v63  }
0x66: {  	_ =	swait.ge [sflag:s26], $0x3E80  }
0x67: {  	[sflag:s26] =	ssyncset.done $0x0  }
0x68: {  	s7 =	sor.u32 $0x1000, s20;
	[sflag:s26] =	ssyncadd.s32 $0xFFFFC180  }
0x69: {  	[spmem:s2] =	stream.indirect.scatter.add.f32 [tilespmem:s21], [sflag:$0x3], $0x80, s7, s24, $0xb8;
	[tilespmem:$0x1E000] =	vst v63  }
0x6a: {  	_ =	swait.ge [sflag:s28], $0x3E80  }
0x6b: {  	[sflag:s28] =	ssyncset.done $0x0  }
0x6c: {  	s8 =	sor.u32 $0x1080, s20;
	[sflag:s28] =	ssyncadd.s32 $0xFFFFC180  }
0x6d: {  	[spmem:s2] =	stream.indirect.scatter.add.f32 [tilespmem:s25], [sflag:$0x4], $0x80, s8, s24, $0xb8;
	[tilespmem:$0x1E000] =	vst v63  }
0x6e: {  	_ =	swait.ge [sflag:s29], $0x3E80  }
0x6f: {  	[sflag:s29] =	ssyncset.done $0x0  }
0x70: {  	s4 =	sor.u32 $0x100, s20;
	[sflag:s29] =	ssyncadd.s32 $0xFFFFC180  }
0x71: {  	[tilespmem:s21], [sflag:$0x1] =	stream.indirect.gather [hbm4b:s5+s24], $0x80, s4, s24, $0xb8;
	[tilespmem:$0x1E000] =	vst v63  }
0x72: {  	_ =	swait.ge [sflag:s30], $0x3E80  }
0x73: {  	[sflag:s30] =	ssyncset.done $0x0  }
0x74: {  	s7 =	sor.u32 $0x180, s20;
	[sflag:s30] =	ssyncadd.s32 $0xFFFFC180  }
0x75: {  	[tilespmem:s25], [sflag:$0x2] =	stream.indirect.gather [hbm4b:s5+s24], $0x80, s7, s24, $0xb8;
	[tilespmem:$0x1E000] =	vst v63  }
0x76: {  	_ =	swait.ge [sflag:s26], $0x3E80  }
0x77: {  	[sflag:s26] =	ssyncset.done $0x0  }
0x78: {  	s8 =	sor.u32 $0x1100, s20;
	[sflag:s26] =	ssyncadd.s32 $0xFFFFC180  }
0x79: {  	[spmem:s2] =	stream.indirect.scatter.add.f32 [tilespmem:s21], [sflag:$0x3], $0x80, s8, s24, $0xb8;
	[tilespmem:$0x1E000] =	vst v63  }
0x7a: {  	_ =	swait.ge [sflag:s28], $0x3E80  }
0x7b: {  	[sflag:s28] =	ssyncset.done $0x0  }
0x7c: {  	s4 =	sor.u32 $0x1180, s20;
	[sflag:s28] =	ssyncadd.s32 $0xFFFFC180  }
0x7d: {  	[spmem:s2] =	stream.indirect.scatter.add.f32 [tilespmem:s25], [sflag:$0x4], $0x80, s4, s24, $0xb8;
	[tilespmem:$0x1E000] =	vst v63  }
0x7e: {  	_ =	swait.ge [sflag:s29], $0x3E80  }
0x7f: {  	[sflag:s29] =	ssyncset.done $0x0  }
0x80: {  	s7 =	sor.u32 $0x200, s20;
	[sflag:s29] =	ssyncadd.s32 $0xFFFFC180  }
0x81: {  	[tilespmem:s21], [sflag:$0x1] =	stream.indirect.gather [hbm4b:s5+s24], $0x80, s7, s24, $0xb8;
	[tilespmem:$0x1E000] =	vst v63  }
0x82: {  	_ =	swait.ge [sflag:s30], $0x3E80  }
0x83: {  	[sflag:s30] =	ssyncset.done $0x0  }
0x84: {  	s8 =	sor.u32 $0x280, s20;
	[sflag:s30] =	ssyncadd.s32 $0xFFFFC180  }
0x85: {  	[tilespmem:s25], [sflag:$0x2] =	stream.indirect.gather [hbm4b:s5+s24], $0x80, s8, s24, $0xb8;
	[tilespmem:$0x1E000] =	vst v63  }
0x86: {  	_ =	swait.ge [sflag:s26], $0x3E80  }
0x87: {  	[sflag:s26] =	ssyncset.done $0x0  }
0x88: {  	s4 =	sor.u32 $0x1200, s20;
	[sflag:s26] =	ssyncadd.s32 $0xFFFFC180  }
0x89: {  	[spmem:s2] =	stream.indirect.scatter.add.f32 [tilespmem:s21], [sflag:$0x3], $0x80, s4, s24, $0xb8;
	[tilespmem:$0x1E000] =	vst v63  }
0x8a: {  	_ =	swait.ge [sflag:s28], $0x3E80  }
0x8b: {  	[sflag:s28] =	ssyncset.done $0x0  }
0x8c: {  	s7 =	sor.u32 $0x1280, s20;
	[sflag:s28] =	ssyncadd.s32 $0xFFFFC180  }
0x8d: {  	[spmem:s2] =	stream.indirect.scatter.add.f32 [tilespmem:s25], [sflag:$0x4], $0x80, s7, s24, $0xb8;
	[tilespmem:$0x1E000] =	vst v63  }
0x8e: {  	_ =	swait.ge [sflag:s29], $0x3E80  }
0x8f: {  	[sflag:s29] =	ssyncset.done $0x0  }
0x90: {  	s8 =	sor.u32 $0x300, s20;
	[sflag:s29] =	ssyncadd.s32 $0xFFFFC180  }
0x91: {  	[tilespmem:s21], [sflag:$0x1] =	stream.indirect.gather [hbm4b:s5+s24], $0x80, s8, s24, $0xb8;
	[tilespmem:$0x1E000] =	vst v63  }
0x92: {  	_ =	swait.ge [sflag:s30], $0x3E80  }
0x93: {  	[sflag:s30] =	ssyncset.done $0x0  }
0x94: {  	s4 =	sor.u32 $0x380, s20;
	[sflag:s30] =	ssyncadd.s32 $0xFFFFC180  }
0x95: {  	[tilespmem:s25], [sflag:$0x2] =	stream.indirect.gather [hbm4b:s5+s24], $0x80, s4, s24, $0xb8;
	[tilespmem:$0x1E000] =	vst v63  }
0x96: {  	_ =	swait.ge [sflag:s26], $0x3E80  }
0x97: {  	[sflag:s26] =	ssyncset.done $0x0  }
0x98: {  	s7 =	sor.u32 $0x1300, s20;
	[sflag:s26] =	ssyncadd.s32 $0xFFFFC180  }
0x99: {  	[spmem:s2] =	stream.indirect.scatter.add.f32 [tilespmem:s21], [sflag:$0x3], $0x80, s7, s24, $0xb8;
	[tilespmem:$0x1E000] =	vst v63  }
0x9a: {  	_ =	swait.ge [sflag:s28], $0x3E80  }
0x9b: {  	[sflag:s28] =	ssyncset.done $0x0  }
0x9c: {  	s8 =	sor.u32 $0x1380, s20;
	[sflag:s28] =	ssyncadd.s32 $0xFFFFC180  }
0x9d: {  	[spmem:s2] =	stream.indirect.scatter.add.f32 [tilespmem:s25], [sflag:$0x4], $0x80, s8, s24, $0xb8;
	[tilespmem:$0x1E000] =	vst v63  }
0x9e: {  	_ =	swait.ge [sflag:s29], $0x3E80  }
0x9f: {  	[sflag:s29] =	ssyncset.done $0x0  }
0xa0: {  	s4 =	sor.u32 $0x400, s20;
	[sflag:s29] =	ssyncadd.s32 $0xFFFFC180  }
0xa1: {  	[tilespmem:s21], [sflag:$0x1] =	stream.indirect.gather [hbm4b:s5+s24], $0x80, s4, s24, $0xb8;
	[tilespmem:$0x1E000] =	vst v63  }
0xa2: {  	_ =	swait.ge [sflag:s30], $0x3E80  }
0xa3: {  	[sflag:s30] =	ssyncset.done $0x0  }
0xa4: {  	s7 =	sor.u32 $0x480, s20;
	[sflag:s30] =	ssyncadd.s32 $0xFFFFC180  }
0xa5: {  	[tilespmem:s25], [sflag:$0x2] =	stream.indirect.gather [hbm4b:s5+s24], $0x80, s7, s24, $0xb8;
	[tilespmem:$0x1E000] =	vst v63  }
0xa6: {  	_ =	swait.ge [sflag:s26], $0x3E80  }
0xa7: {  	[sflag:s26] =	ssyncset.done $0x0  }
0xa8: {  	s8 =	sor.u32 $0x1400, s20;
	[sflag:s26] =	ssyncadd.s32 $0xFFFFC180  }
0xa9: {  	[spmem:s2] =	stream.indirect.scatter.add.f32 [tilespmem:s21], [sflag:$0x3], $0x80, s8, s24, $0xb8;
	[tilespmem:$0x1E000] =	vst v63  }
0xaa: {  	_ =	swait.ge [sflag:s28], $0x3E80  }
0xab: {  	[sflag:s28] =	ssyncset.done $0x0  }
0xac: {  	s4 =	sor.u32 $0x1480, s20;
	[sflag:s28] =	ssyncadd.s32 $0xFFFFC180  }
0xad: {  	[spmem:s2] =	stream.indirect.scatter.add.f32 [tilespmem:s25], [sflag:$0x4], $0x80, s4, s24, $0xb8;
	[tilespmem:$0x1E000] =	vst v63  }
0xae: {  	_ =	swait.ge [sflag:s29], $0x3E80  }
0xaf: {  	[sflag:s29] =	ssyncset.done $0x0  }
0xb0: {  	s7 =	sor.u32 $0x500, s20;
	[sflag:s29] =	ssyncadd.s32 $0xFFFFC180  }
0xb1: {  	[tilespmem:s21], [sflag:$0x1] =	stream.indirect.gather [hbm4b:s5+s24], $0x80, s7, s24, $0xb8;
	[tilespmem:$0x1E000] =	vst v63  }
0xb2: {  	_ =	swait.ge [sflag:s30], $0x3E80  }
0xb3: {  	[sflag:s30] =	ssyncset.done $0x0  }
0xb4: {  	s8 =	sor.u32 $0x580, s20;
	[sflag:s30] =	ssyncadd.s32 $0xFFFFC180  }
0xb5: {  	[tilespmem:s25], [sflag:$0x2] =	stream.indirect.gather [hbm4b:s5+s24], $0x80, s8, s24, $0xb8;
	[tilespmem:$0x1E000] =	vst v63  }
0xb6: {  	_ =	swait.ge [sflag:s26], $0x3E80  }
0xb7: {  	[sflag:s26] =	ssyncset.done $0x0  }
0xb8: {  	s4 =	sor.u32 $0x1500, s20;
	[sflag:s26] =	ssyncadd.s32 $0xFFFFC180  }
0xb9: {  	[spmem:s2] =	stream.indirect.scatter.add.f32 [tilespmem:s21], [sflag:$0x3], $0x80, s4, s24, $0xb8;
	[tilespmem:$0x1E000] =	vst v63  }
0xba: {  	_ =	swait.ge [sflag:s28], $0x3E80  }
0xbb: {  	[sflag:s28] =	ssyncset.done $0x0  }
0xbc: {  	s7 =	sor.u32 $0x1580, s20;
	[sflag:s28] =	ssyncadd.s32 $0xFFFFC180  }
0xbd: {  	[spmem:s2] =	stream.indirect.scatter.add.f32 [tilespmem:s25], [sflag:$0x4], $0x80, s7, s24, $0xb8;
	[tilespmem:$0x1E000] =	vst v63  }
0xbe: {  	_ =	swait.ge [sflag:s29], $0x3E80  }
0xbf: {  	[sflag:s29] =	ssyncset.done $0x0  }
0xc0: {  	s8 =	sor.u32 $0x600, s20;
	[sflag:s29] =	ssyncadd.s32 $0xFFFFC180  }
0xc1: {  	[tilespmem:s21], [sflag:$0x1] =	stream.indirect.gather [hbm4b:s5+s24], $0x80, s8, s24, $0xb8;
	[tilespmem:$0x1E000] =	vst v63  }
0xc2: {  	_ =	swait.ge [sflag:s30], $0x3E80  }
0xc3: {  	[sflag:s30] =	ssyncset.done $0x0  }
0xc4: {  	s4 =	sor.u32 $0x680, s20;
	[sflag:s30] =	ssyncadd.s32 $0xFFFFC180  }
0xc5: {  	[tilespmem:s25], [sflag:$0x2] =	stream.indirect.gather [hbm4b:s5+s24], $0x80, s4, s24, $0xb8;
	[tilespmem:$0x1E000] =	vst v63  }
0xc6: {  	_ =	swait.ge [sflag:s26], $0x3E80  }
0xc7: {  	[sflag:s26] =	ssyncset.done $0x0  }
0xc8: {  	s7 =	sor.u32 $0x1600, s20;
	[sflag:s26] =	ssyncadd.s32 $0xFFFFC180  }
0xc9: {  	[spmem:s2] =	stream.indirect.scatter.add.f32 [tilespmem:s21], [sflag:$0x3], $0x80, s7, s24, $0xb8;
	[tilespmem:$0x1E000] =	vst v63  }
0xca: {  	_ =	swait.ge [sflag:s28], $0x3E80  }
0xcb: {  	[sflag:s28] =	ssyncset.done $0x0  }
0xcc: {  	s8 =	sor.u32 $0x1680, s20;
	[sflag:s28] =	ssyncadd.s32 $0xFFFFC180  }
0xcd: {  	[spmem:s2] =	stream.indirect.scatter.add.f32 [tilespmem:s25], [sflag:$0x4], $0x80, s8, s24, $0xb8;
	[tilespmem:$0x1E000] =	vst v63  }
0xce: {  	_ =	swait.ge [sflag:s29], $0x3E80  }
0xcf: {  	[sflag:s29] =	ssyncset.done $0x0  }
0xd0: {  	s4 =	sor.u32 $0x700, s20;
	[sflag:s29] =	ssyncadd.s32 $0xFFFFC180  }
0xd1: {  	[tilespmem:s21], [sflag:$0x1] =	stream.indirect.gather [hbm4b:s5+s24], $0x80, s4, s24, $0xb8;
	[tilespmem:$0x1E000] =	vst v63  }
0xd2: {  	_ =	swait.ge [sflag:s30], $0x3E80  }
0xd3: {  	[sflag:s30] =	ssyncset.done $0x0  }
0xd4: {  	s7 =	sor.u32 $0x780, s20;
	[sflag:s30] =	ssyncadd.s32 $0xFFFFC180  }
0xd5: {  	[tilespmem:s25], [sflag:$0x2] =	stream.indirect.gather [hbm4b:s5+s24], $0x80, s7, s24, $0xb8;
	[tilespmem:$0x1E000] =	vst v63  }
0xd6: {  	_ =	swait.ge [sflag:s26], $0x3E80  }
0xd7: {  	[sflag:s26] =	ssyncset.done $0x0  }
0xd8: {  	s8 =	sor.u32 $0x1700, s20;
	[sflag:s26] =	ssyncadd.s32 $0xFFFFC180  }
0xd9: {  	[spmem:s2] =	stream.indirect.scatter.add.f32 [tilespmem:s21], [sflag:$0x3], $0x80, s8, s24, $0xb8;
	[tilespmem:$0x1E000] =	vst v63  }
0xda: {  	_ =	swait.ge [sflag:s28], $0x3E80  }
0xdb: {  	s0 =	sadd.s32 @!p0 $0x800, s0;
	s3 =	simm.s32 @!p0 $0x5;
	[sflag:s28] =	ssyncset.done $0x0  }
0xdc: {  	p1 =	sne.s32 @!p0 s0, $0x2800;
	s20 =	sor.u32 $0x1780, s20;
	[sflag:s28] =	ssyncadd.s32 $0xFFFFC180  }
0xdd: {  	[spmem:s2] =	stream.indirect.scatter.add.f32 [tilespmem:s25], [sflag:$0x4], $0x80, s20, s24, $0xb8;
	[tilespmem:$0x1E000] =	vst v63  }
0xde: {  	p1 =	por p0, !p1;
	_ =	swait.ge @!p0 [sflag:s3], $0x800  }
.Ltmp4:
0xdf: {  	[sflag:s3] =	ssyncset.done @!p0 $0x0;
	(pc) =	sbr.rel @p1 .LBB2_8-.Ltmp4, $4  }
0xe0: {  	[sflag:s3] =	ssyncadd.s32 @!p0 $0xFFFFF800  }
0xe1: {  	_ =	swait.ge @!p0 [sflag:s3], $0x800  }
0xe2: {  	[sflag:s3] =	ssyncset.done @!p0 $0x0  }
0xe3: {  	[sflag:s3] =	ssyncadd.s32 @!p0 $0xFFFFF800  }
.LBB2_4:
0xe4: {  	p0 =	seq.s32 s0, $0x2000  }
0xe5: {  	p1 =	sne.s32 @!p0 s0, $0x0  }
0xe6: {  	s3 =	sadd.s32 @!p0 s0, s19;
	p1 =	por p0, p1  }
.Ltmp5:
0xe7: {  	s20 =	sand.u32 @!p0 $0x800, s0;
	s3 =	sshrl.u32 @!p0 s3, $0x3;
	(pc) =	sbr.rel @p1 .LBB2_6-.Ltmp5, $4  }
0xe8: {  	s8 =	simm.s32 @!p0 $0x0;
	s4 =	sxor.u32 @!p0 $0x800, s20;
	s7 =	sadd.s32 @!p0 s6, s3  }
0xe9: {  	[tilespmem:s4], [sflag:$0x5] =	stream.linear.gather @!p0 [hbm4b:s7+s8], $0x800, $0x38;
	[tilespmem:$0x1E000] =	vst v63  }
0xea: {  	s3 =	sadd.s32 @!p0 s1, s3;
	s4 =	sxor.u32 @!p0 $0x1800, s20  }
0xeb: {  	[tilespmem:s4], [sflag:$0x5] =	stream.linear.gather @!p0 [hbm4b:s3+s8], $0x800, $0x38;
	[tilespmem:$0x1E000] =	vst v63  }
.Ltmp6:
0xec: {  	(pc) =	sbr.rel .LBB2_7-.Ltmp6, $3  }
0xed: {  	_ =	sdelay $0x1  }
0xee: {  	s20 =	simm.s32 $0x0  }
0xef: {  	[tilespmem:s21], [sflag:$0x1] =	stream.indirect.gather [hbm4b:s5+s24], $0x80, s20, s24, $0xb8;
	[tilespmem:$0x1E000] =	vst v63  }
.LBB2_9:
0xf0: {  	_ =	sfence.sel $0x180000  }
0xf1: {  	[bflag:$0x0] =	sbarrier.arrive $0xFFFF  }
0xf2: {  	_ =	strace $0x9000004D  }
0xf3: {  	s0 =	stileid.u32;
	[bflag:$0x2] =	sbarrier.arrive $0xFFFF  }
0xf4: {  	p0 =	sne.s32 s0, $0x0;
	s0 =	rddreg [dreg:$0x3]  }
0xf5: {  	s0 =	sadd.s32 @!p0 $0x100000, s0  }
0xf6: {  	[sflag:s0] =	ssyncadd.tile.s32 @!p0 $0x1;
	_ =	shalt  }
.Lfunc_end2:
_tile_overlayer_lowered:
.L_overlay_start_2:
0xf7: {  	(tag) =	ssettag $0x2  }
0xf8: {  	s0 =	rddreg [dreg:$0x0];
	s2 =	stileid.u32  }
0xf9: {  	s1 =	rddreg [dreg:$0x1];
	p0 =	sne.s32 s2, $0x0  }
0xfa: {  	s3 =	rddreg [dreg:$0x2];
	[bflag:$0x3] =	sbarrier.arrive $0xFFFF;
	s2 =	simm.s32 @!p0 $0x1C06  }
0xfb: {  	[timem:s3], [sflag:s2] =	dma.local @!p0 [hbm:s0], s1  }
0xfc: {  	s0 =	simm.s32 @!p0 $0x6  }
0xfd: {  	_ =	swait.ge @!p0 [sflag:s0], s1  }
0xfe: {  	s1 =	ssub.s32 @!p0 $0x0, s1;
	[sflag:s0] =	ssyncset.done @!p0 $0x0  }
0xff: {  	[sflag:s0] =	ssyncadd.s32 @!p0 s1  }
0x100: {  	[bflag:$0x3] =	sbarrier.arrive $0xFFFF  }
0x101: {  	_ =	shalt  }

// kernel: kernel.19.cloned.1.call-start
scs
__scs_entry_jumppad:
0x0: {  	(pc) =	sbr.rel $0x88, $3  }
0x1: {  	(tag) =	ssettag $0x0;
	lr =	simm.s32 $0x1  }
0x2: {  	[smem:$0x3F97] =	sst lr;
	_ =	strace $0xD0000000  }
0x3: {  	_ = 	snop  }
0x4: {  	_ = 	snop  }
0x5: {  	_ = 	snop  }
0x6: {  	_ = 	snop  }
0x7: {  	_ = 	snop  }
__scs_overlays_trampoline_lowered:
0x8: {  	[smem:$0x3FA6] =	sst s0  }
0x9: {  	[smem:$0x3FA7] =	sst s1  }
0xa: {  	[smem:$0x3FA8] =	sst s2  }
0xb: {  	[smem:$0x3FA9] =	sst s3  }
0xc: {  	[smem:$0x3FAA] =	sst s4  }
0xd: {  	[smem:$0x3FAB] =	sst s5  }
0xe: {  	[smem:$0x3FAC] =	sst s6  }
0xf: {  	[smem:$0x3FAD] =	sst s7  }
0x10: {  	[smem:$0x3FAE] =	sst s8  }
0x11: {  	[smem:$0x3FAF] =	sst s9;
	s0 =	simm.s32 @!p0 $0x0  }
0x12: {  	s1 =	sld [smem:$0x3F95];
	s0 =	simm.s32 @p0 $0x1  }
0x13: {  	[smem:$0x3FB0] =	sst s0;
	s0 =	simm.s32 @!p1 $0x0  }
0x14: {  	s2 =	sld [smem:$0x3F94];
	s0 =	simm.s32 @p1 $0x1  }
0x15: {  	[smem:$0x3FB1] =	sst s0;
	s0 =	simm.s32 @!p2 $0x0  }
0x16: {  	s3 =	sld [smem:$0x3FDB];
	s0 =	simm.s32 @p2 $0x1  }
0x17: {  	s4 =	simm.s32 $0x1BF5;
	[smem:$0x3FB3] =	sst s0  }
0x18: {  	s0 =	sld [smem:$0x3F96];
	_ =	swait.ge [sflag:s4], $0x0  }
0x19: {  	s7 =	sld [smem:$0x3F97]  }
0x1a: {  	s8 =	sadd.s32 $0xFFFFE003, lr  }
0x1b: {  	s9 =	sadd.s32 $0xFFFFFEF7, lr;
	s5 =	simm.s32 $0xFFFFFFFF;
	p2 =	slt.u32 s8, $0xFFFFF086  }
0x1c: {  	p1 =	slt.u32 s9, $0xF7A;
	s5 =	simm.s32 @!p2 $0x0  }
0x1d: {  	s5 =	simm.s32 @p1 $0x1;
	p0 =	seq.s32 s7, s2  }
0x1e: {  	s7 =	smul.u32 @!p0 $0xF7A, s2;
	p2 =	seq.s32 @!p0 s5, $0x0  }
0x1f: {  	s9 =	smul.u32 $0xF7A, s1;
	s8 =	simm.s32 @!p0 $0x1BF5;
	p2 =	por !p2, p0  }
0x20: {  	[sflag:s8] =	ssyncset.s32 @!p0 $0xFFFFF086;
	s6 =	sadd.s32 @!p0 s3, s7;
	s7 =	simm.s32 @!p0 $0x108  }
0x21: {  	s3 =	sadd.s32 s3, s9;
	s6 =	sadd.s32 @!p0 $0x88, s6;
	s7 =	simm.s32 @p2 $0x1082  }
0x22: {  	[simem:s7], [sflag:s8] =	dma.local @!p0 [hbm:s6], $0xF7A  }
0x23: {  	s9 =	sor.u32 $0xD0000000, s2;
	s6 =	simm.s32 $0x108;
	_ =	swait.ge @!p0 [sflag:s8], $0x0  }
0x24: {  	s3 =	sadd.s32 $0x88, s3;
	s6 =	simm.s32 @!p1 $0x1082;
	[sflag:s4] =	ssyncset.s32 $0xFFFFF086  }
0x25: {  	[simem:s6], [sflag:s4] =	dma.local [hbm:s3], $0xF7A  }
0x26: {  	[smem:$0x3F97] =	sst s1;
	(tag) =	ssettag s2;
	_ =	strace s9  }
0x27: {  	s1 =	sld [smem:$0x3FA7]  }
0x28: {  	s2 =	sld [smem:$0x3FA8]  }
0x29: {  	s4 =	sld [smem:$0x3FAA]  }
0x2a: {  	p0 =	seq.s32 s5, $0x0;
	s5 =	sld [smem:$0x3FAB]  }
0x2b: {  	s6 =	sld [smem:$0x3FAC]  }
0x2c: {  	s7 =	sld [smem:$0x3FAD]  }
0x2d: {  	s3 =	simm.s32 $0x108;
	s8 =	sld [smem:$0x3FAE]  }
0x2e: {  	s3 =	simm.s32 @!p0 $0x1082;
	s9 =	sld [smem:$0x3FAF]  }
0x2f: {  	lr =	sadd.s32 s0, s3;
	s0 =	sld [smem:$0x3FA6]  }
0x30: {  	s3 =	sld [smem:$0x3FA9]  }
0x31: {  	[smem:$0x3FB2] =	sst s10  }
0x32: {  	s10 =	sld [smem:$0x3FB0];
	_ =	sdelay $0x3  }
0x33: {  	p0 =	seq.s32 s10, $0x1;
	s10 =	sld [smem:$0x3FB2];
	_ =	sdelay $0x3  }
0x34: {  	[smem:$0x3FB2] =	sst s10  }
0x35: {  	s10 =	sld [smem:$0x3FB1];
	_ =	sdelay $0x3  }
0x36: {  	p1 =	seq.s32 s10, $0x1;
	s10 =	sld [smem:$0x3FB2];
	_ =	sdelay $0x3  }
0x37: {  	[smem:$0x3FB2] =	sst s10  }
0x38: {  	s10 =	sld [smem:$0x3FB3]  }
0x39: {  	_ = 	snop;
	(pc) =	sbr.ind lr, $3  }
0x3a: {  	_ = 	snop  }
0x3b: {  	_ = 	snop  }
0x3c: {  	p2 =	seq.s32 s10, $0x1;
	s10 =	sld [smem:$0x3FB2]  }
0x3d: {  	_ =	shalt  }
0x3e: {  	_ =	shalt  }
0x3f: {  	_ =	shalt  }
0x40: {  	_ =	shalt  }
0x41: {  	_ =	shalt  }
0x42: {  	_ =	shalt  }
0x43: {  	_ =	shalt  }
0x44: {  	_ =	shalt  }
0x45: {  	_ =	shalt  }
0x46: {  	_ =	shalt  }
0x47: {  	_ =	shalt  }
0x48: {  	_ =	shalt  }
0x49: {  	_ =	shalt  }
0x4a: {  	_ =	shalt  }
0x4b: {  	_ =	shalt  }
0x4c: {  	_ =	shalt  }
0x4d: {  	_ =	shalt  }
0x4e: {  	_ =	shalt  }
0x4f: {  	_ =	shalt  }
0x50: {  	_ =	shalt  }
0x51: {  	_ =	shalt  }
0x52: {  	_ =	shalt  }
0x53: {  	_ =	shalt  }
0x54: {  	_ =	shalt  }
0x55: {  	_ =	shalt  }
0x56: {  	_ =	shalt  }
0x57: {  	_ =	shalt  }
0x58: {  	_ =	shalt  }
0x59: {  	_ =	shalt  }
0x5a: {  	_ =	shalt  }
0x5b: {  	_ =	shalt  }
0x5c: {  	_ =	shalt  }
0x5d: {  	_ =	shalt  }
0x5e: {  	_ =	shalt  }
0x5f: {  	_ =	shalt  }
0x60: {  	_ =	shalt  }
0x61: {  	_ =	shalt  }
0x62: {  	_ =	shalt  }
0x63: {  	_ =	shalt  }
0x64: {  	_ =	shalt  }
0x65: {  	_ =	shalt  }
0x66: {  	_ =	shalt  }
0x67: {  	_ =	shalt  }
0x68: {  	_ =	shalt  }
0x69: {  	_ =	shalt  }
0x6a: {  	_ =	shalt  }
0x6b: {  	_ =	shalt  }
0x6c: {  	_ =	shalt  }
0x6d: {  	_ =	shalt  }
0x6e: {  	_ =	shalt  }
0x6f: {  	_ =	shalt  }
0x70: {  	_ =	shalt  }
0x71: {  	_ =	shalt  }
0x72: {  	_ =	shalt  }
0x73: {  	_ =	shalt  }
0x74: {  	_ =	shalt  }
0x75: {  	_ =	shalt  }
0x76: {  	_ =	shalt  }
0x77: {  	_ =	shalt  }
0x78: {  	_ =	shalt  }
0x79: {  	_ =	shalt  }
0x7a: {  	_ =	shalt  }
0x7b: {  	_ =	shalt  }
0x7c: {  	_ =	shalt  }
0x7d: {  	_ =	shalt  }
0x7e: {  	_ =	shalt  }
0x7f: {  	_ =	shalt  }
0x80: {  	_ =	shalt  }
0x81: {  	_ =	shalt  }
0x82: {  	_ =	shalt  }
0x83: {  	_ =	shalt  }
0x84: {  	_ =	shalt  }
0x85: {  	_ =	shalt  }
0x86: {  	_ =	shalt  }
0x87: {  	_ =	shalt  }
.Lfunc_end0:
.L_simem_size_0:
called_computation.3_lowered:
.L_overlay_start_0:
0x88: {  	s2 =	sld [smem:$0x3FD9]  }
0x89: {  	s3 =	sld [smem:$0x3FFE];
	_ =	sdelay $0x1  }
0x8a: {  	s1 =	srdreg.scid  }
0x8b: {  	s0 =	sand.u32 $0x1, s1  }
0x8c: {  	s17 =	sshll.u32 s0, $0xA;
	s2 =	sadd.s32 s3, s2  }
0x8d: {  	s2 =	sadd.s32 s2, s17  }
0x8e: {  	[smem:$0x3FBE] =	sst s2  }
0x8f: {  	_ = 	snop  }
0x90: {  	s2 =	sld [smem:$0x3FD0];
	(tm) =	ssettm $0x1  }
0x91: {  	s18 =	sld [smem:$0x3FFB];
	_ =	sdelay $0x3  }
0x92: {  	_ =	strace s18  }
0x93: {  	s3 =	sld [smem:$0x3FFC];
	_ =	sdelay $0x3  }
0x94: {  	_ =	strace s3  }
0x95: {  	s3 =	sld [smem:$0x3FFD];
	_ =	sdelay $0x3  }
0x96: {  	_ =	strace s3  }
0x97: {  	_ =	strace $0x8FFFFFFF  }
0x98: {  	s19 =	sld [smem:$0x3FDB];
	_ =	sdelay $0x1  }
0x99: {  	s4 =	simm.s32 $_scs_section_size  }
0x9a: {  	s5 =	simm.s32 $_size__tile_overlayer_lowered;
	s6 =	simm.s32 $_tile_overlayer_lowered  }
0x9b: {  	s22 =	simm.s32 $0x1BFF;
	s21 =	sshll.u32 s6, $0x1;
	s3 =	sadd.s32 s4, s19  }
0x9c: {  	s7 =	simm.s32 $0x0;
	s20 =	sshll.u32 s5, $0x1;
	s5 =	sadd.s32 s21, s3  }
0x9d: {  	[timem:s7], [sflag:s22] =	dma.local [hbm:s5], s20  }
0x9e: {  	_ =	swait.ge [sflag:s22], s20  }
0x9f: {  	s4 =	ssub.s32 $0x0, s20;
	[sflag:s22] =	ssyncset.done $0x0  }
0xa0: {  	[sflag:s22] =	ssyncadd.s32 s4;
	_ =	sdelay $0x1  }
0xa1: {  	s23 =	simm.s32 $0x1B8B  }
0xa2: {  	_ =	swait.ge [sflag:s23], $0x1  }
0xa3: {  	[sflag:s23] =	ssyncset.done $0x0  }
0xa4: {  	s25 =	simm.s32 $0x1B8E;
	s24 =	sld [smem:$0x3FFE];
	[sflag:s23] =	ssyncadd.s32 $0xFFFFFFFF  }
0xa5: {  	s26 =	simm.s32 $execute0_lowered;
	[smem:$0x3FD2] =	sst s25  }
0xa6: {  	s5 =	sshll.u32 s26, $0x1;
	_ =	strace $0x8000004F;
	[dreg:$0x1] =	wrdreg $0xFFFFFFFF  }
0xa7: {  	s28 =	simm.s32 $_size_execute0_lowered;
	s3 =	sadd.s32 s3, s5;
	[dreg:$0x0] =	wrdreg $0x0  }
0xa8: {  	s5 =	sshll.u32 s28, $0x1;
	[dreg:$0x2] =	wrdreg s3  }
0xa9: {  	[dreg:$0x3] =	wrdreg s5  }
0xaa: {  	[dreg:$0x4] =	wrdreg $0xC0  }
0xab: {  	_ =	task [dreg:s7], $0x5FFFF  }
0xac: {  	[dreg:$0x1] =	wrdreg $0xFFFFFFFF  }
0xad: {  	[dreg:$0x0] =	wrdreg $0x60  }
0xae: {  	[dreg:$0x2] =	wrdreg s24  }
0xaf: {  	[dreg:$0x3] =	wrdreg s2  }
0xb0: {  	[dreg:$0x4] =	wrdreg $0xA0000  }
0xb1: {  	[dreg:$0x5] =	wrdreg $0x9  }
0xb2: {  	_ =	task.clear_ibuf [dreg:s7], $0x6FFFF;
	_ =	strace $0x9000004F  }
0xb3: {  	s29 =	simm.s32 $0x9;
	_ =	strace $0x80000051  }
0xb4: {  	_ =	swait.ge [sflag:s29], $0x1  }
0xb5: {  	[sflag:s29] =	ssyncadd.s32 $0xFFFFFFFF  }
0xb6: {  	_ =	strace $0x90000051  }
0xb7: {  	_ =	sfence  }
0xb8: {  	s30 =	sld [smem:$0x0];
	_ =	sdelay $0x2  }
0xb9: {  	s31 =	sshll.u32 s1, $0xD;
	s1 =	sshrl.u32 s1, $0x2  }
0xba: {  	s3 =	sand.u32 $0x4000, s31;
	s1 =	sadd.s32 s1, s30  }
0xbb: {  	s0 =	sor.u32 s3, s0;
	s1 =	sshll.u32 s1, $0x11  }
0xbc: {  	s0 =	sor.u32 s1, s0  }
0xbd: {  	s0 =	sadd.s32 $0x8F2B, s0  }
0xbe: {  	[sflag:s0] =	ssyncadd.remote.s32 $0x1  }
0xbf: {  	_ =	sfence.sel $0xFFFF  }
0xc0: {  	[dreg:$0x0] =	wrdreg $0xFFFFFFFF;
	(pc) =	sbr.abs _section_cstart, $3  }
0xc1: {  	[dreg:$0x1] =	wrdreg $0xFFFFFFFF  }
0xc2: {  	_ =	task.clear_ibuf [dreg:s7], $0x2FFFF;
	_ =	strace $0x9FFFFFFF  }
0xc3: {  	(tm) =	ssettm $0x7FFFFFFF  }
tec
execute0_lowered:
.L_overlay_start_1:
0x0: {  	(tag) =	ssettag $0x1  }
0x1: {  	s0 =	rddreg [dreg:$0x0]  }
0x2: {  	s1 =	rddreg [dreg:$0x1]  }
0x3: {  	s2 =	rddreg [dreg:$0x2]  }
0x4: {  	s3 =	srdreg.scid;
	s4 =	simm.s32 $0x0;
	s22 =	stileid.u32  }
0x5: {  	s21 =	simm.s32 $0x2000;
	s28 =	simm.s32 $0x2;
	s7 =	smul.u32 $0x14000, s22  }
0x6: {  	s29 =	simm.s32 $0x3;
	s30 =	simm.s32 $0x4;
	s11 =	smul.u32 $0x50000, s22  }
0x7: {  	s31 =	simm.s32 $0x0;
	s12 =	sand.u32 $0x1, s3;
	s19 =	smul.u32 $0x2800, s22  }
0x8: {  	[smem:$0x7FF] =	sst s4;
	s6 =	smul.u32 $0x140000, s12;
	s5 =	sshll.u32 s12, $0x4  }
0x9: {  	_ =	strace $0x80000050;
	s9 =	ssub.s32 $0x2, s12;
	s26 =	smul.u32 $0x28000, s12  }
0xa: {  	s8 =	sor.u32 s22, s5;
	s5 =	sadd.s32 $0x3400, s0;
	s10 =	sshrl.u32 s9, $0x1  }
0xb: {  	s25 =	sshrl.u32 s11, $0x2;
	s22 =	simm.s32 $0x6;
	s7 =	sadd.s32 s7, s6  }
0xc: {  	s8 =	smul.u32 $0x2800, s8;
	s6 =	sadd.s32 $0x53400, s0;
	s13 =	ssub.s32 s9, s10  }
0xd: {  	s10 =	sadd.s32 s25, s2;
	s25 =	simm.s32 $0x6000;
	s7 =	sshrl.u32 s7, $0x3  }
0xe: {  	s11 =	smax.u32 s13, $0x1;
	s12 =	sadd.s32 $0x2800, s10;
	s13 =	sadd.s32 $0x5000, s10  }
0xf: {  	s14 =	sadd.s32 $0x7800, s10;
	s15 =	sadd.s32 $0xA000, s10;
	s16 =	sadd.s32 $0xC800, s10  }
.Ltmp0:
0x10: {  	s17 =	sadd.s32 $0xF000, s10;
	s8 =	sshrl.u32 s8, $0x3;
	(pc) =	sbr.rel .LBB2_1-.Ltmp0, $4  }
0x11: {  	s18 =	sadd.s32 $0x11800, s10;
	s0 =	sadd.s32 s7, s0;
	s23 =	sadd.s32 s6, s8  }
0x12: {  	s24 =	sadd.s32 s1, s8;
	s9 =	sadd.s32 $0x5D400, s0;
	[dreg:$0x4] =	wrdreg s23  }
0x13: {  	s0 =	sadd.s32 s19, s26;
	s26 =	simm.s32 $0x1;
	[dreg:$0x5] =	wrdreg s24  }
0x14: {  	v0 =	vimm.f32 $0.0e+00;
	s19 =	sadd.s32 $0x800, s0;
	s23 =	simm.s32 $0x5;
	s24 =	simm.s32 $0x7D  }
.LBB2_8:
0x15: {  	_ =	swait.ge [sflag:s29], $0x3E80  }
0x16: {  	[sflag:s29] =	ssyncset.done $0x0  }
0x17: {  	[sflag:s29] =	ssyncadd.s32 $0xFFFFC180  }
0x18: {  	s0 =	stileid.u32;
	_ =	swait.ge [sflag:s30], $0x3E80  }
0x19: {  	s3 =	sshrl.u32 s10, $0x3;
	s31 =	sadd.s32 $0x1, s31;
	[sflag:s30] =	ssyncset.done $0x0  }
0x1a: {  	s0 =	sshll.u32 s0, $0x6;
	p0 =	sne.s32 s31, s11;
	[sflag:s30] =	ssyncadd.s32 $0xFFFFC180  }
.Ltmp1:
0x1b: {  	s0 =	sor.u32 $0x1C06, s0;
	[bflag:$0x0] =	sbarrier.arrive $0xFFFF;
	(pc) =	sbr.rel @!p0 .LBB2_9-.Ltmp1, $4  }
0x1c: {  	[hbm:s9], [sflag:s0] =	dma.local [spmem:s3], $0x2800  }
0x1d: {  	_ =	swait.ge [sflag:s22], $0x2800  }
0x1e: {  	[sflag:s22] =	ssyncset.done $0x0  }
0x1f: {  	[sflag:s22] =	ssyncadd.s32 $0xFFFFD800  }
.LBB2_1:
0x20: {  	s0 =	simm.s32 $0x0;
	s3 =	rddreg [dreg:$0x4]  }
0x21: {  	[tilespmem:s0], [sflag:$0x5] =	stream.linear.gather [hbm4b:s3+s0], $0x800, $0x38;
	[tilespmem:$0x1E000] =	vst v63  }
0x22: {  	s20 =	rddreg [dreg:$0x5];
	s4 =	simm.s32 $0x1000  }
0x23: {  	[tilespmem:s4], [sflag:$0x5] =	stream.linear.gather [hbm4b:s20+s0], $0x800, $0x38;
	[tilespmem:$0x1E000] =	vst v63  }
0x24: {  	s0 =	simm.s32 $0x0;
	s20 =	simm.s32 $0x200  }
.LBB2_2:
0x25: {  	p0 =	sne.s32 s20, $0x9E00;
	[tilespmem:s0+$0x2070] =	vst v0  }
0x26: {  	[tilespmem:s0+$0x2000] =	vst v0  }
0x27: {  	[tilespmem:s0+$0x2010] =	vst v0  }
.Ltmp2:
0x28: {  	[tilespmem:s0+$0x2020] =	vst v0;
	(pc) =	sbr.rel @p0 .LBB2_2-.Ltmp2, $4  }
0x29: {  	[tilespmem:s0+$0x2030] =	vst v0  }
0x2a: {  	[tilespmem:s0+$0x2040] =	vst v0  }
0x2b: {  	[tilespmem:s0+$0x2050] =	vst v0  }
0x2c: {  	[tilespmem:s0+$0x2060] =	vst v0;
	s0 =	sshra.s32 s20, $0x2;
	s20 =	sadd.s32 $0x200, s20  }
0x2d: {  	[tilespmem:s0+$0x2070] =	vst v0  }
0x2e: {  	[tilespmem:s0+$0x2000] =	vst v0  }
0x2f: {  	[tilespmem:s0+$0x2010] =	vst v0  }
0x30: {  	[tilespmem:s0+$0x2020] =	vst v0  }
0x31: {  	[tilespmem:s0+$0x2030] =	vst v0  }
0x32: {  	[tilespmem:s0+$0x2040] =	vst v0  }
0x33: {  	[tilespmem:s0+$0x2050] =	vst v0  }
0x34: {  	[tilespmem:s0+$0x2060] =	vst v0  }
0x35: {  	[spmem:s10] =	stream.linear.scatter [tilespmem:s21], [sflag:$0x6], $0x2800, $0x38;
	[tilespmem:$0x1E000] =	vst v63  }
0x36: {  	_ =	swait.ge [sflag:s22], $0x2800  }
0x37: {  	[sflag:s22] =	ssyncset.done $0x0  }
0x38: {  	[sflag:s22] =	ssyncadd.s32 $0xFFFFD800  }
0x39: {  	[spmem:s12] =	stream.linear.scatter [tilespmem:s21], [sflag:$0x6], $0x2800, $0x38;
	[tilespmem:$0x1E000] =	vst v63  }
0x3a: {  	_ =	swait.ge [sflag:s22], $0x2800  }
0x3b: {  	[sflag:s22] =	ssyncset.done $0x0  }
0x3c: {  	[sflag:s22] =	ssyncadd.s32 $0xFFFFD800  }
0x3d: {  	[spmem:s13] =	stream.linear.scatter [tilespmem:s21], [sflag:$0x6], $0x2800, $0x38;
	[tilespmem:$0x1E000] =	vst v63  }
0x3e: {  	_ =	swait.ge [sflag:s22], $0x2800  }
0x3f: {  	[sflag:s22] =	ssyncset.done $0x0  }
0x40: {  	[sflag:s22] =	ssyncadd.s32 $0xFFFFD800  }
0x41: {  	[spmem:s14] =	stream.linear.scatter [tilespmem:s21], [sflag:$0x6], $0x2800, $0x38;
	[tilespmem:$0x1E000] =	vst v63  }
0x42: {  	_ =	swait.ge [sflag:s22], $0x2800  }
0x43: {  	[sflag:s22] =	ssyncset.done $0x0  }
0x44: {  	[sflag:s22] =	ssyncadd.s32 $0xFFFFD800  }
0x45: {  	[spmem:s15] =	stream.linear.scatter [tilespmem:s21], [sflag:$0x6], $0x2800, $0x38;
	[tilespmem:$0x1E000] =	vst v63  }
0x46: {  	_ =	swait.ge [sflag:s22], $0x2800  }
0x47: {  	[sflag:s22] =	ssyncset.done $0x0  }
0x48: {  	[sflag:s22] =	ssyncadd.s32 $0xFFFFD800  }
0x49: {  	[spmem:s16] =	stream.linear.scatter [tilespmem:s21], [sflag:$0x6], $0x2800, $0x38;
	[tilespmem:$0x1E000] =	vst v63  }
0x4a: {  	_ =	swait.ge [sflag:s22], $0x2800  }
0x4b: {  	[sflag:s22] =	ssyncset.done $0x0  }
0x4c: {  	[sflag:s22] =	ssyncadd.s32 $0xFFFFD800  }
0x4d: {  	[spmem:s17] =	stream.linear.scatter [tilespmem:s21], [sflag:$0x6], $0x2800, $0x38;
	[tilespmem:$0x1E000] =	vst v63  }
0x4e: {  	_ =	swait.ge [sflag:s22], $0x2800  }
0x4f: {  	[sflag:s22] =	ssyncset.done $0x0  }
0x50: {  	[sflag:s22] =	ssyncadd.s32 $0xFFFFD800  }
0x51: {  	[spmem:s18] =	stream.linear.scatter [tilespmem:s21], [sflag:$0x6], $0x2800, $0x38;
	[tilespmem:$0x1E000] =	vst v63  }
0x52: {  	_ =	swait.ge [sflag:s22], $0x2800  }
0x53: {  	[sflag:s22] =	ssyncset.done $0x0  }
0x54: {  	[sflag:s22] =	ssyncadd.s32 $0xFFFFD800  }
0x55: {  	_ =	swait.ge [sflag:s23], $0x800  }
0x56: {  	[sflag:s23] =	ssyncset.done $0x0  }
0x57: {  	[sflag:s23] =	ssyncadd.s32 $0xFFFFF800  }
.Ltmp3:
0x58: {  	_ =	swait.ge [sflag:s23], $0x800;
	(pc) =	sbr.rel .LBB2_4-.Ltmp3, $4  }
0x59: {  	[sflag:s23] =	ssyncset.done $0x0  }
0x5a: {  	[sflag:s23] =	ssyncadd.s32 $0xFFFFF800  }
0x5b: {  	[bflag:$0x0] =	sbarrier.arrive $0xFFFF  }
0x5c: {  	s0 =	simm.s32 $0x0  }
.LBB2_6:
0x5d: {  	_ =	swait.ge [sflag:s29], $0x3E80  }
0x5e: {  	[sflag:s29] =	ssyncset.done $0x0  }
0x5f: {  	s20 =	simm.s32 @p0 $0x0;
	[sflag:s29] =	ssyncadd.s32 $0xFFFFC180  }
0x60: {  	[tilespmem:s21], [sflag:$0x1] =	stream.indirect.gather [hbm4b:s5+s24], $0x80, s20, s24, $0xb8;
	[tilespmem:$0x1E000] =	vst v63  }
0x61: {  	_ =	swait.ge [sflag:s30], $0x3E80  }
0x62: {  	[sflag:s30] =	ssyncset.done $0x0  }
0x63: {  	[sflag:s30] =	ssyncadd.s32 $0xFFFFC180  }
.LBB2_7:
0x64: {  	s3 =	sor.u32 $0x80, s20  }
0x65: {  	[tilespmem:s25], [sflag:$0x2] =	stream.indirect.gather [hbm4b:s5+s24], $0x80, s3, s24, $0xb8;
	[tilespmem:$0x1E000] =	vst v63  }
0x66: {  	_ =	swait.ge [sflag:s26], $0x3E80  }
0x67: {  	[sflag:s26] =	ssyncset.done $0x0  }
0x68: {  	s7 =	sor.u32 $0x1000, s20;
	[sflag:s26] =	ssyncadd.s32 $0xFFFFC180  }
0x69: {  	[spmem:s2] =	stream.indirect.scatter.add.f32 [tilespmem:s21], [sflag:$0x3], $0x80, s7, s24, $0xb8;
	[tilespmem:$0x1E000] =	vst v63  }
0x6a: {  	_ =	swait.ge [sflag:s28], $0x3E80  }
0x6b: {  	[sflag:s28] =	ssyncset.done $0x0  }
0x6c: {  	s8 =	sor.u32 $0x1080, s20;
	[sflag:s28] =	ssyncadd.s32 $0xFFFFC180  }
0x6d: {  	[spmem:s2] =	stream.indirect.scatter.add.f32 [tilespmem:s25], [sflag:$0x4], $0x80, s8, s24, $0xb8;
	[tilespmem:$0x1E000] =	vst v63  }
0x6e: {  	_ =	swait.ge [sflag:s29], $0x3E80  }
0x6f: {  	[sflag:s29] =	ssyncset.done $0x0  }
0x70: {  	s4 =	sor.u32 $0x100, s20;
	[sflag:s29] =	ssyncadd.s32 $0xFFFFC180  }
0x71: {  	[tilespmem:s21], [sflag:$0x1] =	stream.indirect.gather [hbm4b:s5+s24], $0x80, s4, s24, $0xb8;
	[tilespmem:$0x1E000] =	vst v63  }
0x72: {  	_ =	swait.ge [sflag:s30], $0x3E80  }
0x73: {  	[sflag:s30] =	ssyncset.done $0x0  }
0x74: {  	s7 =	sor.u32 $0x180, s20;
	[sflag:s30] =	ssyncadd.s32 $0xFFFFC180  }
0x75: {  	[tilespmem:s25], [sflag:$0x2] =	stream.indirect.gather [hbm4b:s5+s24], $0x80, s7, s24, $0xb8;
	[tilespmem:$0x1E000] =	vst v63  }
0x76: {  	_ =	swait.ge [sflag:s26], $0x3E80  }
0x77: {  	[sflag:s26] =	ssyncset.done $0x0  }
0x78: {  	s8 =	sor.u32 $0x1100, s20;
	[sflag:s26] =	ssyncadd.s32 $0xFFFFC180  }
0x79: {  	[spmem:s2] =	stream.indirect.scatter.add.f32 [tilespmem:s21], [sflag:$0x3], $0x80, s8, s24, $0xb8;
	[tilespmem:$0x1E000] =	vst v63  }
0x7a: {  	_ =	swait.ge [sflag:s28], $0x3E80  }
0x7b: {  	[sflag:s28] =	ssyncset.done $0x0  }
0x7c: {  	s4 =	sor.u32 $0x1180, s20;
	[sflag:s28] =	ssyncadd.s32 $0xFFFFC180  }
0x7d: {  	[spmem:s2] =	stream.indirect.scatter.add.f32 [tilespmem:s25], [sflag:$0x4], $0x80, s4, s24, $0xb8;
	[tilespmem:$0x1E000] =	vst v63  }
0x7e: {  	_ =	swait.ge [sflag:s29], $0x3E80  }
0x7f: {  	[sflag:s29] =	ssyncset.done $0x0  }
0x80: {  	s7 =	sor.u32 $0x200, s20;
	[sflag:s29] =	ssyncadd.s32 $0xFFFFC180  }
0x81: {  	[tilespmem:s21], [sflag:$0x1] =	stream.indirect.gather [hbm4b:s5+s24], $0x80, s7, s24, $0xb8;
	[tilespmem:$0x1E000] =	vst v63  }
0x82: {  	_ =	swait.ge [sflag:s30], $0x3E80  }
0x83: {  	[sflag:s30] =	ssyncset.done $0x0  }
0x84: {  	s8 =	sor.u32 $0x280, s20;
	[sflag:s30] =	ssyncadd.s32 $0xFFFFC180  }
0x85: {  	[tilespmem:s25], [sflag:$0x2] =	stream.indirect.gather [hbm4b:s5+s24], $0x80, s8, s24, $0xb8;
	[tilespmem:$0x1E000] =	vst v63  }
0x86: {  	_ =	swait.ge [sflag:s26], $0x3E80  }
0x87: {  	[sflag:s26] =	ssyncset.done $0x0  }
0x88: {  	s4 =	sor.u32 $0x1200, s20;
	[sflag:s26] =	ssyncadd.s32 $0xFFFFC180  }
0x89: {  	[spmem:s2] =	stream.indirect.scatter.add.f32 [tilespmem:s21], [sflag:$0x3], $0x80, s4, s24, $0xb8;
	[tilespmem:$0x1E000] =	vst v63  }
0x8a: {  	_ =	swait.ge [sflag:s28], $0x3E80  }
0x8b: {  	[sflag:s28] =	ssyncset.done $0x0  }
0x8c: {  	s7 =	sor.u32 $0x1280, s20;
	[sflag:s28] =	ssyncadd.s32 $0xFFFFC180  }
0x8d: {  	[spmem:s2] =	stream.indirect.scatter.add.f32 [tilespmem:s25], [sflag:$0x4], $0x80, s7, s24, $0xb8;
	[tilespmem:$0x1E000] =	vst v63  }
0x8e: {  	_ =	swait.ge [sflag:s29], $0x3E80  }
0x8f: {  	[sflag:s29] =	ssyncset.done $0x0  }
0x90: {  	s8 =	sor.u32 $0x300, s20;
	[sflag:s29] =	ssyncadd.s32 $0xFFFFC180  }
0x91: {  	[tilespmem:s21], [sflag:$0x1] =	stream.indirect.gather [hbm4b:s5+s24], $0x80, s8, s24, $0xb8;
	[tilespmem:$0x1E000] =	vst v63  }
0x92: {  	_ =	swait.ge [sflag:s30], $0x3E80  }
0x93: {  	[sflag:s30] =	ssyncset.done $0x0  }
0x94: {  	s4 =	sor.u32 $0x380, s20;
	[sflag:s30] =	ssyncadd.s32 $0xFFFFC180  }
0x95: {  	[tilespmem:s25], [sflag:$0x2] =	stream.indirect.gather [hbm4b:s5+s24], $0x80, s4, s24, $0xb8;
	[tilespmem:$0x1E000] =	vst v63  }
0x96: {  	_ =	swait.ge [sflag:s26], $0x3E80  }
0x97: {  	[sflag:s26] =	ssyncset.done $0x0  }
0x98: {  	s7 =	sor.u32 $0x1300, s20;
	[sflag:s26] =	ssyncadd.s32 $0xFFFFC180  }
0x99: {  	[spmem:s2] =	stream.indirect.scatter.add.f32 [tilespmem:s21], [sflag:$0x3], $0x80, s7, s24, $0xb8;
	[tilespmem:$0x1E000] =	vst v63  }
0x9a: {  	_ =	swait.ge [sflag:s28], $0x3E80  }
0x9b: {  	[sflag:s28] =	ssyncset.done $0x0  }
0x9c: {  	s8 =	sor.u32 $0x1380, s20;
	[sflag:s28] =	ssyncadd.s32 $0xFFFFC180  }
0x9d: {  	[spmem:s2] =	stream.indirect.scatter.add.f32 [tilespmem:s25], [sflag:$0x4], $0x80, s8, s24, $0xb8;
	[tilespmem:$0x1E000] =	vst v63  }
0x9e: {  	_ =	swait.ge [sflag:s29], $0x3E80  }
0x9f: {  	[sflag:s29] =	ssyncset.done $0x0  }
0xa0: {  	s4 =	sor.u32 $0x400, s20;
	[sflag:s29] =	ssyncadd.s32 $0xFFFFC180  }
0xa1: {  	[tilespmem:s21], [sflag:$0x1] =	stream.indirect.gather [hbm4b:s5+s24], $0x80, s4, s24, $0xb8;
	[tilespmem:$0x1E000] =	vst v63  }
0xa2: {  	_ =	swait.ge [sflag:s30], $0x3E80  }
0xa3: {  	[sflag:s30] =	ssyncset.done $0x0  }
0xa4: {  	s7 =	sor.u32 $0x480, s20;
	[sflag:s30] =	ssyncadd.s32 $0xFFFFC180  }
0xa5: {  	[tilespmem:s25], [sflag:$0x2] =	stream.indirect.gather [hbm4b:s5+s24], $0x80, s7, s24, $0xb8;
	[tilespmem:$0x1E000] =	vst v63  }
0xa6: {  	_ =	swait.ge [sflag:s26], $0x3E80  }
0xa7: {  	[sflag:s26] =	ssyncset.done $0x0  }
0xa8: {  	s8 =	sor.u32 $0x1400, s20;
	[sflag:s26] =	ssyncadd.s32 $0xFFFFC180  }
0xa9: {  	[spmem:s2] =	stream.indirect.scatter.add.f32 [tilespmem:s21], [sflag:$0x3], $0x80, s8, s24, $0xb8;
	[tilespmem:$0x1E000] =	vst v63  }
0xaa: {  	_ =	swait.ge [sflag:s28], $0x3E80  }
0xab: {  	[sflag:s28] =	ssyncset.done $0x0  }
0xac: {  	s4 =	sor.u32 $0x1480, s20;
	[sflag:s28] =	ssyncadd.s32 $0xFFFFC180  }
0xad: {  	[spmem:s2] =	stream.indirect.scatter.add.f32 [tilespmem:s25], [sflag:$0x4], $0x80, s4, s24, $0xb8;
	[tilespmem:$0x1E000] =	vst v63  }
0xae: {  	_ =	swait.ge [sflag:s29], $0x3E80  }
0xaf: {  	[sflag:s29] =	ssyncset.done $0x0  }
0xb0: {  	s7 =	sor.u32 $0x500, s20;
	[sflag:s29] =	ssyncadd.s32 $0xFFFFC180  }
0xb1: {  	[tilespmem:s21], [sflag:$0x1] =	stream.indirect.gather [hbm4b:s5+s24], $0x80, s7, s24, $0xb8;
	[tilespmem:$0x1E000] =	vst v63  }
0xb2: {  	_ =	swait.ge [sflag:s30], $0x3E80  }
0xb3: {  	[sflag:s30] =	ssyncset.done $0x0  }
0xb4: {  	s8 =	sor.u32 $0x580, s20;
	[sflag:s30] =	ssyncadd.s32 $0xFFFFC180  }
0xb5: {  	[tilespmem:s25], [sflag:$0x2] =	stream.indirect.gather [hbm4b:s5+s24], $0x80, s8, s24, $0xb8;
	[tilespmem:$0x1E000] =	vst v63  }
0xb6: {  	_ =	swait.ge [sflag:s26], $0x3E80  }
0xb7: {  	[sflag:s26] =	ssyncset.done $0x0  }
0xb8: {  	s4 =	sor.u32 $0x1500, s20;
	[sflag:s26] =	ssyncadd.s32 $0xFFFFC180  }
0xb9: {  	[spmem:s2] =	stream.indirect.scatter.add.f32 [tilespmem:s21], [sflag:$0x3], $0x80, s4, s24, $0xb8;
	[tilespmem:$0x1E000] =	vst v63  }
0xba: {  	_ =	swait.ge [sflag:s28], $0x3E80  }
0xbb: {  	[sflag:s28] =	ssyncset.done $0x0  }
0xbc: {  	s7 =	sor.u32 $0x1580, s20;
	[sflag:s28] =	ssyncadd.s32 $0xFFFFC180  }
0xbd: {  	[spmem:s2] =	stream.indirect.scatter.add.f32 [tilespmem:s25], [sflag:$0x4], $0x80, s7, s24, $0xb8;
	[tilespmem:$0x1E000] =	vst v63  }
0xbe: {  	_ =	swait.ge [sflag:s29], $0x3E80  }
0xbf: {  	[sflag:s29] =	ssyncset.done $0x0  }
0xc0: {  	s8 =	sor.u32 $0x600, s20;
	[sflag:s29] =	ssyncadd.s32 $0xFFFFC180  }
0xc1: {  	[tilespmem:s21], [sflag:$0x1] =	stream.indirect.gather [hbm4b:s5+s24], $0x80, s8, s24, $0xb8;
	[tilespmem:$0x1E000] =	vst v63  }
0xc2: {  	_ =	swait.ge [sflag:s30], $0x3E80  }
0xc3: {  	[sflag:s30] =	ssyncset.done $0x0  }
0xc4: {  	s4 =	sor.u32 $0x680, s20;
	[sflag:s30] =	ssyncadd.s32 $0xFFFFC180  }
0xc5: {  	[tilespmem:s25], [sflag:$0x2] =	stream.indirect.gather [hbm4b:s5+s24], $0x80, s4, s24, $0xb8;
	[tilespmem:$0x1E000] =	vst v63  }
0xc6: {  	_ =	swait.ge [sflag:s26], $0x3E80  }
0xc7: {  	[sflag:s26] =	ssyncset.done $0x0  }
0xc8: {  	s7 =	sor.u32 $0x1600, s20;
	[sflag:s26] =	ssyncadd.s32 $0xFFFFC180  }
0xc9: {  	[spmem:s2] =	stream.indirect.scatter.add.f32 [tilespmem:s21], [sflag:$0x3], $0x80, s7, s24, $0xb8;
	[tilespmem:$0x1E000] =	vst v63  }
0xca: {  	_ =	swait.ge [sflag:s28], $0x3E80  }
0xcb: {  	[sflag:s28] =	ssyncset.done $0x0  }
0xcc: {  	s8 =	sor.u32 $0x1680, s20;
	[sflag:s28] =	ssyncadd.s32 $0xFFFFC180  }
0xcd: {  	[spmem:s2] =	stream.indirect.scatter.add.f32 [tilespmem:s25], [sflag:$0x4], $0x80, s8, s24, $0xb8;
	[tilespmem:$0x1E000] =	vst v63  }
0xce: {  	_ =	swait.ge [sflag:s29], $0x3E80  }
0xcf: {  	[sflag:s29] =	ssyncset.done $0x0  }
0xd0: {  	s4 =	sor.u32 $0x700, s20;
	[sflag:s29] =	ssyncadd.s32 $0xFFFFC180  }
0xd1: {  	[tilespmem:s21], [sflag:$0x1] =	stream.indirect.gather [hbm4b:s5+s24], $0x80, s4, s24, $0xb8;
	[tilespmem:$0x1E000] =	vst v63  }
0xd2: {  	_ =	swait.ge [sflag:s30], $0x3E80  }
0xd3: {  	[sflag:s30] =	ssyncset.done $0x0  }
0xd4: {  	s7 =	sor.u32 $0x780, s20;
	[sflag:s30] =	ssyncadd.s32 $0xFFFFC180  }
0xd5: {  	[tilespmem:s25], [sflag:$0x2] =	stream.indirect.gather [hbm4b:s5+s24], $0x80, s7, s24, $0xb8;
	[tilespmem:$0x1E000] =	vst v63  }
0xd6: {  	_ =	swait.ge [sflag:s26], $0x3E80  }
0xd7: {  	[sflag:s26] =	ssyncset.done $0x0  }
0xd8: {  	s8 =	sor.u32 $0x1700, s20;
	[sflag:s26] =	ssyncadd.s32 $0xFFFFC180  }
0xd9: {  	[spmem:s2] =	stream.indirect.scatter.add.f32 [tilespmem:s21], [sflag:$0x3], $0x80, s8, s24, $0xb8;
	[tilespmem:$0x1E000] =	vst v63  }
0xda: {  	_ =	swait.ge [sflag:s28], $0x3E80  }
0xdb: {  	s0 =	sadd.s32 @!p0 $0x800, s0;
	s3 =	simm.s32 @!p0 $0x5;
	[sflag:s28] =	ssyncset.done $0x0  }
0xdc: {  	p1 =	sne.s32 @!p0 s0, $0x2800;
	s20 =	sor.u32 $0x1780, s20;
	[sflag:s28] =	ssyncadd.s32 $0xFFFFC180  }
0xdd: {  	[spmem:s2] =	stream.indirect.scatter.add.f32 [tilespmem:s25], [sflag:$0x4], $0x80, s20, s24, $0xb8;
	[tilespmem:$0x1E000] =	vst v63  }
0xde: {  	p1 =	por p0, !p1;
	_ =	swait.ge @!p0 [sflag:s3], $0x800  }
.Ltmp4:
0xdf: {  	[sflag:s3] =	ssyncset.done @!p0 $0x0;
	(pc) =	sbr.rel @p1 .LBB2_8-.Ltmp4, $4  }
0xe0: {  	[sflag:s3] =	ssyncadd.s32 @!p0 $0xFFFFF800  }
0xe1: {  	_ =	swait.ge @!p0 [sflag:s3], $0x800  }
0xe2: {  	[sflag:s3] =	ssyncset.done @!p0 $0x0  }
0xe3: {  	[sflag:s3] =	ssyncadd.s32 @!p0 $0xFFFFF800  }
.LBB2_4:
0xe4: {  	p0 =	seq.s32 s0, $0x2000  }
0xe5: {  	p1 =	sne.s32 @!p0 s0, $0x0  }
0xe6: {  	s3 =	sadd.s32 @!p0 s0, s19;
	p1 =	por p0, p1  }
.Ltmp5:
0xe7: {  	s20 =	sand.u32 @!p0 $0x800, s0;
	s3 =	sshrl.u32 @!p0 s3, $0x3;
	(pc) =	sbr.rel @p1 .LBB2_6-.Ltmp5, $4  }
0xe8: {  	s8 =	simm.s32 @!p0 $0x0;
	s4 =	sxor.u32 @!p0 $0x800, s20;
	s7 =	sadd.s32 @!p0 s6, s3  }
0xe9: {  	[tilespmem:s4], [sflag:$0x5] =	stream.linear.gather @!p0 [hbm4b:s7+s8], $0x800, $0x38;
	[tilespmem:$0x1E000] =	vst v63  }
0xea: {  	s3 =	sadd.s32 @!p0 s1, s3;
	s4 =	sxor.u32 @!p0 $0x1800, s20  }
0xeb: {  	[tilespmem:s4], [sflag:$0x5] =	stream.linear.gather @!p0 [hbm4b:s3+s8], $0x800, $0x38;
	[tilespmem:$0x1E000] =	vst v63  }
.Ltmp6:
0xec: {  	(pc) =	sbr.rel .LBB2_7-.Ltmp6, $3  }
0xed: {  	_ =	sdelay $0x1  }
0xee: {  	s20 =	simm.s32 $0x0  }
0xef: {  	[tilespmem:s21], [sflag:$0x1] =	stream.indirect.gather [hbm4b:s5+s24], $0x80, s20, s24, $0xb8;
	[tilespmem:$0x1E000] =	vst v63  }
.LBB2_9:
0xf0: {  	_ =	sfence.sel $0x180000  }
0xf1: {  	[bflag:$0x0] =	sbarrier.arrive $0xFFFF  }
0xf2: {  	_ =	strace $0x90000050  }
0xf3: {  	s0 =	stileid.u32;
	[bflag:$0x2] =	sbarrier.arrive $0xFFFF  }
0xf4: {  	p0 =	sne.s32 s0, $0x0;
	s0 =	rddreg [dreg:$0x3]  }
0xf5: {  	s0 =	sadd.s32 @!p0 $0x100000, s0  }
0xf6: {  	[sflag:s0] =	ssyncadd.tile.s32 @!p0 $0x1;
	_ =	shalt  }
.Lfunc_end2:
_tile_overlayer_lowered:
.L_overlay_start_2:
0xf7: {  	(tag) =	ssettag $0x2  }
0xf8: {  	s0 =	rddreg [dreg:$0x0];
	s2 =	stileid.u32  }
0xf9: {  	s1 =	rddreg [dreg:$0x1];
	p0 =	sne.s32 s2, $0x0  }
0xfa: {  	s3 =	rddreg [dreg:$0x2];
	[bflag:$0x3] =	sbarrier.arrive $0xFFFF;
	s2 =	simm.s32 @!p0 $0x1C06  }
0xfb: {  	[timem:s3], [sflag:s2] =	dma.local @!p0 [hbm:s0], s1  }
0xfc: {  	s0 =	simm.s32 @!p0 $0x6  }
0xfd: {  	_ =	swait.ge @!p0 [sflag:s0], s1  }
0xfe: {  	s1 =	ssub.s32 @!p0 $0x0, s1;
	[sflag:s0] =	ssyncset.done @!p0 $0x0  }
0xff: {  	[sflag:s0] =	ssyncadd.s32 @!p0 s1  }
0x100: {  	[bflag:$0x3] =	sbarrier.arrive $0xFFFF  }
0x101: {  	_ =	shalt  }

</sc_bundles>
